<compile_context>
chip_gen: v7x
topology: tpu7x:2x2x1
jax: 0.10.2.dev20260603
libtpu: 0.0.44.dev20260713+nightly
codegen_flags: <defaults>
</compile_context>

<pallas_src>
import functools

import jax
import jax.numpy as jnp
from jax import lax
from jax.experimental import pallas as pl
from jax.experimental.pallas import tpu as pltpu
from jax.experimental.pallas import tpu_sc as plsc

NCORES = 2
NSUB = 16
NW = NCORES * NSUB
CHUNK = 128
G_NUM = 16

_P = lax.Precision.HIGHEST


def _dot(a, b):
    return lax.dot_general(a, b, (((1,), (0,)), ((), ())),
                           precision=_P, preferred_element_type=jnp.float32)



def _matmul_tc(x, w):
    n, d = x.shape
    h = w.shape[1]
    bn = 1000
    def body(x_ref, w_ref, o_ref):
        o_ref[...] = _dot(x_ref[...], w_ref[...])
    return pl.pallas_call(
        body,
        grid=(n // bn,),
        in_specs=[pl.BlockSpec((bn, d), lambda i: (i, 0)),
                  pl.BlockSpec((d, h), lambda i: (0, 0))],
        out_specs=pl.BlockSpec((bn, h), lambda i: (i, 0)),
        out_shape=jax.ShapeDtypeStruct((n, h), jnp.float32),
    )(x, w)


def _scale_tc(deg_parts, h1):
    n, d = h1.shape
    np_ = deg_parts.shape[1]
    bn = 1000
    def body(dp_ref, h_ref, hp_ref, di_ref):
        deg = dp_ref[0, :, 0:1] + dp_ref[1, :, 0:1] + 1.0
        dinv = lax.rsqrt(deg)
        di_ref[...] = dinv
        hp_ref[...] = h_ref[...] * dinv
    return pl.pallas_call(
        body,
        grid=(n // bn,),
        in_specs=[pl.BlockSpec((2, bn, 128), lambda i: (0, i, 0)),
                  pl.BlockSpec((bn, d), lambda i: (i, 0))],
        out_specs=[pl.BlockSpec((bn, d), lambda i: (i, 0)),
                   pl.BlockSpec((bn, 1), lambda i: (i, 0))],
        out_shape=[jax.ShapeDtypeStruct((n, d), jnp.float32),
                   jax.ShapeDtypeStruct((n, 1), jnp.float32)],
    )(deg_parts, h1)


def _mid_tc(acc1, hp1, dinv, b1, w2):
    n, d = hp1.shape
    bn = 1000
    def body(ap_ref, hp_ref, di_ref, b_ref, w_ref, o_ref):
        s = ap_ref[0] + ap_ref[1] + hp_ref[...]
        di = di_ref[...]
        x2 = jnp.maximum(di * s + b_ref[...], 0.0)
        o_ref[...] = di * _dot(x2, w_ref[...])
    return pl.pallas_call(
        body,
        grid=(n // bn,),
        in_specs=[pl.BlockSpec((2, bn, d), lambda i: (0, i, 0)),
                  pl.BlockSpec((bn, d), lambda i: (i, 0)),
                  pl.BlockSpec((bn, 1), lambda i: (i, 0)),
                  pl.BlockSpec((1, d), lambda i: (0, 0)),
                  pl.BlockSpec((d, d), lambda i: (0, 0))],
        out_specs=pl.BlockSpec((bn, d), lambda i: (i, 0)),
        out_shape=jax.ShapeDtypeStruct((n, d), jnp.float32),
    )(acc1, hp1, dinv, b1, w2)


def _final_tc(acc2, hp2, dinv, b2, batch3, wh1, bh1, wh2, bh2):
    n, d = hp2.shape
    c = wh2.shape[1]
    bn = 1000
    nblk = n // bn
    def body(ap_ref, hp_ref, di_ref, b_ref, bat_ref, w1_ref, bb1_ref,
             w2_ref, bb2_ref, o_ref, sums_s, counts_s):
        i = pl.program_id(0)
        @pl.when(i == 0)
        def _():
            sums_s[...] = jnp.zeros_like(sums_s)
            counts_s[...] = jnp.zeros_like(counts_s)
        s = ap_ref[0] + ap_ref[1] + hp_ref[...]
        h2 = jnp.maximum(di_ref[...] * s + b_ref[...], 0.0)
        gids = lax.broadcasted_iota(jnp.int32, (G_NUM, bn), 0)
        oh = (gids == bat_ref[0]).astype(jnp.float32)
        sums_s[...] += _dot(oh, h2)
        counts_s[...] = counts_s[...] + jnp.sum(oh, axis=1, keepdims=True)
        @pl.when(i == nblk - 1)
        def _():
            g = sums_s[...] / jnp.maximum(counts_s[...], 1.0)
            z = jnp.maximum(_dot(g, w1_ref[...]) + bb1_ref[...], 0.0)
            o_ref[...] = _dot(z, w2_ref[...]) + bb2_ref[...]
    return pl.pallas_call(
        body,
        grid=(nblk,),
        in_specs=[pl.BlockSpec((2, bn, d), lambda i: (0, i, 0)),
                  pl.BlockSpec((bn, d), lambda i: (i, 0)),
                  pl.BlockSpec((bn, 1), lambda i: (i, 0)),
                  pl.BlockSpec((1, d), lambda i: (0, 0)),
                  pl.BlockSpec((1, 1, bn), lambda i: (i, 0, 0)),
                  pl.BlockSpec((d, d), lambda i: (0, 0)),
                  pl.BlockSpec((1, d), lambda i: (0, 0)),
                  pl.BlockSpec((d, c), lambda i: (0, 0)),
                  pl.BlockSpec((1, c), lambda i: (0, 0))],
        out_specs=pl.BlockSpec((G_NUM, c), lambda i: (0, 0)),
        out_shape=jax.ShapeDtypeStruct((G_NUM, c), jnp.float32),
        scratch_shapes=[pltpu.VMEM((G_NUM, d), jnp.float32),
                        pltpu.VMEM((G_NUM, d), jnp.float32)],
    )(acc2, hp2, dinv, b2, batch3, wh1, bh1, wh2, bh2)



def _sc_mesh():
    return plsc.VectorSubcoreMesh(core_axis_name="c", subcore_axis_name="s")


@functools.lru_cache(maxsize=None)
def _make_deg_kernel(np_, cpw):
    rpt = np_ // NSUB
    d = 128

    @functools.partial(
        pl.kernel, mesh=_sc_mesh(),
        out_type=jax.ShapeDtypeStruct((NCORES, np_, d), jnp.float32),
        scratch_types=[
            pltpu.VMEM((cpw, CHUNK), jnp.int32),
            pltpu.VMEM((CHUNK, d), jnp.float32),
            pltpu.VMEM((8, d), jnp.float32),
            pltpu.VMEM_SHARED((np_, d), jnp.float32),
        ],
    )
    def deg_kernel(dst_hbm, out_hbm, dst_v, ones_v, zb_v, deg_sm):
        cid = lax.axis_index("c")
        sid = lax.axis_index("s")
        wid = cid * NSUB + sid
        zero16 = jnp.zeros((16,), jnp.float32)
        one16 = jnp.ones((16,), jnp.float32)
        for r in range(8):
            for cc in range(d // 16):
                zb_v[r, pl.ds(cc * 16, 16)] = zero16

        @pl.loop(0, CHUNK)
        def _(r):
            for cc in range(d // 16):
                ones_v[r, pl.ds(cc * 16, 16)] = one16

        @pl.loop(0, rpt, step=8)
        def _(r):
            pltpu.sync_copy(zb_v, deg_sm.at[pl.ds(sid * rpt + r, 8)])

        plsc.subcore_barrier()
        pltpu.sync_copy(dst_hbm.at[pl.ds(wid * cpw, cpw)], dst_v)

        @pl.loop(0, cpw)
        def _(j):
            pltpu.sync_copy(ones_v, deg_sm.at[dst_v.at[j]], add=True)

        plsc.subcore_barrier()
        pltpu.sync_copy(deg_sm.at[pl.ds(sid * rpt, rpt)],
                        out_hbm.at[cid, pl.ds(sid * rpt, rpt)])

    return deg_kernel


@functools.lru_cache(maxsize=None)
def _make_acc_kernel(n, d, np_, ch):
    rpt = np_ // NSUB
    blk = 8
    cpt1 = max(blk, ((ch // NSUB) // 10) & ~(blk - 1))
    cpt0 = ch // NSUB - cpt1
    base1 = NSUB * cpt0
    assert cpt0 % 8 == 0 and cpt1 % 8 == 0 and rpt % 8 == 0
    assert cpt0 % 2 == 0 and cpt1 % 2 == 0

    @functools.partial(
        pl.kernel, mesh=_sc_mesh(),
        out_type=jax.ShapeDtypeStruct((NCORES, np_, d), jnp.float32),
        scratch_types=[
            pltpu.VMEM((blk, CHUNK), jnp.int32),
            pltpu.VMEM((blk, CHUNK), jnp.int32),
            pltpu.VMEM((CHUNK, d), jnp.float32),
            pltpu.VMEM((8, d), jnp.float32),
            pltpu.VMEM_SHARED((np_, d), jnp.float32),
        ],
    )
    def acc_kernel(src_hbm, dst_hbm, hp_hbm, out_hbm,
                   src_v, dst_v, rows_v, zb_v, acc_sm):
        cid = lax.axis_index("c")
        sid = lax.axis_index("s")
        zero16 = jnp.zeros((16,), jnp.float32)
        for r in range(8):
            for cc in range(d // 16):
                zb_v[r, pl.ds(cc * 16, 16)] = zero16

        @pl.loop(0, rpt, step=8)
        def _(r):
            pltpu.sync_copy(zb_v, acc_sm.at[pl.ds(sid * rpt + r, 8)])

        plsc.subcore_barrier()

        nc = jnp.where(cid == 0, cpt0, cpt1)
        cbase = jnp.where(cid == 0, sid * cpt0, base1 + sid * cpt1)

        @pl.loop(0, nc, step=blk)
        def _(jb):
            pltpu.sync_copy(src_hbm.at[pl.ds(cbase + jb, blk)], src_v)
            pltpu.sync_copy(dst_hbm.at[pl.ds(cbase + jb, blk)], dst_v)
            for k in range(blk):
                pltpu.sync_copy(hp_hbm.at[src_v.at[k]], rows_v)
                pltpu.sync_copy(rows_v, acc_sm.at[dst_v.at[k]], add=True)

        plsc.subcore_barrier()
        pltpu.sync_copy(acc_sm.at[pl.ds(sid * rpt, rpt)],
                        out_hbm.at[cid, pl.ds(sid * rpt, rpt)])

    return acc_kernel



def kernel(x, edge_index, batch, W1, b1, W2, b2, Wh1, bh1, Wh2, bh2):
    n, d = x.shape
    e = edge_index.shape[1]
    cpw = -(-e // (CHUNK * NW))
    cpw = -(-cpw // 8) * 8
    ch = cpw * NW
    np_ = -(-n // 128) * 128
    pad = ch * CHUNK - e

    src = jnp.concatenate(
        [edge_index[0], jnp.zeros((pad,), jnp.int32)]).reshape(ch, CHUNK)
    pad_dst = n + (jnp.arange(pad, dtype=jnp.int32) % (np_ - n))
    dst = jnp.concatenate([edge_index[1], pad_dst]).reshape(ch, CHUNK)

    deg_parts = _make_deg_kernel(np_, cpw)(dst)
    h1 = _matmul_tc(x, W1)
    hp1, dinv = _scale_tc(deg_parts, h1)

    acc = _make_acc_kernel(n, d, np_, ch)
    acc1 = acc(src, dst, hp1)
    hp2 = _mid_tc(acc1, hp1, dinv, b1.reshape(1, -1), W2)
    acc2 = acc(src, dst, hp2)

    nblk = n // 1000
    batch3 = batch.reshape(nblk, 1, n // nblk)
    logits = _final_tc(acc2, hp2, dinv, b2.reshape(1, -1), batch3,
                       Wh1, bh1.reshape(1, -1), Wh2, bh2.reshape(1, -1))
    return logits

# --- scband reference (transcript-rebuilt; emitter-appended) ---
"""Pipeline reference for scband-gnnclassifier-56916906606878 (READ-ONLY COPY).

The authoritative reference and input builder live on the scoring server;
editing this copy changes nothing except your own understanding.
"""

import jax, jax.numpy as jnp
import numpy as np

N = 10000
E = 320000
D = 128
H = 128
C = 10
G = 16


def _gcn_conv(x, edge_index, W, b, num_nodes):
    # PyG GCNConv: add self-loops, symmetric normalization, linear transform, scatter-add, bias
    src = edge_index[0]
    dst = edge_index[1]
    loop = jnp.arange(num_nodes, dtype=src.dtype)
    src = jnp.concatenate([src, loop])
    dst = jnp.concatenate([dst, loop])
    ones = jnp.ones(src.shape[0], dtype=x.dtype)
    deg = jax.ops.segment_sum(ones, dst, num_segments=num_nodes)
    deg_inv_sqrt = jnp.where(deg > 0, jax.lax.rsqrt(jnp.maximum(deg, 1e-12)), 0.0)
    norm = deg_inv_sqrt[src] * deg_inv_sqrt[dst]
    h = x @ W
    msg = h[src] * norm[:, None]
    out = jax.ops.segment_sum(msg, dst, num_segments=num_nodes)
    return out + b


def _global_mean_pool(x, batch, num_graphs):
    sums = jax.ops.segment_sum(x, batch, num_segments=num_graphs)
    counts = jax.ops.segment_sum(jnp.ones((x.shape[0],), dtype=x.dtype), batch, num_segments=num_graphs)
    return sums / jnp.maximum(counts, 1.0)[:, None]


def setup_inputs(seed: int = 0) -> dict:
    key = jax.random.key(seed)
    ks = jax.random.split(key, 12)
    x = jax.random.normal(ks[0], (N, D), dtype=jnp.float32)
    edge_index = jax.random.randint(ks[1], (2, E), 0, N, dtype=jnp.int32)
    batch = jnp.sort(jax.random.randint(ks[2], (N,), 0, G, dtype=jnp.int32))
    s1 = 1.0 / np.sqrt(D)
    s2 = 1.0 / np.sqrt(H)
    W1 = jax.random.uniform(ks[3], (D, H), jnp.float32, -s1, s1)
    b1 = jnp.zeros((H,), jnp.float32)
    W2 = jax.random.uniform(ks[4], (H, H), jnp.float32, -s2, s2)
    b2 = jnp.zeros((H,), jnp.float32)
    Wh1 = jax.random.uniform(ks[5], (H, H), jnp.float32, -s2, s2)
    bh1 = jax.random.uniform(ks[6], (H,), jnp.float32, -s2, s2)
    Wh2 = jax.random.uniform(ks[7], (H, C), jnp.float32, -s2, s2)
    bh2 = jax.random.uniform(ks[8], (C,), jnp.float32, -s2, s2)
    return {"x": x, "edge_index": edge_index, "batch": batch,
            "W1": W1, "b1": b1, "W2": W2, "b2": b2,
            "Wh1": Wh1, "bh1": bh1, "Wh2": Wh2, "bh2": bh2}


def reference(x, edge_index, batch, W1, b1, W2, b2, Wh1, bh1, Wh2, bh2):
    h = jax.nn.relu(_gcn_conv(x, edge_index, W1, b1, N))
    # dropout is identity in eval mode
    h = jax.nn.relu(_gcn_conv(h, edge_index, W2, b2, N))
    g = _global_mean_pool(h, batch, G)
    logits = jax.nn.relu(g @ Wh1 + bh1) @ Wh2 + bh2
    return logits

if __name__ == "__main__":
    import jax
    _d = setup_inputs()
    print(jax.jit(kernel)(*tuple(_d.values())))

</pallas_src>

<mosaic_0001>
#map = affine_map<(d0, d1) -> (0, 0)>
#map1 = affine_map<(d0, d1) -> (0, 0, 0)>
module attributes {stable_mosaic.version = 14 : i64} {
  func.func @acc_kernel(%arg0: i32, %arg1: i32, %arg2: memref<2560x128xi32, #tpu.memory_space<hbm>>, %arg3: memref<2560x128xi32, #tpu.memory_space<hbm>>, %arg4: memref<10000x128xf32, #tpu.memory_space<hbm>>, %arg5: memref<2x10112x128xf32, #tpu.memory_space<hbm>>, %arg6: memref<8x128xi32, #tpu.memory_space<vmem>>, %arg7: memref<8x128xi32, #tpu.memory_space<vmem>>, %arg8: memref<128x128xf32, #tpu.memory_space<vmem>>, %arg9: memref<8x128xf32, #tpu.memory_space<vmem>>, %arg10: memref<10112x128xf32, #tpu.memory_space<vmem_shared>>) attributes {dimension_semantics = [#tpu.dimension_semantics<core_parallel>, #tpu.dimension_semantics<subcore_parallel>], iteration_bounds = array<i64: 2, 16>, scalar_prefetch = 0 : i64, scratch_operands = 5 : i64, tpu.core_type = #tpu.core_type<sc_vector_subcore>, window_params = [{transform_indices = #map}, {transform_indices = #map}, {transform_indices = #map}, {transform_indices = #map1}]} {
    %broadcast_in_dim3A = arith.constant 0.000000e+00 : f32
    %broadcast_in_dim3A_0 = vector.broadcast %broadcast_in_dim3A : f32 to vector<16xf32>
    %swap3A = arith.constant 0 : i32
    %swap3A_1 = arith.index_cast %swap3A : i32 to index
    %swap3A_2 = arith.constant 0 : index
    %swap3A_3 = tpu.vector_load %arg9[%swap3A_1, %swap3A_2] {strides = array<i32>} : memref<8x128xf32, #tpu.memory_space<vmem>>, vector<1x16xf32>,
    %swap3A_4 = vector.shape_cast %swap3A_3 : vector<1x16xf32> to vector<16xf32>
    %swap3A_5 = vector.shape_cast %broadcast_in_dim3A_0 : vector<16xf32> to vector<1x16xf32>
    tpu.vector_store %arg9[%swap3A_1, %swap3A_2], %swap3A_5 {strides = array<i32>} : memref<8x128xf32, #tpu.memory_space<vmem>>, vector<1x16xf32>,
    %swap3A_6 = arith.constant 0 : i32
    %swap3A_7 = arith.index_cast %swap3A_6 : i32 to index
    %swap3A_8 = arith.constant 16 : index
    %swap3A_9 = tpu.vector_load %arg9[%swap3A_7, %swap3A_8] {strides = array<i32>} : memref<8x128xf32, #tpu.memory_space<vmem>>, vector<1x16xf32>,
    %swap3A_10 = vector.shape_cast %swap3A_9 : vector<1x16xf32> to vector<16xf32>
    %swap3A_11 = vector.shape_cast %broadcast_in_dim3A_0 : vector<16xf32> to vector<1x16xf32>
    tpu.vector_store %arg9[%swap3A_7, %swap3A_8], %swap3A_11 {strides = array<i32>} : memref<8x128xf32, #tpu.memory_space<vmem>>, vector<1x16xf32>,
    %swap3A_12 = arith.constant 0 : i32
    %swap3A_13 = arith.index_cast %swap3A_12 : i32 to index
    %swap3A_14 = arith.constant 32 : index
    %swap3A_15 = tpu.vector_load %arg9[%swap3A_13, %swap3A_14] {strides = array<i32>} : memref<8x128xf32, #tpu.memory_space<vmem>>, vector<1x16xf32>,
    %swap3A_16 = vector.shape_cast %swap3A_15 : vector<1x16xf32> to vector<16xf32>
    %swap3A_17 = vector.shape_cast %broadcast_in_dim3A_0 : vector<16xf32> to vector<1x16xf32>
    tpu.vector_store %arg9[%swap3A_13, %swap3A_14], %swap3A_17 {strides = array<i32>} : memref<8x128xf32, #tpu.memory_space<vmem>>, vector<1x16xf32>,
    %swap3A_18 = arith.constant 0 : i32
    %swap3A_19 = arith.index_cast %swap3A_18 : i32 to index
    %swap3A_20 = arith.constant 48 : index
    %swap3A_21 = tpu.vector_load %arg9[%swap3A_19, %swap3A_20] {strides = array<i32>} : memref<8x128xf32, #tpu.memory_space<vmem>>, vector<1x16xf32>,
    %swap3A_22 = vector.shape_cast %swap3A_21 : vector<1x16xf32> to vector<16xf32>
    %swap3A_23 = vector.shape_cast %broadcast_in_dim3A_0 : vector<16xf32> to vector<1x16xf32>
    tpu.vector_store %arg9[%swap3A_19, %swap3A_20], %swap3A_23 {strides = array<i32>} : memref<8x128xf32, #tpu.memory_space<vmem>>, vector<1x16xf32>,
    %swap3A_24 = arith.constant 0 : i32
    %swap3A_25 = arith.index_cast %swap3A_24 : i32 to index
    %swap3A_26 = arith.constant 64 : index
    %swap3A_27 = tpu.vector_load %arg9[%swap3A_25, %swap3A_26] {strides = array<i32>} : memref<8x128xf32, #tpu.memory_space<vmem>>, vector<1x16xf32>,
    %swap3A_28 = vector.shape_cast %swap3A_27 : vector<1x16xf32> to vector<16xf32>
    %swap3A_29 = vector.shape_cast %broadcast_in_dim3A_0 : vector<16xf32> to vector<1x16xf32>
    tpu.vector_store %arg9[%swap3A_25, %swap3A_26], %swap3A_29 {strides = array<i32>} : memref<8x128xf32, #tpu.memory_space<vmem>>, vector<1x16xf32>,
    %swap3A_30 = arith.constant 0 : i32
    %swap3A_31 = arith.index_cast %swap3A_30 : i32 to index
    %swap3A_32 = arith.constant 80 : index
    %swap3A_33 = tpu.vector_load %arg9[%swap3A_31, %swap3A_32] {strides = array<i32>} : memref<8x128xf32, #tpu.memory_space<vmem>>, vector<1x16xf32>,
    %swap3A_34 = vector.shape_cast %swap3A_33 : vector<1x16xf32> to vector<16xf32>
    %swap3A_35 = vector.shape_cast %broadcast_in_dim3A_0 : vector<16xf32> to vector<1x16xf32>
    tpu.vector_store %arg9[%swap3A_31, %swap3A_32], %swap3A_35 {strides = array<i32>} : memref<8x128xf32, #tpu.memory_space<vmem>>, vector<1x16xf32>,
    %swap3A_36 = arith.constant 0 : i32
    %swap3A_37 = arith.index_cast %swap3A_36 : i32 to index
    %swap3A_38 = arith.constant 96 : index
    %swap3A_39 = tpu.vector_load %arg9[%swap3A_37, %swap3A_38] {strides = array<i32>} : memref<8x128xf32, #tpu.memory_space<vmem>>, vector<1x16xf32>,
    %swap3A_40 = vector.shape_cast %swap3A_39 : vector<1x16xf32> to vector<16xf32>
    %swap3A_41 = vector.shape_cast %broadcast_in_dim3A_0 : vector<16xf32> to vector<1x16xf32>
    tpu.vector_store %arg9[%swap3A_37, %swap3A_38], %swap3A_41 {strides = array<i32>} : memref<8x128xf32, #tpu.memory_space<vmem>>, vector<1x16xf32>,
    %swap3A_42 = arith.constant 0 : i32
    %swap3A_43 = arith.index_cast %swap3A_42 : i32 to index
    %swap3A_44 = arith.constant 112 : index
    %swap3A_45 = tpu.vector_load %arg9[%swap3A_43, %swap3A_44] {strides = array<i32>} : memref<8x128xf32, #tpu.memory_space<vmem>>, vector<1x16xf32>,
    %swap3A_46 = vector.shape_cast %swap3A_45 : vector<1x16xf32> to vector<16xf32>
    %swap3A_47 = vector.shape_cast %broadcast_in_dim3A_0 : vector<16xf32> to vector<1x16xf32>
    tpu.vector_store %arg9[%swap3A_43, %swap3A_44], %swap3A_47 {strides = array<i32>} : memref<8x128xf32, #tpu.memory_space<vmem>>, vector<1x16xf32>,
    %swap3A_48 = arith.constant 1 : i32
    %swap3A_49 = arith.index_cast %swap3A_48 : i32 to index
    %swap3A_50 = arith.constant 0 : index
    %swap3A_51 = tpu.vector_load %arg9[%swap3A_49, %swap3A_50] {strides = array<i32>} : memref<8x128xf32, #tpu.memory_space<vmem>>, vector<1x16xf32>,
    %swap3A_52 = vector.shape_cast %swap3A_51 : vector<1x16xf32> to vector<16xf32>
    %swap3A_53 = vector.shape_cast %broadcast_in_dim3A_0 : vector<16xf32> to vector<1x16xf32>
    tpu.vector_store %arg9[%swap3A_49, %swap3A_50], %swap3A_53 {strides = array<i32>} : memref<8x128xf32, #tpu.memory_space<vmem>>, vector<1x16xf32>,
    %swap3A_54 = arith.constant 1 : i32
    %swap3A_55 = arith.index_cast %swap3A_54 : i32 to index
    %swap3A_56 = arith.constant 16 : index
    %swap3A_57 = tpu.vector_load %arg9[%swap3A_55, %swap3A_56] {strides = array<i32>} : memref<8x128xf32, #tpu.memory_space<vmem>>, vector<1x16xf32>,
    %swap3A_58 = vector.shape_cast %swap3A_57 : vector<1x16xf32> to vector<16xf32>
    %swap3A_59 = vector.shape_cast %broadcast_in_dim3A_0 : vector<16xf32> to vector<1x16xf32>
    tpu.vector_store %arg9[%swap3A_55, %swap3A_56], %swap3A_59 {strides = array<i32>} : memref<8x128xf32, #tpu.memory_space<vmem>>, vector<1x16xf32>,
    %swap3A_60 = arith.constant 1 : i32
    %swap3A_61 = arith.index_cast %swap3A_60 : i32 to index
    %swap3A_62 = arith.constant 32 : index
    %swap3A_63 = tpu.vector_load %arg9[%swap3A_61, %swap3A_62] {strides = array<i32>} : memref<8x128xf32, #tpu.memory_space<vmem>>, vector<1x16xf32>,
    %swap3A_64 = vector.shape_cast %swap3A_63 : vector<1x16xf32> to vector<16xf32>
    %swap3A_65 = vector.shape_cast %broadcast_in_dim3A_0 : vector<16xf32> to vector<1x16xf32>
    tpu.vector_store %arg9[%swap3A_61, %swap3A_62], %swap3A_65 {strides = array<i32>} : memref<8x128xf32, #tpu.memory_space<vmem>>, vector<1x16xf32>,
    %swap3A_66 = arith.constant 1 : i32
    %swap3A_67 = arith.index_cast %swap3A_66 : i32 to index
    %swap3A_68 = arith.constant 48 : index
    %swap3A_69 = tpu.vector_load %arg9[%swap3A_67, %swap3A_68] {strides = array<i32>} : memref<8x128xf32, #tpu.memory_space<vmem>>, vector<1x16xf32>,
    %swap3A_70 = vector.shape_cast %swap3A_69 : vector<1x16xf32> to vector<16xf32>
    %swap3A_71 = vector.shape_cast %broadcast_in_dim3A_0 : vector<16xf32> to vector<1x16xf32>
    tpu.vector_store %arg9[%swap3A_67, %swap3A_68], %swap3A_71 {strides = array<i32>} : memref<8x128xf32, #tpu.memory_space<vmem>>, vector<1x16xf32>,
    %swap3A_72 = arith.constant 1 : i32
    %swap3A_73 = arith.index_cast %swap3A_72 : i32 to index
    %swap3A_74 = arith.constant 64 : index
    %swap3A_75 = tpu.vector_load %arg9[%swap3A_73, %swap3A_74] {strides = array<i32>} : memref<8x128xf32, #tpu.memory_space<vmem>>, vector<1x16xf32>,
    %swap3A_76 = vector.shape_cast %swap3A_75 : vector<1x16xf32> to vector<16xf32>
    %swap3A_77 = vector.shape_cast %broadcast_in_dim3A_0 : vector<16xf32> to vector<1x16xf32>
    tpu.vector_store %arg9[%swap3A_73, %swap3A_74], %swap3A_77 {strides = array<i32>} : memref<8x128xf32, #tpu.memory_space<vmem>>, vector<1x16xf32>,
    %swap3A_78 = arith.constant 1 : i32
    %swap3A_79 = arith.index_cast %swap3A_78 : i32 to index
    %swap3A_80 = arith.constant 80 : index
    %swap3A_81 = tpu.vector_load %arg9[%swap3A_79, %swap3A_80] {strides = array<i32>} : memref<8x128xf32, #tpu.memory_space<vmem>>, vector<1x16xf32>,
    %swap3A_82 = vector.shape_cast %swap3A_81 : vector<1x16xf32> to vector<16xf32>
    %swap3A_83 = vector.shape_cast %broadcast_in_dim3A_0 : vector<16xf32> to vector<1x16xf32>
    tpu.vector_store %arg9[%swap3A_79, %swap3A_80], %swap3A_83 {strides = array<i32>} : memref<8x128xf32, #tpu.memory_space<vmem>>, vector<1x16xf32>,
    %swap3A_84 = arith.constant 1 : i32
    %swap3A_85 = arith.index_cast %swap3A_84 : i32 to index
    %swap3A_86 = arith.constant 96 : index
    %swap3A_87 = tpu.vector_load %arg9[%swap3A_85, %swap3A_86] {strides = array<i32>} : memref<8x128xf32, #tpu.memory_space<vmem>>, vector<1x16xf32>,
    %swap3A_88 = vector.shape_cast %swap3A_87 : vector<1x16xf32> to vector<16xf32>
    %swap3A_89 = vector.shape_cast %broadcast_in_dim3A_0 : vector<16xf32> to vector<1x16xf32>
    tpu.vector_store %arg9[%swap3A_85, %swap3A_86], %swap3A_89 {strides = array<i32>} : memref<8x128xf32, #tpu.memory_space<vmem>>, vector<1x16xf32>,
    %swap3A_90 = arith.constant 1 : i32
    %swap3A_91 = arith.index_cast %swap3A_90 : i32 to index
    %swap3A_92 = arith.constant 112 : index
    %swap3A_93 = tpu.vector_load %arg9[%swap3A_91, %swap3A_92] {strides = array<i32>} : memref<8x128xf32, #tpu.memory_space<vmem>>, vector<1x16xf32>,
    %swap3A_94 = vector.shape_cast %swap3A_93 : vector<1x16xf32> to vector<16xf32>
    %swap3A_95 = vector.shape_cast %broadcast_in_dim3A_0 : vector<16xf32> to vector<1x16xf32>
    tpu.vector_store %arg9[%swap3A_91, %swap3A_92], %swap3A_95 {strides = array<i32>} : memref<8x128xf32, #tpu.memory_space<vmem>>, vector<1x16xf32>,
    %swap3A_96 = arith.constant 2 : i32
    %swap3A_97 = arith.index_cast %swap3A_96 : i32 to index
    %swap3A_98 = arith.constant 0 : index
    %swap3A_99 = tpu.vector_load %arg9[%swap3A_97, %swap3A_98] {strides = array<i32>} : memref<8x128xf32, #tpu.memory_space<vmem>>, vector<1x16xf32>,
    %swap3A_100 = vector.shape_cast %swap3A_99 : vector<1x16xf32> to vector<16xf32>
    %swap3A_101 = vector.shape_cast %broadcast_in_dim3A_0 : vector<16xf32> to vector<1x16xf32>
    tpu.vector_store %arg9[%swap3A_97, %swap3A_98], %swap3A_101 {strides = array<i32>} : memref<8x128xf32, #tpu.memory_space<vmem>>, vector<1x16xf32>,
    %swap3A_102 = arith.constant 2 : i32
    %swap3A_103 = arith.index_cast %swap3A_102 : i32 to index
    %swap3A_104 = arith.constant 16 : index
    %swap3A_105 = tpu.vector_load %arg9[%swap3A_103, %swap3A_104] {strides = array<i32>} : memref<8x128xf32, #tpu.memory_space<vmem>>, vector<1x16xf32>,
    %swap3A_106 = vector.shape_cast %swap3A_105 : vector<1x16xf32> to vector<16xf32>
    %swap3A_107 = vector.shape_cast %broadcast_in_dim3A_0 : vector<16xf32> to vector<1x16xf32>
    tpu.vector_store %arg9[%swap3A_103, %swap3A_104], %swap3A_107 {strides = array<i32>} : memref<8x128xf32, #tpu.memory_space<vmem>>, vector<1x16xf32>,
    %swap3A_108 = arith.constant 2 : i32
    %swap3A_109 = arith.index_cast %swap3A_108 : i32 to index
    %swap3A_110 = arith.constant 32 : index
    %swap3A_111 = tpu.vector_load %arg9[%swap3A_109, %swap3A_110] {strides = array<i32>} : memref<8x128xf32, #tpu.memory_space<vmem>>, vector<1x16xf32>,
    %swap3A_112 = vector.shape_cast %swap3A_111 : vector<1x16xf32> to vector<16xf32>
    %swap3A_113 = vector.shape_cast %broadcast_in_dim3A_0 : vector<16xf32> to vector<1x16xf32>
    tpu.vector_store %arg9[%swap3A_109, %swap3A_110], %swap3A_113 {strides = array<i32>} : memref<8x128xf32, #tpu.memory_space<vmem>>, vector<1x16xf32>,
    %swap3A_114 = arith.constant 2 : i32
    %swap3A_115 = arith.index_cast %swap3A_114 : i32 to index
    %swap3A_116 = arith.constant 48 : index
    %swap3A_117 = tpu.vector_load %arg9[%swap3A_115, %swap3A_116] {strides = array<i32>} : memref<8x128xf32, #tpu.memory_space<vmem>>, vector<1x16xf32>,
    %swap3A_118 = vector.shape_cast %swap3A_117 : vector<1x16xf32> to vector<16xf32>
    %swap3A_119 = vector.shape_cast %broadcast_in_dim3A_0 : vector<16xf32> to vector<1x16xf32>
    tpu.vector_store %arg9[%swap3A_115, %swap3A_116], %swap3A_119 {strides = array<i32>} : memref<8x128xf32, #tpu.memory_space<vmem>>, vector<1x16xf32>,
    %swap3A_120 = arith.constant 2 : i32
    %swap3A_121 = arith.index_cast %swap3A_120 : i32 to index
    %swap3A_122 = arith.constant 64 : index
    %swap3A_123 = tpu.vector_load %arg9[%swap3A_121, %swap3A_122] {strides = array<i32>} : memref<8x128xf32, #tpu.memory_space<vmem>>, vector<1x16xf32>,
    %swap3A_124 = vector.shape_cast %swap3A_123 : vector<1x16xf32> to vector<16xf32>
    %swap3A_125 = vector.shape_cast %broadcast_in_dim3A_0 : vector<16xf32> to vector<1x16xf32>
    tpu.vector_store %arg9[%swap3A_121, %swap3A_122], %swap3A_125 {strides = array<i32>} : memref<8x128xf32, #tpu.memory_space<vmem>>, vector<1x16xf32>,
    %swap3A_126 = arith.constant 2 : i32
    %swap3A_127 = arith.index_cast %swap3A_126 : i32 to index
    %swap3A_128 = arith.constant 80 : index
    %swap3A_129 = tpu.vector_load %arg9[%swap3A_127, %swap3A_128] {strides = array<i32>} : memref<8x128xf32, #tpu.memory_space<vmem>>, vector<1x16xf32>,
    %swap3A_130 = vector.shape_cast %swap3A_129 : vector<1x16xf32> to vector<16xf32>
    %swap3A_131 = vector.shape_cast %broadcast_in_dim3A_0 : vector<16xf32> to vector<1x16xf32>
    tpu.vector_store %arg9[%swap3A_127, %swap3A_128], %swap3A_131 {strides = array<i32>} : memref<8x128xf32, #tpu.memory_space<vmem>>, vector<1x16xf32>,
    %swap3A_132 = arith.constant 2 : i32
    %swap3A_133 = arith.index_cast %swap3A_132 : i32 to index
    %swap3A_134 = arith.constant 96 : index
    %swap3A_135 = tpu.vector_load %arg9[%swap3A_133, %swap3A_134] {strides = array<i32>} : memref<8x128xf32, #tpu.memory_space<vmem>>, vector<1x16xf32>,
    %swap3A_136 = vector.shape_cast %swap3A_135 : vector<1x16xf32> to vector<16xf32>
    %swap3A_137 = vector.shape_cast %broadcast_in_dim3A_0 : vector<16xf32> to vector<1x16xf32>
    tpu.vector_store %arg9[%swap3A_133, %swap3A_134], %swap3A_137 {strides = array<i32>} : memref<8x128xf32, #tpu.memory_space<vmem>>, vector<1x16xf32>,
    %swap3A_138 = arith.constant 2 : i32
    %swap3A_139 = arith.index_cast %swap3A_138 : i32 to index
    %swap3A_140 = arith.constant 112 : index
    %swap3A_141 = tpu.vector_load %arg9[%swap3A_139, %swap3A_140] {strides = array<i32>} : memref<8x128xf32, #tpu.memory_space<vmem>>, vector<1x16xf32>,
    %swap3A_142 = vector.shape_cast %swap3A_141 : vector<1x16xf32> to vector<16xf32>
    %swap3A_143 = vector.shape_cast %broadcast_in_dim3A_0 : vector<16xf32> to vector<1x16xf32>
    tpu.vector_store %arg9[%swap3A_139, %swap3A_140], %swap3A_143 {strides = array<i32>} : memref<8x128xf32, #tpu.memory_space<vmem>>, vector<1x16xf32>,
    %swap3A_144 = arith.constant 3 : i32
    %swap3A_145 = arith.index_cast %swap3A_144 : i32 to index
    %swap3A_146 = arith.constant 0 : index
    %swap3A_147 = tpu.vector_load %arg9[%swap3A_145, %swap3A_146] {strides = array<i32>} : memref<8x128xf32, #tpu.memory_space<vmem>>, vector<1x16xf32>,
    %swap3A_148 = vector.shape_cast %swap3A_147 : vector<1x16xf32> to vector<16xf32>
    %swap3A_149 = vector.shape_cast %broadcast_in_dim3A_0 : vector<16xf32> to vector<1x16xf32>
    tpu.vector_store %arg9[%swap3A_145, %swap3A_146], %swap3A_149 {strides = array<i32>} : memref<8x128xf32, #tpu.memory_space<vmem>>, vector<1x16xf32>,
    %swap3A_150 = arith.constant 3 : i32
    %swap3A_151 = arith.index_cast %swap3A_150 : i32 to index
    %swap3A_152 = arith.constant 16 : index
    %swap3A_153 = tpu.vector_load %arg9[%swap3A_151, %swap3A_152] {strides = array<i32>} : memref<8x128xf32, #tpu.memory_space<vmem>>, vector<1x16xf32>,
    %swap3A_154 = vector.shape_cast %swap3A_153 : vector<1x16xf32> to vector<16xf32>
    %swap3A_155 = vector.shape_cast %broadcast_in_dim3A_0 : vector<16xf32> to vector<1x16xf32>
    tpu.vector_store %arg9[%swap3A_151, %swap3A_152], %swap3A_155 {strides = array<i32>} : memref<8x128xf32, #tpu.memory_space<vmem>>, vector<1x16xf32>,
    %swap3A_156 = arith.constant 3 : i32
    %swap3A_157 = arith.index_cast %swap3A_156 : i32 to index
    %swap3A_158 = arith.constant 32 : index
    %swap3A_159 = tpu.vector_load %arg9[%swap3A_157, %swap3A_158] {strides = array<i32>} : memref<8x128xf32, #tpu.memory_space<vmem>>, vector<1x16xf32>,
    %swap3A_160 = vector.shape_cast %swap3A_159 : vector<1x16xf32> to vector<16xf32>
    %swap3A_161 = vector.shape_cast %broadcast_in_dim3A_0 : vector<16xf32> to vector<1x16xf32>
    tpu.vector_store %arg9[%swap3A_157, %swap3A_158], %swap3A_161 {strides = array<i32>} : memref<8x128xf32, #tpu.memory_space<vmem>>, vector<1x16xf32>,
    %swap3A_162 = arith.constant 3 : i32
    %swap3A_163 = arith.index_cast %swap3A_162 : i32 to index
    %swap3A_164 = arith.constant 48 : index
    %swap3A_165 = tpu.vector_load %arg9[%swap3A_163, %swap3A_164] {strides = array<i32>} : memref<8x128xf32, #tpu.memory_space<vmem>>, vector<1x16xf32>,
    %swap3A_166 = vector.shape_cast %swap3A_165 : vector<1x16xf32> to vector<16xf32>
    %swap3A_167 = vector.shape_cast %broadcast_in_dim3A_0 : vector<16xf32> to vector<1x16xf32>
    tpu.vector_store %arg9[%swap3A_163, %swap3A_164], %swap3A_167 {strides = array<i32>} : memref<8x128xf32, #tpu.memory_space<vmem>>, vector<1x16xf32>,
    %swap3A_168 = arith.constant 3 : i32
    %swap3A_169 = arith.index_cast %swap3A_168 : i32 to index
    %swap3A_170 = arith.constant 64 : index
    %swap3A_171 = tpu.vector_load %arg9[%swap3A_169, %swap3A_170] {strides = array<i32>} : memref<8x128xf32, #tpu.memory_space<vmem>>, vector<1x16xf32>,
    %swap3A_172 = vector.shape_cast %swap3A_171 : vector<1x16xf32> to vector<16xf32>
    %swap3A_173 = vector.shape_cast %broadcast_in_dim3A_0 : vector<16xf32> to vector<1x16xf32>
    tpu.vector_store %arg9[%swap3A_169, %swap3A_170], %swap3A_173 {strides = array<i32>} : memref<8x128xf32, #tpu.memory_space<vmem>>, vector<1x16xf32>,
    %swap3A_174 = arith.constant 3 : i32
    %swap3A_175 = arith.index_cast %swap3A_174 : i32 to index
    %swap3A_176 = arith.constant 80 : index
    %swap3A_177 = tpu.vector_load %arg9[%swap3A_175, %swap3A_176] {strides = array<i32>} : memref<8x128xf32, #tpu.memory_space<vmem>>, vector<1x16xf32>,
    %swap3A_178 = vector.shape_cast %swap3A_177 : vector<1x16xf32> to vector<16xf32>
    %swap3A_179 = vector.shape_cast %broadcast_in_dim3A_0 : vector<16xf32> to vector<1x16xf32>
    tpu.vector_store %arg9[%swap3A_175, %swap3A_176], %swap3A_179 {strides = array<i32>} : memref<8x128xf32, #tpu.memory_space<vmem>>, vector<1x16xf32>,
    %swap3A_180 = arith.constant 3 : i32
    %swap3A_181 = arith.index_cast %swap3A_180 : i32 to index
    %swap3A_182 = arith.constant 96 : index
    %swap3A_183 = tpu.vector_load %arg9[%swap3A_181, %swap3A_182] {strides = array<i32>} : memref<8x128xf32, #tpu.memory_space<vmem>>, vector<1x16xf32>,
    %swap3A_184 = vector.shape_cast %swap3A_183 : vector<1x16xf32> to vector<16xf32>
    %swap3A_185 = vector.shape_cast %broadcast_in_dim3A_0 : vector<16xf32> to vector<1x16xf32>
    tpu.vector_store %arg9[%swap3A_181, %swap3A_182], %swap3A_185 {strides = array<i32>} : memref<8x128xf32, #tpu.memory_space<vmem>>, vector<1x16xf32>,
    %swap3A_186 = arith.constant 3 : i32
    %swap3A_187 = arith.index_cast %swap3A_186 : i32 to index
    %swap3A_188 = arith.constant 112 : index
    %swap3A_189 = tpu.vector_load %arg9[%swap3A_187, %swap3A_188] {strides = array<i32>} : memref<8x128xf32, #tpu.memory_space<vmem>>, vector<1x16xf32>,
    %swap3A_190 = vector.shape_cast %swap3A_189 : vector<1x16xf32> to vector<16xf32>
    %swap3A_191 = vector.shape_cast %broadcast_in_dim3A_0 : vector<16xf32> to vector<1x16xf32>
    tpu.vector_store %arg9[%swap3A_187, %swap3A_188], %swap3A_191 {strides = array<i32>} : memref<8x128xf32, #tpu.memory_space<vmem>>, vector<1x16xf32>,
    %swap3A_192 = arith.constant 4 : i32
    %swap3A_193 = arith.index_cast %swap3A_192 : i32 to index
    %swap3A_194 = arith.constant 0 : index
    %swap3A_195 = tpu.vector_load %arg9[%swap3A_193, %swap3A_194] {strides = array<i32>} : memref<8x128xf32, #tpu.memory_space<vmem>>, vector<1x16xf32>,
    %swap3A_196 = vector.shape_cast %swap3A_195 : vector<1x16xf32> to vector<16xf32>
    %swap3A_197 = vector.shape_cast %broadcast_in_dim3A_0 : vector<16xf32> to vector<1x16xf32>
    tpu.vector_store %arg9[%swap3A_193, %swap3A_194], %swap3A_197 {strides = array<i32>} : memref<8x128xf32, #tpu.memory_space<vmem>>, vector<1x16xf32>,
    %swap3A_198 = arith.constant 4 : i32
    %swap3A_199 = arith.index_cast %swap3A_198 : i32 to index
    %swap3A_200 = arith.constant 16 : index
    %swap3A_201 = tpu.vector_load %arg9[%swap3A_199, %swap3A_200] {strides = array<i32>} : memref<8x128xf32, #tpu.memory_space<vmem>>, vector<1x16xf32>,
    %swap3A_202 = vector.shape_cast %swap3A_201 : vector<1x16xf32> to vector<16xf32>
    %swap3A_203 = vector.shape_cast %broadcast_in_dim3A_0 : vector<16xf32> to vector<1x16xf32>
    tpu.vector_store %arg9[%swap3A_199, %swap3A_200], %swap3A_203 {strides = array<i32>} : memref<8x128xf32, #tpu.memory_space<vmem>>, vector<1x16xf32>,
    %swap3A_204 = arith.constant 4 : i32
    %swap3A_205 = arith.index_cast %swap3A_204 : i32 to index
    %swap3A_206 = arith.constant 32 : index
    %swap3A_207 = tpu.vector_load %arg9[%swap3A_205, %swap3A_206] {strides = array<i32>} : memref<8x128xf32, #tpu.memory_space<vmem>>, vector<1x16xf32>,
    %swap3A_208 = vector.shape_cast %swap3A_207 : vector<1x16xf32> to vector<16xf32>
    %swap3A_209 = vector.shape_cast %broadcast_in_dim3A_0 : vector<16xf32> to vector<1x16xf32>
    tpu.vector_store %arg9[%swap3A_205, %swap3A_206], %swap3A_209 {strides = array<i32>} : memref<8x128xf32, #tpu.memory_space<vmem>>, vector<1x16xf32>,
    %swap3A_210 = arith.constant 4 : i32
    %swap3A_211 = arith.index_cast %swap3A_210 : i32 to index
    %swap3A_212 = arith.constant 48 : index
    %swap3A_213 = tpu.vector_load %arg9[%swap3A_211, %swap3A_212] {strides = array<i32>} : memref<8x128xf32, #tpu.memory_space<vmem>>, vector<1x16xf32>,
    %swap3A_214 = vector.shape_cast %swap3A_213 : vector<1x16xf32> to vector<16xf32>
    %swap3A_215 = vector.shape_cast %broadcast_in_dim3A_0 : vector<16xf32> to vector<1x16xf32>
    tpu.vector_store %arg9[%swap3A_211, %swap3A_212], %swap3A_215 {strides = array<i32>} : memref<8x128xf32, #tpu.memory_space<vmem>>, vector<1x16xf32>,
    %swap3A_216 = arith.constant 4 : i32
    %swap3A_217 = arith.index_cast %swap3A_216 : i32 to index
    %swap3A_218 = arith.constant 64 : index
    %swap3A_219 = tpu.vector_load %arg9[%swap3A_217, %swap3A_218] {strides = array<i32>} : memref<8x128xf32, #tpu.memory_space<vmem>>, vector<1x16xf32>,
    %swap3A_220 = vector.shape_cast %swap3A_219 : vector<1x16xf32> to vector<16xf32>
    %swap3A_221 = vector.shape_cast %broadcast_in_dim3A_0 : vector<16xf32> to vector<1x16xf32>
    tpu.vector_store %arg9[%swap3A_217, %swap3A_218], %swap3A_221 {strides = array<i32>} : memref<8x128xf32, #tpu.memory_space<vmem>>, vector<1x16xf32>,
    %swap3A_222 = arith.constant 4 : i32
    %swap3A_223 = arith.index_cast %swap3A_222 : i32 to index
    %swap3A_224 = arith.constant 80 : index
    %swap3A_225 = tpu.vector_load %arg9[%swap3A_223, %swap3A_224] {strides = array<i32>} : memref<8x128xf32, #tpu.memory_space<vmem>>, vector<1x16xf32>,
    %swap3A_226 = vector.shape_cast %swap3A_225 : vector<1x16xf32> to vector<16xf32>
    %swap3A_227 = vector.shape_cast %broadcast_in_dim3A_0 : vector<16xf32> to vector<1x16xf32>
    tpu.vector_store %arg9[%swap3A_223, %swap3A_224], %swap3A_227 {strides = array<i32>} : memref<8x128xf32, #tpu.memory_space<vmem>>, vector<1x16xf32>,
    %swap3A_228 = arith.constant 4 : i32
    %swap3A_229 = arith.index_cast %swap3A_228 : i32 to index
    %swap3A_230 = arith.constant 96 : index
    %swap3A_231 = tpu.vector_load %arg9[%swap3A_229, %swap3A_230] {strides = array<i32>} : memref<8x128xf32, #tpu.memory_space<vmem>>, vector<1x16xf32>,
    %swap3A_232 = vector.shape_cast %swap3A_231 : vector<1x16xf32> to vector<16xf32>
    %swap3A_233 = vector.shape_cast %broadcast_in_dim3A_0 : vector<16xf32> to vector<1x16xf32>
    tpu.vector_store %arg9[%swap3A_229, %swap3A_230], %swap3A_233 {strides = array<i32>} : memref<8x128xf32, #tpu.memory_space<vmem>>, vector<1x16xf32>,
    %swap3A_234 = arith.constant 4 : i32
    %swap3A_235 = arith.index_cast %swap3A_234 : i32 to index
    %swap3A_236 = arith.constant 112 : index
    %swap3A_237 = tpu.vector_load %arg9[%swap3A_235, %swap3A_236] {strides = array<i32>} : memref<8x128xf32, #tpu.memory_space<vmem>>, vector<1x16xf32>,
    %swap3A_238 = vector.shape_cast %swap3A_237 : vector<1x16xf32> to vector<16xf32>
    %swap3A_239 = vector.shape_cast %broadcast_in_dim3A_0 : vector<16xf32> to vector<1x16xf32>
    tpu.vector_store %arg9[%swap3A_235, %swap3A_236], %swap3A_239 {strides = array<i32>} : memref<8x128xf32, #tpu.memory_space<vmem>>, vector<1x16xf32>,
    %swap3A_240 = arith.constant 5 : i32
    %swap3A_241 = arith.index_cast %swap3A_240 : i32 to index
    %swap3A_242 = arith.constant 0 : index
    %swap3A_243 = tpu.vector_load %arg9[%swap3A_241, %swap3A_242] {strides = array<i32>} : memref<8x128xf32, #tpu.memory_space<vmem>>, vector<1x16xf32>,
    %swap3A_244 = vector.shape_cast %swap3A_243 : vector<1x16xf32> to vector<16xf32>
    %swap3A_245 = vector.shape_cast %broadcast_in_dim3A_0 : vector<16xf32> to vector<1x16xf32>
    tpu.vector_store %arg9[%swap3A_241, %swap3A_242], %swap3A_245 {strides = array<i32>} : memref<8x128xf32, #tpu.memory_space<vmem>>, vector<1x16xf32>,
    %swap3A_246 = arith.constant 5 : i32
    %swap3A_247 = arith.index_cast %swap3A_246 : i32 to index
    %swap3A_248 = arith.constant 16 : index
    %swap3A_249 = tpu.vector_load %arg9[%swap3A_247, %swap3A_248] {strides = array<i32>} : memref<8x128xf32, #tpu.memory_space<vmem>>, vector<1x16xf32>,
    %swap3A_250 = vector.shape_cast %swap3A_249 : vector<1x16xf32> to vector<16xf32>
    %swap3A_251 = vector.shape_cast %broadcast_in_dim3A_0 : vector<16xf32> to vector<1x16xf32>
    tpu.vector_store %arg9[%swap3A_247, %swap3A_248], %swap3A_251 {strides = array<i32>} : memref<8x128xf32, #tpu.memory_space<vmem>>, vector<1x16xf32>,
    %swap3A_252 = arith.constant 5 : i32
    %swap3A_253 = arith.index_cast %swap3A_252 : i32 to index
    %swap3A_254 = arith.constant 32 : index
    %swap3A_255 = tpu.vector_load %arg9[%swap3A_253, %swap3A_254] {strides = array<i32>} : memref<8x128xf32, #tpu.memory_space<vmem>>, vector<1x16xf32>,
    %swap3A_256 = vector.shape_cast %swap3A_255 : vector<1x16xf32> to vector<16xf32>
    %swap3A_257 = vector.shape_cast %broadcast_in_dim3A_0 : vector<16xf32> to vector<1x16xf32>
    tpu.vector_store %arg9[%swap3A_253, %swap3A_254], %swap3A_257 {strides = array<i32>} : memref<8x128xf32, #tpu.memory_space<vmem>>, vector<1x16xf32>,
    %swap3A_258 = arith.constant 5 : i32
    %swap3A_259 = arith.index_cast %swap3A_258 : i32 to index
    %swap3A_260 = arith.constant 48 : index
    %swap3A_261 = tpu.vector_load %arg9[%swap3A_259, %swap3A_260] {strides = array<i32>} : memref<8x128xf32, #tpu.memory_space<vmem>>, vector<1x16xf32>,
    %swap3A_262 = vector.shape_cast %swap3A_261 : vector<1x16xf32> to vector<16xf32>
    %swap3A_263 = vector.shape_cast %broadcast_in_dim3A_0 : vector<16xf32> to vector<1x16xf32>
    tpu.vector_store %arg9[%swap3A_259, %swap3A_260], %swap3A_263 {strides = array<i32>} : memref<8x128xf32, #tpu.memory_space<vmem>>, vector<1x16xf32>,
    %swap3A_264 = arith.constant 5 : i32
    %swap3A_265 = arith.index_cast %swap3A_264 : i32 to index
    %swap3A_266 = arith.constant 64 : index
    %swap3A_267 = tpu.vector_load %arg9[%swap3A_265, %swap3A_266] {strides = array<i32>} : memref<8x128xf32, #tpu.memory_space<vmem>>, vector<1x16xf32>,
    %swap3A_268 = vector.shape_cast %swap3A_267 : vector<1x16xf32> to vector<16xf32>
    %swap3A_269 = vector.shape_cast %broadcast_in_dim3A_0 : vector<16xf32> to vector<1x16xf32>
    tpu.vector_store %arg9[%swap3A_265, %swap3A_266], %swap3A_269 {strides = array<i32>} : memref<8x128xf32, #tpu.memory_space<vmem>>, vector<1x16xf32>,
    %swap3A_270 = arith.constant 5 : i32
    %swap3A_271 = arith.index_cast %swap3A_270 : i32 to index
    %swap3A_272 = arith.constant 80 : index
    %swap3A_273 = tpu.vector_load %arg9[%swap3A_271, %swap3A_272] {strides = array<i32>} : memref<8x128xf32, #tpu.memory_space<vmem>>, vector<1x16xf32>,
    %swap3A_274 = vector.shape_cast %swap3A_273 : vector<1x16xf32> to vector<16xf32>
    %swap3A_275 = vector.shape_cast %broadcast_in_dim3A_0 : vector<16xf32> to vector<1x16xf32>
    tpu.vector_store %arg9[%swap3A_271, %swap3A_272], %swap3A_275 {strides = array<i32>} : memref<8x128xf32, #tpu.memory_space<vmem>>, vector<1x16xf32>,
    %swap3A_276 = arith.constant 5 : i32
    %swap3A_277 = arith.index_cast %swap3A_276 : i32 to index
    %swap3A_278 = arith.constant 96 : index
    %swap3A_279 = tpu.vector_load %arg9[%swap3A_277, %swap3A_278] {strides = array<i32>} : memref<8x128xf32, #tpu.memory_space<vmem>>, vector<1x16xf32>,
    %swap3A_280 = vector.shape_cast %swap3A_279 : vector<1x16xf32> to vector<16xf32>
    %swap3A_281 = vector.shape_cast %broadcast_in_dim3A_0 : vector<16xf32> to vector<1x16xf32>
    tpu.vector_store %arg9[%swap3A_277, %swap3A_278], %swap3A_281 {strides = array<i32>} : memref<8x128xf32, #tpu.memory_space<vmem>>, vector<1x16xf32>,
    %swap3A_282 = arith.constant 5 : i32
    %swap3A_283 = arith.index_cast %swap3A_282 : i32 to index
    %swap3A_284 = arith.constant 112 : index
    %swap3A_285 = tpu.vector_load %arg9[%swap3A_283, %swap3A_284] {strides = array<i32>} : memref<8x128xf32, #tpu.memory_space<vmem>>, vector<1x16xf32>,
    %swap3A_286 = vector.shape_cast %swap3A_285 : vector<1x16xf32> to vector<16xf32>
    %swap3A_287 = vector.shape_cast %broadcast_in_dim3A_0 : vector<16xf32> to vector<1x16xf32>
    tpu.vector_store %arg9[%swap3A_283, %swap3A_284], %swap3A_287 {strides = array<i32>} : memref<8x128xf32, #tpu.memory_space<vmem>>, vector<1x16xf32>,
    %swap3A_288 = arith.constant 6 : i32
    %swap3A_289 = arith.index_cast %swap3A_288 : i32 to index
    %swap3A_290 = arith.constant 0 : index
    %swap3A_291 = tpu.vector_load %arg9[%swap3A_289, %swap3A_290] {strides = array<i32>} : memref<8x128xf32, #tpu.memory_space<vmem>>, vector<1x16xf32>,
    %swap3A_292 = vector.shape_cast %swap3A_291 : vector<1x16xf32> to vector<16xf32>
    %swap3A_293 = vector.shape_cast %broadcast_in_dim3A_0 : vector<16xf32> to vector<1x16xf32>
    tpu.vector_store %arg9[%swap3A_289, %swap3A_290], %swap3A_293 {strides = array<i32>} : memref<8x128xf32, #tpu.memory_space<vmem>>, vector<1x16xf32>,
    %swap3A_294 = arith.constant 6 : i32
    %swap3A_295 = arith.index_cast %swap3A_294 : i32 to index
    %swap3A_296 = arith.constant 16 : index
    %swap3A_297 = tpu.vector_load %arg9[%swap3A_295, %swap3A_296] {strides = array<i32>} : memref<8x128xf32, #tpu.memory_space<vmem>>, vector<1x16xf32>,
    %swap3A_298 = vector.shape_cast %swap3A_297 : vector<1x16xf32> to vector<16xf32>
    %swap3A_299 = vector.shape_cast %broadcast_in_dim3A_0 : vector<16xf32> to vector<1x16xf32>
    tpu.vector_store %arg9[%swap3A_295, %swap3A_296], %swap3A_299 {strides = array<i32>} : memref<8x128xf32, #tpu.memory_space<vmem>>, vector<1x16xf32>,
    %swap3A_300 = arith.constant 6 : i32
    %swap3A_301 = arith.index_cast %swap3A_300 : i32 to index
    %swap3A_302 = arith.constant 32 : index
    %swap3A_303 = tpu.vector_load %arg9[%swap3A_301, %swap3A_302] {strides = array<i32>} : memref<8x128xf32, #tpu.memory_space<vmem>>, vector<1x16xf32>,
    %swap3A_304 = vector.shape_cast %swap3A_303 : vector<1x16xf32> to vector<16xf32>
    %swap3A_305 = vector.shape_cast %broadcast_in_dim3A_0 : vector<16xf32> to vector<1x16xf32>
    tpu.vector_store %arg9[%swap3A_301, %swap3A_302], %swap3A_305 {strides = array<i32>} : memref<8x128xf32, #tpu.memory_space<vmem>>, vector<1x16xf32>,
    %swap3A_306 = arith.constant 6 : i32
    %swap3A_307 = arith.index_cast %swap3A_306 : i32 to index
    %swap3A_308 = arith.constant 48 : index
    %swap3A_309 = tpu.vector_load %arg9[%swap3A_307, %swap3A_308] {strides = array<i32>} : memref<8x128xf32, #tpu.memory_space<vmem>>, vector<1x16xf32>,
    %swap3A_310 = vector.shape_cast %swap3A_309 : vector<1x16xf32> to vector<16xf32>
    %swap3A_311 = vector.shape_cast %broadcast_in_dim3A_0 : vector<16xf32> to vector<1x16xf32>
    tpu.vector_store %arg9[%swap3A_307, %swap3A_308], %swap3A_311 {strides = array<i32>} : memref<8x128xf32, #tpu.memory_space<vmem>>, vector<1x16xf32>,
    %swap3A_312 = arith.constant 6 : i32
    %swap3A_313 = arith.index_cast %swap3A_312 : i32 to index
    %swap3A_314 = arith.constant 64 : index
    %swap3A_315 = tpu.vector_load %arg9[%swap3A_313, %swap3A_314] {strides = array<i32>} : memref<8x128xf32, #tpu.memory_space<vmem>>, vector<1x16xf32>,
    %swap3A_316 = vector.shape_cast %swap3A_315 : vector<1x16xf32> to vector<16xf32>
    %swap3A_317 = vector.shape_cast %broadcast_in_dim3A_0 : vector<16xf32> to vector<1x16xf32>
    tpu.vector_store %arg9[%swap3A_313, %swap3A_314], %swap3A_317 {strides = array<i32>} : memref<8x128xf32, #tpu.memory_space<vmem>>, vector<1x16xf32>,
    %swap3A_318 = arith.constant 6 : i32
    %swap3A_319 = arith.index_cast %swap3A_318 : i32 to index
    %swap3A_320 = arith.constant 80 : index
    %swap3A_321 = tpu.vector_load %arg9[%swap3A_319, %swap3A_320] {strides = array<i32>} : memref<8x128xf32, #tpu.memory_space<vmem>>, vector<1x16xf32>,
    %swap3A_322 = vector.shape_cast %swap3A_321 : vector<1x16xf32> to vector<16xf32>
    %swap3A_323 = vector.shape_cast %broadcast_in_dim3A_0 : vector<16xf32> to vector<1x16xf32>
    tpu.vector_store %arg9[%swap3A_319, %swap3A_320], %swap3A_323 {strides = array<i32>} : memref<8x128xf32, #tpu.memory_space<vmem>>, vector<1x16xf32>,
    %swap3A_324 = arith.constant 6 : i32
    %swap3A_325 = arith.index_cast %swap3A_324 : i32 to index
    %swap3A_326 = arith.constant 96 : index
    %swap3A_327 = tpu.vector_load %arg9[%swap3A_325, %swap3A_326] {strides = array<i32>} : memref<8x128xf32, #tpu.memory_space<vmem>>, vector<1x16xf32>,
    %swap3A_328 = vector.shape_cast %swap3A_327 : vector<1x16xf32> to vector<16xf32>
    %swap3A_329 = vector.shape_cast %broadcast_in_dim3A_0 : vector<16xf32> to vector<1x16xf32>
    tpu.vector_store %arg9[%swap3A_325, %swap3A_326], %swap3A_329 {strides = array<i32>} : memref<8x128xf32, #tpu.memory_space<vmem>>, vector<1x16xf32>,
    %swap3A_330 = arith.constant 6 : i32
    %swap3A_331 = arith.index_cast %swap3A_330 : i32 to index
    %swap3A_332 = arith.constant 112 : index
    %swap3A_333 = tpu.vector_load %arg9[%swap3A_331, %swap3A_332] {strides = array<i32>} : memref<8x128xf32, #tpu.memory_space<vmem>>, vector<1x16xf32>,
    %swap3A_334 = vector.shape_cast %swap3A_333 : vector<1x16xf32> to vector<16xf32>
    %swap3A_335 = vector.shape_cast %broadcast_in_dim3A_0 : vector<16xf32> to vector<1x16xf32>
    tpu.vector_store %arg9[%swap3A_331, %swap3A_332], %swap3A_335 {strides = array<i32>} : memref<8x128xf32, #tpu.memory_space<vmem>>, vector<1x16xf32>,
    %swap3A_336 = arith.constant 7 : i32
    %swap3A_337 = arith.index_cast %swap3A_336 : i32 to index
    %swap3A_338 = arith.constant 0 : index
    %swap3A_339 = tpu.vector_load %arg9[%swap3A_337, %swap3A_338] {strides = array<i32>} : memref<8x128xf32, #tpu.memory_space<vmem>>, vector<1x16xf32>,
    %swap3A_340 = vector.shape_cast %swap3A_339 : vector<1x16xf32> to vector<16xf32>
    %swap3A_341 = vector.shape_cast %broadcast_in_dim3A_0 : vector<16xf32> to vector<1x16xf32>
    tpu.vector_store %arg9[%swap3A_337, %swap3A_338], %swap3A_341 {strides = array<i32>} : memref<8x128xf32, #tpu.memory_space<vmem>>, vector<1x16xf32>,
    %swap3A_342 = arith.constant 7 : i32
    %swap3A_343 = arith.index_cast %swap3A_342 : i32 to index
    %swap3A_344 = arith.constant 16 : index
    %swap3A_345 = tpu.vector_load %arg9[%swap3A_343, %swap3A_344] {strides = array<i32>} : memref<8x128xf32, #tpu.memory_space<vmem>>, vector<1x16xf32>,
    %swap3A_346 = vector.shape_cast %swap3A_345 : vector<1x16xf32> to vector<16xf32>
    %swap3A_347 = vector.shape_cast %broadcast_in_dim3A_0 : vector<16xf32> to vector<1x16xf32>
    tpu.vector_store %arg9[%swap3A_343, %swap3A_344], %swap3A_347 {strides = array<i32>} : memref<8x128xf32, #tpu.memory_space<vmem>>, vector<1x16xf32>,
    %swap3A_348 = arith.constant 7 : i32
    %swap3A_349 = arith.index_cast %swap3A_348 : i32 to index
    %swap3A_350 = arith.constant 32 : index
    %swap3A_351 = tpu.vector_load %arg9[%swap3A_349, %swap3A_350] {strides = array<i32>} : memref<8x128xf32, #tpu.memory_space<vmem>>, vector<1x16xf32>,
    %swap3A_352 = vector.shape_cast %swap3A_351 : vector<1x16xf32> to vector<16xf32>
    %swap3A_353 = vector.shape_cast %broadcast_in_dim3A_0 : vector<16xf32> to vector<1x16xf32>
    tpu.vector_store %arg9[%swap3A_349, %swap3A_350], %swap3A_353 {strides = array<i32>} : memref<8x128xf32, #tpu.memory_space<vmem>>, vector<1x16xf32>,
    %swap3A_354 = arith.constant 7 : i32
    %swap3A_355 = arith.index_cast %swap3A_354 : i32 to index
    %swap3A_356 = arith.constant 48 : index
    %swap3A_357 = tpu.vector_load %arg9[%swap3A_355, %swap3A_356] {strides = array<i32>} : memref<8x128xf32, #tpu.memory_space<vmem>>, vector<1x16xf32>,
    %swap3A_358 = vector.shape_cast %swap3A_357 : vector<1x16xf32> to vector<16xf32>
    %swap3A_359 = vector.shape_cast %broadcast_in_dim3A_0 : vector<16xf32> to vector<1x16xf32>
    tpu.vector_store %arg9[%swap3A_355, %swap3A_356], %swap3A_359 {strides = array<i32>} : memref<8x128xf32, #tpu.memory_space<vmem>>, vector<1x16xf32>,
    %swap3A_360 = arith.constant 7 : i32
    %swap3A_361 = arith.index_cast %swap3A_360 : i32 to index
    %swap3A_362 = arith.constant 64 : index
    %swap3A_363 = tpu.vector_load %arg9[%swap3A_361, %swap3A_362] {strides = array<i32>} : memref<8x128xf32, #tpu.memory_space<vmem>>, vector<1x16xf32>,
    %swap3A_364 = vector.shape_cast %swap3A_363 : vector<1x16xf32> to vector<16xf32>
    %swap3A_365 = vector.shape_cast %broadcast_in_dim3A_0 : vector<16xf32> to vector<1x16xf32>
    tpu.vector_store %arg9[%swap3A_361, %swap3A_362], %swap3A_365 {strides = array<i32>} : memref<8x128xf32, #tpu.memory_space<vmem>>, vector<1x16xf32>,
    %swap3A_366 = arith.constant 7 : i32
    %swap3A_367 = arith.index_cast %swap3A_366 : i32 to index
    %swap3A_368 = arith.constant 80 : index
    %swap3A_369 = tpu.vector_load %arg9[%swap3A_367, %swap3A_368] {strides = array<i32>} : memref<8x128xf32, #tpu.memory_space<vmem>>, vector<1x16xf32>,
    %swap3A_370 = vector.shape_cast %swap3A_369 : vector<1x16xf32> to vector<16xf32>
    %swap3A_371 = vector.shape_cast %broadcast_in_dim3A_0 : vector<16xf32> to vector<1x16xf32>
    tpu.vector_store %arg9[%swap3A_367, %swap3A_368], %swap3A_371 {strides = array<i32>} : memref<8x128xf32, #tpu.memory_space<vmem>>, vector<1x16xf32>,
    %swap3A_372 = arith.constant 7 : i32
    %swap3A_373 = arith.index_cast %swap3A_372 : i32 to index
    %swap3A_374 = arith.constant 96 : index
    %swap3A_375 = tpu.vector_load %arg9[%swap3A_373, %swap3A_374] {strides = array<i32>} : memref<8x128xf32, #tpu.memory_space<vmem>>, vector<1x16xf32>,
    %swap3A_376 = vector.shape_cast %swap3A_375 : vector<1x16xf32> to vector<16xf32>
    %swap3A_377 = vector.shape_cast %broadcast_in_dim3A_0 : vector<16xf32> to vector<1x16xf32>
    tpu.vector_store %arg9[%swap3A_373, %swap3A_374], %swap3A_377 {strides = array<i32>} : memref<8x128xf32, #tpu.memory_space<vmem>>, vector<1x16xf32>,
    %swap3A_378 = arith.constant 7 : i32
    %swap3A_379 = arith.index_cast %swap3A_378 : i32 to index
    %swap3A_380 = arith.constant 112 : index
    %swap3A_381 = tpu.vector_load %arg9[%swap3A_379, %swap3A_380] {strides = array<i32>} : memref<8x128xf32, #tpu.memory_space<vmem>>, vector<1x16xf32>,
    %swap3A_382 = vector.shape_cast %swap3A_381 : vector<1x16xf32> to vector<16xf32>
    %swap3A_383 = vector.shape_cast %broadcast_in_dim3A_0 : vector<16xf32> to vector<1x16xf32>
    tpu.vector_store %arg9[%swap3A_379, %swap3A_380], %swap3A_383 {strides = array<i32>} : memref<8x128xf32, #tpu.memory_space<vmem>>, vector<1x16xf32>,
    %scan3A = arith.constant 0 : i32
    %scan3A_384 = arith.constant 79 : i32
    %scan3A_385 = arith.addi %scan3A, %scan3A_384 : i32
    %scan3A_386 = arith.constant 1 : i32
    scf.for %scan3A_418 = %scan3A to %scan3A_385 step %scan3A_386  : i32 {
      %mul3A_419 = arith.constant 8 : i32
      %mul3A_420 = arith.muli %scan3A_418, %mul3A_419 : i32
      %add3A_421 = arith.constant 0 : i32
      %add3A_422 = arith.addi %add3A_421, %mul3A_420 : i32
      %mul3A_423 = arith.constant 632 : i32
      %mul3A_424 = arith.muli %arg1, %mul3A_423 : i32
      %add3A_425 = arith.addi %mul3A_424, %add3A_422 : i32
      "tpu.region"() ({
        %run_scoped3A = tpu.sem_alloc : memref<!tpu.dma_semaphore, #tpu.memory_space<semaphore_mem>>
        %dma_start3A = arith.constant 0 : i32
        %dma_start3A_426 = tpu.memref_slice %arg10[%add3A_425, %dma_start3A] : memref<10112x128xf32, #tpu.memory_space<vmem_shared>> -> memref<8x128xf32, #tpu.memory_space<vmem_shared>>
        %dma_start3A_427 = arith.constant 0 : i32
        %dma_start3A_428 = tpu.memref_slice %arg10[%add3A_425, %dma_start3A_427] : memref<10112x128xf32, #tpu.memory_space<vmem_shared>> -> memref<8x128xf32, #tpu.memory_space<vmem_shared>>
        tpu.enqueue_dma source(%arg9 : memref<8x128xf32, #tpu.memory_space<vmem>>) target(%dma_start3A_428 : memref<8x128xf32, #tpu.memory_space<vmem_shared>>) target_semaphore(%run_scoped3A : memref<!tpu.dma_semaphore, #tpu.memory_space<semaphore_mem>>)
        %dma_wait3A = arith.constant 0 : i32
        %dma_wait3A_429 = tpu.memref_slice %arg10[%add3A_425, %dma_wait3A] : memref<10112x128xf32, #tpu.memory_space<vmem_shared>> -> memref<8x128xf32, #tpu.memory_space<vmem_shared>>
        %dma_wait3A_430 = arith.constant 0 : i32
        %dma_wait3A_431 = tpu.memref_slice %arg10[%add3A_425, %dma_wait3A_430] : memref<10112x128xf32, #tpu.memory_space<vmem_shared>> -> memref<8x128xf32, #tpu.memory_space<vmem_shared>>
        tpu.wait_dma2 semaphore(%run_scoped3A : memref<!tpu.dma_semaphore, #tpu.memory_space<semaphore_mem>>) src(%arg9 : memref<8x128xf32, #tpu.memory_space<vmem>>) dst(%dma_wait3A_431 : memref<8x128xf32, #tpu.memory_space<vmem_shared>>)
        tpu.yield
      }) : () -> ()
    }
    %scan3A_387 = arith.constant 79 : i32
    %barrier3A = arith.constant 0 : index
    tpu.barrier barrier_id(%barrier3A)
    %eq3A = arith.constant 0 : i32
    %eq3A_388 = arith.cmpi eq, %arg0, %eq3A : i32
    %jit3A = arith.constant 144 : i32
    %jit3A_389 = arith.constant 16 : i32
    %select_n3A = arith.select %eq3A_388, %jit3A, %jit3A_389 : i32
    %eq3A_390 = arith.constant 0 : i32
    %eq3A_391 = arith.cmpi eq, %arg0, %eq3A_390 : i32
    %mul3A = arith.constant 144 : i32
    %mul3A_392 = arith.muli %arg1, %mul3A : i32
    %mul3A_393 = arith.constant 16 : i32
    %mul3A_394 = arith.muli %arg1, %mul3A_393 : i32
    %add3A = arith.constant 2304 : i32
    %add3A_395 = arith.addi %add3A, %mul3A_394 : i32
    %select_n3A_396 = arith.select %eq3A_391, %mul3A_392, %add3A_395 : i32
    %sub3A = arith.constant 0 : i32
    %sub3A_397 = arith.subi %select_n3A, %sub3A : i32
    %sub3A_398 = arith.constant 8 : i32
    %sub3A_399 = arith.constant 1 : i32
    %sub3A_400 = arith.subi %sub3A_398, %sub3A_399 : i32
    %add3A_401 = arith.addi %sub3A_397, %sub3A_400 : i32
    %div3A = arith.constant 8 : i32
    %div3A_402 = arith.divsi %add3A_401, %div3A : i32
    %while3A = arith.constant 8 : i32
    %while3A_403 = arith.constant 0 : i32
    %while3A_404 = arith.constant 0 : i32
    %while3A_405 = arith.subi %div3A_402, %while3A_404 : i32
    %while3A_406 = arith.addi %while3A_404, %while3A_405 : i32
    %while3A_407 = arith.constant 1 : i32
    %while3A_408 = arith.divsi %while3A_405, %while3A_407 : i32
    %while3A_409 = arith.muli %while3A_408, %while3A_407 : i32
    %while3A_410 = arith.addi %while3A_404, %while3A_409 : i32
    %while3A_411 = arith.constant 1 : i32
    scf.for %while3A_418 = %while3A_404 to %while3A_410 step %while3A_411  : i32 {
      %mul3A_419 = arith.muli %while3A_418, %while3A : i32
      %add3A_420 = arith.addi %while3A_403, %mul3A_419 : i32
      %add3A_421 = arith.addi %select_n3A_396, %add3A_420 : i32
      "tpu.region"() ({
        %run_scoped3A_438 = tpu.sem_alloc : memref<!tpu.dma_semaphore, #tpu.memory_space<semaphore_mem>>
        %dma_start3A = arith.constant 0 : i32
        %dma_start3A_439 = tpu.memref_slice %arg2[%add3A_421, %dma_start3A] : memref<2560x128xi32, #tpu.memory_space<hbm>> -> memref<8x128xi32, #tpu.memory_space<hbm>>
        %dma_start3A_440 = arith.constant 0 : i32
        %dma_start3A_441 = tpu.memref_slice %arg2[%add3A_421, %dma_start3A_440] : memref<2560x128xi32, #tpu.memory_space<hbm>> -> memref<8x128xi32, #tpu.memory_space<hbm>>
        tpu.enqueue_dma source(%dma_start3A_441 : memref<8x128xi32, #tpu.memory_space<hbm>>) target(%arg6 : memref<8x128xi32, #tpu.memory_space<vmem>>) target_semaphore(%run_scoped3A_438 : memref<!tpu.dma_semaphore, #tpu.memory_space<semaphore_mem>>)
        %dma_wait3A = arith.constant 0 : i32
        %dma_wait3A_442 = tpu.memref_slice %arg2[%add3A_421, %dma_wait3A] : memref<2560x128xi32, #tpu.memory_space<hbm>> -> memref<8x128xi32, #tpu.memory_space<hbm>>
        %dma_wait3A_443 = arith.constant 0 : i32
        %dma_wait3A_444 = tpu.memref_slice %arg2[%add3A_421, %dma_wait3A_443] : memref<2560x128xi32, #tpu.memory_space<hbm>> -> memref<8x128xi32, #tpu.memory_space<hbm>>
        tpu.wait_dma2 semaphore(%run_scoped3A_438 : memref<!tpu.dma_semaphore, #tpu.memory_space<semaphore_mem>>) src(%dma_wait3A_444 : memref<8x128xi32, #tpu.memory_space<hbm>>) dst(%arg6 : memref<8x128xi32, #tpu.memory_space<vmem>>)
        tpu.yield
      }) : () -> ()
      %add3A_422 = arith.addi %select_n3A_396, %add3A_420 : i32
      "tpu.region"() ({
        %run_scoped3A_438 = tpu.sem_alloc : memref<!tpu.dma_semaphore, #tpu.memory_space<semaphore_mem>>
        %dma_start3A = arith.constant 0 : i32
        %dma_start3A_439 = tpu.memref_slice %arg3[%add3A_422, %dma_start3A] : memref<2560x128xi32, #tpu.memory_space<hbm>> -> memref<8x128xi32, #tpu.memory_space<hbm>>
        %dma_start3A_440 = arith.constant 0 : i32
        %dma_start3A_441 = tpu.memref_slice %arg3[%add3A_422, %dma_start3A_440] : memref<2560x128xi32, #tpu.memory_space<hbm>> -> memref<8x128xi32, #tpu.memory_space<hbm>>
        tpu.enqueue_dma source(%dma_start3A_441 : memref<8x128xi32, #tpu.memory_space<hbm>>) target(%arg7 : memref<8x128xi32, #tpu.memory_space<vmem>>) target_semaphore(%run_scoped3A_438 : memref<!tpu.dma_semaphore, #tpu.memory_space<semaphore_mem>>)
        %dma_wait3A = arith.constant 0 : i32
        %dma_wait3A_442 = tpu.memref_slice %arg3[%add3A_422, %dma_wait3A] : memref<2560x128xi32, #tpu.memory_space<hbm>> -> memref<8x128xi32, #tpu.memory_space<hbm>>
        %dma_wait3A_443 = arith.constant 0 : i32
        %dma_wait3A_444 = tpu.memref_slice %arg3[%add3A_422, %dma_wait3A_443] : memref<2560x128xi32, #tpu.memory_space<hbm>> -> memref<8x128xi32, #tpu.memory_space<hbm>>
        tpu.wait_dma2 semaphore(%run_scoped3A_438 : memref<!tpu.dma_semaphore, #tpu.memory_space<semaphore_mem>>) src(%dma_wait3A_444 : memref<8x128xi32, #tpu.memory_space<hbm>>) dst(%arg7 : memref<8x128xi32, #tpu.memory_space<vmem>>)
        tpu.yield
      }) : () -> ()
      %run_scoped3A = arith.constant 0 : i32
      "tpu.region"() ({
        %run_scoped3A_438 = tpu.sem_alloc : memref<!tpu.dma_semaphore, #tpu.memory_space<semaphore_mem>>
        %dma_start3A = arith.constant 0 : i32
        %dma_start3A_439 = tpu.memref_slice %arg6[%run_scoped3A, %dma_start3A] : memref<8x128xi32, #tpu.memory_space<vmem>> -> memref<1x128xi32, #tpu.memory_space<vmem>>
        %dma_start3A_440 = tpu.memref_squeeze %dma_start3A_439 : memref<1x128xi32, #tpu.memory_space<vmem>> -> memref<128xi32, #tpu.memory_space<vmem>>
        %dma_start3A_441 = arith.constant 0 : i32
        %dma_start3A_442 = arith.constant 0 : i32
        %dma_start3A_443 = tpu.memref_slice %arg4[%dma_start3A_441, %dma_start3A_442] : memref<10000x128xf32, #tpu.memory_space<hbm>> -> memref<10000x128xf32, #tpu.memory_space<hbm>>
        tpu.enqueue_indirect_dma source(%dma_start3A_443 : memref<10000x128xf32, #tpu.memory_space<hbm>>) target(%arg8 : memref<128x128xf32, #tpu.memory_space<vmem>>) offsets(%dma_start3A_440 : memref<128xi32, #tpu.memory_space<vmem>>) semaphore(%run_scoped3A_438 : memref<!tpu.dma_semaphore, #tpu.memory_space<semaphore_mem>>)
        %dma_wait3A = arith.constant 0 : i32
        %dma_wait3A_444 = tpu.memref_slice %arg6[%run_scoped3A, %dma_wait3A] : memref<8x128xi32, #tpu.memory_space<vmem>> -> memref<1x128xi32, #tpu.memory_space<vmem>>
        %dma_wait3A_445 = tpu.memref_squeeze %dma_wait3A_444 : memref<1x128xi32, #tpu.memory_space<vmem>> -> memref<128xi32, #tpu.memory_space<vmem>>
        %dma_wait3A_446 = arith.constant 0 : i32
        %dma_wait3A_447 = arith.constant 0 : i32
        %dma_wait3A_448 = tpu.memref_slice %arg4[%dma_wait3A_446, %dma_wait3A_447] : memref<10000x128xf32, #tpu.memory_space<hbm>> -> memref<10000x128xf32, #tpu.memory_space<hbm>>
        tpu.wait_indirect_dma semaphore(%run_scoped3A_438 : memref<!tpu.dma_semaphore, #tpu.memory_space<semaphore_mem>>) src(%dma_wait3A_448 : memref<10000x128xf32, #tpu.memory_space<hbm>>) dst(%arg8 : memref<128x128xf32, #tpu.memory_space<vmem>>)
        tpu.yield
      }) : () -> ()
      %run_scoped3A_423 = arith.constant 0 : i32
      "tpu.region"() ({
        %run_scoped3A_438 = tpu.sem_alloc : memref<!tpu.dma_semaphore, #tpu.memory_space<semaphore_mem>>
        %dma_start3A = arith.constant 0 : i32
        %dma_start3A_439 = tpu.memref_slice %arg7[%run_scoped3A_423, %dma_start3A] : memref<8x128xi32, #tpu.memory_space<vmem>> -> memref<1x128xi32, #tpu.memory_space<vmem>>
        %dma_start3A_440 = tpu.memref_squeeze %dma_start3A_439 : memref<1x128xi32, #tpu.memory_space<vmem>> -> memref<128xi32, #tpu.memory_space<vmem>>
        %dma_start3A_441 = arith.constant 0 : i32
        %dma_start3A_442 = arith.constant 0 : i32
        %dma_start3A_443 = tpu.memref_slice %arg10[%dma_start3A_441, %dma_start3A_442] : memref<10112x128xf32, #tpu.memory_space<vmem_shared>> -> memref<10112x128xf32, #tpu.memory_space<vmem_shared>>
        tpu.enqueue_indirect_dma source(%arg8 : memref<128x128xf32, #tpu.memory_space<vmem>>) target(%dma_start3A_443 : memref<10112x128xf32, #tpu.memory_space<vmem_shared>>) offsets(%dma_start3A_440 : memref<128xi32, #tpu.memory_space<vmem>>) semaphore(%run_scoped3A_438 : memref<!tpu.dma_semaphore, #tpu.memory_space<semaphore_mem>>) {add = true}
        %dma_wait3A = arith.constant 0 : i32
        %dma_wait3A_444 = tpu.memref_slice %arg7[%run_scoped3A_423, %dma_wait3A] : memref<8x128xi32, #tpu.memory_space<vmem>> -> memref<1x128xi32, #tpu.memory_space<vmem>>
        %dma_wait3A_445 = tpu.memref_squeeze %dma_wait3A_444 : memref<1x128xi32, #tpu.memory_space<vmem>> -> memref<128xi32, #tpu.memory_space<vmem>>
        %dma_wait3A_446 = arith.constant 0 : i32
        %dma_wait3A_447 = arith.constant 0 : i32
        %dma_wait3A_448 = tpu.memref_slice %arg10[%dma_wait3A_446, %dma_wait3A_447] : memref<10112x128xf32, #tpu.memory_space<vmem_shared>> -> memref<10112x128xf32, #tpu.memory_space<vmem_shared>>
        tpu.wait_indirect_dma semaphore(%run_scoped3A_438 : memref<!tpu.dma_semaphore, #tpu.memory_space<semaphore_mem>>) src(%arg8 : memref<128x128xf32, #tpu.memory_space<vmem>>) dst(%dma_wait3A_448 : memref<10112x128xf32, #tpu.memory_space<vmem_shared>>)
        tpu.yield
      }) : () -> ()
      %run_scoped3A_424 = arith.constant 1 : i32
      "tpu.region"() ({
        %run_scoped3A_438 = tpu.sem_alloc : memref<!tpu.dma_semaphore, #tpu.memory_space<semaphore_mem>>
        %dma_start3A = arith.constant 0 : i32
        %dma_start3A_439 = tpu.memref_slice %arg6[%run_scoped3A_424, %dma_start3A] : memref<8x128xi32, #tpu.memory_space<vmem>> -> memref<1x128xi32, #tpu.memory_space<vmem>>
        %dma_start3A_440 = tpu.memref_squeeze %dma_start3A_439 : memref<1x128xi32, #tpu.memory_space<vmem>> -> memref<128xi32, #tpu.memory_space<vmem>>
        %dma_start3A_441 = arith.constant 0 : i32
        %dma_start3A_442 = arith.constant 0 : i32
        %dma_start3A_443 = tpu.memref_slice %arg4[%dma_start3A_441, %dma_start3A_442] : memref<10000x128xf32, #tpu.memory_space<hbm>> -> memref<10000x128xf32, #tpu.memory_space<hbm>>
        tpu.enqueue_indirect_dma source(%dma_start3A_443 : memref<10000x128xf32, #tpu.memory_space<hbm>>) target(%arg8 : memref<128x128xf32, #tpu.memory_space<vmem>>) offsets(%dma_start3A_440 : memref<128xi32, #tpu.memory_space<vmem>>) semaphore(%run_scoped3A_438 : memref<!tpu.dma_semaphore, #tpu.memory_space<semaphore_mem>>)
        %dma_wait3A = arith.constant 0 : i32
        %dma_wait3A_444 = tpu.memref_slice %arg6[%run_scoped3A_424, %dma_wait3A] : memref<8x128xi32, #tpu.memory_space<vmem>> -> memref<1x128xi32, #tpu.memory_space<vmem>>
        %dma_wait3A_445 = tpu.memref_squeeze %dma_wait3A_444 : memref<1x128xi32, #tpu.memory_space<vmem>> -> memref<128xi32, #tpu.memory_space<vmem>>
        %dma_wait3A_446 = arith.constant 0 : i32
        %dma_wait3A_447 = arith.constant 0 : i32
        %dma_wait3A_448 = tpu.memref_slice %arg4[%dma_wait3A_446, %dma_wait3A_447] : memref<10000x128xf32, #tpu.memory_space<hbm>> -> memref<10000x128xf32, #tpu.memory_space<hbm>>
        tpu.wait_indirect_dma semaphore(%run_scoped3A_438 : memref<!tpu.dma_semaphore, #tpu.memory_space<semaphore_mem>>) src(%dma_wait3A_448 : memref<10000x128xf32, #tpu.memory_space<hbm>>) dst(%arg8 : memref<128x128xf32, #tpu.memory_space<vmem>>)
        tpu.yield
      }) : () -> ()
      %run_scoped3A_425 = arith.constant 1 : i32
      "tpu.region"() ({
        %run_scoped3A_438 = tpu.sem_alloc : memref<!tpu.dma_semaphore, #tpu.memory_space<semaphore_mem>>
        %dma_start3A = arith.constant 0 : i32
        %dma_start3A_439 = tpu.memref_slice %arg7[%run_scoped3A_425, %dma_start3A] : memref<8x128xi32, #tpu.memory_space<vmem>> -> memref<1x128xi32, #tpu.memory_space<vmem>>
        %dma_start3A_440 = tpu.memref_squeeze %dma_start3A_439 : memref<1x128xi32, #tpu.memory_space<vmem>> -> memref<128xi32, #tpu.memory_space<vmem>>
        %dma_start3A_441 = arith.constant 0 : i32
        %dma_start3A_442 = arith.constant 0 : i32
        %dma_start3A_443 = tpu.memref_slice %arg10[%dma_start3A_441, %dma_start3A_442] : memref<10112x128xf32, #tpu.memory_space<vmem_shared>> -> memref<10112x128xf32, #tpu.memory_space<vmem_shared>>
        tpu.enqueue_indirect_dma source(%arg8 : memref<128x128xf32, #tpu.memory_space<vmem>>) target(%dma_start3A_443 : memref<10112x128xf32, #tpu.memory_space<vmem_shared>>) offsets(%dma_start3A_440 : memref<128xi32, #tpu.memory_space<vmem>>) semaphore(%run_scoped3A_438 : memref<!tpu.dma_semaphore, #tpu.memory_space<semaphore_mem>>) {add = true}
        %dma_wait3A = arith.constant 0 : i32
        %dma_wait3A_444 = tpu.memref_slice %arg7[%run_scoped3A_425, %dma_wait3A] : memref<8x128xi32, #tpu.memory_space<vmem>> -> memref<1x128xi32, #tpu.memory_space<vmem>>
        %dma_wait3A_445 = tpu.memref_squeeze %dma_wait3A_444 : memref<1x128xi32, #tpu.memory_space<vmem>> -> memref<128xi32, #tpu.memory_space<vmem>>
        %dma_wait3A_446 = arith.constant 0 : i32
        %dma_wait3A_447 = arith.constant 0 : i32
        %dma_wait3A_448 = tpu.memref_slice %arg10[%dma_wait3A_446, %dma_wait3A_447] : memref<10112x128xf32, #tpu.memory_space<vmem_shared>> -> memref<10112x128xf32, #tpu.memory_space<vmem_shared>>
        tpu.wait_indirect_dma semaphore(%run_scoped3A_438 : memref<!tpu.dma_semaphore, #tpu.memory_space<semaphore_mem>>) src(%arg8 : memref<128x128xf32, #tpu.memory_space<vmem>>) dst(%dma_wait3A_448 : memref<10112x128xf32, #tpu.memory_space<vmem_shared>>)
        tpu.yield
      }) : () -> ()
      %run_scoped3A_426 = arith.constant 2 : i32
      "tpu.region"() ({
        %run_scoped3A_438 = tpu.sem_alloc : memref<!tpu.dma_semaphore, #tpu.memory_space<semaphore_mem>>
        %dma_start3A = arith.constant 0 : i32
        %dma_start3A_439 = tpu.memref_slice %arg6[%run_scoped3A_426, %dma_start3A] : memref<8x128xi32, #tpu.memory_space<vmem>> -> memref<1x128xi32, #tpu.memory_space<vmem>>
        %dma_start3A_440 = tpu.memref_squeeze %dma_start3A_439 : memref<1x128xi32, #tpu.memory_space<vmem>> -> memref<128xi32, #tpu.memory_space<vmem>>
        %dma_start3A_441 = arith.constant 0 : i32
        %dma_start3A_442 = arith.constant 0 : i32
        %dma_start3A_443 = tpu.memref_slice %arg4[%dma_start3A_441, %dma_start3A_442] : memref<10000x128xf32, #tpu.memory_space<hbm>> -> memref<10000x128xf32, #tpu.memory_space<hbm>>
        tpu.enqueue_indirect_dma source(%dma_start3A_443 : memref<10000x128xf32, #tpu.memory_space<hbm>>) target(%arg8 : memref<128x128xf32, #tpu.memory_space<vmem>>) offsets(%dma_start3A_440 : memref<128xi32, #tpu.memory_space<vmem>>) semaphore(%run_scoped3A_438 : memref<!tpu.dma_semaphore, #tpu.memory_space<semaphore_mem>>)
        %dma_wait3A = arith.constant 0 : i32
        %dma_wait3A_444 = tpu.memref_slice %arg6[%run_scoped3A_426, %dma_wait3A] : memref<8x128xi32, #tpu.memory_space<vmem>> -> memref<1x128xi32, #tpu.memory_space<vmem>>
        %dma_wait3A_445 = tpu.memref_squeeze %dma_wait3A_444 : memref<1x128xi32, #tpu.memory_space<vmem>> -> memref<128xi32, #tpu.memory_space<vmem>>
        %dma_wait3A_446 = arith.constant 0 : i32
        %dma_wait3A_447 = arith.constant 0 : i32
        %dma_wait3A_448 = tpu.memref_slice %arg4[%dma_wait3A_446, %dma_wait3A_447] : memref<10000x128xf32, #tpu.memory_space<hbm>> -> memref<10000x128xf32, #tpu.memory_space<hbm>>
        tpu.wait_indirect_dma semaphore(%run_scoped3A_438 : memref<!tpu.dma_semaphore, #tpu.memory_space<semaphore_mem>>) src(%dma_wait3A_448 : memref<10000x128xf32, #tpu.memory_space<hbm>>) dst(%arg8 : memref<128x128xf32, #tpu.memory_space<vmem>>)
        tpu.yield
      }) : () -> ()
      %run_scoped3A_427 = arith.constant 2 : i32
      "tpu.region"() ({
        %run_scoped3A_438 = tpu.sem_alloc : memref<!tpu.dma_semaphore, #tpu.memory_space<semaphore_mem>>
        %dma_start3A = arith.constant 0 : i32
        %dma_start3A_439 = tpu.memref_slice %arg7[%run_scoped3A_427, %dma_start3A] : memref<8x128xi32, #tpu.memory_space<vmem>> -> memref<1x128xi32, #tpu.memory_space<vmem>>
        %dma_start3A_440 = tpu.memref_squeeze %dma_start3A_439 : memref<1x128xi32, #tpu.memory_space<vmem>> -> memref<128xi32, #tpu.memory_space<vmem>>
        %dma_start3A_441 = arith.constant 0 : i32
        %dma_start3A_442 = arith.constant 0 : i32
        %dma_start3A_443 = tpu.memref_slice %arg10[%dma_start3A_441, %dma_start3A_442] : memref<10112x128xf32, #tpu.memory_space<vmem_shared>> -> memref<10112x128xf32, #tpu.memory_space<vmem_shared>>
        tpu.enqueue_indirect_dma source(%arg8 : memref<128x128xf32, #tpu.memory_space<vmem>>) target(%dma_start3A_443 : memref<10112x128xf32, #tpu.memory_space<vmem_shared>>) offsets(%dma_start3A_440 : memref<128xi32, #tpu.memory_space<vmem>>) semaphore(%run_scoped3A_438 : memref<!tpu.dma_semaphore, #tpu.memory_space<semaphore_mem>>) {add = true}
        %dma_wait3A = arith.constant 0 : i32
        %dma_wait3A_444 = tpu.memref_slice %arg7[%run_scoped3A_427, %dma_wait3A] : memref<8x128xi32, #tpu.memory_space<vmem>> -> memref<1x128xi32, #tpu.memory_space<vmem>>
        %dma_wait3A_445 = tpu.memref_squeeze %dma_wait3A_444 : memref<1x128xi32, #tpu.memory_space<vmem>> -> memref<128xi32, #tpu.memory_space<vmem>>
        %dma_wait3A_446 = arith.constant 0 : i32
        %dma_wait3A_447 = arith.constant 0 : i32
        %dma_wait3A_448 = tpu.memref_slice %arg10[%dma_wait3A_446, %dma_wait3A_447] : memref<10112x128xf32, #tpu.memory_space<vmem_shared>> -> memref<10112x128xf32, #tpu.memory_space<vmem_shared>>
        tpu.wait_indirect_dma semaphore(%run_scoped3A_438 : memref<!tpu.dma_semaphore, #tpu.memory_space<semaphore_mem>>) src(%arg8 : memref<128x128xf32, #tpu.memory_space<vmem>>) dst(%dma_wait3A_448 : memref<10112x128xf32, #tpu.memory_space<vmem_shared>>)
        tpu.yield
      }) : () -> ()
      %run_scoped3A_428 = arith.constant 3 : i32
      "tpu.region"() ({
        %run_scoped3A_438 = tpu.sem_alloc : memref<!tpu.dma_semaphore, #tpu.memory_space<semaphore_mem>>
        %dma_start3A = arith.constant 0 : i32
        %dma_start3A_439 = tpu.memref_slice %arg6[%run_scoped3A_428, %dma_start3A] : memref<8x128xi32, #tpu.memory_space<vmem>> -> memref<1x128xi32, #tpu.memory_space<vmem>>
        %dma_start3A_440 = tpu.memref_squeeze %dma_start3A_439 : memref<1x128xi32, #tpu.memory_space<vmem>> -> memref<128xi32, #tpu.memory_space<vmem>>
        %dma_start3A_441 = arith.constant 0 : i32
        %dma_start3A_442 = arith.constant 0 : i32
        %dma_start3A_443 = tpu.memref_slice %arg4[%dma_start3A_441, %dma_start3A_442] : memref<10000x128xf32, #tpu.memory_space<hbm>> -> memref<10000x128xf32, #tpu.memory_space<hbm>>
        tpu.enqueue_indirect_dma source(%dma_start3A_443 : memref<10000x128xf32, #tpu.memory_space<hbm>>) target(%arg8 : memref<128x128xf32, #tpu.memory_space<vmem>>) offsets(%dma_start3A_440 : memref<128xi32, #tpu.memory_space<vmem>>) semaphore(%run_scoped3A_438 : memref<!tpu.dma_semaphore, #tpu.memory_space<semaphore_mem>>)
        %dma_wait3A = arith.constant 0 : i32
        %dma_wait3A_444 = tpu.memref_slice %arg6[%run_scoped3A_428, %dma_wait3A] : memref<8x128xi32, #tpu.memory_space<vmem>> -> memref<1x128xi32, #tpu.memory_space<vmem>>
        %dma_wait3A_445 = tpu.memref_squeeze %dma_wait3A_444 : memref<1x128xi32, #tpu.memory_space<vmem>> -> memref<128xi32, #tpu.memory_space<vmem>>
        %dma_wait3A_446 = arith.constant 0 : i32
        %dma_wait3A_447 = arith.constant 0 : i32
        %dma_wait3A_448 = tpu.memref_slice %arg4[%dma_wait3A_446, %dma_wait3A_447] : memref<10000x128xf32, #tpu.memory_space<hbm>> -> memref<10000x128xf32, #tpu.memory_space<hbm>>
        tpu.wait_indirect_dma semaphore(%run_scoped3A_438 : memref<!tpu.dma_semaphore, #tpu.memory_space<semaphore_mem>>) src(%dma_wait3A_448 : memref<10000x128xf32, #tpu.memory_space<hbm>>) dst(%arg8 : memref<128x128xf32, #tpu.memory_space<vmem>>)
        tpu.yield
      }) : () -> ()
      %run_scoped3A_429 = arith.constant 3 : i32
      "tpu.region"() ({
        %run_scoped3A_438 = tpu.sem_alloc : memref<!tpu.dma_semaphore, #tpu.memory_space<semaphore_mem>>
        %dma_start3A = arith.constant 0 : i32
        %dma_start3A_439 = tpu.memref_slice %arg7[%run_scoped3A_429, %dma_start3A] : memref<8x128xi32, #tpu.memory_space<vmem>> -> memref<1x128xi32, #tpu.memory_space<vmem>>
        %dma_start3A_440 = tpu.memref_squeeze %dma_start3A_439 : memref<1x128xi32, #tpu.memory_space<vmem>> -> memref<128xi32, #tpu.memory_space<vmem>>
        %dma_start3A_441 = arith.constant 0 : i32
        %dma_start3A_442 = arith.constant 0 : i32
        %dma_start3A_443 = tpu.memref_slice %arg10[%dma_start3A_441, %dma_start3A_442] : memref<10112x128xf32, #tpu.memory_space<vmem_shared>> -> memref<10112x128xf32, #tpu.memory_space<vmem_shared>>
        tpu.enqueue_indirect_dma source(%arg8 : memref<128x128xf32, #tpu.memory_space<vmem>>) target(%dma_start3A_443 : memref<10112x128xf32, #tpu.memory_space<vmem_shared>>) offsets(%dma_start3A_440 : memref<128xi32, #tpu.memory_space<vmem>>) semaphore(%run_scoped3A_438 : memref<!tpu.dma_semaphore, #tpu.memory_space<semaphore_mem>>) {add = true}
        %dma_wait3A = arith.constant 0 : i32
        %dma_wait3A_444 = tpu.memref_slice %arg7[%run_scoped3A_429, %dma_wait3A] : memref<8x128xi32, #tpu.memory_space<vmem>> -> memref<1x128xi32, #tpu.memory_space<vmem>>
        %dma_wait3A_445 = tpu.memref_squeeze %dma_wait3A_444 : memref<1x128xi32, #tpu.memory_space<vmem>> -> memref<128xi32, #tpu.memory_space<vmem>>
        %dma_wait3A_446 = arith.constant 0 : i32
        %dma_wait3A_447 = arith.constant 0 : i32
        %dma_wait3A_448 = tpu.memref_slice %arg10[%dma_wait3A_446, %dma_wait3A_447] : memref<10112x128xf32, #tpu.memory_space<vmem_shared>> -> memref<10112x128xf32, #tpu.memory_space<vmem_shared>>
        tpu.wait_indirect_dma semaphore(%run_scoped3A_438 : memref<!tpu.dma_semaphore, #tpu.memory_space<semaphore_mem>>) src(%arg8 : memref<128x128xf32, #tpu.memory_space<vmem>>) dst(%dma_wait3A_448 : memref<10112x128xf32, #tpu.memory_space<vmem_shared>>)
        tpu.yield
      }) : () -> ()
      %run_scoped3A_430 = arith.constant 4 : i32
      "tpu.region"() ({
        %run_scoped3A_438 = tpu.sem_alloc : memref<!tpu.dma_semaphore, #tpu.memory_space<semaphore_mem>>
        %dma_start3A = arith.constant 0 : i32
        %dma_start3A_439 = tpu.memref_slice %arg6[%run_scoped3A_430, %dma_start3A] : memref<8x128xi32, #tpu.memory_space<vmem>> -> memref<1x128xi32, #tpu.memory_space<vmem>>
        %dma_start3A_440 = tpu.memref_squeeze %dma_start3A_439 : memref<1x128xi32, #tpu.memory_space<vmem>> -> memref<128xi32, #tpu.memory_space<vmem>>
        %dma_start3A_441 = arith.constant 0 : i32
        %dma_start3A_442 = arith.constant 0 : i32
        %dma_start3A_443 = tpu.memref_slice %arg4[%dma_start3A_441, %dma_start3A_442] : memref<10000x128xf32, #tpu.memory_space<hbm>> -> memref<10000x128xf32, #tpu.memory_space<hbm>>
        tpu.enqueue_indirect_dma source(%dma_start3A_443 : memref<10000x128xf32, #tpu.memory_space<hbm>>) target(%arg8 : memref<128x128xf32, #tpu.memory_space<vmem>>) offsets(%dma_start3A_440 : memref<128xi32, #tpu.memory_space<vmem>>) semaphore(%run_scoped3A_438 : memref<!tpu.dma_semaphore, #tpu.memory_space<semaphore_mem>>)
        %dma_wait3A = arith.constant 0 : i32
        %dma_wait3A_444 = tpu.memref_slice %arg6[%run_scoped3A_430, %dma_wait3A] : memref<8x128xi32, #tpu.memory_space<vmem>> -> memref<1x128xi32, #tpu.memory_space<vmem>>
        %dma_wait3A_445 = tpu.memref_squeeze %dma_wait3A_444 : memref<1x128xi32, #tpu.memory_space<vmem>> -> memref<128xi32, #tpu.memory_space<vmem>>
        %dma_wait3A_446 = arith.constant 0 : i32
        %dma_wait3A_447 = arith.constant 0 : i32
        %dma_wait3A_448 = tpu.memref_slice %arg4[%dma_wait3A_446, %dma_wait3A_447] : memref<10000x128xf32, #tpu.memory_space<hbm>> -> memref<10000x128xf32, #tpu.memory_space<hbm>>
        tpu.wait_indirect_dma semaphore(%run_scoped3A_438 : memref<!tpu.dma_semaphore, #tpu.memory_space<semaphore_mem>>) src(%dma_wait3A_448 : memref<10000x128xf32, #tpu.memory_space<hbm>>) dst(%arg8 : memref<128x128xf32, #tpu.memory_space<vmem>>)
        tpu.yield
      }) : () -> ()
      %run_scoped3A_431 = arith.constant 4 : i32
      "tpu.region"() ({
        %run_scoped3A_438 = tpu.sem_alloc : memref<!tpu.dma_semaphore, #tpu.memory_space<semaphore_mem>>
        %dma_start3A = arith.constant 0 : i32
        %dma_start3A_439 = tpu.memref_slice %arg7[%run_scoped3A_431, %dma_start3A] : memref<8x128xi32, #tpu.memory_space<vmem>> -> memref<1x128xi32, #tpu.memory_space<vmem>>
        %dma_start3A_440 = tpu.memref_squeeze %dma_start3A_439 : memref<1x128xi32, #tpu.memory_space<vmem>> -> memref<128xi32, #tpu.memory_space<vmem>>
        %dma_start3A_441 = arith.constant 0 : i32
        %dma_start3A_442 = arith.constant 0 : i32
        %dma_start3A_443 = tpu.memref_slice %arg10[%dma_start3A_441, %dma_start3A_442] : memref<10112x128xf32, #tpu.memory_space<vmem_shared>> -> memref<10112x128xf32, #tpu.memory_space<vmem_shared>>
        tpu.enqueue_indirect_dma source(%arg8 : memref<128x128xf32, #tpu.memory_space<vmem>>) target(%dma_start3A_443 : memref<10112x128xf32, #tpu.memory_space<vmem_shared>>) offsets(%dma_start3A_440 : memref<128xi32, #tpu.memory_space<vmem>>) semaphore(%run_scoped3A_438 : memref<!tpu.dma_semaphore, #tpu.memory_space<semaphore_mem>>) {add = true}
        %dma_wait3A = arith.constant 0 : i32
        %dma_wait3A_444 = tpu.memref_slice %arg7[%run_scoped3A_431, %dma_wait3A] : memref<8x128xi32, #tpu.memory_space<vmem>> -> memref<1x128xi32, #tpu.memory_space<vmem>>
        %dma_wait3A_445 = tpu.memref_squeeze %dma_wait3A_444 : memref<1x128xi32, #tpu.memory_space<vmem>> -> memref<128xi32, #tpu.memory_space<vmem>>
        %dma_wait3A_446 = arith.constant 0 : i32
        %dma_wait3A_447 = arith.constant 0 : i32
        %dma_wait3A_448 = tpu.memref_slice %arg10[%dma_wait3A_446, %dma_wait3A_447] : memref<10112x128xf32, #tpu.memory_space<vmem_shared>> -> memref<10112x128xf32, #tpu.memory_space<vmem_shared>>
        tpu.wait_indirect_dma semaphore(%run_scoped3A_438 : memref<!tpu.dma_semaphore, #tpu.memory_space<semaphore_mem>>) src(%arg8 : memref<128x128xf32, #tpu.memory_space<vmem>>) dst(%dma_wait3A_448 : memref<10112x128xf32, #tpu.memory_space<vmem_shared>>)
        tpu.yield
      }) : () -> ()
      %run_scoped3A_432 = arith.constant 5 : i32
      "tpu.region"() ({
        %run_scoped3A_438 = tpu.sem_alloc : memref<!tpu.dma_semaphore, #tpu.memory_space<semaphore_mem>>
        %dma_start3A = arith.constant 0 : i32
        %dma_start3A_439 = tpu.memref_slice %arg6[%run_scoped3A_432, %dma_start3A] : memref<8x128xi32, #tpu.memory_space<vmem>> -> memref<1x128xi32, #tpu.memory_space<vmem>>
        %dma_start3A_440 = tpu.memref_squeeze %dma_start3A_439 : memref<1x128xi32, #tpu.memory_space<vmem>> -> memref<128xi32, #tpu.memory_space<vmem>>
        %dma_start3A_441 = arith.constant 0 : i32
        %dma_start3A_442 = arith.constant 0 : i32
        %dma_start3A_443 = tpu.memref_slice %arg4[%dma_start3A_441, %dma_start3A_442] : memref<10000x128xf32, #tpu.memory_space<hbm>> -> memref<10000x128xf32, #tpu.memory_space<hbm>>
        tpu.enqueue_indirect_dma source(%dma_start3A_443 : memref<10000x128xf32, #tpu.memory_space<hbm>>) target(%arg8 : memref<128x128xf32, #tpu.memory_space<vmem>>) offsets(%dma_start3A_440 : memref<128xi32, #tpu.memory_space<vmem>>) semaphore(%run_scoped3A_438 : memref<!tpu.dma_semaphore, #tpu.memory_space<semaphore_mem>>)
        %dma_wait3A = arith.constant 0 : i32
        %dma_wait3A_444 = tpu.memref_slice %arg6[%run_scoped3A_432, %dma_wait3A] : memref<8x128xi32, #tpu.memory_space<vmem>> -> memref<1x128xi32, #tpu.memory_space<vmem>>
        %dma_wait3A_445 = tpu.memref_squeeze %dma_wait3A_444 : memref<1x128xi32, #tpu.memory_space<vmem>> -> memref<128xi32, #tpu.memory_space<vmem>>
        %dma_wait3A_446 = arith.constant 0 : i32
        %dma_wait3A_447 = arith.constant 0 : i32
        %dma_wait3A_448 = tpu.memref_slice %arg4[%dma_wait3A_446, %dma_wait3A_447] : memref<10000x128xf32, #tpu.memory_space<hbm>> -> memref<10000x128xf32, #tpu.memory_space<hbm>>
        tpu.wait_indirect_dma semaphore(%run_scoped3A_438 : memref<!tpu.dma_semaphore, #tpu.memory_space<semaphore_mem>>) src(%dma_wait3A_448 : memref<10000x128xf32, #tpu.memory_space<hbm>>) dst(%arg8 : memref<128x128xf32, #tpu.memory_space<vmem>>)
        tpu.yield
      }) : () -> ()
      %run_scoped3A_433 = arith.constant 5 : i32
      "tpu.region"() ({
        %run_scoped3A_438 = tpu.sem_alloc : memref<!tpu.dma_semaphore, #tpu.memory_space<semaphore_mem>>
        %dma_start3A = arith.constant 0 : i32
        %dma_start3A_439 = tpu.memref_slice %arg7[%run_scoped3A_433, %dma_start3A] : memref<8x128xi32, #tpu.memory_space<vmem>> -> memref<1x128xi32, #tpu.memory_space<vmem>>
        %dma_start3A_440 = tpu.memref_squeeze %dma_start3A_439 : memref<1x128xi32, #tpu.memory_space<vmem>> -> memref<128xi32, #tpu.memory_space<vmem>>
        %dma_start3A_441 = arith.constant 0 : i32
        %dma_start3A_442 = arith.constant 0 : i32
        %dma_start3A_443 = tpu.memref_slice %arg10[%dma_start3A_441, %dma_start3A_442] : memref<10112x128xf32, #tpu.memory_space<vmem_shared>> -> memref<10112x128xf32, #tpu.memory_space<vmem_shared>>
        tpu.enqueue_indirect_dma source(%arg8 : memref<128x128xf32, #tpu.memory_space<vmem>>) target(%dma_start3A_443 : memref<10112x128xf32, #tpu.memory_space<vmem_shared>>) offsets(%dma_start3A_440 : memref<128xi32, #tpu.memory_space<vmem>>) semaphore(%run_scoped3A_438 : memref<!tpu.dma_semaphore, #tpu.memory_space<semaphore_mem>>) {add = true}
        %dma_wait3A = arith.constant 0 : i32
        %dma_wait3A_444 = tpu.memref_slice %arg7[%run_scoped3A_433, %dma_wait3A] : memref<8x128xi32, #tpu.memory_space<vmem>> -> memref<1x128xi32, #tpu.memory_space<vmem>>
        %dma_wait3A_445 = tpu.memref_squeeze %dma_wait3A_444 : memref<1x128xi32, #tpu.memory_space<vmem>> -> memref<128xi32, #tpu.memory_space<vmem>>
        %dma_wait3A_446 = arith.constant 0 : i32
        %dma_wait3A_447 = arith.constant 0 : i32
        %dma_wait3A_448 = tpu.memref_slice %arg10[%dma_wait3A_446, %dma_wait3A_447] : memref<10112x128xf32, #tpu.memory_space<vmem_shared>> -> memref<10112x128xf32, #tpu.memory_space<vmem_shared>>
        tpu.wait_indirect_dma semaphore(%run_scoped3A_438 : memref<!tpu.dma_semaphore, #tpu.memory_space<semaphore_mem>>) src(%arg8 : memref<128x128xf32, #tpu.memory_space<vmem>>) dst(%dma_wait3A_448 : memref<10112x128xf32, #tpu.memory_space<vmem_shared>>)
        tpu.yield
      }) : () -> ()
      %run_scoped3A_434 = arith.constant 6 : i32
      "tpu.region"() ({
        %run_scoped3A_438 = tpu.sem_alloc : memref<!tpu.dma_semaphore, #tpu.memory_space<semaphore_mem>>
        %dma_start3A = arith.constant 0 : i32
        %dma_start3A_439 = tpu.memref_slice %arg6[%run_scoped3A_434, %dma_start3A] : memref<8x128xi32, #tpu.memory_space<vmem>> -> memref<1x128xi32, #tpu.memory_space<vmem>>
        %dma_start3A_440 = tpu.memref_squeeze %dma_start3A_439 : memref<1x128xi32, #tpu.memory_space<vmem>> -> memref<128xi32, #tpu.memory_space<vmem>>
        %dma_start3A_441 = arith.constant 0 : i32
        %dma_start3A_442 = arith.constant 0 : i32
        %dma_start3A_443 = tpu.memref_slice %arg4[%dma_start3A_441, %dma_start3A_442] : memref<10000x128xf32, #tpu.memory_space<hbm>> -> memref<10000x128xf32, #tpu.memory_space<hbm>>
        tpu.enqueue_indirect_dma source(%dma_start3A_443 : memref<10000x128xf32, #tpu.memory_space<hbm>>) target(%arg8 : memref<128x128xf32, #tpu.memory_space<vmem>>) offsets(%dma_start3A_440 : memref<128xi32, #tpu.memory_space<vmem>>) semaphore(%run_scoped3A_438 : memref<!tpu.dma_semaphore, #tpu.memory_space<semaphore_mem>>)
        %dma_wait3A = arith.constant 0 : i32
        %dma_wait3A_444 = tpu.memref_slice %arg6[%run_scoped3A_434, %dma_wait3A] : memref<8x128xi32, #tpu.memory_space<vmem>> -> memref<1x128xi32, #tpu.memory_space<vmem>>
        %dma_wait3A_445 = tpu.memref_squeeze %dma_wait3A_444 : memref<1x128xi32, #tpu.memory_space<vmem>> -> memref<128xi32, #tpu.memory_space<vmem>>
        %dma_wait3A_446 = arith.constant 0 : i32
        %dma_wait3A_447 = arith.constant 0 : i32
        %dma_wait3A_448 = tpu.memref_slice %arg4[%dma_wait3A_446, %dma_wait3A_447] : memref<10000x128xf32, #tpu.memory_space<hbm>> -> memref<10000x128xf32, #tpu.memory_space<hbm>>
        tpu.wait_indirect_dma semaphore(%run_scoped3A_438 : memref<!tpu.dma_semaphore, #tpu.memory_space<semaphore_mem>>) src(%dma_wait3A_448 : memref<10000x128xf32, #tpu.memory_space<hbm>>) dst(%arg8 : memref<128x128xf32, #tpu.memory_space<vmem>>)
        tpu.yield
      }) : () -> ()
      %run_scoped3A_435 = arith.constant 6 : i32
      "tpu.region"() ({
        %run_scoped3A_438 = tpu.sem_alloc : memref<!tpu.dma_semaphore, #tpu.memory_space<semaphore_mem>>
        %dma_start3A = arith.constant 0 : i32
        %dma_start3A_439 = tpu.memref_slice %arg7[%run_scoped3A_435, %dma_start3A] : memref<8x128xi32, #tpu.memory_space<vmem>> -> memref<1x128xi32, #tpu.memory_space<vmem>>
        %dma_start3A_440 = tpu.memref_squeeze %dma_start3A_439 : memref<1x128xi32, #tpu.memory_space<vmem>> -> memref<128xi32, #tpu.memory_space<vmem>>
        %dma_start3A_441 = arith.constant 0 : i32
        %dma_start3A_442 = arith.constant 0 : i32
        %dma_start3A_443 = tpu.memref_slice %arg10[%dma_start3A_441, %dma_start3A_442] : memref<10112x128xf32, #tpu.memory_space<vmem_shared>> -> memref<10112x128xf32, #tpu.memory_space<vmem_shared>>
        tpu.enqueue_indirect_dma source(%arg8 : memref<128x128xf32, #tpu.memory_space<vmem>>) target(%dma_start3A_443 : memref<10112x128xf32, #tpu.memory_space<vmem_shared>>) offsets(%dma_start3A_440 : memref<128xi32, #tpu.memory_space<vmem>>) semaphore(%run_scoped3A_438 : memref<!tpu.dma_semaphore, #tpu.memory_space<semaphore_mem>>) {add = true}
        %dma_wait3A = arith.constant 0 : i32
        %dma_wait3A_444 = tpu.memref_slice %arg7[%run_scoped3A_435, %dma_wait3A] : memref<8x128xi32, #tpu.memory_space<vmem>> -> memref<1x128xi32, #tpu.memory_space<vmem>>
        %dma_wait3A_445 = tpu.memref_squeeze %dma_wait3A_444 : memref<1x128xi32, #tpu.memory_space<vmem>> -> memref<128xi32, #tpu.memory_space<vmem>>
        %dma_wait3A_446 = arith.constant 0 : i32
        %dma_wait3A_447 = arith.constant 0 : i32
        %dma_wait3A_448 = tpu.memref_slice %arg10[%dma_wait3A_446, %dma_wait3A_447] : memref<10112x128xf32, #tpu.memory_space<vmem_shared>> -> memref<10112x128xf32, #tpu.memory_space<vmem_shared>>
        tpu.wait_indirect_dma semaphore(%run_scoped3A_438 : memref<!tpu.dma_semaphore, #tpu.memory_space<semaphore_mem>>) src(%arg8 : memref<128x128xf32, #tpu.memory_space<vmem>>) dst(%dma_wait3A_448 : memref<10112x128xf32, #tpu.memory_space<vmem_shared>>)
        tpu.yield
      }) : () -> ()
      %run_scoped3A_436 = arith.constant 7 : i32
      "tpu.region"() ({
        %run_scoped3A_438 = tpu.sem_alloc : memref<!tpu.dma_semaphore, #tpu.memory_space<semaphore_mem>>
        %dma_start3A = arith.constant 0 : i32
        %dma_start3A_439 = tpu.memref_slice %arg6[%run_scoped3A_436, %dma_start3A] : memref<8x128xi32, #tpu.memory_space<vmem>> -> memref<1x128xi32, #tpu.memory_space<vmem>>
        %dma_start3A_440 = tpu.memref_squeeze %dma_start3A_439 : memref<1x128xi32, #tpu.memory_space<vmem>> -> memref<128xi32, #tpu.memory_space<vmem>>
        %dma_start3A_441 = arith.constant 0 : i32
        %dma_start3A_442 = arith.constant 0 : i32
        %dma_start3A_443 = tpu.memref_slice %arg4[%dma_start3A_441, %dma_start3A_442] : memref<10000x128xf32, #tpu.memory_space<hbm>> -> memref<10000x128xf32, #tpu.memory_space<hbm>>
        tpu.enqueue_indirect_dma source(%dma_start3A_443 : memref<10000x128xf32, #tpu.memory_space<hbm>>) target(%arg8 : memref<128x128xf32, #tpu.memory_space<vmem>>) offsets(%dma_start3A_440 : memref<128xi32, #tpu.memory_space<vmem>>) semaphore(%run_scoped3A_438 : memref<!tpu.dma_semaphore, #tpu.memory_space<semaphore_mem>>)
        %dma_wait3A = arith.constant 0 : i32
        %dma_wait3A_444 = tpu.memref_slice %arg6[%run_scoped3A_436, %dma_wait3A] : memref<8x128xi32, #tpu.memory_space<vmem>> -> memref<1x128xi32, #tpu.memory_space<vmem>>
        %dma_wait3A_445 = tpu.memref_squeeze %dma_wait3A_444 : memref<1x128xi32, #tpu.memory_space<vmem>> -> memref<128xi32, #tpu.memory_space<vmem>>
        %dma_wait3A_446 = arith.constant 0 : i32
        %dma_wait3A_447 = arith.constant 0 : i32
        %dma_wait3A_448 = tpu.memref_slice %arg4[%dma_wait3A_446, %dma_wait3A_447] : memref<10000x128xf32, #tpu.memory_space<hbm>> -> memref<10000x128xf32, #tpu.memory_space<hbm>>
        tpu.wait_indirect_dma semaphore(%run_scoped3A_438 : memref<!tpu.dma_semaphore, #tpu.memory_space<semaphore_mem>>) src(%dma_wait3A_448 : memref<10000x128xf32, #tpu.memory_space<hbm>>) dst(%arg8 : memref<128x128xf32, #tpu.memory_space<vmem>>)
        tpu.yield
      }) : () -> ()
      %run_scoped3A_437 = arith.constant 7 : i32
      "tpu.region"() ({
        %run_scoped3A_438 = tpu.sem_alloc : memref<!tpu.dma_semaphore, #tpu.memory_space<semaphore_mem>>
        %dma_start3A = arith.constant 0 : i32
        %dma_start3A_439 = tpu.memref_slice %arg7[%run_scoped3A_437, %dma_start3A] : memref<8x128xi32, #tpu.memory_space<vmem>> -> memref<1x128xi32, #tpu.memory_space<vmem>>
        %dma_start3A_440 = tpu.memref_squeeze %dma_start3A_439 : memref<1x128xi32, #tpu.memory_space<vmem>> -> memref<128xi32, #tpu.memory_space<vmem>>
        %dma_start3A_441 = arith.constant 0 : i32
        %dma_start3A_442 = arith.constant 0 : i32
        %dma_start3A_443 = tpu.memref_slice %arg10[%dma_start3A_441, %dma_start3A_442] : memref<10112x128xf32, #tpu.memory_space<vmem_shared>> -> memref<10112x128xf32, #tpu.memory_space<vmem_shared>>
        tpu.enqueue_indirect_dma source(%arg8 : memref<128x128xf32, #tpu.memory_space<vmem>>) target(%dma_start3A_443 : memref<10112x128xf32, #tpu.memory_space<vmem_shared>>) offsets(%dma_start3A_440 : memref<128xi32, #tpu.memory_space<vmem>>) semaphore(%run_scoped3A_438 : memref<!tpu.dma_semaphore, #tpu.memory_space<semaphore_mem>>) {add = true}
        %dma_wait3A = arith.constant 0 : i32
        %dma_wait3A_444 = tpu.memref_slice %arg7[%run_scoped3A_437, %dma_wait3A] : memref<8x128xi32, #tpu.memory_space<vmem>> -> memref<1x128xi32, #tpu.memory_space<vmem>>
        %dma_wait3A_445 = tpu.memref_squeeze %dma_wait3A_444 : memref<1x128xi32, #tpu.memory_space<vmem>> -> memref<128xi32, #tpu.memory_space<vmem>>
        %dma_wait3A_446 = arith.constant 0 : i32
        %dma_wait3A_447 = arith.constant 0 : i32
        %dma_wait3A_448 = tpu.memref_slice %arg10[%dma_wait3A_446, %dma_wait3A_447] : memref<10112x128xf32, #tpu.memory_space<vmem_shared>> -> memref<10112x128xf32, #tpu.memory_space<vmem_shared>>
        tpu.wait_indirect_dma semaphore(%run_scoped3A_438 : memref<!tpu.dma_semaphore, #tpu.memory_space<semaphore_mem>>) src(%arg8 : memref<128x128xf32, #tpu.memory_space<vmem>>) dst(%dma_wait3A_448 : memref<10112x128xf32, #tpu.memory_space<vmem_shared>>)
        tpu.yield
      }) : () -> ()
    }
    %while3A_412 = arith.constant 1 : i32
    scf.for %while3A_418 = %while3A_410 to %while3A_406 step %while3A_412  : i32 {
      %mul3A_419 = arith.muli %while3A_418, %while3A : i32
      %add3A_420 = arith.addi %while3A_403, %mul3A_419 : i32
      %add3A_421 = arith.addi %select_n3A_396, %add3A_420 : i32
      "tpu.region"() ({
        %run_scoped3A_438 = tpu.sem_alloc : memref<!tpu.dma_semaphore, #tpu.memory_space<semaphore_mem>>
        %dma_start3A = arith.constant 0 : i32
        %dma_start3A_439 = tpu.memref_slice %arg2[%add3A_421, %dma_start3A] : memref<2560x128xi32, #tpu.memory_space<hbm>> -> memref<8x128xi32, #tpu.memory_space<hbm>>
        %dma_start3A_440 = arith.constant 0 : i32
        %dma_start3A_441 = tpu.memref_slice %arg2[%add3A_421, %dma_start3A_440] : memref<2560x128xi32, #tpu.memory_space<hbm>> -> memref<8x128xi32, #tpu.memory_space<hbm>>
        tpu.enqueue_dma source(%dma_start3A_441 : memref<8x128xi32, #tpu.memory_space<hbm>>) target(%arg6 : memref<8x128xi32, #tpu.memory_space<vmem>>) target_semaphore(%run_scoped3A_438 : memref<!tpu.dma_semaphore, #tpu.memory_space<semaphore_mem>>)
        %dma_wait3A = arith.constant 0 : i32
        %dma_wait3A_442 = tpu.memref_slice %arg2[%add3A_421, %dma_wait3A] : memref<2560x128xi32, #tpu.memory_space<hbm>> -> memref<8x128xi32, #tpu.memory_space<hbm>>
        %dma_wait3A_443 = arith.constant 0 : i32
        %dma_wait3A_444 = tpu.memref_slice %arg2[%add3A_421, %dma_wait3A_443] : memref<2560x128xi32, #tpu.memory_space<hbm>> -> memref<8x128xi32, #tpu.memory_space<hbm>>
        tpu.wait_dma2 semaphore(%run_scoped3A_438 : memref<!tpu.dma_semaphore, #tpu.memory_space<semaphore_mem>>) src(%dma_wait3A_444 : memref<8x128xi32, #tpu.memory_space<hbm>>) dst(%arg6 : memref<8x128xi32, #tpu.memory_space<vmem>>)
        tpu.yield
      }) : () -> ()
      %add3A_422 = arith.addi %select_n3A_396, %add3A_420 : i32
      "tpu.region"() ({
        %run_scoped3A_438 = tpu.sem_alloc : memref<!tpu.dma_semaphore, #tpu.memory_space<semaphore_mem>>
        %dma_start3A = arith.constant 0 : i32
        %dma_start3A_439 = tpu.memref_slice %arg3[%add3A_422, %dma_start3A] : memref<2560x128xi32, #tpu.memory_space<hbm>> -> memref<8x128xi32, #tpu.memory_space<hbm>>
        %dma_start3A_440 = arith.constant 0 : i32
        %dma_start3A_441 = tpu.memref_slice %arg3[%add3A_422, %dma_start3A_440] : memref<2560x128xi32, #tpu.memory_space<hbm>> -> memref<8x128xi32, #tpu.memory_space<hbm>>
        tpu.enqueue_dma source(%dma_start3A_441 : memref<8x128xi32, #tpu.memory_space<hbm>>) target(%arg7 : memref<8x128xi32, #tpu.memory_space<vmem>>) target_semaphore(%run_scoped3A_438 : memref<!tpu.dma_semaphore, #tpu.memory_space<semaphore_mem>>)
        %dma_wait3A = arith.constant 0 : i32
        %dma_wait3A_442 = tpu.memref_slice %arg3[%add3A_422, %dma_wait3A] : memref<2560x128xi32, #tpu.memory_space<hbm>> -> memref<8x128xi32, #tpu.memory_space<hbm>>
        %dma_wait3A_443 = arith.constant 0 : i32
        %dma_wait3A_444 = tpu.memref_slice %arg3[%add3A_422, %dma_wait3A_443] : memref<2560x128xi32, #tpu.memory_space<hbm>> -> memref<8x128xi32, #tpu.memory_space<hbm>>
        tpu.wait_dma2 semaphore(%run_scoped3A_438 : memref<!tpu.dma_semaphore, #tpu.memory_space<semaphore_mem>>) src(%dma_wait3A_444 : memref<8x128xi32, #tpu.memory_space<hbm>>) dst(%arg7 : memref<8x128xi32, #tpu.memory_space<vmem>>)
        tpu.yield
      }) : () -> ()
      %run_scoped3A = arith.constant 0 : i32
      "tpu.region"() ({
        %run_scoped3A_438 = tpu.sem_alloc : memref<!tpu.dma_semaphore, #tpu.memory_space<semaphore_mem>>
        %dma_start3A = arith.constant 0 : i32
        %dma_start3A_439 = tpu.memref_slice %arg6[%run_scoped3A, %dma_start3A] : memref<8x128xi32, #tpu.memory_space<vmem>> -> memref<1x128xi32, #tpu.memory_space<vmem>>
        %dma_start3A_440 = tpu.memref_squeeze %dma_start3A_439 : memref<1x128xi32, #tpu.memory_space<vmem>> -> memref<128xi32, #tpu.memory_space<vmem>>
        %dma_start3A_441 = arith.constant 0 : i32
        %dma_start3A_442 = arith.constant 0 : i32
        %dma_start3A_443 = tpu.memref_slice %arg4[%dma_start3A_441, %dma_start3A_442] : memref<10000x128xf32, #tpu.memory_space<hbm>> -> memref<10000x128xf32, #tpu.memory_space<hbm>>
        tpu.enqueue_indirect_dma source(%dma_start3A_443 : memref<10000x128xf32, #tpu.memory_space<hbm>>) target(%arg8 : memref<128x128xf32, #tpu.memory_space<vmem>>) offsets(%dma_start3A_440 : memref<128xi32, #tpu.memory_space<vmem>>) semaphore(%run_scoped3A_438 : memref<!tpu.dma_semaphore, #tpu.memory_space<semaphore_mem>>)
        %dma_wait3A = arith.constant 0 : i32
        %dma_wait3A_444 = tpu.memref_slice %arg6[%run_scoped3A, %dma_wait3A] : memref<8x128xi32, #tpu.memory_space<vmem>> -> memref<1x128xi32, #tpu.memory_space<vmem>>
        %dma_wait3A_445 = tpu.memref_squeeze %dma_wait3A_444 : memref<1x128xi32, #tpu.memory_space<vmem>> -> memref<128xi32, #tpu.memory_space<vmem>>
        %dma_wait3A_446 = arith.constant 0 : i32
        %dma_wait3A_447 = arith.constant 0 : i32
        %dma_wait3A_448 = tpu.memref_slice %arg4[%dma_wait3A_446, %dma_wait3A_447] : memref<10000x128xf32, #tpu.memory_space<hbm>> -> memref<10000x128xf32, #tpu.memory_space<hbm>>
        tpu.wait_indirect_dma semaphore(%run_scoped3A_438 : memref<!tpu.dma_semaphore, #tpu.memory_space<semaphore_mem>>) src(%dma_wait3A_448 : memref<10000x128xf32, #tpu.memory_space<hbm>>) dst(%arg8 : memref<128x128xf32, #tpu.memory_space<vmem>>)
        tpu.yield
      }) : () -> ()
      %run_scoped3A_423 = arith.constant 0 : i32
      "tpu.region"() ({
        %run_scoped3A_438 = tpu.sem_alloc : memref<!tpu.dma_semaphore, #tpu.memory_space<semaphore_mem>>
        %dma_start3A = arith.constant 0 : i32
        %dma_start3A_439 = tpu.memref_slice %arg7[%run_scoped3A_423, %dma_start3A] : memref<8x128xi32, #tpu.memory_space<vmem>> -> memref<1x128xi32, #tpu.memory_space<vmem>>
        %dma_start3A_440 = tpu.memref_squeeze %dma_start3A_439 : memref<1x128xi32, #tpu.memory_space<vmem>> -> memref<128xi32, #tpu.memory_space<vmem>>
        %dma_start3A_441 = arith.constant 0 : i32
        %dma_start3A_442 = arith.constant 0 : i32
        %dma_start3A_443 = tpu.memref_slice %arg10[%dma_start3A_441, %dma_start3A_442] : memref<10112x128xf32, #tpu.memory_space<vmem_shared>> -> memref<10112x128xf32, #tpu.memory_space<vmem_shared>>
        tpu.enqueue_indirect_dma source(%arg8 : memref<128x128xf32, #tpu.memory_space<vmem>>) target(%dma_start3A_443 : memref<10112x128xf32, #tpu.memory_space<vmem_shared>>) offsets(%dma_start3A_440 : memref<128xi32, #tpu.memory_space<vmem>>) semaphore(%run_scoped3A_438 : memref<!tpu.dma_semaphore, #tpu.memory_space<semaphore_mem>>) {add = true}
        %dma_wait3A = arith.constant 0 : i32
        %dma_wait3A_444 = tpu.memref_slice %arg7[%run_scoped3A_423, %dma_wait3A] : memref<8x128xi32, #tpu.memory_space<vmem>> -> memref<1x128xi32, #tpu.memory_space<vmem>>
        %dma_wait3A_445 = tpu.memref_squeeze %dma_wait3A_444 : memref<1x128xi32, #tpu.memory_space<vmem>> -> memref<128xi32, #tpu.memory_space<vmem>>
        %dma_wait3A_446 = arith.constant 0 : i32
        %dma_wait3A_447 = arith.constant 0 : i32
        %dma_wait3A_448 = tpu.memref_slice %arg10[%dma_wait3A_446, %dma_wait3A_447] : memref<10112x128xf32, #tpu.memory_space<vmem_shared>> -> memref<10112x128xf32, #tpu.memory_space<vmem_shared>>
        tpu.wait_indirect_dma semaphore(%run_scoped3A_438 : memref<!tpu.dma_semaphore, #tpu.memory_space<semaphore_mem>>) src(%arg8 : memref<128x128xf32, #tpu.memory_space<vmem>>) dst(%dma_wait3A_448 : memref<10112x128xf32, #tpu.memory_space<vmem_shared>>)
        tpu.yield
      }) : () -> ()
      %run_scoped3A_424 = arith.constant 1 : i32
      "tpu.region"() ({
        %run_scoped3A_438 = tpu.sem_alloc : memref<!tpu.dma_semaphore, #tpu.memory_space<semaphore_mem>>
        %dma_start3A = arith.constant 0 : i32
        %dma_start3A_439 = tpu.memref_slice %arg6[%run_scoped3A_424, %dma_start3A] : memref<8x128xi32, #tpu.memory_space<vmem>> -> memref<1x128xi32, #tpu.memory_space<vmem>>
        %dma_start3A_440 = tpu.memref_squeeze %dma_start3A_439 : memref<1x128xi32, #tpu.memory_space<vmem>> -> memref<128xi32, #tpu.memory_space<vmem>>
        %dma_start3A_441 = arith.constant 0 : i32
        %dma_start3A_442 = arith.constant 0 : i32
        %dma_start3A_443 = tpu.memref_slice %arg4[%dma_start3A_441, %dma_start3A_442] : memref<10000x128xf32, #tpu.memory_space<hbm>> -> memref<10000x128xf32, #tpu.memory_space<hbm>>
        tpu.enqueue_indirect_dma source(%dma_start3A_443 : memref<10000x128xf32, #tpu.memory_space<hbm>>) target(%arg8 : memref<128x128xf32, #tpu.memory_space<vmem>>) offsets(%dma_start3A_440 : memref<128xi32, #tpu.memory_space<vmem>>) semaphore(%run_scoped3A_438 : memref<!tpu.dma_semaphore, #tpu.memory_space<semaphore_mem>>)
        %dma_wait3A = arith.constant 0 : i32
        %dma_wait3A_444 = tpu.memref_slice %arg6[%run_scoped3A_424, %dma_wait3A] : memref<8x128xi32, #tpu.memory_space<vmem>> -> memref<1x128xi32, #tpu.memory_space<vmem>>
        %dma_wait3A_445 = tpu.memref_squeeze %dma_wait3A_444 : memref<1x128xi32, #tpu.memory_space<vmem>> -> memref<128xi32, #tpu.memory_space<vmem>>
        %dma_wait3A_446 = arith.constant 0 : i32
        %dma_wait3A_447 = arith.constant 0 : i32
        %dma_wait3A_448 = tpu.memref_slice %arg4[%dma_wait3A_446, %dma_wait3A_447] : memref<10000x128xf32, #tpu.memory_space<hbm>> -> memref<10000x128xf32, #tpu.memory_space<hbm>>
        tpu.wait_indirect_dma semaphore(%run_scoped3A_438 : memref<!tpu.dma_semaphore, #tpu.memory_space<semaphore_mem>>) src(%dma_wait3A_448 : memref<10000x128xf32, #tpu.memory_space<hbm>>) dst(%arg8 : memref<128x128xf32, #tpu.memory_space<vmem>>)
        tpu.yield
      }) : () -> ()
      %run_scoped3A_425 = arith.constant 1 : i32
      "tpu.region"() ({
        %run_scoped3A_438 = tpu.sem_alloc : memref<!tpu.dma_semaphore, #tpu.memory_space<semaphore_mem>>
        %dma_start3A = arith.constant 0 : i32
        %dma_start3A_439 = tpu.memref_slice %arg7[%run_scoped3A_425, %dma_start3A] : memref<8x128xi32, #tpu.memory_space<vmem>> -> memref<1x128xi32, #tpu.memory_space<vmem>>
        %dma_start3A_440 = tpu.memref_squeeze %dma_start3A_439 : memref<1x128xi32, #tpu.memory_space<vmem>> -> memref<128xi32, #tpu.memory_space<vmem>>
        %dma_start3A_441 = arith.constant 0 : i32
        %dma_start3A_442 = arith.constant 0 : i32
        %dma_start3A_443 = tpu.memref_slice %arg10[%dma_start3A_441, %dma_start3A_442] : memref<10112x128xf32, #tpu.memory_space<vmem_shared>> -> memref<10112x128xf32, #tpu.memory_space<vmem_shared>>
        tpu.enqueue_indirect_dma source(%arg8 : memref<128x128xf32, #tpu.memory_space<vmem>>) target(%dma_start3A_443 : memref<10112x128xf32, #tpu.memory_space<vmem_shared>>) offsets(%dma_start3A_440 : memref<128xi32, #tpu.memory_space<vmem>>) semaphore(%run_scoped3A_438 : memref<!tpu.dma_semaphore, #tpu.memory_space<semaphore_mem>>) {add = true}
        %dma_wait3A = arith.constant 0 : i32
        %dma_wait3A_444 = tpu.memref_slice %arg7[%run_scoped3A_425, %dma_wait3A] : memref<8x128xi32, #tpu.memory_space<vmem>> -> memref<1x128xi32, #tpu.memory_space<vmem>>
        %dma_wait3A_445 = tpu.memref_squeeze %dma_wait3A_444 : memref<1x128xi32, #tpu.memory_space<vmem>> -> memref<128xi32, #tpu.memory_space<vmem>>
        %dma_wait3A_446 = arith.constant 0 : i32
        %dma_wait3A_447 = arith.constant 0 : i32
        %dma_wait3A_448 = tpu.memref_slice %arg10[%dma_wait3A_446, %dma_wait3A_447] : memref<10112x128xf32, #tpu.memory_space<vmem_shared>> -> memref<10112x128xf32, #tpu.memory_space<vmem_shared>>
        tpu.wait_indirect_dma semaphore(%run_scoped3A_438 : memref<!tpu.dma_semaphore, #tpu.memory_space<semaphore_mem>>) src(%arg8 : memref<128x128xf32, #tpu.memory_space<vmem>>) dst(%dma_wait3A_448 : memref<10112x128xf32, #tpu.memory_space<vmem_shared>>)
        tpu.yield
      }) : () -> ()
      %run_scoped3A_426 = arith.constant 2 : i32
      "tpu.region"() ({
        %run_scoped3A_438 = tpu.sem_alloc : memref<!tpu.dma_semaphore, #tpu.memory_space<semaphore_mem>>
        %dma_start3A = arith.constant 0 : i32
        %dma_start3A_439 = tpu.memref_slice %arg6[%run_scoped3A_426, %dma_start3A] : memref<8x128xi32, #tpu.memory_space<vmem>> -> memref<1x128xi32, #tpu.memory_space<vmem>>
        %dma_start3A_440 = tpu.memref_squeeze %dma_start3A_439 : memref<1x128xi32, #tpu.memory_space<vmem>> -> memref<128xi32, #tpu.memory_space<vmem>>
        %dma_start3A_441 = arith.constant 0 : i32
        %dma_start3A_442 = arith.constant 0 : i32
        %dma_start3A_443 = tpu.memref_slice %arg4[%dma_start3A_441, %dma_start3A_442] : memref<10000x128xf32, #tpu.memory_space<hbm>> -> memref<10000x128xf32, #tpu.memory_space<hbm>>
        tpu.enqueue_indirect_dma source(%dma_start3A_443 : memref<10000x128xf32, #tpu.memory_space<hbm>>) target(%arg8 : memref<128x128xf32, #tpu.memory_space<vmem>>) offsets(%dma_start3A_440 : memref<128xi32, #tpu.memory_space<vmem>>) semaphore(%run_scoped3A_438 : memref<!tpu.dma_semaphore, #tpu.memory_space<semaphore_mem>>)
        %dma_wait3A = arith.constant 0 : i32
        %dma_wait3A_444 = tpu.memref_slice %arg6[%run_scoped3A_426, %dma_wait3A] : memref<8x128xi32, #tpu.memory_space<vmem>> -> memref<1x128xi32, #tpu.memory_space<vmem>>
        %dma_wait3A_445 = tpu.memref_squeeze %dma_wait3A_444 : memref<1x128xi32, #tpu.memory_space<vmem>> -> memref<128xi32, #tpu.memory_space<vmem>>
        %dma_wait3A_446 = arith.constant 0 : i32
        %dma_wait3A_447 = arith.constant 0 : i32
        %dma_wait3A_448 = tpu.memref_slice %arg4[%dma_wait3A_446, %dma_wait3A_447] : memref<10000x128xf32, #tpu.memory_space<hbm>> -> memref<10000x128xf32, #tpu.memory_space<hbm>>
        tpu.wait_indirect_dma semaphore(%run_scoped3A_438 : memref<!tpu.dma_semaphore, #tpu.memory_space<semaphore_mem>>) src(%dma_wait3A_448 : memref<10000x128xf32, #tpu.memory_space<hbm>>) dst(%arg8 : memref<128x128xf32, #tpu.memory_space<vmem>>)
        tpu.yield
      }) : () -> ()
      %run_scoped3A_427 = arith.constant 2 : i32
      "tpu.region"() ({
        %run_scoped3A_438 = tpu.sem_alloc : memref<!tpu.dma_semaphore, #tpu.memory_space<semaphore_mem>>
        %dma_start3A = arith.constant 0 : i32
        %dma_start3A_439 = tpu.memref_slice %arg7[%run_scoped3A_427, %dma_start3A] : memref<8x128xi32, #tpu.memory_space<vmem>> -> memref<1x128xi32, #tpu.memory_space<vmem>>
        %dma_start3A_440 = tpu.memref_squeeze %dma_start3A_439 : memref<1x128xi32, #tpu.memory_space<vmem>> -> memref<128xi32, #tpu.memory_space<vmem>>
        %dma_start3A_441 = arith.constant 0 : i32
        %dma_start3A_442 = arith.constant 0 : i32
        %dma_start3A_443 = tpu.memref_slice %arg10[%dma_start3A_441, %dma_start3A_442] : memref<10112x128xf32, #tpu.memory_space<vmem_shared>> -> memref<10112x128xf32, #tpu.memory_space<vmem_shared>>
        tpu.enqueue_indirect_dma source(%arg8 : memref<128x128xf32, #tpu.memory_space<vmem>>) target(%dma_start3A_443 : memref<10112x128xf32, #tpu.memory_space<vmem_shared>>) offsets(%dma_start3A_440 : memref<128xi32, #tpu.memory_space<vmem>>) semaphore(%run_scoped3A_438 : memref<!tpu.dma_semaphore, #tpu.memory_space<semaphore_mem>>) {add = true}
        %dma_wait3A = arith.constant 0 : i32
        %dma_wait3A_444 = tpu.memref_slice %arg7[%run_scoped3A_427, %dma_wait3A] : memref<8x128xi32, #tpu.memory_space<vmem>> -> memref<1x128xi32, #tpu.memory_space<vmem>>
        %dma_wait3A_445 = tpu.memref_squeeze %dma_wait3A_444 : memref<1x128xi32, #tpu.memory_space<vmem>> -> memref<128xi32, #tpu.memory_space<vmem>>
        %dma_wait3A_446 = arith.constant 0 : i32
        %dma_wait3A_447 = arith.constant 0 : i32
        %dma_wait3A_448 = tpu.memref_slice %arg10[%dma_wait3A_446, %dma_wait3A_447] : memref<10112x128xf32, #tpu.memory_space<vmem_shared>> -> memref<10112x128xf32, #tpu.memory_space<vmem_shared>>
        tpu.wait_indirect_dma semaphore(%run_scoped3A_438 : memref<!tpu.dma_semaphore, #tpu.memory_space<semaphore_mem>>) src(%arg8 : memref<128x128xf32, #tpu.memory_space<vmem>>) dst(%dma_wait3A_448 : memref<10112x128xf32, #tpu.memory_space<vmem_shared>>)
        tpu.yield
      }) : () -> ()
      %run_scoped3A_428 = arith.constant 3 : i32
      "tpu.region"() ({
        %run_scoped3A_438 = tpu.sem_alloc : memref<!tpu.dma_semaphore, #tpu.memory_space<semaphore_mem>>
        %dma_start3A = arith.constant 0 : i32
        %dma_start3A_439 = tpu.memref_slice %arg6[%run_scoped3A_428, %dma_start3A] : memref<8x128xi32, #tpu.memory_space<vmem>> -> memref<1x128xi32, #tpu.memory_space<vmem>>
        %dma_start3A_440 = tpu.memref_squeeze %dma_start3A_439 : memref<1x128xi32, #tpu.memory_space<vmem>> -> memref<128xi32, #tpu.memory_space<vmem>>
        %dma_start3A_441 = arith.constant 0 : i32
        %dma_start3A_442 = arith.constant 0 : i32
        %dma_start3A_443 = tpu.memref_slice %arg4[%dma_start3A_441, %dma_start3A_442] : memref<10000x128xf32, #tpu.memory_space<hbm>> -> memref<10000x128xf32, #tpu.memory_space<hbm>>
        tpu.enqueue_indirect_dma source(%dma_start3A_443 : memref<10000x128xf32, #tpu.memory_space<hbm>>) target(%arg8 : memref<128x128xf32, #tpu.memory_space<vmem>>) offsets(%dma_start3A_440 : memref<128xi32, #tpu.memory_space<vmem>>) semaphore(%run_scoped3A_438 : memref<!tpu.dma_semaphore, #tpu.memory_space<semaphore_mem>>)
        %dma_wait3A = arith.constant 0 : i32
        %dma_wait3A_444 = tpu.memref_slice %arg6[%run_scoped3A_428, %dma_wait3A] : memref<8x128xi32, #tpu.memory_space<vmem>> -> memref<1x128xi32, #tpu.memory_space<vmem>>
        %dma_wait3A_445 = tpu.memref_squeeze %dma_wait3A_444 : memref<1x128xi32, #tpu.memory_space<vmem>> -> memref<128xi32, #tpu.memory_space<vmem>>
        %dma_wait3A_446 = arith.constant 0 : i32
        %dma_wait3A_447 = arith.constant 0 : i32
        %dma_wait3A_448 = tpu.memref_slice %arg4[%dma_wait3A_446, %dma_wait3A_447] : memref<10000x128xf32, #tpu.memory_space<hbm>> -> memref<10000x128xf32, #tpu.memory_space<hbm>>
        tpu.wait_indirect_dma semaphore(%run_scoped3A_438 : memref<!tpu.dma_semaphore, #tpu.memory_space<semaphore_mem>>) src(%dma_wait3A_448 : memref<10000x128xf32, #tpu.memory_space<hbm>>) dst(%arg8 : memref<128x128xf32, #tpu.memory_space<vmem>>)
        tpu.yield
      }) : () -> ()
      %run_scoped3A_429 = arith.constant 3 : i32
      "tpu.region"() ({
        %run_scoped3A_438 = tpu.sem_alloc : memref<!tpu.dma_semaphore, #tpu.memory_space<semaphore_mem>>
        %dma_start3A = arith.constant 0 : i32
        %dma_start3A_439 = tpu.memref_slice %arg7[%run_scoped3A_429, %dma_start3A] : memref<8x128xi32, #tpu.memory_space<vmem>> -> memref<1x128xi32, #tpu.memory_space<vmem>>
        %dma_start3A_440 = tpu.memref_squeeze %dma_start3A_439 : memref<1x128xi32, #tpu.memory_space<vmem>> -> memref<128xi32, #tpu.memory_space<vmem>>
        %dma_start3A_441 = arith.constant 0 : i32
        %dma_start3A_442 = arith.constant 0 : i32
        %dma_start3A_443 = tpu.memref_slice %arg10[%dma_start3A_441, %dma_start3A_442] : memref<10112x128xf32, #tpu.memory_space<vmem_shared>> -> memref<10112x128xf32, #tpu.memory_space<vmem_shared>>
        tpu.enqueue_indirect_dma source(%arg8 : memref<128x128xf32, #tpu.memory_space<vmem>>) target(%dma_start3A_443 : memref<10112x128xf32, #tpu.memory_space<vmem_shared>>) offsets(%dma_start3A_440 : memref<128xi32, #tpu.memory_space<vmem>>) semaphore(%run_scoped3A_438 : memref<!tpu.dma_semaphore, #tpu.memory_space<semaphore_mem>>) {add = true}
        %dma_wait3A = arith.constant 0 : i32
        %dma_wait3A_444 = tpu.memref_slice %arg7[%run_scoped3A_429, %dma_wait3A] : memref<8x128xi32, #tpu.memory_space<vmem>> -> memref<1x128xi32, #tpu.memory_space<vmem>>
        %dma_wait3A_445 = tpu.memref_squeeze %dma_wait3A_444 : memref<1x128xi32, #tpu.memory_space<vmem>> -> memref<128xi32, #tpu.memory_space<vmem>>
        %dma_wait3A_446 = arith.constant 0 : i32
        %dma_wait3A_447 = arith.constant 0 : i32
        %dma_wait3A_448 = tpu.memref_slice %arg10[%dma_wait3A_446, %dma_wait3A_447] : memref<10112x128xf32, #tpu.memory_space<vmem_shared>> -> memref<10112x128xf32, #tpu.memory_space<vmem_shared>>
        tpu.wait_indirect_dma semaphore(%run_scoped3A_438 : memref<!tpu.dma_semaphore, #tpu.memory_space<semaphore_mem>>) src(%arg8 : memref<128x128xf32, #tpu.memory_space<vmem>>) dst(%dma_wait3A_448 : memref<10112x128xf32, #tpu.memory_space<vmem_shared>>)
        tpu.yield
      }) : () -> ()
      %run_scoped3A_430 = arith.constant 4 : i32
      "tpu.region"() ({
        %run_scoped3A_438 = tpu.sem_alloc : memref<!tpu.dma_semaphore, #tpu.memory_space<semaphore_mem>>
        %dma_start3A = arith.constant 0 : i32
        %dma_start3A_439 = tpu.memref_slice %arg6[%run_scoped3A_430, %dma_start3A] : memref<8x128xi32, #tpu.memory_space<vmem>> -> memref<1x128xi32, #tpu.memory_space<vmem>>
        %dma_start3A_440 = tpu.memref_squeeze %dma_start3A_439 : memref<1x128xi32, #tpu.memory_space<vmem>> -> memref<128xi32, #tpu.memory_space<vmem>>
        %dma_start3A_441 = arith.constant 0 : i32
        %dma_start3A_442 = arith.constant 0 : i32
        %dma_start3A_443 = tpu.memref_slice %arg4[%dma_start3A_441, %dma_start3A_442] : memref<10000x128xf32, #tpu.memory_space<hbm>> -> memref<10000x128xf32, #tpu.memory_space<hbm>>
        tpu.enqueue_indirect_dma source(%dma_start3A_443 : memref<10000x128xf32, #tpu.memory_space<hbm>>) target(%arg8 : memref<128x128xf32, #tpu.memory_space<vmem>>) offsets(%dma_start3A_440 : memref<128xi32, #tpu.memory_space<vmem>>) semaphore(%run_scoped3A_438 : memref<!tpu.dma_semaphore, #tpu.memory_space<semaphore_mem>>)
        %dma_wait3A = arith.constant 0 : i32
        %dma_wait3A_444 = tpu.memref_slice %arg6[%run_scoped3A_430, %dma_wait3A] : memref<8x128xi32, #tpu.memory_space<vmem>> -> memref<1x128xi32, #tpu.memory_space<vmem>>
        %dma_wait3A_445 = tpu.memref_squeeze %dma_wait3A_444 : memref<1x128xi32, #tpu.memory_space<vmem>> -> memref<128xi32, #tpu.memory_space<vmem>>
        %dma_wait3A_446 = arith.constant 0 : i32
        %dma_wait3A_447 = arith.constant 0 : i32
        %dma_wait3A_448 = tpu.memref_slice %arg4[%dma_wait3A_446, %dma_wait3A_447] : memref<10000x128xf32, #tpu.memory_space<hbm>> -> memref<10000x128xf32, #tpu.memory_space<hbm>>
        tpu.wait_indirect_dma semaphore(%run_scoped3A_438 : memref<!tpu.dma_semaphore, #tpu.memory_space<semaphore_mem>>) src(%dma_wait3A_448 : memref<10000x128xf32, #tpu.memory_space<hbm>>) dst(%arg8 : memref<128x128xf32, #tpu.memory_space<vmem>>)
        tpu.yield
      }) : () -> ()
      %run_scoped3A_431 = arith.constant 4 : i32
      "tpu.region"() ({
        %run_scoped3A_438 = tpu.sem_alloc : memref<!tpu.dma_semaphore, #tpu.memory_space<semaphore_mem>>
        %dma_start3A = arith.constant 0 : i32
        %dma_start3A_439 = tpu.memref_slice %arg7[%run_scoped3A_431, %dma_start3A] : memref<8x128xi32, #tpu.memory_space<vmem>> -> memref<1x128xi32, #tpu.memory_space<vmem>>
        %dma_start3A_440 = tpu.memref_squeeze %dma_start3A_439 : memref<1x128xi32, #tpu.memory_space<vmem>> -> memref<128xi32, #tpu.memory_space<vmem>>
        %dma_start3A_441 = arith.constant 0 : i32
        %dma_start3A_442 = arith.constant 0 : i32
        %dma_start3A_443 = tpu.memref_slice %arg10[%dma_start3A_441, %dma_start3A_442] : memref<10112x128xf32, #tpu.memory_space<vmem_shared>> -> memref<10112x128xf32, #tpu.memory_space<vmem_shared>>
        tpu.enqueue_indirect_dma source(%arg8 : memref<128x128xf32, #tpu.memory_space<vmem>>) target(%dma_start3A_443 : memref<10112x128xf32, #tpu.memory_space<vmem_shared>>) offsets(%dma_start3A_440 : memref<128xi32, #tpu.memory_space<vmem>>) semaphore(%run_scoped3A_438 : memref<!tpu.dma_semaphore, #tpu.memory_space<semaphore_mem>>) {add = true}
        %dma_wait3A = arith.constant 0 : i32
        %dma_wait3A_444 = tpu.memref_slice %arg7[%run_scoped3A_431, %dma_wait3A] : memref<8x128xi32, #tpu.memory_space<vmem>> -> memref<1x128xi32, #tpu.memory_space<vmem>>
        %dma_wait3A_445 = tpu.memref_squeeze %dma_wait3A_444 : memref<1x128xi32, #tpu.memory_space<vmem>> -> memref<128xi32, #tpu.memory_space<vmem>>
        %dma_wait3A_446 = arith.constant 0 : i32
        %dma_wait3A_447 = arith.constant 0 : i32
        %dma_wait3A_448 = tpu.memref_slice %arg10[%dma_wait3A_446, %dma_wait3A_447] : memref<10112x128xf32, #tpu.memory_space<vmem_shared>> -> memref<10112x128xf32, #tpu.memory_space<vmem_shared>>
        tpu.wait_indirect_dma semaphore(%run_scoped3A_438 : memref<!tpu.dma_semaphore, #tpu.memory_space<semaphore_mem>>) src(%arg8 : memref<128x128xf32, #tpu.memory_space<vmem>>) dst(%dma_wait3A_448 : memref<10112x128xf32, #tpu.memory_space<vmem_shared>>)
        tpu.yield
      }) : () -> ()
      %run_scoped3A_432 = arith.constant 5 : i32
      "tpu.region"() ({
        %run_scoped3A_438 = tpu.sem_alloc : memref<!tpu.dma_semaphore, #tpu.memory_space<semaphore_mem>>
        %dma_start3A = arith.constant 0 : i32
        %dma_start3A_439 = tpu.memref_slice %arg6[%run_scoped3A_432, %dma_start3A] : memref<8x128xi32, #tpu.memory_space<vmem>> -> memref<1x128xi32, #tpu.memory_space<vmem>>
        %dma_start3A_440 = tpu.memref_squeeze %dma_start3A_439 : memref<1x128xi32, #tpu.memory_space<vmem>> -> memref<128xi32, #tpu.memory_space<vmem>>
        %dma_start3A_441 = arith.constant 0 : i32
        %dma_start3A_442 = arith.constant 0 : i32
        %dma_start3A_443 = tpu.memref_slice %arg4[%dma_start3A_441, %dma_start3A_442] : memref<10000x128xf32, #tpu.memory_space<hbm>> -> memref<10000x128xf32, #tpu.memory_space<hbm>>
        tpu.enqueue_indirect_dma source(%dma_start3A_443 : memref<10000x128xf32, #tpu.memory_space<hbm>>) target(%arg8 : memref<128x128xf32, #tpu.memory_space<vmem>>) offsets(%dma_start3A_440 : memref<128xi32, #tpu.memory_space<vmem>>) semaphore(%run_scoped3A_438 : memref<!tpu.dma_semaphore, #tpu.memory_space<semaphore_mem>>)
        %dma_wait3A = arith.constant 0 : i32
        %dma_wait3A_444 = tpu.memref_slice %arg6[%run_scoped3A_432, %dma_wait3A] : memref<8x128xi32, #tpu.memory_space<vmem>> -> memref<1x128xi32, #tpu.memory_space<vmem>>
        %dma_wait3A_445 = tpu.memref_squeeze %dma_wait3A_444 : memref<1x128xi32, #tpu.memory_space<vmem>> -> memref<128xi32, #tpu.memory_space<vmem>>
        %dma_wait3A_446 = arith.constant 0 : i32
        %dma_wait3A_447 = arith.constant 0 : i32
        %dma_wait3A_448 = tpu.memref_slice %arg4[%dma_wait3A_446, %dma_wait3A_447] : memref<10000x128xf32, #tpu.memory_space<hbm>> -> memref<10000x128xf32, #tpu.memory_space<hbm>>
        tpu.wait_indirect_dma semaphore(%run_scoped3A_438 : memref<!tpu.dma_semaphore, #tpu.memory_space<semaphore_mem>>) src(%dma_wait3A_448 : memref<10000x128xf32, #tpu.memory_space<hbm>>) dst(%arg8 : memref<128x128xf32, #tpu.memory_space<vmem>>)
        tpu.yield
      }) : () -> ()
      %run_scoped3A_433 = arith.constant 5 : i32
      "tpu.region"() ({
        %run_scoped3A_438 = tpu.sem_alloc : memref<!tpu.dma_semaphore, #tpu.memory_space<semaphore_mem>>
        %dma_start3A = arith.constant 0 : i32
        %dma_start3A_439 = tpu.memref_slice %arg7[%run_scoped3A_433, %dma_start3A] : memref<8x128xi32, #tpu.memory_space<vmem>> -> memref<1x128xi32, #tpu.memory_space<vmem>>
        %dma_start3A_440 = tpu.memref_squeeze %dma_start3A_439 : memref<1x128xi32, #tpu.memory_space<vmem>> -> memref<128xi32, #tpu.memory_space<vmem>>
        %dma_start3A_441 = arith.constant 0 : i32
        %dma_start3A_442 = arith.constant 0 : i32
        %dma_start3A_443 = tpu.memref_slice %arg10[%dma_start3A_441, %dma_start3A_442] : memref<10112x128xf32, #tpu.memory_space<vmem_shared>> -> memref<10112x128xf32, #tpu.memory_space<vmem_shared>>
        tpu.enqueue_indirect_dma source(%arg8 : memref<128x128xf32, #tpu.memory_space<vmem>>) target(%dma_start3A_443 : memref<10112x128xf32, #tpu.memory_space<vmem_shared>>) offsets(%dma_start3A_440 : memref<128xi32, #tpu.memory_space<vmem>>) semaphore(%run_scoped3A_438 : memref<!tpu.dma_semaphore, #tpu.memory_space<semaphore_mem>>) {add = true}
        %dma_wait3A = arith.constant 0 : i32
        %dma_wait3A_444 = tpu.memref_slice %arg7[%run_scoped3A_433, %dma_wait3A] : memref<8x128xi32, #tpu.memory_space<vmem>> -> memref<1x128xi32, #tpu.memory_space<vmem>>
        %dma_wait3A_445 = tpu.memref_squeeze %dma_wait3A_444 : memref<1x128xi32, #tpu.memory_space<vmem>> -> memref<128xi32, #tpu.memory_space<vmem>>
        %dma_wait3A_446 = arith.constant 0 : i32
        %dma_wait3A_447 = arith.constant 0 : i32
        %dma_wait3A_448 = tpu.memref_slice %arg10[%dma_wait3A_446, %dma_wait3A_447] : memref<10112x128xf32, #tpu.memory_space<vmem_shared>> -> memref<10112x128xf32, #tpu.memory_space<vmem_shared>>
        tpu.wait_indirect_dma semaphore(%run_scoped3A_438 : memref<!tpu.dma_semaphore, #tpu.memory_space<semaphore_mem>>) src(%arg8 : memref<128x128xf32, #tpu.memory_space<vmem>>) dst(%dma_wait3A_448 : memref<10112x128xf32, #tpu.memory_space<vmem_shared>>)
        tpu.yield
      }) : () -> ()
      %run_scoped3A_434 = arith.constant 6 : i32
      "tpu.region"() ({
        %run_scoped3A_438 = tpu.sem_alloc : memref<!tpu.dma_semaphore, #tpu.memory_space<semaphore_mem>>
        %dma_start3A = arith.constant 0 : i32
        %dma_start3A_439 = tpu.memref_slice %arg6[%run_scoped3A_434, %dma_start3A] : memref<8x128xi32, #tpu.memory_space<vmem>> -> memref<1x128xi32, #tpu.memory_space<vmem>>
        %dma_start3A_440 = tpu.memref_squeeze %dma_start3A_439 : memref<1x128xi32, #tpu.memory_space<vmem>> -> memref<128xi32, #tpu.memory_space<vmem>>
        %dma_start3A_441 = arith.constant 0 : i32
        %dma_start3A_442 = arith.constant 0 : i32
        %dma_start3A_443 = tpu.memref_slice %arg4[%dma_start3A_441, %dma_start3A_442] : memref<10000x128xf32, #tpu.memory_space<hbm>> -> memref<10000x128xf32, #tpu.memory_space<hbm>>
        tpu.enqueue_indirect_dma source(%dma_start3A_443 : memref<10000x128xf32, #tpu.memory_space<hbm>>) target(%arg8 : memref<128x128xf32, #tpu.memory_space<vmem>>) offsets(%dma_start3A_440 : memref<128xi32, #tpu.memory_space<vmem>>) semaphore(%run_scoped3A_438 : memref<!tpu.dma_semaphore, #tpu.memory_space<semaphore_mem>>)
        %dma_wait3A = arith.constant 0 : i32
        %dma_wait3A_444 = tpu.memref_slice %arg6[%run_scoped3A_434, %dma_wait3A] : memref<8x128xi32, #tpu.memory_space<vmem>> -> memref<1x128xi32, #tpu.memory_space<vmem>>
        %dma_wait3A_445 = tpu.memref_squeeze %dma_wait3A_444 : memref<1x128xi32, #tpu.memory_space<vmem>> -> memref<128xi32, #tpu.memory_space<vmem>>
        %dma_wait3A_446 = arith.constant 0 : i32
        %dma_wait3A_447 = arith.constant 0 : i32
        %dma_wait3A_448 = tpu.memref_slice %arg4[%dma_wait3A_446, %dma_wait3A_447] : memref<10000x128xf32, #tpu.memory_space<hbm>> -> memref<10000x128xf32, #tpu.memory_space<hbm>>
        tpu.wait_indirect_dma semaphore(%run_scoped3A_438 : memref<!tpu.dma_semaphore, #tpu.memory_space<semaphore_mem>>) src(%dma_wait3A_448 : memref<10000x128xf32, #tpu.memory_space<hbm>>) dst(%arg8 : memref<128x128xf32, #tpu.memory_space<vmem>>)
        tpu.yield
      }) : () -> ()
      %run_scoped3A_435 = arith.constant 6 : i32
      "tpu.region"() ({
        %run_scoped3A_438 = tpu.sem_alloc : memref<!tpu.dma_semaphore, #tpu.memory_space<semaphore_mem>>
        %dma_start3A = arith.constant 0 : i32
        %dma_start3A_439 = tpu.memref_slice %arg7[%run_scoped3A_435, %dma_start3A] : memref<8x128xi32, #tpu.memory_space<vmem>> -> memref<1x128xi32, #tpu.memory_space<vmem>>
        %dma_start3A_440 = tpu.memref_squeeze %dma_start3A_439 : memref<1x128xi32, #tpu.memory_space<vmem>> -> memref<128xi32, #tpu.memory_space<vmem>>
        %dma_start3A_441 = arith.constant 0 : i32
        %dma_start3A_442 = arith.constant 0 : i32
        %dma_start3A_443 = tpu.memref_slice %arg10[%dma_start3A_441, %dma_start3A_442] : memref<10112x128xf32, #tpu.memory_space<vmem_shared>> -> memref<10112x128xf32, #tpu.memory_space<vmem_shared>>
        tpu.enqueue_indirect_dma source(%arg8 : memref<128x128xf32, #tpu.memory_space<vmem>>) target(%dma_start3A_443 : memref<10112x128xf32, #tpu.memory_space<vmem_shared>>) offsets(%dma_start3A_440 : memref<128xi32, #tpu.memory_space<vmem>>) semaphore(%run_scoped3A_438 : memref<!tpu.dma_semaphore, #tpu.memory_space<semaphore_mem>>) {add = true}
        %dma_wait3A = arith.constant 0 : i32
        %dma_wait3A_444 = tpu.memref_slice %arg7[%run_scoped3A_435, %dma_wait3A] : memref<8x128xi32, #tpu.memory_space<vmem>> -> memref<1x128xi32, #tpu.memory_space<vmem>>
        %dma_wait3A_445 = tpu.memref_squeeze %dma_wait3A_444 : memref<1x128xi32, #tpu.memory_space<vmem>> -> memref<128xi32, #tpu.memory_space<vmem>>
        %dma_wait3A_446 = arith.constant 0 : i32
        %dma_wait3A_447 = arith.constant 0 : i32
        %dma_wait3A_448 = tpu.memref_slice %arg10[%dma_wait3A_446, %dma_wait3A_447] : memref<10112x128xf32, #tpu.memory_space<vmem_shared>> -> memref<10112x128xf32, #tpu.memory_space<vmem_shared>>
        tpu.wait_indirect_dma semaphore(%run_scoped3A_438 : memref<!tpu.dma_semaphore, #tpu.memory_space<semaphore_mem>>) src(%arg8 : memref<128x128xf32, #tpu.memory_space<vmem>>) dst(%dma_wait3A_448 : memref<10112x128xf32, #tpu.memory_space<vmem_shared>>)
        tpu.yield
      }) : () -> ()
      %run_scoped3A_436 = arith.constant 7 : i32
      "tpu.region"() ({
        %run_scoped3A_438 = tpu.sem_alloc : memref<!tpu.dma_semaphore, #tpu.memory_space<semaphore_mem>>
        %dma_start3A = arith.constant 0 : i32
        %dma_start3A_439 = tpu.memref_slice %arg6[%run_scoped3A_436, %dma_start3A] : memref<8x128xi32, #tpu.memory_space<vmem>> -> memref<1x128xi32, #tpu.memory_space<vmem>>
        %dma_start3A_440 = tpu.memref_squeeze %dma_start3A_439 : memref<1x128xi32, #tpu.memory_space<vmem>> -> memref<128xi32, #tpu.memory_space<vmem>>
        %dma_start3A_441 = arith.constant 0 : i32
        %dma_start3A_442 = arith.constant 0 : i32
        %dma_start3A_443 = tpu.memref_slice %arg4[%dma_start3A_441, %dma_start3A_442] : memref<10000x128xf32, #tpu.memory_space<hbm>> -> memref<10000x128xf32, #tpu.memory_space<hbm>>
        tpu.enqueue_indirect_dma source(%dma_start3A_443 : memref<10000x128xf32, #tpu.memory_space<hbm>>) target(%arg8 : memref<128x128xf32, #tpu.memory_space<vmem>>) offsets(%dma_start3A_440 : memref<128xi32, #tpu.memory_space<vmem>>) semaphore(%run_scoped3A_438 : memref<!tpu.dma_semaphore, #tpu.memory_space<semaphore_mem>>)
        %dma_wait3A = arith.constant 0 : i32
        %dma_wait3A_444 = tpu.memref_slice %arg6[%run_scoped3A_436, %dma_wait3A] : memref<8x128xi32, #tpu.memory_space<vmem>> -> memref<1x128xi32, #tpu.memory_space<vmem>>
        %dma_wait3A_445 = tpu.memref_squeeze %dma_wait3A_444 : memref<1x128xi32, #tpu.memory_space<vmem>> -> memref<128xi32, #tpu.memory_space<vmem>>
        %dma_wait3A_446 = arith.constant 0 : i32
        %dma_wait3A_447 = arith.constant 0 : i32
        %dma_wait3A_448 = tpu.memref_slice %arg4[%dma_wait3A_446, %dma_wait3A_447] : memref<10000x128xf32, #tpu.memory_space<hbm>> -> memref<10000x128xf32, #tpu.memory_space<hbm>>
        tpu.wait_indirect_dma semaphore(%run_scoped3A_438 : memref<!tpu.dma_semaphore, #tpu.memory_space<semaphore_mem>>) src(%dma_wait3A_448 : memref<10000x128xf32, #tpu.memory_space<hbm>>) dst(%arg8 : memref<128x128xf32, #tpu.memory_space<vmem>>)
        tpu.yield
      }) : () -> ()
      %run_scoped3A_437 = arith.constant 7 : i32
      "tpu.region"() ({
        %run_scoped3A_438 = tpu.sem_alloc : memref<!tpu.dma_semaphore, #tpu.memory_space<semaphore_mem>>
        %dma_start3A = arith.constant 0 : i32
        %dma_start3A_439 = tpu.memref_slice %arg7[%run_scoped3A_437, %dma_start3A] : memref<8x128xi32, #tpu.memory_space<vmem>> -> memref<1x128xi32, #tpu.memory_space<vmem>>
        %dma_start3A_440 = tpu.memref_squeeze %dma_start3A_439 : memref<1x128xi32, #tpu.memory_space<vmem>> -> memref<128xi32, #tpu.memory_space<vmem>>
        %dma_start3A_441 = arith.constant 0 : i32
        %dma_start3A_442 = arith.constant 0 : i32
        %dma_start3A_443 = tpu.memref_slice %arg10[%dma_start3A_441, %dma_start3A_442] : memref<10112x128xf32, #tpu.memory_space<vmem_shared>> -> memref<10112x128xf32, #tpu.memory_space<vmem_shared>>
        tpu.enqueue_indirect_dma source(%arg8 : memref<128x128xf32, #tpu.memory_space<vmem>>) target(%dma_start3A_443 : memref<10112x128xf32, #tpu.memory_space<vmem_shared>>) offsets(%dma_start3A_440 : memref<128xi32, #tpu.memory_space<vmem>>) semaphore(%run_scoped3A_438 : memref<!tpu.dma_semaphore, #tpu.memory_space<semaphore_mem>>) {add = true}
        %dma_wait3A = arith.constant 0 : i32
        %dma_wait3A_444 = tpu.memref_slice %arg7[%run_scoped3A_437, %dma_wait3A] : memref<8x128xi32, #tpu.memory_space<vmem>> -> memref<1x128xi32, #tpu.memory_space<vmem>>
        %dma_wait3A_445 = tpu.memref_squeeze %dma_wait3A_444 : memref<1x128xi32, #tpu.memory_space<vmem>> -> memref<128xi32, #tpu.memory_space<vmem>>
        %dma_wait3A_446 = arith.constant 0 : i32
        %dma_wait3A_447 = arith.constant 0 : i32
        %dma_wait3A_448 = tpu.memref_slice %arg10[%dma_wait3A_446, %dma_wait3A_447] : memref<10112x128xf32, #tpu.memory_space<vmem_shared>> -> memref<10112x128xf32, #tpu.memory_space<vmem_shared>>
        tpu.wait_indirect_dma semaphore(%run_scoped3A_438 : memref<!tpu.dma_semaphore, #tpu.memory_space<semaphore_mem>>) src(%arg8 : memref<128x128xf32, #tpu.memory_space<vmem>>) dst(%dma_wait3A_448 : memref<10112x128xf32, #tpu.memory_space<vmem_shared>>)
        tpu.yield
      }) : () -> ()
    }
    %barrier3A_413 = arith.constant 0 : index
    tpu.barrier barrier_id(%barrier3A_413)
    %mul3A_414 = arith.constant 632 : i32
    %mul3A_415 = arith.muli %arg1, %mul3A_414 : i32
    %mul3A_416 = arith.constant 632 : i32
    %mul3A_417 = arith.muli %arg1, %mul3A_416 : i32
    "tpu.region"() ({
      %run_scoped3A = tpu.sem_alloc : memref<!tpu.dma_semaphore, #tpu.memory_space<semaphore_mem>>
      %dma_start3A = arith.constant 0 : i32
      %dma_start3A_418 = tpu.memref_slice %arg5[%arg0, %mul3A_417, %dma_start3A] : memref<2x10112x128xf32, #tpu.memory_space<hbm>> -> memref<1x632x128xf32, #tpu.memory_space<hbm>>
      %dma_start3A_419 = tpu.memref_squeeze %dma_start3A_418 : memref<1x632x128xf32, #tpu.memory_space<hbm>> -> memref<632x128xf32, #tpu.memory_space<hbm>>
      %dma_start3A_420 = arith.constant 0 : i32
      %dma_start3A_421 = tpu.memref_slice %arg10[%mul3A_415, %dma_start3A_420] : memref<10112x128xf32, #tpu.memory_space<vmem_shared>> -> memref<632x128xf32, #tpu.memory_space<vmem_shared>>
      tpu.enqueue_dma source(%dma_start3A_421 : memref<632x128xf32, #tpu.memory_space<vmem_shared>>) target(%dma_start3A_419 : memref<632x128xf32, #tpu.memory_space<hbm>>) target_semaphore(%run_scoped3A : memref<!tpu.dma_semaphore, #tpu.memory_space<semaphore_mem>>)
      %dma_wait3A = arith.constant 0 : i32
      %dma_wait3A_422 = tpu.memref_slice %arg5[%arg0, %mul3A_417, %dma_wait3A] : memref<2x10112x128xf32, #tpu.memory_space<hbm>> -> memref<1x632x128xf32, #tpu.memory_space<hbm>>
      %dma_wait3A_423 = tpu.memref_squeeze %dma_wait3A_422 : memref<1x632x128xf32, #tpu.memory_space<hbm>> -> memref<632x128xf32, #tpu.memory_space<hbm>>
      %dma_wait3A_424 = arith.constant 0 : i32
      %dma_wait3A_425 = tpu.memref_slice %arg10[%mul3A_415, %dma_wait3A_424] : memref<10112x128xf32, #tpu.memory_space<vmem_shared>> -> memref<632x128xf32, #tpu.memory_space<vmem_shared>>
      tpu.wait_dma2 semaphore(%run_scoped3A : memref<!tpu.dma_semaphore, #tpu.memory_space<semaphore_mem>>) src(%dma_wait3A_425 : memref<632x128xf32, #tpu.memory_space<vmem_shared>>) dst(%dma_wait3A_423 : memref<632x128xf32, #tpu.memory_space<hbm>>)
      tpu.yield
    }) : () -> ()
    return
  }
}

#map = affine_map<(d0, d1) -> (0, 0)>
#map1 = affine_map<(d0, d1) -> (0, 0, 0)>
module attributes {stable_mosaic.version = 14 : i64} {
  func.func @deg_kernel(%arg0: i32, %arg1: i32, %arg2: memref<2560x128xi32, #tpu.memory_space<hbm>>, %arg3: memref<2x10112x128xf32, #tpu.memory_space<hbm>>, %arg4: memref<80x128xi32, #tpu.memory_space<vmem>>, %arg5: memref<128x128xf32, #tpu.memory_space<vmem>>, %arg6: memref<8x128xf32, #tpu.memory_space<vmem>>, %arg7: memref<10112x128xf32, #tpu.memory_space<vmem_shared>>) attributes {dimension_semantics = [#tpu.dimension_semantics<core_parallel>, #tpu.dimension_semantics<subcore_parallel>], iteration_bounds = array<i64: 2, 16>, scalar_prefetch = 0 : i64, scratch_operands = 4 : i64, tpu.core_type = #tpu.core_type<sc_vector_subcore>, window_params = [{transform_indices = #map}, {transform_indices = #map1}]} {
    %mul3A = arith.constant 16 : i32
    %mul3A_0 = arith.muli %arg0, %mul3A : i32
    %add3A = arith.addi %mul3A_0, %arg1 : i32
    %broadcast_in_dim3A = arith.constant 0.000000e+00 : f32
    %broadcast_in_dim3A_1 = vector.broadcast %broadcast_in_dim3A : f32 to vector<16xf32>
    %broadcast_in_dim3A_2 = arith.constant 1.000000e+00 : f32
    %broadcast_in_dim3A_3 = vector.broadcast %broadcast_in_dim3A_2 : f32 to vector<16xf32>
    %swap3A = arith.constant 0 : i32
    %swap3A_4 = arith.index_cast %swap3A : i32 to index
    %swap3A_5 = arith.constant 0 : index
    %swap3A_6 = tpu.vector_load %arg6[%swap3A_4, %swap3A_5] {strides = array<i32>} : memref<8x128xf32, #tpu.memory_space<vmem>>, vector<1x16xf32>,
    %swap3A_7 = vector.shape_cast %swap3A_6 : vector<1x16xf32> to vector<16xf32>
    %swap3A_8 = vector.shape_cast %broadcast_in_dim3A_1 : vector<16xf32> to vector<1x16xf32>
    tpu.vector_store %arg6[%swap3A_4, %swap3A_5], %swap3A_8 {strides = array<i32>} : memref<8x128xf32, #tpu.memory_space<vmem>>, vector<1x16xf32>,
    %swap3A_9 = arith.constant 0 : i32
    %swap3A_10 = arith.index_cast %swap3A_9 : i32 to index
    %swap3A_11 = arith.constant 16 : index
    %swap3A_12 = tpu.vector_load %arg6[%swap3A_10, %swap3A_11] {strides = array<i32>} : memref<8x128xf32, #tpu.memory_space<vmem>>, vector<1x16xf32>,
    %swap3A_13 = vector.shape_cast %swap3A_12 : vector<1x16xf32> to vector<16xf32>
    %swap3A_14 = vector.shape_cast %broadcast_in_dim3A_1 : vector<16xf32> to vector<1x16xf32>
    tpu.vector_store %arg6[%swap3A_10, %swap3A_11], %swap3A_14 {strides = array<i32>} : memref<8x128xf32, #tpu.memory_space<vmem>>, vector<1x16xf32>,
    %swap3A_15 = arith.constant 0 : i32
    %swap3A_16 = arith.index_cast %swap3A_15 : i32 to index
    %swap3A_17 = arith.constant 32 : index
    %swap3A_18 = tpu.vector_load %arg6[%swap3A_16, %swap3A_17] {strides = array<i32>} : memref<8x128xf32, #tpu.memory_space<vmem>>, vector<1x16xf32>,
    %swap3A_19 = vector.shape_cast %swap3A_18 : vector<1x16xf32> to vector<16xf32>
    %swap3A_20 = vector.shape_cast %broadcast_in_dim3A_1 : vector<16xf32> to vector<1x16xf32>
    tpu.vector_store %arg6[%swap3A_16, %swap3A_17], %swap3A_20 {strides = array<i32>} : memref<8x128xf32, #tpu.memory_space<vmem>>, vector<1x16xf32>,
    %swap3A_21 = arith.constant 0 : i32
    %swap3A_22 = arith.index_cast %swap3A_21 : i32 to index
    %swap3A_23 = arith.constant 48 : index
    %swap3A_24 = tpu.vector_load %arg6[%swap3A_22, %swap3A_23] {strides = array<i32>} : memref<8x128xf32, #tpu.memory_space<vmem>>, vector<1x16xf32>,
    %swap3A_25 = vector.shape_cast %swap3A_24 : vector<1x16xf32> to vector<16xf32>
    %swap3A_26 = vector.shape_cast %broadcast_in_dim3A_1 : vector<16xf32> to vector<1x16xf32>
    tpu.vector_store %arg6[%swap3A_22, %swap3A_23], %swap3A_26 {strides = array<i32>} : memref<8x128xf32, #tpu.memory_space<vmem>>, vector<1x16xf32>,
    %swap3A_27 = arith.constant 0 : i32
    %swap3A_28 = arith.index_cast %swap3A_27 : i32 to index
    %swap3A_29 = arith.constant 64 : index
    %swap3A_30 = tpu.vector_load %arg6[%swap3A_28, %swap3A_29] {strides = array<i32>} : memref<8x128xf32, #tpu.memory_space<vmem>>, vector<1x16xf32>,
    %swap3A_31 = vector.shape_cast %swap3A_30 : vector<1x16xf32> to vector<16xf32>
    %swap3A_32 = vector.shape_cast %broadcast_in_dim3A_1 : vector<16xf32> to vector<1x16xf32>
    tpu.vector_store %arg6[%swap3A_28, %swap3A_29], %swap3A_32 {strides = array<i32>} : memref<8x128xf32, #tpu.memory_space<vmem>>, vector<1x16xf32>,
    %swap3A_33 = arith.constant 0 : i32
    %swap3A_34 = arith.index_cast %swap3A_33 : i32 to index
    %swap3A_35 = arith.constant 80 : index
    %swap3A_36 = tpu.vector_load %arg6[%swap3A_34, %swap3A_35] {strides = array<i32>} : memref<8x128xf32, #tpu.memory_space<vmem>>, vector<1x16xf32>,
    %swap3A_37 = vector.shape_cast %swap3A_36 : vector<1x16xf32> to vector<16xf32>
    %swap3A_38 = vector.shape_cast %broadcast_in_dim3A_1 : vector<16xf32> to vector<1x16xf32>
    tpu.vector_store %arg6[%swap3A_34, %swap3A_35], %swap3A_38 {strides = array<i32>} : memref<8x128xf32, #tpu.memory_space<vmem>>, vector<1x16xf32>,
    %swap3A_39 = arith.constant 0 : i32
    %swap3A_40 = arith.index_cast %swap3A_39 : i32 to index
    %swap3A_41 = arith.constant 96 : index
    %swap3A_42 = tpu.vector_load %arg6[%swap3A_40, %swap3A_41] {strides = array<i32>} : memref<8x128xf32, #tpu.memory_space<vmem>>, vector<1x16xf32>,
    %swap3A_43 = vector.shape_cast %swap3A_42 : vector<1x16xf32> to vector<16xf32>
    %swap3A_44 = vector.shape_cast %broadcast_in_dim3A_1 : vector<16xf32> to vector<1x16xf32>
    tpu.vector_store %arg6[%swap3A_40, %swap3A_41], %swap3A_44 {strides = array<i32>} : memref<8x128xf32, #tpu.memory_space<vmem>>, vector<1x16xf32>,
    %swap3A_45 = arith.constant 0 : i32
    %swap3A_46 = arith.index_cast %swap3A_45 : i32 to index
    %swap3A_47 = arith.constant 112 : index
    %swap3A_48 = tpu.vector_load %arg6[%swap3A_46, %swap3A_47] {strides = array<i32>} : memref<8x128xf32, #tpu.memory_space<vmem>>, vector<1x16xf32>,
    %swap3A_49 = vector.shape_cast %swap3A_48 : vector<1x16xf32> to vector<16xf32>
    %swap3A_50 = vector.shape_cast %broadcast_in_dim3A_1 : vector<16xf32> to vector<1x16xf32>
    tpu.vector_store %arg6[%swap3A_46, %swap3A_47], %swap3A_50 {strides = array<i32>} : memref<8x128xf32, #tpu.memory_space<vmem>>, vector<1x16xf32>,
    %swap3A_51 = arith.constant 1 : i32
    %swap3A_52 = arith.index_cast %swap3A_51 : i32 to index
    %swap3A_53 = arith.constant 0 : index
    %swap3A_54 = tpu.vector_load %arg6[%swap3A_52, %swap3A_53] {strides = array<i32>} : memref<8x128xf32, #tpu.memory_space<vmem>>, vector<1x16xf32>,
    %swap3A_55 = vector.shape_cast %swap3A_54 : vector<1x16xf32> to vector<16xf32>
    %swap3A_56 = vector.shape_cast %broadcast_in_dim3A_1 : vector<16xf32> to vector<1x16xf32>
    tpu.vector_store %arg6[%swap3A_52, %swap3A_53], %swap3A_56 {strides = array<i32>} : memref<8x128xf32, #tpu.memory_space<vmem>>, vector<1x16xf32>,
    %swap3A_57 = arith.constant 1 : i32
    %swap3A_58 = arith.index_cast %swap3A_57 : i32 to index
    %swap3A_59 = arith.constant 16 : index
    %swap3A_60 = tpu.vector_load %arg6[%swap3A_58, %swap3A_59] {strides = array<i32>} : memref<8x128xf32, #tpu.memory_space<vmem>>, vector<1x16xf32>,
    %swap3A_61 = vector.shape_cast %swap3A_60 : vector<1x16xf32> to vector<16xf32>
    %swap3A_62 = vector.shape_cast %broadcast_in_dim3A_1 : vector<16xf32> to vector<1x16xf32>
    tpu.vector_store %arg6[%swap3A_58, %swap3A_59], %swap3A_62 {strides = array<i32>} : memref<8x128xf32, #tpu.memory_space<vmem>>, vector<1x16xf32>,
    %swap3A_63 = arith.constant 1 : i32
    %swap3A_64 = arith.index_cast %swap3A_63 : i32 to index
    %swap3A_65 = arith.constant 32 : index
    %swap3A_66 = tpu.vector_load %arg6[%swap3A_64, %swap3A_65] {strides = array<i32>} : memref<8x128xf32, #tpu.memory_space<vmem>>, vector<1x16xf32>,
    %swap3A_67 = vector.shape_cast %swap3A_66 : vector<1x16xf32> to vector<16xf32>
    %swap3A_68 = vector.shape_cast %broadcast_in_dim3A_1 : vector<16xf32> to vector<1x16xf32>
    tpu.vector_store %arg6[%swap3A_64, %swap3A_65], %swap3A_68 {strides = array<i32>} : memref<8x128xf32, #tpu.memory_space<vmem>>, vector<1x16xf32>,
    %swap3A_69 = arith.constant 1 : i32
    %swap3A_70 = arith.index_cast %swap3A_69 : i32 to index
    %swap3A_71 = arith.constant 48 : index
    %swap3A_72 = tpu.vector_load %arg6[%swap3A_70, %swap3A_71] {strides = array<i32>} : memref<8x128xf32, #tpu.memory_space<vmem>>, vector<1x16xf32>,
    %swap3A_73 = vector.shape_cast %swap3A_72 : vector<1x16xf32> to vector<16xf32>
    %swap3A_74 = vector.shape_cast %broadcast_in_dim3A_1 : vector<16xf32> to vector<1x16xf32>
    tpu.vector_store %arg6[%swap3A_70, %swap3A_71], %swap3A_74 {strides = array<i32>} : memref<8x128xf32, #tpu.memory_space<vmem>>, vector<1x16xf32>,
    %swap3A_75 = arith.constant 1 : i32
    %swap3A_76 = arith.index_cast %swap3A_75 : i32 to index
    %swap3A_77 = arith.constant 64 : index
    %swap3A_78 = tpu.vector_load %arg6[%swap3A_76, %swap3A_77] {strides = array<i32>} : memref<8x128xf32, #tpu.memory_space<vmem>>, vector<1x16xf32>,
    %swap3A_79 = vector.shape_cast %swap3A_78 : vector<1x16xf32> to vector<16xf32>
    %swap3A_80 = vector.shape_cast %broadcast_in_dim3A_1 : vector<16xf32> to vector<1x16xf32>
    tpu.vector_store %arg6[%swap3A_76, %swap3A_77], %swap3A_80 {strides = array<i32>} : memref<8x128xf32, #tpu.memory_space<vmem>>, vector<1x16xf32>,
    %swap3A_81 = arith.constant 1 : i32
    %swap3A_82 = arith.index_cast %swap3A_81 : i32 to index
    %swap3A_83 = arith.constant 80 : index
    %swap3A_84 = tpu.vector_load %arg6[%swap3A_82, %swap3A_83] {strides = array<i32>} : memref<8x128xf32, #tpu.memory_space<vmem>>, vector<1x16xf32>,
    %swap3A_85 = vector.shape_cast %swap3A_84 : vector<1x16xf32> to vector<16xf32>
    %swap3A_86 = vector.shape_cast %broadcast_in_dim3A_1 : vector<16xf32> to vector<1x16xf32>
    tpu.vector_store %arg6[%swap3A_82, %swap3A_83], %swap3A_86 {strides = array<i32>} : memref<8x128xf32, #tpu.memory_space<vmem>>, vector<1x16xf32>,
    %swap3A_87 = arith.constant 1 : i32
    %swap3A_88 = arith.index_cast %swap3A_87 : i32 to index
    %swap3A_89 = arith.constant 96 : index
    %swap3A_90 = tpu.vector_load %arg6[%swap3A_88, %swap3A_89] {strides = array<i32>} : memref<8x128xf32, #tpu.memory_space<vmem>>, vector<1x16xf32>,
    %swap3A_91 = vector.shape_cast %swap3A_90 : vector<1x16xf32> to vector<16xf32>
    %swap3A_92 = vector.shape_cast %broadcast_in_dim3A_1 : vector<16xf32> to vector<1x16xf32>
    tpu.vector_store %arg6[%swap3A_88, %swap3A_89], %swap3A_92 {strides = array<i32>} : memref<8x128xf32, #tpu.memory_space<vmem>>, vector<1x16xf32>,
    %swap3A_93 = arith.constant 1 : i32
    %swap3A_94 = arith.index_cast %swap3A_93 : i32 to index
    %swap3A_95 = arith.constant 112 : index
    %swap3A_96 = tpu.vector_load %arg6[%swap3A_94, %swap3A_95] {strides = array<i32>} : memref<8x128xf32, #tpu.memory_space<vmem>>, vector<1x16xf32>,
    %swap3A_97 = vector.shape_cast %swap3A_96 : vector<1x16xf32> to vector<16xf32>
    %swap3A_98 = vector.shape_cast %broadcast_in_dim3A_1 : vector<16xf32> to vector<1x16xf32>
    tpu.vector_store %arg6[%swap3A_94, %swap3A_95], %swap3A_98 {strides = array<i32>} : memref<8x128xf32, #tpu.memory_space<vmem>>, vector<1x16xf32>,
    %swap3A_99 = arith.constant 2 : i32
    %swap3A_100 = arith.index_cast %swap3A_99 : i32 to index
    %swap3A_101 = arith.constant 0 : index
    %swap3A_102 = tpu.vector_load %arg6[%swap3A_100, %swap3A_101] {strides = array<i32>} : memref<8x128xf32, #tpu.memory_space<vmem>>, vector<1x16xf32>,
    %swap3A_103 = vector.shape_cast %swap3A_102 : vector<1x16xf32> to vector<16xf32>
    %swap3A_104 = vector.shape_cast %broadcast_in_dim3A_1 : vector<16xf32> to vector<1x16xf32>
    tpu.vector_store %arg6[%swap3A_100, %swap3A_101], %swap3A_104 {strides = array<i32>} : memref<8x128xf32, #tpu.memory_space<vmem>>, vector<1x16xf32>,
    %swap3A_105 = arith.constant 2 : i32
    %swap3A_106 = arith.index_cast %swap3A_105 : i32 to index
    %swap3A_107 = arith.constant 16 : index
    %swap3A_108 = tpu.vector_load %arg6[%swap3A_106, %swap3A_107] {strides = array<i32>} : memref<8x128xf32, #tpu.memory_space<vmem>>, vector<1x16xf32>,
    %swap3A_109 = vector.shape_cast %swap3A_108 : vector<1x16xf32> to vector<16xf32>
    %swap3A_110 = vector.shape_cast %broadcast_in_dim3A_1 : vector<16xf32> to vector<1x16xf32>
    tpu.vector_store %arg6[%swap3A_106, %swap3A_107], %swap3A_110 {strides = array<i32>} : memref<8x128xf32, #tpu.memory_space<vmem>>, vector<1x16xf32>,
    %swap3A_111 = arith.constant 2 : i32
    %swap3A_112 = arith.index_cast %swap3A_111 : i32 to index
    %swap3A_113 = arith.constant 32 : index
    %swap3A_114 = tpu.vector_load %arg6[%swap3A_112, %swap3A_113] {strides = array<i32>} : memref<8x128xf32, #tpu.memory_space<vmem>>, vector<1x16xf32>,
    %swap3A_115 = vector.shape_cast %swap3A_114 : vector<1x16xf32> to vector<16xf32>
    %swap3A_116 = vector.shape_cast %broadcast_in_dim3A_1 : vector<16xf32> to vector<1x16xf32>
    tpu.vector_store %arg6[%swap3A_112, %swap3A_113], %swap3A_116 {strides = array<i32>} : memref<8x128xf32, #tpu.memory_space<vmem>>, vector<1x16xf32>,
    %swap3A_117 = arith.constant 2 : i32
    %swap3A_118 = arith.index_cast %swap3A_117 : i32 to index
    %swap3A_119 = arith.constant 48 : index
    %swap3A_120 = tpu.vector_load %arg6[%swap3A_118, %swap3A_119] {strides = array<i32>} : memref<8x128xf32, #tpu.memory_space<vmem>>, vector<1x16xf32>,
    %swap3A_121 = vector.shape_cast %swap3A_120 : vector<1x16xf32> to vector<16xf32>
    %swap3A_122 = vector.shape_cast %broadcast_in_dim3A_1 : vector<16xf32> to vector<1x16xf32>
    tpu.vector_store %arg6[%swap3A_118, %swap3A_119], %swap3A_122 {strides = array<i32>} : memref<8x128xf32, #tpu.memory_space<vmem>>, vector<1x16xf32>,
    %swap3A_123 = arith.constant 2 : i32
    %swap3A_124 = arith.index_cast %swap3A_123 : i32 to index
    %swap3A_125 = arith.constant 64 : index
    %swap3A_126 = tpu.vector_load %arg6[%swap3A_124, %swap3A_125] {strides = array<i32>} : memref<8x128xf32, #tpu.memory_space<vmem>>, vector<1x16xf32>,
    %swap3A_127 = vector.shape_cast %swap3A_126 : vector<1x16xf32> to vector<16xf32>
    %swap3A_128 = vector.shape_cast %broadcast_in_dim3A_1 : vector<16xf32> to vector<1x16xf32>
    tpu.vector_store %arg6[%swap3A_124, %swap3A_125], %swap3A_128 {strides = array<i32>} : memref<8x128xf32, #tpu.memory_space<vmem>>, vector<1x16xf32>,
    %swap3A_129 = arith.constant 2 : i32
    %swap3A_130 = arith.index_cast %swap3A_129 : i32 to index
    %swap3A_131 = arith.constant 80 : index
    %swap3A_132 = tpu.vector_load %arg6[%swap3A_130, %swap3A_131] {strides = array<i32>} : memref<8x128xf32, #tpu.memory_space<vmem>>, vector<1x16xf32>,
    %swap3A_133 = vector.shape_cast %swap3A_132 : vector<1x16xf32> to vector<16xf32>
    %swap3A_134 = vector.shape_cast %broadcast_in_dim3A_1 : vector<16xf32> to vector<1x16xf32>
    tpu.vector_store %arg6[%swap3A_130, %swap3A_131], %swap3A_134 {strides = array<i32>} : memref<8x128xf32, #tpu.memory_space<vmem>>, vector<1x16xf32>,
    %swap3A_135 = arith.constant 2 : i32
    %swap3A_136 = arith.index_cast %swap3A_135 : i32 to index
    %swap3A_137 = arith.constant 96 : index
    %swap3A_138 = tpu.vector_load %arg6[%swap3A_136, %swap3A_137] {strides = array<i32>} : memref<8x128xf32, #tpu.memory_space<vmem>>, vector<1x16xf32>,
    %swap3A_139 = vector.shape_cast %swap3A_138 : vector<1x16xf32> to vector<16xf32>
    %swap3A_140 = vector.shape_cast %broadcast_in_dim3A_1 : vector<16xf32> to vector<1x16xf32>
    tpu.vector_store %arg6[%swap3A_136, %swap3A_137], %swap3A_140 {strides = array<i32>} : memref<8x128xf32, #tpu.memory_space<vmem>>, vector<1x16xf32>,
    %swap3A_141 = arith.constant 2 : i32
    %swap3A_142 = arith.index_cast %swap3A_141 : i32 to index
    %swap3A_143 = arith.constant 112 : index
    %swap3A_144 = tpu.vector_load %arg6[%swap3A_142, %swap3A_143] {strides = array<i32>} : memref<8x128xf32, #tpu.memory_space<vmem>>, vector<1x16xf32>,
    %swap3A_145 = vector.shape_cast %swap3A_144 : vector<1x16xf32> to vector<16xf32>
    %swap3A_146 = vector.shape_cast %broadcast_in_dim3A_1 : vector<16xf32> to vector<1x16xf32>
    tpu.vector_store %arg6[%swap3A_142, %swap3A_143], %swap3A_146 {strides = array<i32>} : memref<8x128xf32, #tpu.memory_space<vmem>>, vector<1x16xf32>,
    %swap3A_147 = arith.constant 3 : i32
    %swap3A_148 = arith.index_cast %swap3A_147 : i32 to index
    %swap3A_149 = arith.constant 0 : index
    %swap3A_150 = tpu.vector_load %arg6[%swap3A_148, %swap3A_149] {strides = array<i32>} : memref<8x128xf32, #tpu.memory_space<vmem>>, vector<1x16xf32>,
    %swap3A_151 = vector.shape_cast %swap3A_150 : vector<1x16xf32> to vector<16xf32>
    %swap3A_152 = vector.shape_cast %broadcast_in_dim3A_1 : vector<16xf32> to vector<1x16xf32>
    tpu.vector_store %arg6[%swap3A_148, %swap3A_149], %swap3A_152 {strides = array<i32>} : memref<8x128xf32, #tpu.memory_space<vmem>>, vector<1x16xf32>,
    %swap3A_153 = arith.constant 3 : i32
    %swap3A_154 = arith.index_cast %swap3A_153 : i32 to index
    %swap3A_155 = arith.constant 16 : index
    %swap3A_156 = tpu.vector_load %arg6[%swap3A_154, %swap3A_155] {strides = array<i32>} : memref<8x128xf32, #tpu.memory_space<vmem>>, vector<1x16xf32>,
    %swap3A_157 = vector.shape_cast %swap3A_156 : vector<1x16xf32> to vector<16xf32>
    %swap3A_158 = vector.shape_cast %broadcast_in_dim3A_1 : vector<16xf32> to vector<1x16xf32>
    tpu.vector_store %arg6[%swap3A_154, %swap3A_155], %swap3A_158 {strides = array<i32>} : memref<8x128xf32, #tpu.memory_space<vmem>>, vector<1x16xf32>,
    %swap3A_159 = arith.constant 3 : i32
    %swap3A_160 = arith.index_cast %swap3A_159 : i32 to index
    %swap3A_161 = arith.constant 32 : index
    %swap3A_162 = tpu.vector_load %arg6[%swap3A_160, %swap3A_161] {strides = array<i32>} : memref<8x128xf32, #tpu.memory_space<vmem>>, vector<1x16xf32>,
    %swap3A_163 = vector.shape_cast %swap3A_162 : vector<1x16xf32> to vector<16xf32>
    %swap3A_164 = vector.shape_cast %broadcast_in_dim3A_1 : vector<16xf32> to vector<1x16xf32>
    tpu.vector_store %arg6[%swap3A_160, %swap3A_161], %swap3A_164 {strides = array<i32>} : memref<8x128xf32, #tpu.memory_space<vmem>>, vector<1x16xf32>,
    %swap3A_165 = arith.constant 3 : i32
    %swap3A_166 = arith.index_cast %swap3A_165 : i32 to index
    %swap3A_167 = arith.constant 48 : index
    %swap3A_168 = tpu.vector_load %arg6[%swap3A_166, %swap3A_167] {strides = array<i32>} : memref<8x128xf32, #tpu.memory_space<vmem>>, vector<1x16xf32>,
    %swap3A_169 = vector.shape_cast %swap3A_168 : vector<1x16xf32> to vector<16xf32>
    %swap3A_170 = vector.shape_cast %broadcast_in_dim3A_1 : vector<16xf32> to vector<1x16xf32>
    tpu.vector_store %arg6[%swap3A_166, %swap3A_167], %swap3A_170 {strides = array<i32>} : memref<8x128xf32, #tpu.memory_space<vmem>>, vector<1x16xf32>,
    %swap3A_171 = arith.constant 3 : i32
    %swap3A_172 = arith.index_cast %swap3A_171 : i32 to index
    %swap3A_173 = arith.constant 64 : index
    %swap3A_174 = tpu.vector_load %arg6[%swap3A_172, %swap3A_173] {strides = array<i32>} : memref<8x128xf32, #tpu.memory_space<vmem>>, vector<1x16xf32>,
    %swap3A_175 = vector.shape_cast %swap3A_174 : vector<1x16xf32> to vector<16xf32>
    %swap3A_176 = vector.shape_cast %broadcast_in_dim3A_1 : vector<16xf32> to vector<1x16xf32>
    tpu.vector_store %arg6[%swap3A_172, %swap3A_173], %swap3A_176 {strides = array<i32>} : memref<8x128xf32, #tpu.memory_space<vmem>>, vector<1x16xf32>,
    %swap3A_177 = arith.constant 3 : i32
    %swap3A_178 = arith.index_cast %swap3A_177 : i32 to index
    %swap3A_179 = arith.constant 80 : index
    %swap3A_180 = tpu.vector_load %arg6[%swap3A_178, %swap3A_179] {strides = array<i32>} : memref<8x128xf32, #tpu.memory_space<vmem>>, vector<1x16xf32>,
    %swap3A_181 = vector.shape_cast %swap3A_180 : vector<1x16xf32> to vector<16xf32>
    %swap3A_182 = vector.shape_cast %broadcast_in_dim3A_1 : vector<16xf32> to vector<1x16xf32>
    tpu.vector_store %arg6[%swap3A_178, %swap3A_179], %swap3A_182 {strides = array<i32>} : memref<8x128xf32, #tpu.memory_space<vmem>>, vector<1x16xf32>,
    %swap3A_183 = arith.constant 3 : i32
    %swap3A_184 = arith.index_cast %swap3A_183 : i32 to index
    %swap3A_185 = arith.constant 96 : index
    %swap3A_186 = tpu.vector_load %arg6[%swap3A_184, %swap3A_185] {strides = array<i32>} : memref<8x128xf32, #tpu.memory_space<vmem>>, vector<1x16xf32>,
    %swap3A_187 = vector.shape_cast %swap3A_186 : vector<1x16xf32> to vector<16xf32>
    %swap3A_188 = vector.shape_cast %broadcast_in_dim3A_1 : vector<16xf32> to vector<1x16xf32>
    tpu.vector_store %arg6[%swap3A_184, %swap3A_185], %swap3A_188 {strides = array<i32>} : memref<8x128xf32, #tpu.memory_space<vmem>>, vector<1x16xf32>,
    %swap3A_189 = arith.constant 3 : i32
    %swap3A_190 = arith.index_cast %swap3A_189 : i32 to index
    %swap3A_191 = arith.constant 112 : index
    %swap3A_192 = tpu.vector_load %arg6[%swap3A_190, %swap3A_191] {strides = array<i32>} : memref<8x128xf32, #tpu.memory_space<vmem>>, vector<1x16xf32>,
    %swap3A_193 = vector.shape_cast %swap3A_192 : vector<1x16xf32> to vector<16xf32>
    %swap3A_194 = vector.shape_cast %broadcast_in_dim3A_1 : vector<16xf32> to vector<1x16xf32>
    tpu.vector_store %arg6[%swap3A_190, %swap3A_191], %swap3A_194 {strides = array<i32>} : memref<8x128xf32, #tpu.memory_space<vmem>>, vector<1x16xf32>,
    %swap3A_195 = arith.constant 4 : i32
    %swap3A_196 = arith.index_cast %swap3A_195 : i32 to index
    %swap3A_197 = arith.constant 0 : index
    %swap3A_198 = tpu.vector_load %arg6[%swap3A_196, %swap3A_197] {strides = array<i32>} : memref<8x128xf32, #tpu.memory_space<vmem>>, vector<1x16xf32>,
    %swap3A_199 = vector.shape_cast %swap3A_198 : vector<1x16xf32> to vector<16xf32>
    %swap3A_200 = vector.shape_cast %broadcast_in_dim3A_1 : vector<16xf32> to vector<1x16xf32>
    tpu.vector_store %arg6[%swap3A_196, %swap3A_197], %swap3A_200 {strides = array<i32>} : memref<8x128xf32, #tpu.memory_space<vmem>>, vector<1x16xf32>,
    %swap3A_201 = arith.constant 4 : i32
    %swap3A_202 = arith.index_cast %swap3A_201 : i32 to index
    %swap3A_203 = arith.constant 16 : index
    %swap3A_204 = tpu.vector_load %arg6[%swap3A_202, %swap3A_203] {strides = array<i32>} : memref<8x128xf32, #tpu.memory_space<vmem>>, vector<1x16xf32>,
    %swap3A_205 = vector.shape_cast %swap3A_204 : vector<1x16xf32> to vector<16xf32>
    %swap3A_206 = vector.shape_cast %broadcast_in_dim3A_1 : vector<16xf32> to vector<1x16xf32>
    tpu.vector_store %arg6[%swap3A_202, %swap3A_203], %swap3A_206 {strides = array<i32>} : memref<8x128xf32, #tpu.memory_space<vmem>>, vector<1x16xf32>,
    %swap3A_207 = arith.constant 4 : i32
    %swap3A_208 = arith.index_cast %swap3A_207 : i32 to index
    %swap3A_209 = arith.constant 32 : index
    %swap3A_210 = tpu.vector_load %arg6[%swap3A_208, %swap3A_209] {strides = array<i32>} : memref<8x128xf32, #tpu.memory_space<vmem>>, vector<1x16xf32>,
    %swap3A_211 = vector.shape_cast %swap3A_210 : vector<1x16xf32> to vector<16xf32>
    %swap3A_212 = vector.shape_cast %broadcast_in_dim3A_1 : vector<16xf32> to vector<1x16xf32>
    tpu.vector_store %arg6[%swap3A_208, %swap3A_209], %swap3A_212 {strides = array<i32>} : memref<8x128xf32, #tpu.memory_space<vmem>>, vector<1x16xf32>,
    %swap3A_213 = arith.constant 4 : i32
    %swap3A_214 = arith.index_cast %swap3A_213 : i32 to index
    %swap3A_215 = arith.constant 48 : index
    %swap3A_216 = tpu.vector_load %arg6[%swap3A_214, %swap3A_215] {strides = array<i32>} : memref<8x128xf32, #tpu.memory_space<vmem>>, vector<1x16xf32>,
    %swap3A_217 = vector.shape_cast %swap3A_216 : vector<1x16xf32> to vector<16xf32>
    %swap3A_218 = vector.shape_cast %broadcast_in_dim3A_1 : vector<16xf32> to vector<1x16xf32>
    tpu.vector_store %arg6[%swap3A_214, %swap3A_215], %swap3A_218 {strides = array<i32>} : memref<8x128xf32, #tpu.memory_space<vmem>>, vector<1x16xf32>,
    %swap3A_219 = arith.constant 4 : i32
    %swap3A_220 = arith.index_cast %swap3A_219 : i32 to index
    %swap3A_221 = arith.constant 64 : index
    %swap3A_222 = tpu.vector_load %arg6[%swap3A_220, %swap3A_221] {strides = array<i32>} : memref<8x128xf32, #tpu.memory_space<vmem>>, vector<1x16xf32>,
    %swap3A_223 = vector.shape_cast %swap3A_222 : vector<1x16xf32> to vector<16xf32>
    %swap3A_224 = vector.shape_cast %broadcast_in_dim3A_1 : vector<16xf32> to vector<1x16xf32>
    tpu.vector_store %arg6[%swap3A_220, %swap3A_221], %swap3A_224 {strides = array<i32>} : memref<8x128xf32, #tpu.memory_space<vmem>>, vector<1x16xf32>,
    %swap3A_225 = arith.constant 4 : i32
    %swap3A_226 = arith.index_cast %swap3A_225 : i32 to index
    %swap3A_227 = arith.constant 80 : index
    %swap3A_228 = tpu.vector_load %arg6[%swap3A_226, %swap3A_227] {strides = array<i32>} : memref<8x128xf32, #tpu.memory_space<vmem>>, vector<1x16xf32>,
    %swap3A_229 = vector.shape_cast %swap3A_228 : vector<1x16xf32> to vector<16xf32>
    %swap3A_230 = vector.shape_cast %broadcast_in_dim3A_1 : vector<16xf32> to vector<1x16xf32>
    tpu.vector_store %arg6[%swap3A_226, %swap3A_227], %swap3A_230 {strides = array<i32>} : memref<8x128xf32, #tpu.memory_space<vmem>>, vector<1x16xf32>,
    %swap3A_231 = arith.constant 4 : i32
    %swap3A_232 = arith.index_cast %swap3A_231 : i32 to index
    %swap3A_233 = arith.constant 96 : index
    %swap3A_234 = tpu.vector_load %arg6[%swap3A_232, %swap3A_233] {strides = array<i32>} : memref<8x128xf32, #tpu.memory_space<vmem>>, vector<1x16xf32>,
    %swap3A_235 = vector.shape_cast %swap3A_234 : vector<1x16xf32> to vector<16xf32>
    %swap3A_236 = vector.shape_cast %broadcast_in_dim3A_1 : vector<16xf32> to vector<1x16xf32>
    tpu.vector_store %arg6[%swap3A_232, %swap3A_233], %swap3A_236 {strides = array<i32>} : memref<8x128xf32, #tpu.memory_space<vmem>>, vector<1x16xf32>,
    %swap3A_237 = arith.constant 4 : i32
    %swap3A_238 = arith.index_cast %swap3A_237 : i32 to index
    %swap3A_239 = arith.constant 112 : index
    %swap3A_240 = tpu.vector_load %arg6[%swap3A_238, %swap3A_239] {strides = array<i32>} : memref<8x128xf32, #tpu.memory_space<vmem>>, vector<1x16xf32>,
    %swap3A_241 = vector.shape_cast %swap3A_240 : vector<1x16xf32> to vector<16xf32>
    %swap3A_242 = vector.shape_cast %broadcast_in_dim3A_1 : vector<16xf32> to vector<1x16xf32>
    tpu.vector_store %arg6[%swap3A_238, %swap3A_239], %swap3A_242 {strides = array<i32>} : memref<8x128xf32, #tpu.memory_space<vmem>>, vector<1x16xf32>,
    %swap3A_243 = arith.constant 5 : i32
    %swap3A_244 = arith.index_cast %swap3A_243 : i32 to index
    %swap3A_245 = arith.constant 0 : index
    %swap3A_246 = tpu.vector_load %arg6[%swap3A_244, %swap3A_245] {strides = array<i32>} : memref<8x128xf32, #tpu.memory_space<vmem>>, vector<1x16xf32>,
    %swap3A_247 = vector.shape_cast %swap3A_246 : vector<1x16xf32> to vector<16xf32>
    %swap3A_248 = vector.shape_cast %broadcast_in_dim3A_1 : vector<16xf32> to vector<1x16xf32>
    tpu.vector_store %arg6[%swap3A_244, %swap3A_245], %swap3A_248 {strides = array<i32>} : memref<8x128xf32, #tpu.memory_space<vmem>>, vector<1x16xf32>,
    %swap3A_249 = arith.constant 5 : i32
    %swap3A_250 = arith.index_cast %swap3A_249 : i32 to index
    %swap3A_251 = arith.constant 16 : index
    %swap3A_252 = tpu.vector_load %arg6[%swap3A_250, %swap3A_251] {strides = array<i32>} : memref<8x128xf32, #tpu.memory_space<vmem>>, vector<1x16xf32>,
    %swap3A_253 = vector.shape_cast %swap3A_252 : vector<1x16xf32> to vector<16xf32>
    %swap3A_254 = vector.shape_cast %broadcast_in_dim3A_1 : vector<16xf32> to vector<1x16xf32>
    tpu.vector_store %arg6[%swap3A_250, %swap3A_251], %swap3A_254 {strides = array<i32>} : memref<8x128xf32, #tpu.memory_space<vmem>>, vector<1x16xf32>,
    %swap3A_255 = arith.constant 5 : i32
    %swap3A_256 = arith.index_cast %swap3A_255 : i32 to index
    %swap3A_257 = arith.constant 32 : index
    %swap3A_258 = tpu.vector_load %arg6[%swap3A_256, %swap3A_257] {strides = array<i32>} : memref<8x128xf32, #tpu.memory_space<vmem>>, vector<1x16xf32>,
    %swap3A_259 = vector.shape_cast %swap3A_258 : vector<1x16xf32> to vector<16xf32>
    %swap3A_260 = vector.shape_cast %broadcast_in_dim3A_1 : vector<16xf32> to vector<1x16xf32>
    tpu.vector_store %arg6[%swap3A_256, %swap3A_257], %swap3A_260 {strides = array<i32>} : memref<8x128xf32, #tpu.memory_space<vmem>>, vector<1x16xf32>,
    %swap3A_261 = arith.constant 5 : i32
    %swap3A_262 = arith.index_cast %swap3A_261 : i32 to index
    %swap3A_263 = arith.constant 48 : index
    %swap3A_264 = tpu.vector_load %arg6[%swap3A_262, %swap3A_263] {strides = array<i32>} : memref<8x128xf32, #tpu.memory_space<vmem>>, vector<1x16xf32>,
    %swap3A_265 = vector.shape_cast %swap3A_264 : vector<1x16xf32> to vector<16xf32>
    %swap3A_266 = vector.shape_cast %broadcast_in_dim3A_1 : vector<16xf32> to vector<1x16xf32>
    tpu.vector_store %arg6[%swap3A_262, %swap3A_263], %swap3A_266 {strides = array<i32>} : memref<8x128xf32, #tpu.memory_space<vmem>>, vector<1x16xf32>,
    %swap3A_267 = arith.constant 5 : i32
    %swap3A_268 = arith.index_cast %swap3A_267 : i32 to index
    %swap3A_269 = arith.constant 64 : index
    %swap3A_270 = tpu.vector_load %arg6[%swap3A_268, %swap3A_269] {strides = array<i32>} : memref<8x128xf32, #tpu.memory_space<vmem>>, vector<1x16xf32>,
    %swap3A_271 = vector.shape_cast %swap3A_270 : vector<1x16xf32> to vector<16xf32>
    %swap3A_272 = vector.shape_cast %broadcast_in_dim3A_1 : vector<16xf32> to vector<1x16xf32>
    tpu.vector_store %arg6[%swap3A_268, %swap3A_269], %swap3A_272 {strides = array<i32>} : memref<8x128xf32, #tpu.memory_space<vmem>>, vector<1x16xf32>,
    %swap3A_273 = arith.constant 5 : i32
    %swap3A_274 = arith.index_cast %swap3A_273 : i32 to index
    %swap3A_275 = arith.constant 80 : index
    %swap3A_276 = tpu.vector_load %arg6[%swap3A_274, %swap3A_275] {strides = array<i32>} : memref<8x128xf32, #tpu.memory_space<vmem>>, vector<1x16xf32>,
    %swap3A_277 = vector.shape_cast %swap3A_276 : vector<1x16xf32> to vector<16xf32>
    %swap3A_278 = vector.shape_cast %broadcast_in_dim3A_1 : vector<16xf32> to vector<1x16xf32>
    tpu.vector_store %arg6[%swap3A_274, %swap3A_275], %swap3A_278 {strides = array<i32>} : memref<8x128xf32, #tpu.memory_space<vmem>>, vector<1x16xf32>,
    %swap3A_279 = arith.constant 5 : i32
    %swap3A_280 = arith.index_cast %swap3A_279 : i32 to index
    %swap3A_281 = arith.constant 96 : index
    %swap3A_282 = tpu.vector_load %arg6[%swap3A_280, %swap3A_281] {strides = array<i32>} : memref<8x128xf32, #tpu.memory_space<vmem>>, vector<1x16xf32>,
    %swap3A_283 = vector.shape_cast %swap3A_282 : vector<1x16xf32> to vector<16xf32>
    %swap3A_284 = vector.shape_cast %broadcast_in_dim3A_1 : vector<16xf32> to vector<1x16xf32>
    tpu.vector_store %arg6[%swap3A_280, %swap3A_281], %swap3A_284 {strides = array<i32>} : memref<8x128xf32, #tpu.memory_space<vmem>>, vector<1x16xf32>,
    %swap3A_285 = arith.constant 5 : i32
    %swap3A_286 = arith.index_cast %swap3A_285 : i32 to index
    %swap3A_287 = arith.constant 112 : index
    %swap3A_288 = tpu.vector_load %arg6[%swap3A_286, %swap3A_287] {strides = array<i32>} : memref<8x128xf32, #tpu.memory_space<vmem>>, vector<1x16xf32>,
    %swap3A_289 = vector.shape_cast %swap3A_288 : vector<1x16xf32> to vector<16xf32>
    %swap3A_290 = vector.shape_cast %broadcast_in_dim3A_1 : vector<16xf32> to vector<1x16xf32>
    tpu.vector_store %arg6[%swap3A_286, %swap3A_287], %swap3A_290 {strides = array<i32>} : memref<8x128xf32, #tpu.memory_space<vmem>>, vector<1x16xf32>,
    %swap3A_291 = arith.constant 6 : i32
    %swap3A_292 = arith.index_cast %swap3A_291 : i32 to index
    %swap3A_293 = arith.constant 0 : index
    %swap3A_294 = tpu.vector_load %arg6[%swap3A_292, %swap3A_293] {strides = array<i32>} : memref<8x128xf32, #tpu.memory_space<vmem>>, vector<1x16xf32>,
    %swap3A_295 = vector.shape_cast %swap3A_294 : vector<1x16xf32> to vector<16xf32>
    %swap3A_296 = vector.shape_cast %broadcast_in_dim3A_1 : vector<16xf32> to vector<1x16xf32>
    tpu.vector_store %arg6[%swap3A_292, %swap3A_293], %swap3A_296 {strides = array<i32>} : memref<8x128xf32, #tpu.memory_space<vmem>>, vector<1x16xf32>,
    %swap3A_297 = arith.constant 6 : i32
    %swap3A_298 = arith.index_cast %swap3A_297 : i32 to index
    %swap3A_299 = arith.constant 16 : index
    %swap3A_300 = tpu.vector_load %arg6[%swap3A_298, %swap3A_299] {strides = array<i32>} : memref<8x128xf32, #tpu.memory_space<vmem>>, vector<1x16xf32>,
    %swap3A_301 = vector.shape_cast %swap3A_300 : vector<1x16xf32> to vector<16xf32>
    %swap3A_302 = vector.shape_cast %broadcast_in_dim3A_1 : vector<16xf32> to vector<1x16xf32>
    tpu.vector_store %arg6[%swap3A_298, %swap3A_299], %swap3A_302 {strides = array<i32>} : memref<8x128xf32, #tpu.memory_space<vmem>>, vector<1x16xf32>,
    %swap3A_303 = arith.constant 6 : i32
    %swap3A_304 = arith.index_cast %swap3A_303 : i32 to index
    %swap3A_305 = arith.constant 32 : index
    %swap3A_306 = tpu.vector_load %arg6[%swap3A_304, %swap3A_305] {strides = array<i32>} : memref<8x128xf32, #tpu.memory_space<vmem>>, vector<1x16xf32>,
    %swap3A_307 = vector.shape_cast %swap3A_306 : vector<1x16xf32> to vector<16xf32>
    %swap3A_308 = vector.shape_cast %broadcast_in_dim3A_1 : vector<16xf32> to vector<1x16xf32>
    tpu.vector_store %arg6[%swap3A_304, %swap3A_305], %swap3A_308 {strides = array<i32>} : memref<8x128xf32, #tpu.memory_space<vmem>>, vector<1x16xf32>,
    %swap3A_309 = arith.constant 6 : i32
    %swap3A_310 = arith.index_cast %swap3A_309 : i32 to index
    %swap3A_311 = arith.constant 48 : index
    %swap3A_312 = tpu.vector_load %arg6[%swap3A_310, %swap3A_311] {strides = array<i32>} : memref<8x128xf32, #tpu.memory_space<vmem>>, vector<1x16xf32>,
    %swap3A_313 = vector.shape_cast %swap3A_312 : vector<1x16xf32> to vector<16xf32>
    %swap3A_314 = vector.shape_cast %broadcast_in_dim3A_1 : vector<16xf32> to vector<1x16xf32>
    tpu.vector_store %arg6[%swap3A_310, %swap3A_311], %swap3A_314 {strides = array<i32>} : memref<8x128xf32, #tpu.memory_space<vmem>>, vector<1x16xf32>,
    %swap3A_315 = arith.constant 6 : i32
    %swap3A_316 = arith.index_cast %swap3A_315 : i32 to index
    %swap3A_317 = arith.constant 64 : index
    %swap3A_318 = tpu.vector_load %arg6[%swap3A_316, %swap3A_317] {strides = array<i32>} : memref<8x128xf32, #tpu.memory_space<vmem>>, vector<1x16xf32>,
    %swap3A_319 = vector.shape_cast %swap3A_318 : vector<1x16xf32> to vector<16xf32>
    %swap3A_320 = vector.shape_cast %broadcast_in_dim3A_1 : vector<16xf32> to vector<1x16xf32>
    tpu.vector_store %arg6[%swap3A_316, %swap3A_317], %swap3A_320 {strides = array<i32>} : memref<8x128xf32, #tpu.memory_space<vmem>>, vector<1x16xf32>,
    %swap3A_321 = arith.constant 6 : i32
    %swap3A_322 = arith.index_cast %swap3A_321 : i32 to index
    %swap3A_323 = arith.constant 80 : index
    %swap3A_324 = tpu.vector_load %arg6[%swap3A_322, %swap3A_323] {strides = array<i32>} : memref<8x128xf32, #tpu.memory_space<vmem>>, vector<1x16xf32>,
    %swap3A_325 = vector.shape_cast %swap3A_324 : vector<1x16xf32> to vector<16xf32>
    %swap3A_326 = vector.shape_cast %broadcast_in_dim3A_1 : vector<16xf32> to vector<1x16xf32>
    tpu.vector_store %arg6[%swap3A_322, %swap3A_323], %swap3A_326 {strides = array<i32>} : memref<8x128xf32, #tpu.memory_space<vmem>>, vector<1x16xf32>,
    %swap3A_327 = arith.constant 6 : i32
    %swap3A_328 = arith.index_cast %swap3A_327 : i32 to index
    %swap3A_329 = arith.constant 96 : index
    %swap3A_330 = tpu.vector_load %arg6[%swap3A_328, %swap3A_329] {strides = array<i32>} : memref<8x128xf32, #tpu.memory_space<vmem>>, vector<1x16xf32>,
    %swap3A_331 = vector.shape_cast %swap3A_330 : vector<1x16xf32> to vector<16xf32>
    %swap3A_332 = vector.shape_cast %broadcast_in_dim3A_1 : vector<16xf32> to vector<1x16xf32>
    tpu.vector_store %arg6[%swap3A_328, %swap3A_329], %swap3A_332 {strides = array<i32>} : memref<8x128xf32, #tpu.memory_space<vmem>>, vector<1x16xf32>,
    %swap3A_333 = arith.constant 6 : i32
    %swap3A_334 = arith.index_cast %swap3A_333 : i32 to index
    %swap3A_335 = arith.constant 112 : index
    %swap3A_336 = tpu.vector_load %arg6[%swap3A_334, %swap3A_335] {strides = array<i32>} : memref<8x128xf32, #tpu.memory_space<vmem>>, vector<1x16xf32>,
    %swap3A_337 = vector.shape_cast %swap3A_336 : vector<1x16xf32> to vector<16xf32>
    %swap3A_338 = vector.shape_cast %broadcast_in_dim3A_1 : vector<16xf32> to vector<1x16xf32>
    tpu.vector_store %arg6[%swap3A_334, %swap3A_335], %swap3A_338 {strides = array<i32>} : memref<8x128xf32, #tpu.memory_space<vmem>>, vector<1x16xf32>,
    %swap3A_339 = arith.constant 7 : i32
    %swap3A_340 = arith.index_cast %swap3A_339 : i32 to index
    %swap3A_341 = arith.constant 0 : index
    %swap3A_342 = tpu.vector_load %arg6[%swap3A_340, %swap3A_341] {strides = array<i32>} : memref<8x128xf32, #tpu.memory_space<vmem>>, vector<1x16xf32>,
    %swap3A_343 = vector.shape_cast %swap3A_342 : vector<1x16xf32> to vector<16xf32>
    %swap3A_344 = vector.shape_cast %broadcast_in_dim3A_1 : vector<16xf32> to vector<1x16xf32>
    tpu.vector_store %arg6[%swap3A_340, %swap3A_341], %swap3A_344 {strides = array<i32>} : memref<8x128xf32, #tpu.memory_space<vmem>>, vector<1x16xf32>,
    %swap3A_345 = arith.constant 7 : i32
    %swap3A_346 = arith.index_cast %swap3A_345 : i32 to index
    %swap3A_347 = arith.constant 16 : index
    %swap3A_348 = tpu.vector_load %arg6[%swap3A_346, %swap3A_347] {strides = array<i32>} : memref<8x128xf32, #tpu.memory_space<vmem>>, vector<1x16xf32>,
    %swap3A_349 = vector.shape_cast %swap3A_348 : vector<1x16xf32> to vector<16xf32>
    %swap3A_350 = vector.shape_cast %broadcast_in_dim3A_1 : vector<16xf32> to vector<1x16xf32>
    tpu.vector_store %arg6[%swap3A_346, %swap3A_347], %swap3A_350 {strides = array<i32>} : memref<8x128xf32, #tpu.memory_space<vmem>>, vector<1x16xf32>,
    %swap3A_351 = arith.constant 7 : i32
    %swap3A_352 = arith.index_cast %swap3A_351 : i32 to index
    %swap3A_353 = arith.constant 32 : index
    %swap3A_354 = tpu.vector_load %arg6[%swap3A_352, %swap3A_353] {strides = array<i32>} : memref<8x128xf32, #tpu.memory_space<vmem>>, vector<1x16xf32>,
    %swap3A_355 = vector.shape_cast %swap3A_354 : vector<1x16xf32> to vector<16xf32>
    %swap3A_356 = vector.shape_cast %broadcast_in_dim3A_1 : vector<16xf32> to vector<1x16xf32>
    tpu.vector_store %arg6[%swap3A_352, %swap3A_353], %swap3A_356 {strides = array<i32>} : memref<8x128xf32, #tpu.memory_space<vmem>>, vector<1x16xf32>,
    %swap3A_357 = arith.constant 7 : i32
    %swap3A_358 = arith.index_cast %swap3A_357 : i32 to index
    %swap3A_359 = arith.constant 48 : index
    %swap3A_360 = tpu.vector_load %arg6[%swap3A_358, %swap3A_359] {strides = array<i32>} : memref<8x128xf32, #tpu.memory_space<vmem>>, vector<1x16xf32>,
    %swap3A_361 = vector.shape_cast %swap3A_360 : vector<1x16xf32> to vector<16xf32>
    %swap3A_362 = vector.shape_cast %broadcast_in_dim3A_1 : vector<16xf32> to vector<1x16xf32>
    tpu.vector_store %arg6[%swap3A_358, %swap3A_359], %swap3A_362 {strides = array<i32>} : memref<8x128xf32, #tpu.memory_space<vmem>>, vector<1x16xf32>,
    %swap3A_363 = arith.constant 7 : i32
    %swap3A_364 = arith.index_cast %swap3A_363 : i32 to index
    %swap3A_365 = arith.constant 64 : index
    %swap3A_366 = tpu.vector_load %arg6[%swap3A_364, %swap3A_365] {strides = array<i32>} : memref<8x128xf32, #tpu.memory_space<vmem>>, vector<1x16xf32>,
    %swap3A_367 = vector.shape_cast %swap3A_366 : vector<1x16xf32> to vector<16xf32>
    %swap3A_368 = vector.shape_cast %broadcast_in_dim3A_1 : vector<16xf32> to vector<1x16xf32>
    tpu.vector_store %arg6[%swap3A_364, %swap3A_365], %swap3A_368 {strides = array<i32>} : memref<8x128xf32, #tpu.memory_space<vmem>>, vector<1x16xf32>,
    %swap3A_369 = arith.constant 7 : i32
    %swap3A_370 = arith.index_cast %swap3A_369 : i32 to index
    %swap3A_371 = arith.constant 80 : index
    %swap3A_372 = tpu.vector_load %arg6[%swap3A_370, %swap3A_371] {strides = array<i32>} : memref<8x128xf32, #tpu.memory_space<vmem>>, vector<1x16xf32>,
    %swap3A_373 = vector.shape_cast %swap3A_372 : vector<1x16xf32> to vector<16xf32>
    %swap3A_374 = vector.shape_cast %broadcast_in_dim3A_1 : vector<16xf32> to vector<1x16xf32>
    tpu.vector_store %arg6[%swap3A_370, %swap3A_371], %swap3A_374 {strides = array<i32>} : memref<8x128xf32, #tpu.memory_space<vmem>>, vector<1x16xf32>,
    %swap3A_375 = arith.constant 7 : i32
    %swap3A_376 = arith.index_cast %swap3A_375 : i32 to index
    %swap3A_377 = arith.constant 96 : index
    %swap3A_378 = tpu.vector_load %arg6[%swap3A_376, %swap3A_377] {strides = array<i32>} : memref<8x128xf32, #tpu.memory_space<vmem>>, vector<1x16xf32>,
    %swap3A_379 = vector.shape_cast %swap3A_378 : vector<1x16xf32> to vector<16xf32>
    %swap3A_380 = vector.shape_cast %broadcast_in_dim3A_1 : vector<16xf32> to vector<1x16xf32>
    tpu.vector_store %arg6[%swap3A_376, %swap3A_377], %swap3A_380 {strides = array<i32>} : memref<8x128xf32, #tpu.memory_space<vmem>>, vector<1x16xf32>,
    %swap3A_381 = arith.constant 7 : i32
    %swap3A_382 = arith.index_cast %swap3A_381 : i32 to index
    %swap3A_383 = arith.constant 112 : index
    %swap3A_384 = tpu.vector_load %arg6[%swap3A_382, %swap3A_383] {strides = array<i32>} : memref<8x128xf32, #tpu.memory_space<vmem>>, vector<1x16xf32>,
    %swap3A_385 = vector.shape_cast %swap3A_384 : vector<1x16xf32> to vector<16xf32>
    %swap3A_386 = vector.shape_cast %broadcast_in_dim3A_1 : vector<16xf32> to vector<1x16xf32>
    tpu.vector_store %arg6[%swap3A_382, %swap3A_383], %swap3A_386 {strides = array<i32>} : memref<8x128xf32, #tpu.memory_space<vmem>>, vector<1x16xf32>,
    %scan3A = arith.constant 0 : i32
    %scan3A_387 = arith.constant 128 : i32
    %scan3A_388 = arith.addi %scan3A, %scan3A_387 : i32
    %scan3A_389 = arith.constant 1 : i32
    scf.for %scan3A_408 = %scan3A to %scan3A_388 step %scan3A_389  : i32 {
      %mul3A_409 = arith.constant 1 : i32
      %mul3A_410 = arith.muli %scan3A_408, %mul3A_409 : i32
      %add3A_411 = arith.constant 0 : i32
      %add3A_412 = arith.addi %add3A_411, %mul3A_410 : i32
      %swap3A_413 = arith.index_cast %add3A_412 : i32 to index
      %swap3A_414 = arith.constant 0 : index
      %swap3A_415 = tpu.vector_load %arg5[%swap3A_413, %swap3A_414] {strides = array<i32>} : memref<128x128xf32, #tpu.memory_space<vmem>>, vector<1x16xf32>,
      %swap3A_416 = vector.shape_cast %swap3A_415 : vector<1x16xf32> to vector<16xf32>
      %swap3A_417 = vector.shape_cast %broadcast_in_dim3A_3 : vector<16xf32> to vector<1x16xf32>
      tpu.vector_store %arg5[%swap3A_413, %swap3A_414], %swap3A_417 {strides = array<i32>} : memref<128x128xf32, #tpu.memory_space<vmem>>, vector<1x16xf32>,
      %swap3A_418 = arith.index_cast %add3A_412 : i32 to index
      %swap3A_419 = arith.constant 16 : index
      %swap3A_420 = tpu.vector_load %arg5[%swap3A_418, %swap3A_419] {strides = array<i32>} : memref<128x128xf32, #tpu.memory_space<vmem>>, vector<1x16xf32>,
      %swap3A_421 = vector.shape_cast %swap3A_420 : vector<1x16xf32> to vector<16xf32>
      %swap3A_422 = vector.shape_cast %broadcast_in_dim3A_3 : vector<16xf32> to vector<1x16xf32>
      tpu.vector_store %arg5[%swap3A_418, %swap3A_419], %swap3A_422 {strides = array<i32>} : memref<128x128xf32, #tpu.memory_space<vmem>>, vector<1x16xf32>,
      %swap3A_423 = arith.index_cast %add3A_412 : i32 to index
      %swap3A_424 = arith.constant 32 : index
      %swap3A_425 = tpu.vector_load %arg5[%swap3A_423, %swap3A_424] {strides = array<i32>} : memref<128x128xf32, #tpu.memory_space<vmem>>, vector<1x16xf32>,
      %swap3A_426 = vector.shape_cast %swap3A_425 : vector<1x16xf32> to vector<16xf32>
      %swap3A_427 = vector.shape_cast %broadcast_in_dim3A_3 : vector<16xf32> to vector<1x16xf32>
      tpu.vector_store %arg5[%swap3A_423, %swap3A_424], %swap3A_427 {strides = array<i32>} : memref<128x128xf32, #tpu.memory_space<vmem>>, vector<1x16xf32>,
      %swap3A_428 = arith.index_cast %add3A_412 : i32 to index
      %swap3A_429 = arith.constant 48 : index
      %swap3A_430 = tpu.vector_load %arg5[%swap3A_428, %swap3A_429] {strides = array<i32>} : memref<128x128xf32, #tpu.memory_space<vmem>>, vector<1x16xf32>,
      %swap3A_431 = vector.shape_cast %swap3A_430 : vector<1x16xf32> to vector<16xf32>
      %swap3A_432 = vector.shape_cast %broadcast_in_dim3A_3 : vector<16xf32> to vector<1x16xf32>
      tpu.vector_store %arg5[%swap3A_428, %swap3A_429], %swap3A_432 {strides = array<i32>} : memref<128x128xf32, #tpu.memory_space<vmem>>, vector<1x16xf32>,
      %swap3A_433 = arith.index_cast %add3A_412 : i32 to index
      %swap3A_434 = arith.constant 64 : index
      %swap3A_435 = tpu.vector_load %arg5[%swap3A_433, %swap3A_434] {strides = array<i32>} : memref<128x128xf32, #tpu.memory_space<vmem>>, vector<1x16xf32>,
      %swap3A_436 = vector.shape_cast %swap3A_435 : vector<1x16xf32> to vector<16xf32>
      %swap3A_437 = vector.shape_cast %broadcast_in_dim3A_3 : vector<16xf32> to vector<1x16xf32>
      tpu.vector_store %arg5[%swap3A_433, %swap3A_434], %swap3A_437 {strides = array<i32>} : memref<128x128xf32, #tpu.memory_space<vmem>>, vector<1x16xf32>,
      %swap3A_438 = arith.index_cast %add3A_412 : i32 to index
      %swap3A_439 = arith.constant 80 : index
      %swap3A_440 = tpu.vector_load %arg5[%swap3A_438, %swap3A_439] {strides = array<i32>} : memref<128x128xf32, #tpu.memory_space<vmem>>, vector<1x16xf32>,
      %swap3A_441 = vector.shape_cast %swap3A_440 : vector<1x16xf32> to vector<16xf32>
      %swap3A_442 = vector.shape_cast %broadcast_in_dim3A_3 : vector<16xf32> to vector<1x16xf32>
      tpu.vector_store %arg5[%swap3A_438, %swap3A_439], %swap3A_442 {strides = array<i32>} : memref<128x128xf32, #tpu.memory_space<vmem>>, vector<1x16xf32>,
      %swap3A_443 = arith.index_cast %add3A_412 : i32 to index
      %swap3A_444 = arith.constant 96 : index
      %swap3A_445 = tpu.vector_load %arg5[%swap3A_443, %swap3A_444] {strides = array<i32>} : memref<128x128xf32, #tpu.memory_space<vmem>>, vector<1x16xf32>,
      %swap3A_446 = vector.shape_cast %swap3A_445 : vector<1x16xf32> to vector<16xf32>
      %swap3A_447 = vector.shape_cast %broadcast_in_dim3A_3 : vector<16xf32> to vector<1x16xf32>
      tpu.vector_store %arg5[%swap3A_443, %swap3A_444], %swap3A_447 {strides = array<i32>} : memref<128x128xf32, #tpu.memory_space<vmem>>, vector<1x16xf32>,
      %swap3A_448 = arith.index_cast %add3A_412 : i32 to index
      %swap3A_449 = arith.constant 112 : index
      %swap3A_450 = tpu.vector_load %arg5[%swap3A_448, %swap3A_449] {strides = array<i32>} : memref<128x128xf32, #tpu.memory_space<vmem>>, vector<1x16xf32>,
      %swap3A_451 = vector.shape_cast %swap3A_450 : vector<1x16xf32> to vector<16xf32>
      %swap3A_452 = vector.shape_cast %broadcast_in_dim3A_3 : vector<16xf32> to vector<1x16xf32>
      tpu.vector_store %arg5[%swap3A_448, %swap3A_449], %swap3A_452 {strides = array<i32>} : memref<128x128xf32, #tpu.memory_space<vmem>>, vector<1x16xf32>,
    }
    %scan3A_390 = arith.constant 128 : i32
    %scan3A_391 = arith.constant 0 : i32
    %scan3A_392 = arith.constant 79 : i32
    %scan3A_393 = arith.addi %scan3A_391, %scan3A_392 : i32
    %scan3A_394 = arith.constant 1 : i32
    scf.for %scan3A_408 = %scan3A_391 to %scan3A_393 step %scan3A_394  : i32 {
      %mul3A_409 = arith.constant 8 : i32
      %mul3A_410 = arith.muli %scan3A_408, %mul3A_409 : i32
      %add3A_411 = arith.constant 0 : i32
      %add3A_412 = arith.addi %add3A_411, %mul3A_410 : i32
      %mul3A_413 = arith.constant 632 : i32
      %mul3A_414 = arith.muli %arg1, %mul3A_413 : i32
      %add3A_415 = arith.addi %mul3A_414, %add3A_412 : i32
      "tpu.region"() ({
        %run_scoped3A = tpu.sem_alloc : memref<!tpu.dma_semaphore, #tpu.memory_space<semaphore_mem>>
        %dma_start3A = arith.constant 0 : i32
        %dma_start3A_416 = tpu.memref_slice %arg7[%add3A_415, %dma_start3A] : memref<10112x128xf32, #tpu.memory_space<vmem_shared>> -> memref<8x128xf32, #tpu.memory_space<vmem_shared>>
        %dma_start3A_417 = arith.constant 0 : i32
        %dma_start3A_418 = tpu.memref_slice %arg7[%add3A_415, %dma_start3A_417] : memref<10112x128xf32, #tpu.memory_space<vmem_shared>> -> memref<8x128xf32, #tpu.memory_space<vmem_shared>>
        tpu.enqueue_dma source(%arg6 : memref<8x128xf32, #tpu.memory_space<vmem>>) target(%dma_start3A_418 : memref<8x128xf32, #tpu.memory_space<vmem_shared>>) target_semaphore(%run_scoped3A : memref<!tpu.dma_semaphore, #tpu.memory_space<semaphore_mem>>)
        %dma_wait3A = arith.constant 0 : i32
        %dma_wait3A_419 = tpu.memref_slice %arg7[%add3A_415, %dma_wait3A] : memref<10112x128xf32, #tpu.memory_space<vmem_shared>> -> memref<8x128xf32, #tpu.memory_space<vmem_shared>>
        %dma_wait3A_420 = arith.constant 0 : i32
        %dma_wait3A_421 = tpu.memref_slice %arg7[%add3A_415, %dma_wait3A_420] : memref<10112x128xf32, #tpu.memory_space<vmem_shared>> -> memref<8x128xf32, #tpu.memory_space<vmem_shared>>
        tpu.wait_dma2 semaphore(%run_scoped3A : memref<!tpu.dma_semaphore, #tpu.memory_space<semaphore_mem>>) src(%arg6 : memref<8x128xf32, #tpu.memory_space<vmem>>) dst(%dma_wait3A_421 : memref<8x128xf32, #tpu.memory_space<vmem_shared>>)
        tpu.yield
      }) : () -> ()
    }
    %scan3A_395 = arith.constant 79 : i32
    %barrier3A = arith.constant 0 : index
    tpu.barrier barrier_id(%barrier3A)
    %mul3A_396 = arith.constant 80 : i32
    %mul3A_397 = arith.muli %add3A, %mul3A_396 : i32
    "tpu.region"() ({
      %run_scoped3A = tpu.sem_alloc : memref<!tpu.dma_semaphore, #tpu.memory_space<semaphore_mem>>
      %dma_start3A = arith.constant 0 : i32
      %dma_start3A_408 = tpu.memref_slice %arg2[%mul3A_397, %dma_start3A] : memref<2560x128xi32, #tpu.memory_space<hbm>> -> memref<80x128xi32, #tpu.memory_space<hbm>>
      %dma_start3A_409 = arith.constant 0 : i32
      %dma_start3A_410 = tpu.memref_slice %arg2[%mul3A_397, %dma_start3A_409] : memref<2560x128xi32, #tpu.memory_space<hbm>> -> memref<80x128xi32, #tpu.memory_space<hbm>>
      tpu.enqueue_dma source(%dma_start3A_410 : memref<80x128xi32, #tpu.memory_space<hbm>>) target(%arg4 : memref<80x128xi32, #tpu.memory_space<vmem>>) target_semaphore(%run_scoped3A : memref<!tpu.dma_semaphore, #tpu.memory_space<semaphore_mem>>)
      %dma_wait3A = arith.constant 0 : i32
      %dma_wait3A_411 = tpu.memref_slice %arg2[%mul3A_397, %dma_wait3A] : memref<2560x128xi32, #tpu.memory_space<hbm>> -> memref<80x128xi32, #tpu.memory_space<hbm>>
      %dma_wait3A_412 = arith.constant 0 : i32
      %dma_wait3A_413 = tpu.memref_slice %arg2[%mul3A_397, %dma_wait3A_412] : memref<2560x128xi32, #tpu.memory_space<hbm>> -> memref<80x128xi32, #tpu.memory_space<hbm>>
      tpu.wait_dma2 semaphore(%run_scoped3A : memref<!tpu.dma_semaphore, #tpu.memory_space<semaphore_mem>>) src(%dma_wait3A_413 : memref<80x128xi32, #tpu.memory_space<hbm>>) dst(%arg4 : memref<80x128xi32, #tpu.memory_space<vmem>>)
      tpu.yield
    }) : () -> ()
    %scan3A_398 = arith.constant 0 : i32
    %scan3A_399 = arith.constant 80 : i32
    %scan3A_400 = arith.addi %scan3A_398, %scan3A_399 : i32
    %scan3A_401 = arith.constant 1 : i32
    scf.for %scan3A_408 = %scan3A_398 to %scan3A_400 step %scan3A_401  : i32 {
      %mul3A_409 = arith.constant 1 : i32
      %mul3A_410 = arith.muli %scan3A_408, %mul3A_409 : i32
      %add3A_411 = arith.constant 0 : i32
      %add3A_412 = arith.addi %add3A_411, %mul3A_410 : i32
      "tpu.region"() ({
        %run_scoped3A = tpu.sem_alloc : memref<!tpu.dma_semaphore, #tpu.memory_space<semaphore_mem>>
        %dma_start3A = arith.constant 0 : i32
        %dma_start3A_413 = tpu.memref_slice %arg4[%add3A_412, %dma_start3A] : memref<80x128xi32, #tpu.memory_space<vmem>> -> memref<1x128xi32, #tpu.memory_space<vmem>>
        %dma_start3A_414 = tpu.memref_squeeze %dma_start3A_413 : memref<1x128xi32, #tpu.memory_space<vmem>> -> memref<128xi32, #tpu.memory_space<vmem>>
        %dma_start3A_415 = arith.constant 0 : i32
        %dma_start3A_416 = arith.constant 0 : i32
        %dma_start3A_417 = tpu.memref_slice %arg7[%dma_start3A_415, %dma_start3A_416] : memref<10112x128xf32, #tpu.memory_space<vmem_shared>> -> memref<10112x128xf32, #tpu.memory_space<vmem_shared>>
        tpu.enqueue_indirect_dma source(%arg5 : memref<128x128xf32, #tpu.memory_space<vmem>>) target(%dma_start3A_417 : memref<10112x128xf32, #tpu.memory_space<vmem_shared>>) offsets(%dma_start3A_414 : memref<128xi32, #tpu.memory_space<vmem>>) semaphore(%run_scoped3A : memref<!tpu.dma_semaphore, #tpu.memory_space<semaphore_mem>>) {add = true}
        %dma_wait3A = arith.constant 0 : i32
        %dma_wait3A_418 = tpu.memref_slice %arg4[%add3A_412, %dma_wait3A] : memref<80x128xi32, #tpu.memory_space<vmem>> -> memref<1x128xi32, #tpu.memory_space<vmem>>
        %dma_wait3A_419 = tpu.memref_squeeze %dma_wait3A_418 : memref<1x128xi32, #tpu.memory_space<vmem>> -> memref<128xi32, #tpu.memory_space<vmem>>
        %dma_wait3A_420 = arith.constant 0 : i32
        %dma_wait3A_421 = arith.constant 0 : i32
        %dma_wait3A_422 = tpu.memref_slice %arg7[%dma_wait3A_420, %dma_wait3A_421] : memref<10112x128xf32, #tpu.memory_space<vmem_shared>> -> memref<10112x128xf32, #tpu.memory_space<vmem_shared>>
        tpu.wait_indirect_dma semaphore(%run_scoped3A : memref<!tpu.dma_semaphore, #tpu.memory_space<semaphore_mem>>) src(%arg5 : memref<128x128xf32, #tpu.memory_space<vmem>>) dst(%dma_wait3A_422 : memref<10112x128xf32, #tpu.memory_space<vmem_shared>>)
        tpu.yield
      }) : () -> ()
    }
    %scan3A_402 = arith.constant 80 : i32
    %barrier3A_403 = arith.constant 0 : index
    tpu.barrier barrier_id(%barrier3A_403)
    %mul3A_404 = arith.constant 632 : i32
    %mul3A_405 = arith.muli %arg1, %mul3A_404 : i32
    %mul3A_406 = arith.constant 632 : i32
    %mul3A_407 = arith.muli %arg1, %mul3A_406 : i32
    "tpu.region"() ({
      %run_scoped3A = tpu.sem_alloc : memref<!tpu.dma_semaphore, #tpu.memory_space<semaphore_mem>>
      %dma_start3A = arith.constant 0 : i32
      %dma_start3A_408 = tpu.memref_slice %arg3[%arg0, %mul3A_407, %dma_start3A] : memref<2x10112x128xf32, #tpu.memory_space<hbm>> -> memref<1x632x128xf32, #tpu.memory_space<hbm>>
      %dma_start3A_409 = tpu.memref_squeeze %dma_start3A_408 : memref<1x632x128xf32, #tpu.memory_space<hbm>> -> memref<632x128xf32, #tpu.memory_space<hbm>>
      %dma_start3A_410 = arith.constant 0 : i32
      %dma_start3A_411 = tpu.memref_slice %arg7[%mul3A_405, %dma_start3A_410] : memref<10112x128xf32, #tpu.memory_space<vmem_shared>> -> memref<632x128xf32, #tpu.memory_space<vmem_shared>>
      tpu.enqueue_dma source(%dma_start3A_411 : memref<632x128xf32, #tpu.memory_space<vmem_shared>>) target(%dma_start3A_409 : memref<632x128xf32, #tpu.memory_space<hbm>>) target_semaphore(%run_scoped3A : memref<!tpu.dma_semaphore, #tpu.memory_space<semaphore_mem>>)
      %dma_wait3A = arith.constant 0 : i32
      %dma_wait3A_412 = tpu.memref_slice %arg3[%arg0, %mul3A_407, %dma_wait3A] : memref<2x10112x128xf32, #tpu.memory_space<hbm>> -> memref<1x632x128xf32, #tpu.memory_space<hbm>>
      %dma_wait3A_413 = tpu.memref_squeeze %dma_wait3A_412 : memref<1x632x128xf32, #tpu.memory_space<hbm>> -> memref<632x128xf32, #tpu.memory_space<hbm>>
      %dma_wait3A_414 = arith.constant 0 : i32
      %dma_wait3A_415 = tpu.memref_slice %arg7[%mul3A_405, %dma_wait3A_414] : memref<10112x128xf32, #tpu.memory_space<vmem_shared>> -> memref<632x128xf32, #tpu.memory_space<vmem_shared>>
      tpu.wait_dma2 semaphore(%run_scoped3A : memref<!tpu.dma_semaphore, #tpu.memory_space<semaphore_mem>>) src(%dma_wait3A_415 : memref<632x128xf32, #tpu.memory_space<vmem_shared>>) dst(%dma_wait3A_413 : memref<632x128xf32, #tpu.memory_space<hbm>>)
      tpu.yield
    }) : () -> ()
    return
  }
}

#map = affine_map<(d0, d1) -> (0, 0)>
#map1 = affine_map<(d0, d1) -> (0, 0, 0)>
module attributes {stable_mosaic.version = 14 : i64} {
  func.func @acc_kernel(%arg0: i32, %arg1: i32, %arg2: memref<2560x128xi32, #tpu.memory_space<hbm>>, %arg3: memref<2560x128xi32, #tpu.memory_space<hbm>>, %arg4: memref<10000x128xf32, #tpu.memory_space<hbm>>, %arg5: memref<2x10112x128xf32, #tpu.memory_space<hbm>>, %arg6: memref<8x128xi32, #tpu.memory_space<vmem>>, %arg7: memref<8x128xi32, #tpu.memory_space<vmem>>, %arg8: memref<128x128xf32, #tpu.memory_space<vmem>>, %arg9: memref<8x128xf32, #tpu.memory_space<vmem>>, %arg10: memref<10112x128xf32, #tpu.memory_space<vmem_shared>>) attributes {dimension_semantics = [#tpu.dimension_semantics<core_parallel>, #tpu.dimension_semantics<subcore_parallel>], iteration_bounds = array<i64: 2, 16>, scalar_prefetch = 0 : i64, scratch_operands = 5 : i64, tpu.core_type = #tpu.core_type<sc_vector_subcore>, window_params = [{transform_indices = #map}, {transform_indices = #map}, {transform_indices = #map}, {transform_indices = #map1}]} {
    %broadcast_in_dim3A = arith.constant 0.000000e+00 : f32
    %broadcast_in_dim3A_0 = vector.broadcast %broadcast_in_dim3A : f32 to vector<16xf32>
    %swap3A = arith.constant 0 : i32
    %swap3A_1 = arith.index_cast %swap3A : i32 to index
    %swap3A_2 = arith.constant 0 : index
    %swap3A_3 = tpu.vector_load %arg9[%swap3A_1, %swap3A_2] {strides = array<i32>} : memref<8x128xf32, #tpu.memory_space<vmem>>, vector<1x16xf32>,
    %swap3A_4 = vector.shape_cast %swap3A_3 : vector<1x16xf32> to vector<16xf32>
    %swap3A_5 = vector.shape_cast %broadcast_in_dim3A_0 : vector<16xf32> to vector<1x16xf32>
    tpu.vector_store %arg9[%swap3A_1, %swap3A_2], %swap3A_5 {strides = array<i32>} : memref<8x128xf32, #tpu.memory_space<vmem>>, vector<1x16xf32>,
    %swap3A_6 = arith.constant 0 : i32
    %swap3A_7 = arith.index_cast %swap3A_6 : i32 to index
    %swap3A_8 = arith.constant 16 : index
    %swap3A_9 = tpu.vector_load %arg9[%swap3A_7, %swap3A_8] {strides = array<i32>} : memref<8x128xf32, #tpu.memory_space<vmem>>, vector<1x16xf32>,
    %swap3A_10 = vector.shape_cast %swap3A_9 : vector<1x16xf32> to vector<16xf32>
    %swap3A_11 = vector.shape_cast %broadcast_in_dim3A_0 : vector<16xf32> to vector<1x16xf32>
    tpu.vector_store %arg9[%swap3A_7, %swap3A_8], %swap3A_11 {strides = array<i32>} : memref<8x128xf32, #tpu.memory_space<vmem>>, vector<1x16xf32>,
    %swap3A_12 = arith.constant 0 : i32
    %swap3A_13 = arith.index_cast %swap3A_12 : i32 to index
    %swap3A_14 = arith.constant 32 : index
    %swap3A_15 = tpu.vector_load %arg9[%swap3A_13, %swap3A_14] {strides = array<i32>} : memref<8x128xf32, #tpu.memory_space<vmem>>, vector<1x16xf32>,
    %swap3A_16 = vector.shape_cast %swap3A_15 : vector<1x16xf32> to vector<16xf32>
    %swap3A_17 = vector.shape_cast %broadcast_in_dim3A_0 : vector<16xf32> to vector<1x16xf32>
    tpu.vector_store %arg9[%swap3A_13, %swap3A_14], %swap3A_17 {strides = array<i32>} : memref<8x128xf32, #tpu.memory_space<vmem>>, vector<1x16xf32>,
    %swap3A_18 = arith.constant 0 : i32
    %swap3A_19 = arith.index_cast %swap3A_18 : i32 to index
    %swap3A_20 = arith.constant 48 : index
    %swap3A_21 = tpu.vector_load %arg9[%swap3A_19, %swap3A_20] {strides = array<i32>} : memref<8x128xf32, #tpu.memory_space<vmem>>, vector<1x16xf32>,
    %swap3A_22 = vector.shape_cast %swap3A_21 : vector<1x16xf32> to vector<16xf32>
    %swap3A_23 = vector.shape_cast %broadcast_in_dim3A_0 : vector<16xf32> to vector<1x16xf32>
    tpu.vector_store %arg9[%swap3A_19, %swap3A_20], %swap3A_23 {strides = array<i32>} : memref<8x128xf32, #tpu.memory_space<vmem>>, vector<1x16xf32>,
    %swap3A_24 = arith.constant 0 : i32
    %swap3A_25 = arith.index_cast %swap3A_24 : i32 to index
    %swap3A_26 = arith.constant 64 : index
    %swap3A_27 = tpu.vector_load %arg9[%swap3A_25, %swap3A_26] {strides = array<i32>} : memref<8x128xf32, #tpu.memory_space<vmem>>, vector<1x16xf32>,
    %swap3A_28 = vector.shape_cast %swap3A_27 : vector<1x16xf32> to vector<16xf32>
    %swap3A_29 = vector.shape_cast %broadcast_in_dim3A_0 : vector<16xf32> to vector<1x16xf32>
    tpu.vector_store %arg9[%swap3A_25, %swap3A_26], %swap3A_29 {strides = array<i32>} : memref<8x128xf32, #tpu.memory_space<vmem>>, vector<1x16xf32>,
    %swap3A_30 = arith.constant 0 : i32
    %swap3A_31 = arith.index_cast %swap3A_30 : i32 to index
    %swap3A_32 = arith.constant 80 : index
    %swap3A_33 = tpu.vector_load %arg9[%swap3A_31, %swap3A_32] {strides = array<i32>} : memref<8x128xf32, #tpu.memory_space<vmem>>, vector<1x16xf32>,
    %swap3A_34 = vector.shape_cast %swap3A_33 : vector<1x16xf32> to vector<16xf32>
    %swap3A_35 = vector.shape_cast %broadcast_in_dim3A_0 : vector<16xf32> to vector<1x16xf32>
    tpu.vector_store %arg9[%swap3A_31, %swap3A_32], %swap3A_35 {strides = array<i32>} : memref<8x128xf32, #tpu.memory_space<vmem>>, vector<1x16xf32>,
    %swap3A_36 = arith.constant 0 : i32
    %swap3A_37 = arith.index_cast %swap3A_36 : i32 to index
    %swap3A_38 = arith.constant 96 : index
    %swap3A_39 = tpu.vector_load %arg9[%swap3A_37, %swap3A_38] {strides = array<i32>} : memref<8x128xf32, #tpu.memory_space<vmem>>, vector<1x16xf32>,
    %swap3A_40 = vector.shape_cast %swap3A_39 : vector<1x16xf32> to vector<16xf32>
    %swap3A_41 = vector.shape_cast %broadcast_in_dim3A_0 : vector<16xf32> to vector<1x16xf32>
    tpu.vector_store %arg9[%swap3A_37, %swap3A_38], %swap3A_41 {strides = array<i32>} : memref<8x128xf32, #tpu.memory_space<vmem>>, vector<1x16xf32>,
    %swap3A_42 = arith.constant 0 : i32
    %swap3A_43 = arith.index_cast %swap3A_42 : i32 to index
    %swap3A_44 = arith.constant 112 : index
    %swap3A_45 = tpu.vector_load %arg9[%swap3A_43, %swap3A_44] {strides = array<i32>} : memref<8x128xf32, #tpu.memory_space<vmem>>, vector<1x16xf32>,
    %swap3A_46 = vector.shape_cast %swap3A_45 : vector<1x16xf32> to vector<16xf32>
    %swap3A_47 = vector.shape_cast %broadcast_in_dim3A_0 : vector<16xf32> to vector<1x16xf32>
    tpu.vector_store %arg9[%swap3A_43, %swap3A_44], %swap3A_47 {strides = array<i32>} : memref<8x128xf32, #tpu.memory_space<vmem>>, vector<1x16xf32>,
    %swap3A_48 = arith.constant 1 : i32
    %swap3A_49 = arith.index_cast %swap3A_48 : i32 to index
    %swap3A_50 = arith.constant 0 : index
    %swap3A_51 = tpu.vector_load %arg9[%swap3A_49, %swap3A_50] {strides = array<i32>} : memref<8x128xf32, #tpu.memory_space<vmem>>, vector<1x16xf32>,
    %swap3A_52 = vector.shape_cast %swap3A_51 : vector<1x16xf32> to vector<16xf32>
    %swap3A_53 = vector.shape_cast %broadcast_in_dim3A_0 : vector<16xf32> to vector<1x16xf32>
    tpu.vector_store %arg9[%swap3A_49, %swap3A_50], %swap3A_53 {strides = array<i32>} : memref<8x128xf32, #tpu.memory_space<vmem>>, vector<1x16xf32>,
    %swap3A_54 = arith.constant 1 : i32
    %swap3A_55 = arith.index_cast %swap3A_54 : i32 to index
    %swap3A_56 = arith.constant 16 : index
    %swap3A_57 = tpu.vector_load %arg9[%swap3A_55, %swap3A_56] {strides = array<i32>} : memref<8x128xf32, #tpu.memory_space<vmem>>, vector<1x16xf32>,
    %swap3A_58 = vector.shape_cast %swap3A_57 : vector<1x16xf32> to vector<16xf32>
    %swap3A_59 = vector.shape_cast %broadcast_in_dim3A_0 : vector<16xf32> to vector<1x16xf32>
    tpu.vector_store %arg9[%swap3A_55, %swap3A_56], %swap3A_59 {strides = array<i32>} : memref<8x128xf32, #tpu.memory_space<vmem>>, vector<1x16xf32>,
    %swap3A_60 = arith.constant 1 : i32
    %swap3A_61 = arith.index_cast %swap3A_60 : i32 to index
    %swap3A_62 = arith.constant 32 : index
    %swap3A_63 = tpu.vector_load %arg9[%swap3A_61, %swap3A_62] {strides = array<i32>} : memref<8x128xf32, #tpu.memory_space<vmem>>, vector<1x16xf32>,
    %swap3A_64 = vector.shape_cast %swap3A_63 : vector<1x16xf32> to vector<16xf32>
    %swap3A_65 = vector.shape_cast %broadcast_in_dim3A_0 : vector<16xf32> to vector<1x16xf32>
    tpu.vector_store %arg9[%swap3A_61, %swap3A_62], %swap3A_65 {strides = array<i32>} : memref<8x128xf32, #tpu.memory_space<vmem>>, vector<1x16xf32>,
    %swap3A_66 = arith.constant 1 : i32
    %swap3A_67 = arith.index_cast %swap3A_66 : i32 to index
    %swap3A_68 = arith.constant 48 : index
    %swap3A_69 = tpu.vector_load %arg9[%swap3A_67, %swap3A_68] {strides = array<i32>} : memref<8x128xf32, #tpu.memory_space<vmem>>, vector<1x16xf32>,
    %swap3A_70 = vector.shape_cast %swap3A_69 : vector<1x16xf32> to vector<16xf32>
    %swap3A_71 = vector.shape_cast %broadcast_in_dim3A_0 : vector<16xf32> to vector<1x16xf32>
    tpu.vector_store %arg9[%swap3A_67, %swap3A_68], %swap3A_71 {strides = array<i32>} : memref<8x128xf32, #tpu.memory_space<vmem>>, vector<1x16xf32>,
    %swap3A_72 = arith.constant 1 : i32
    %swap3A_73 = arith.index_cast %swap3A_72 : i32 to index
    %swap3A_74 = arith.constant 64 : index
    %swap3A_75 = tpu.vector_load %arg9[%swap3A_73, %swap3A_74] {strides = array<i32>} : memref<8x128xf32, #tpu.memory_space<vmem>>, vector<1x16xf32>,
    %swap3A_76 = vector.shape_cast %swap3A_75 : vector<1x16xf32> to vector<16xf32>
    %swap3A_77 = vector.shape_cast %broadcast_in_dim3A_0 : vector<16xf32> to vector<1x16xf32>
    tpu.vector_store %arg9[%swap3A_73, %swap3A_74], %swap3A_77 {strides = array<i32>} : memref<8x128xf32, #tpu.memory_space<vmem>>, vector<1x16xf32>,
    %swap3A_78 = arith.constant 1 : i32
    %swap3A_79 = arith.index_cast %swap3A_78 : i32 to index
    %swap3A_80 = arith.constant 80 : index
    %swap3A_81 = tpu.vector_load %arg9[%swap3A_79, %swap3A_80] {strides = array<i32>} : memref<8x128xf32, #tpu.memory_space<vmem>>, vector<1x16xf32>,
    %swap3A_82 = vector.shape_cast %swap3A_81 : vector<1x16xf32> to vector<16xf32>
    %swap3A_83 = vector.shape_cast %broadcast_in_dim3A_0 : vector<16xf32> to vector<1x16xf32>
    tpu.vector_store %arg9[%swap3A_79, %swap3A_80], %swap3A_83 {strides = array<i32>} : memref<8x128xf32, #tpu.memory_space<vmem>>, vector<1x16xf32>,
    %swap3A_84 = arith.constant 1 : i32
    %swap3A_85 = arith.index_cast %swap3A_84 : i32 to index
    %swap3A_86 = arith.constant 96 : index
    %swap3A_87 = tpu.vector_load %arg9[%swap3A_85, %swap3A_86] {strides = array<i32>} : memref<8x128xf32, #tpu.memory_space<vmem>>, vector<1x16xf32>,
    %swap3A_88 = vector.shape_cast %swap3A_87 : vector<1x16xf32> to vector<16xf32>
    %swap3A_89 = vector.shape_cast %broadcast_in_dim3A_0 : vector<16xf32> to vector<1x16xf32>
    tpu.vector_store %arg9[%swap3A_85, %swap3A_86], %swap3A_89 {strides = array<i32>} : memref<8x128xf32, #tpu.memory_space<vmem>>, vector<1x16xf32>,
    %swap3A_90 = arith.constant 1 : i32
    %swap3A_91 = arith.index_cast %swap3A_90 : i32 to index
    %swap3A_92 = arith.constant 112 : index
    %swap3A_93 = tpu.vector_load %arg9[%swap3A_91, %swap3A_92] {strides = array<i32>} : memref<8x128xf32, #tpu.memory_space<vmem>>, vector<1x16xf32>,
    %swap3A_94 = vector.shape_cast %swap3A_93 : vector<1x16xf32> to vector<16xf32>
    %swap3A_95 = vector.shape_cast %broadcast_in_dim3A_0 : vector<16xf32> to vector<1x16xf32>
    tpu.vector_store %arg9[%swap3A_91, %swap3A_92], %swap3A_95 {strides = array<i32>} : memref<8x128xf32, #tpu.memory_space<vmem>>, vector<1x16xf32>,
    %swap3A_96 = arith.constant 2 : i32
    %swap3A_97 = arith.index_cast %swap3A_96 : i32 to index
    %swap3A_98 = arith.constant 0 : index
    %swap3A_99 = tpu.vector_load %arg9[%swap3A_97, %swap3A_98] {strides = array<i32>} : memref<8x128xf32, #tpu.memory_space<vmem>>, vector<1x16xf32>,
    %swap3A_100 = vector.shape_cast %swap3A_99 : vector<1x16xf32> to vector<16xf32>
    %swap3A_101 = vector.shape_cast %broadcast_in_dim3A_0 : vector<16xf32> to vector<1x16xf32>
    tpu.vector_store %arg9[%swap3A_97, %swap3A_98], %swap3A_101 {strides = array<i32>} : memref<8x128xf32, #tpu.memory_space<vmem>>, vector<1x16xf32>,
    %swap3A_102 = arith.constant 2 : i32
    %swap3A_103 = arith.index_cast %swap3A_102 : i32 to index
    %swap3A_104 = arith.constant 16 : index
    %swap3A_105 = tpu.vector_load %arg9[%swap3A_103, %swap3A_104] {strides = array<i32>} : memref<8x128xf32, #tpu.memory_space<vmem>>, vector<1x16xf32>,
    %swap3A_106 = vector.shape_cast %swap3A_105 : vector<1x16xf32> to vector<16xf32>
    %swap3A_107 = vector.shape_cast %broadcast_in_dim3A_0 : vector<16xf32> to vector<1x16xf32>
    tpu.vector_store %arg9[%swap3A_103, %swap3A_104], %swap3A_107 {strides = array<i32>} : memref<8x128xf32, #tpu.memory_space<vmem>>, vector<1x16xf32>,
    %swap3A_108 = arith.constant 2 : i32
    %swap3A_109 = arith.index_cast %swap3A_108 : i32 to index
    %swap3A_110 = arith.constant 32 : index
    %swap3A_111 = tpu.vector_load %arg9[%swap3A_109, %swap3A_110] {strides = array<i32>} : memref<8x128xf32, #tpu.memory_space<vmem>>, vector<1x16xf32>,
    %swap3A_112 = vector.shape_cast %swap3A_111 : vector<1x16xf32> to vector<16xf32>
    %swap3A_113 = vector.shape_cast %broadcast_in_dim3A_0 : vector<16xf32> to vector<1x16xf32>
    tpu.vector_store %arg9[%swap3A_109, %swap3A_110], %swap3A_113 {strides = array<i32>} : memref<8x128xf32, #tpu.memory_space<vmem>>, vector<1x16xf32>,
    %swap3A_114 = arith.constant 2 : i32
    %swap3A_115 = arith.index_cast %swap3A_114 : i32 to index
    %swap3A_116 = arith.constant 48 : index
    %swap3A_117 = tpu.vector_load %arg9[%swap3A_115, %swap3A_116] {strides = array<i32>} : memref<8x128xf32, #tpu.memory_space<vmem>>, vector<1x16xf32>,
    %swap3A_118 = vector.shape_cast %swap3A_117 : vector<1x16xf32> to vector<16xf32>
    %swap3A_119 = vector.shape_cast %broadcast_in_dim3A_0 : vector<16xf32> to vector<1x16xf32>
    tpu.vector_store %arg9[%swap3A_115, %swap3A_116], %swap3A_119 {strides = array<i32>} : memref<8x128xf32, #tpu.memory_space<vmem>>, vector<1x16xf32>,
    %swap3A_120 = arith.constant 2 : i32
    %swap3A_121 = arith.index_cast %swap3A_120 : i32 to index
    %swap3A_122 = arith.constant 64 : index
    %swap3A_123 = tpu.vector_load %arg9[%swap3A_121, %swap3A_122] {strides = array<i32>} : memref<8x128xf32, #tpu.memory_space<vmem>>, vector<1x16xf32>,
    %swap3A_124 = vector.shape_cast %swap3A_123 : vector<1x16xf32> to vector<16xf32>
    %swap3A_125 = vector.shape_cast %broadcast_in_dim3A_0 : vector<16xf32> to vector<1x16xf32>
    tpu.vector_store %arg9[%swap3A_121, %swap3A_122], %swap3A_125 {strides = array<i32>} : memref<8x128xf32, #tpu.memory_space<vmem>>, vector<1x16xf32>,
    %swap3A_126 = arith.constant 2 : i32
    %swap3A_127 = arith.index_cast %swap3A_126 : i32 to index
    %swap3A_128 = arith.constant 80 : index
    %swap3A_129 = tpu.vector_load %arg9[%swap3A_127, %swap3A_128] {strides = array<i32>} : memref<8x128xf32, #tpu.memory_space<vmem>>, vector<1x16xf32>,
    %swap3A_130 = vector.shape_cast %swap3A_129 : vector<1x16xf32> to vector<16xf32>
    %swap3A_131 = vector.shape_cast %broadcast_in_dim3A_0 : vector<16xf32> to vector<1x16xf32>
    tpu.vector_store %arg9[%swap3A_127, %swap3A_128], %swap3A_131 {strides = array<i32>} : memref<8x128xf32, #tpu.memory_space<vmem>>, vector<1x16xf32>,
    %swap3A_132 = arith.constant 2 : i32
    %swap3A_133 = arith.index_cast %swap3A_132 : i32 to index
    %swap3A_134 = arith.constant 96 : index
    %swap3A_135 = tpu.vector_load %arg9[%swap3A_133, %swap3A_134] {strides = array<i32>} : memref<8x128xf32, #tpu.memory_space<vmem>>, vector<1x16xf32>,
    %swap3A_136 = vector.shape_cast %swap3A_135 : vector<1x16xf32> to vector<16xf32>
    %swap3A_137 = vector.shape_cast %broadcast_in_dim3A_0 : vector<16xf32> to vector<1x16xf32>
    tpu.vector_store %arg9[%swap3A_133, %swap3A_134], %swap3A_137 {strides = array<i32>} : memref<8x128xf32, #tpu.memory_space<vmem>>, vector<1x16xf32>,
    %swap3A_138 = arith.constant 2 : i32
    %swap3A_139 = arith.index_cast %swap3A_138 : i32 to index
    %swap3A_140 = arith.constant 112 : index
    %swap3A_141 = tpu.vector_load %arg9[%swap3A_139, %swap3A_140] {strides = array<i32>} : memref<8x128xf32, #tpu.memory_space<vmem>>, vector<1x16xf32>,
    %swap3A_142 = vector.shape_cast %swap3A_141 : vector<1x16xf32> to vector<16xf32>
    %swap3A_143 = vector.shape_cast %broadcast_in_dim3A_0 : vector<16xf32> to vector<1x16xf32>
    tpu.vector_store %arg9[%swap3A_139, %swap3A_140], %swap3A_143 {strides = array<i32>} : memref<8x128xf32, #tpu.memory_space<vmem>>, vector<1x16xf32>,
    %swap3A_144 = arith.constant 3 : i32
    %swap3A_145 = arith.index_cast %swap3A_144 : i32 to index
    %swap3A_146 = arith.constant 0 : index
    %swap3A_147 = tpu.vector_load %arg9[%swap3A_145, %swap3A_146] {strides = array<i32>} : memref<8x128xf32, #tpu.memory_space<vmem>>, vector<1x16xf32>,
    %swap3A_148 = vector.shape_cast %swap3A_147 : vector<1x16xf32> to vector<16xf32>
    %swap3A_149 = vector.shape_cast %broadcast_in_dim3A_0 : vector<16xf32> to vector<1x16xf32>
    tpu.vector_store %arg9[%swap3A_145, %swap3A_146], %swap3A_149 {strides = array<i32>} : memref<8x128xf32, #tpu.memory_space<vmem>>, vector<1x16xf32>,
    %swap3A_150 = arith.constant 3 : i32
    %swap3A_151 = arith.index_cast %swap3A_150 : i32 to index
    %swap3A_152 = arith.constant 16 : index
    %swap3A_153 = tpu.vector_load %arg9[%swap3A_151, %swap3A_152] {strides = array<i32>} : memref<8x128xf32, #tpu.memory_space<vmem>>, vector<1x16xf32>,
    %swap3A_154 = vector.shape_cast %swap3A_153 : vector<1x16xf32> to vector<16xf32>
    %swap3A_155 = vector.shape_cast %broadcast_in_dim3A_0 : vector<16xf32> to vector<1x16xf32>
    tpu.vector_store %arg9[%swap3A_151, %swap3A_152], %swap3A_155 {strides = array<i32>} : memref<8x128xf32, #tpu.memory_space<vmem>>, vector<1x16xf32>,
    %swap3A_156 = arith.constant 3 : i32
    %swap3A_157 = arith.index_cast %swap3A_156 : i32 to index
    %swap3A_158 = arith.constant 32 : index
    %swap3A_159 = tpu.vector_load %arg9[%swap3A_157, %swap3A_158] {strides = array<i32>} : memref<8x128xf32, #tpu.memory_space<vmem>>, vector<1x16xf32>,
    %swap3A_160 = vector.shape_cast %swap3A_159 : vector<1x16xf32> to vector<16xf32>
    %swap3A_161 = vector.shape_cast %broadcast_in_dim3A_0 : vector<16xf32> to vector<1x16xf32>
    tpu.vector_store %arg9[%swap3A_157, %swap3A_158], %swap3A_161 {strides = array<i32>} : memref<8x128xf32, #tpu.memory_space<vmem>>, vector<1x16xf32>,
    %swap3A_162 = arith.constant 3 : i32
    %swap3A_163 = arith.index_cast %swap3A_162 : i32 to index
    %swap3A_164 = arith.constant 48 : index
    %swap3A_165 = tpu.vector_load %arg9[%swap3A_163, %swap3A_164] {strides = array<i32>} : memref<8x128xf32, #tpu.memory_space<vmem>>, vector<1x16xf32>,
    %swap3A_166 = vector.shape_cast %swap3A_165 : vector<1x16xf32> to vector<16xf32>
    %swap3A_167 = vector.shape_cast %broadcast_in_dim3A_0 : vector<16xf32> to vector<1x16xf32>
    tpu.vector_store %arg9[%swap3A_163, %swap3A_164], %swap3A_167 {strides = array<i32>} : memref<8x128xf32, #tpu.memory_space<vmem>>, vector<1x16xf32>,
    %swap3A_168 = arith.constant 3 : i32
    %swap3A_169 = arith.index_cast %swap3A_168 : i32 to index
    %swap3A_170 = arith.constant 64 : index
    %swap3A_171 = tpu.vector_load %arg9[%swap3A_169, %swap3A_170] {strides = array<i32>} : memref<8x128xf32, #tpu.memory_space<vmem>>, vector<1x16xf32>,
    %swap3A_172 = vector.shape_cast %swap3A_171 : vector<1x16xf32> to vector<16xf32>
    %swap3A_173 = vector.shape_cast %broadcast_in_dim3A_0 : vector<16xf32> to vector<1x16xf32>
    tpu.vector_store %arg9[%swap3A_169, %swap3A_170], %swap3A_173 {strides = array<i32>} : memref<8x128xf32, #tpu.memory_space<vmem>>, vector<1x16xf32>,
    %swap3A_174 = arith.constant 3 : i32
    %swap3A_175 = arith.index_cast %swap3A_174 : i32 to index
    %swap3A_176 = arith.constant 80 : index
    %swap3A_177 = tpu.vector_load %arg9[%swap3A_175, %swap3A_176] {strides = array<i32>} : memref<8x128xf32, #tpu.memory_space<vmem>>, vector<1x16xf32>,
    %swap3A_178 = vector.shape_cast %swap3A_177 : vector<1x16xf32> to vector<16xf32>
    %swap3A_179 = vector.shape_cast %broadcast_in_dim3A_0 : vector<16xf32> to vector<1x16xf32>
    tpu.vector_store %arg9[%swap3A_175, %swap3A_176], %swap3A_179 {strides = array<i32>} : memref<8x128xf32, #tpu.memory_space<vmem>>, vector<1x16xf32>,
    %swap3A_180 = arith.constant 3 : i32
    %swap3A_181 = arith.index_cast %swap3A_180 : i32 to index
    %swap3A_182 = arith.constant 96 : index
    %swap3A_183 = tpu.vector_load %arg9[%swap3A_181, %swap3A_182] {strides = array<i32>} : memref<8x128xf32, #tpu.memory_space<vmem>>, vector<1x16xf32>,
    %swap3A_184 = vector.shape_cast %swap3A_183 : vector<1x16xf32> to vector<16xf32>
    %swap3A_185 = vector.shape_cast %broadcast_in_dim3A_0 : vector<16xf32> to vector<1x16xf32>
    tpu.vector_store %arg9[%swap3A_181, %swap3A_182], %swap3A_185 {strides = array<i32>} : memref<8x128xf32, #tpu.memory_space<vmem>>, vector<1x16xf32>,
    %swap3A_186 = arith.constant 3 : i32
    %swap3A_187 = arith.index_cast %swap3A_186 : i32 to index
    %swap3A_188 = arith.constant 112 : index
    %swap3A_189 = tpu.vector_load %arg9[%swap3A_187, %swap3A_188] {strides = array<i32>} : memref<8x128xf32, #tpu.memory_space<vmem>>, vector<1x16xf32>,
    %swap3A_190 = vector.shape_cast %swap3A_189 : vector<1x16xf32> to vector<16xf32>
    %swap3A_191 = vector.shape_cast %broadcast_in_dim3A_0 : vector<16xf32> to vector<1x16xf32>
    tpu.vector_store %arg9[%swap3A_187, %swap3A_188], %swap3A_191 {strides = array<i32>} : memref<8x128xf32, #tpu.memory_space<vmem>>, vector<1x16xf32>,
    %swap3A_192 = arith.constant 4 : i32
    %swap3A_193 = arith.index_cast %swap3A_192 : i32 to index
    %swap3A_194 = arith.constant 0 : index
    %swap3A_195 = tpu.vector_load %arg9[%swap3A_193, %swap3A_194] {strides = array<i32>} : memref<8x128xf32, #tpu.memory_space<vmem>>, vector<1x16xf32>,
    %swap3A_196 = vector.shape_cast %swap3A_195 : vector<1x16xf32> to vector<16xf32>
    %swap3A_197 = vector.shape_cast %broadcast_in_dim3A_0 : vector<16xf32> to vector<1x16xf32>
    tpu.vector_store %arg9[%swap3A_193, %swap3A_194], %swap3A_197 {strides = array<i32>} : memref<8x128xf32, #tpu.memory_space<vmem>>, vector<1x16xf32>,
    %swap3A_198 = arith.constant 4 : i32
    %swap3A_199 = arith.index_cast %swap3A_198 : i32 to index
    %swap3A_200 = arith.constant 16 : index
    %swap3A_201 = tpu.vector_load %arg9[%swap3A_199, %swap3A_200] {strides = array<i32>} : memref<8x128xf32, #tpu.memory_space<vmem>>, vector<1x16xf32>,
    %swap3A_202 = vector.shape_cast %swap3A_201 : vector<1x16xf32> to vector<16xf32>
    %swap3A_203 = vector.shape_cast %broadcast_in_dim3A_0 : vector<16xf32> to vector<1x16xf32>
    tpu.vector_store %arg9[%swap3A_199, %swap3A_200], %swap3A_203 {strides = array<i32>} : memref<8x128xf32, #tpu.memory_space<vmem>>, vector<1x16xf32>,
    %swap3A_204 = arith.constant 4 : i32
    %swap3A_205 = arith.index_cast %swap3A_204 : i32 to index
    %swap3A_206 = arith.constant 32 : index
    %swap3A_207 = tpu.vector_load %arg9[%swap3A_205, %swap3A_206] {strides = array<i32>} : memref<8x128xf32, #tpu.memory_space<vmem>>, vector<1x16xf32>,
    %swap3A_208 = vector.shape_cast %swap3A_207 : vector<1x16xf32> to vector<16xf32>
    %swap3A_209 = vector.shape_cast %broadcast_in_dim3A_0 : vector<16xf32> to vector<1x16xf32>
    tpu.vector_store %arg9[%swap3A_205, %swap3A_206], %swap3A_209 {strides = array<i32>} : memref<8x128xf32, #tpu.memory_space<vmem>>, vector<1x16xf32>,
    %swap3A_210 = arith.constant 4 : i32
    %swap3A_211 = arith.index_cast %swap3A_210 : i32 to index
    %swap3A_212 = arith.constant 48 : index
    %swap3A_213 = tpu.vector_load %arg9[%swap3A_211, %swap3A_212] {strides = array<i32>} : memref<8x128xf32, #tpu.memory_space<vmem>>, vector<1x16xf32>,
    %swap3A_214 = vector.shape_cast %swap3A_213 : vector<1x16xf32> to vector<16xf32>
    %swap3A_215 = vector.shape_cast %broadcast_in_dim3A_0 : vector<16xf32> to vector<1x16xf32>
    tpu.vector_store %arg9[%swap3A_211, %swap3A_212], %swap3A_215 {strides = array<i32>} : memref<8x128xf32, #tpu.memory_space<vmem>>, vector<1x16xf32>,
    %swap3A_216 = arith.constant 4 : i32
    %swap3A_217 = arith.index_cast %swap3A_216 : i32 to index
    %swap3A_218 = arith.constant 64 : index
    %swap3A_219 = tpu.vector_load %arg9[%swap3A_217, %swap3A_218] {strides = array<i32>} : memref<8x128xf32, #tpu.memory_space<vmem>>, vector<1x16xf32>,
    %swap3A_220 = vector.shape_cast %swap3A_219 : vector<1x16xf32> to vector<16xf32>
    %swap3A_221 = vector.shape_cast %broadcast_in_dim3A_0 : vector<16xf32> to vector<1x16xf32>
    tpu.vector_store %arg9[%swap3A_217, %swap3A_218], %swap3A_221 {strides = array<i32>} : memref<8x128xf32, #tpu.memory_space<vmem>>, vector<1x16xf32>,
    %swap3A_222 = arith.constant 4 : i32
    %swap3A_223 = arith.index_cast %swap3A_222 : i32 to index
    %swap3A_224 = arith.constant 80 : index
    %swap3A_225 = tpu.vector_load %arg9[%swap3A_223, %swap3A_224] {strides = array<i32>} : memref<8x128xf32, #tpu.memory_space<vmem>>, vector<1x16xf32>,
    %swap3A_226 = vector.shape_cast %swap3A_225 : vector<1x16xf32> to vector<16xf32>
    %swap3A_227 = vector.shape_cast %broadcast_in_dim3A_0 : vector<16xf32> to vector<1x16xf32>
    tpu.vector_store %arg9[%swap3A_223, %swap3A_224], %swap3A_227 {strides = array<i32>} : memref<8x128xf32, #tpu.memory_space<vmem>>, vector<1x16xf32>,
    %swap3A_228 = arith.constant 4 : i32
    %swap3A_229 = arith.index_cast %swap3A_228 : i32 to index
    %swap3A_230 = arith.constant 96 : index
    %swap3A_231 = tpu.vector_load %arg9[%swap3A_229, %swap3A_230] {strides = array<i32>} : memref<8x128xf32, #tpu.memory_space<vmem>>, vector<1x16xf32>,
    %swap3A_232 = vector.shape_cast %swap3A_231 : vector<1x16xf32> to vector<16xf32>
    %swap3A_233 = vector.shape_cast %broadcast_in_dim3A_0 : vector<16xf32> to vector<1x16xf32>
    tpu.vector_store %arg9[%swap3A_229, %swap3A_230], %swap3A_233 {strides = array<i32>} : memref<8x128xf32, #tpu.memory_space<vmem>>, vector<1x16xf32>,
    %swap3A_234 = arith.constant 4 : i32
    %swap3A_235 = arith.index_cast %swap3A_234 : i32 to index
    %swap3A_236 = arith.constant 112 : index
    %swap3A_237 = tpu.vector_load %arg9[%swap3A_235, %swap3A_236] {strides = array<i32>} : memref<8x128xf32, #tpu.memory_space<vmem>>, vector<1x16xf32>,
    %swap3A_238 = vector.shape_cast %swap3A_237 : vector<1x16xf32> to vector<16xf32>
    %swap3A_239 = vector.shape_cast %broadcast_in_dim3A_0 : vector<16xf32> to vector<1x16xf32>
    tpu.vector_store %arg9[%swap3A_235, %swap3A_236], %swap3A_239 {strides = array<i32>} : memref<8x128xf32, #tpu.memory_space<vmem>>, vector<1x16xf32>,
    %swap3A_240 = arith.constant 5 : i32
    %swap3A_241 = arith.index_cast %swap3A_240 : i32 to index
    %swap3A_242 = arith.constant 0 : index
    %swap3A_243 = tpu.vector_load %arg9[%swap3A_241, %swap3A_242] {strides = array<i32>} : memref<8x128xf32, #tpu.memory_space<vmem>>, vector<1x16xf32>,
    %swap3A_244 = vector.shape_cast %swap3A_243 : vector<1x16xf32> to vector<16xf32>
    %swap3A_245 = vector.shape_cast %broadcast_in_dim3A_0 : vector<16xf32> to vector<1x16xf32>
    tpu.vector_store %arg9[%swap3A_241, %swap3A_242], %swap3A_245 {strides = array<i32>} : memref<8x128xf32, #tpu.memory_space<vmem>>, vector<1x16xf32>,
    %swap3A_246 = arith.constant 5 : i32
    %swap3A_247 = arith.index_cast %swap3A_246 : i32 to index
    %swap3A_248 = arith.constant 16 : index
    %swap3A_249 = tpu.vector_load %arg9[%swap3A_247, %swap3A_248] {strides = array<i32>} : memref<8x128xf32, #tpu.memory_space<vmem>>, vector<1x16xf32>,
    %swap3A_250 = vector.shape_cast %swap3A_249 : vector<1x16xf32> to vector<16xf32>
    %swap3A_251 = vector.shape_cast %broadcast_in_dim3A_0 : vector<16xf32> to vector<1x16xf32>
    tpu.vector_store %arg9[%swap3A_247, %swap3A_248], %swap3A_251 {strides = array<i32>} : memref<8x128xf32, #tpu.memory_space<vmem>>, vector<1x16xf32>,
    %swap3A_252 = arith.constant 5 : i32
    %swap3A_253 = arith.index_cast %swap3A_252 : i32 to index
    %swap3A_254 = arith.constant 32 : index
    %swap3A_255 = tpu.vector_load %arg9[%swap3A_253, %swap3A_254] {strides = array<i32>} : memref<8x128xf32, #tpu.memory_space<vmem>>, vector<1x16xf32>,
    %swap3A_256 = vector.shape_cast %swap3A_255 : vector<1x16xf32> to vector<16xf32>
    %swap3A_257 = vector.shape_cast %broadcast_in_dim3A_0 : vector<16xf32> to vector<1x16xf32>
    tpu.vector_store %arg9[%swap3A_253, %swap3A_254], %swap3A_257 {strides = array<i32>} : memref<8x128xf32, #tpu.memory_space<vmem>>, vector<1x16xf32>,
    %swap3A_258 = arith.constant 5 : i32
    %swap3A_259 = arith.index_cast %swap3A_258 : i32 to index
    %swap3A_260 = arith.constant 48 : index
    %swap3A_261 = tpu.vector_load %arg9[%swap3A_259, %swap3A_260] {strides = array<i32>} : memref<8x128xf32, #tpu.memory_space<vmem>>, vector<1x16xf32>,
    %swap3A_262 = vector.shape_cast %swap3A_261 : vector<1x16xf32> to vector<16xf32>
    %swap3A_263 = vector.shape_cast %broadcast_in_dim3A_0 : vector<16xf32> to vector<1x16xf32>
    tpu.vector_store %arg9[%swap3A_259, %swap3A_260], %swap3A_263 {strides = array<i32>} : memref<8x128xf32, #tpu.memory_space<vmem>>, vector<1x16xf32>,
    %swap3A_264 = arith.constant 5 : i32
    %swap3A_265 = arith.index_cast %swap3A_264 : i32 to index
    %swap3A_266 = arith.constant 64 : index
    %swap3A_267 = tpu.vector_load %arg9[%swap3A_265, %swap3A_266] {strides = array<i32>} : memref<8x128xf32, #tpu.memory_space<vmem>>, vector<1x16xf32>,
    %swap3A_268 = vector.shape_cast %swap3A_267 : vector<1x16xf32> to vector<16xf32>
    %swap3A_269 = vector.shape_cast %broadcast_in_dim3A_0 : vector<16xf32> to vector<1x16xf32>
    tpu.vector_store %arg9[%swap3A_265, %swap3A_266], %swap3A_269 {strides = array<i32>} : memref<8x128xf32, #tpu.memory_space<vmem>>, vector<1x16xf32>,
    %swap3A_270 = arith.constant 5 : i32
    %swap3A_271 = arith.index_cast %swap3A_270 : i32 to index
    %swap3A_272 = arith.constant 80 : index
    %swap3A_273 = tpu.vector_load %arg9[%swap3A_271, %swap3A_272] {strides = array<i32>} : memref<8x128xf32, #tpu.memory_space<vmem>>, vector<1x16xf32>,
    %swap3A_274 = vector.shape_cast %swap3A_273 : vector<1x16xf32> to vector<16xf32>
    %swap3A_275 = vector.shape_cast %broadcast_in_dim3A_0 : vector<16xf32> to vector<1x16xf32>
    tpu.vector_store %arg9[%swap3A_271, %swap3A_272], %swap3A_275 {strides = array<i32>} : memref<8x128xf32, #tpu.memory_space<vmem>>, vector<1x16xf32>,
    %swap3A_276 = arith.constant 5 : i32
    %swap3A_277 = arith.index_cast %swap3A_276 : i32 to index
    %swap3A_278 = arith.constant 96 : index
    %swap3A_279 = tpu.vector_load %arg9[%swap3A_277, %swap3A_278] {strides = array<i32>} : memref<8x128xf32, #tpu.memory_space<vmem>>, vector<1x16xf32>,
    %swap3A_280 = vector.shape_cast %swap3A_279 : vector<1x16xf32> to vector<16xf32>
    %swap3A_281 = vector.shape_cast %broadcast_in_dim3A_0 : vector<16xf32> to vector<1x16xf32>
    tpu.vector_store %arg9[%swap3A_277, %swap3A_278], %swap3A_281 {strides = array<i32>} : memref<8x128xf32, #tpu.memory_space<vmem>>, vector<1x16xf32>,
    %swap3A_282 = arith.constant 5 : i32
    %swap3A_283 = arith.index_cast %swap3A_282 : i32 to index
    %swap3A_284 = arith.constant 112 : index
    %swap3A_285 = tpu.vector_load %arg9[%swap3A_283, %swap3A_284] {strides = array<i32>} : memref<8x128xf32, #tpu.memory_space<vmem>>, vector<1x16xf32>,
    %swap3A_286 = vector.shape_cast %swap3A_285 : vector<1x16xf32> to vector<16xf32>
    %swap3A_287 = vector.shape_cast %broadcast_in_dim3A_0 : vector<16xf32> to vector<1x16xf32>
    tpu.vector_store %arg9[%swap3A_283, %swap3A_284], %swap3A_287 {strides = array<i32>} : memref<8x128xf32, #tpu.memory_space<vmem>>, vector<1x16xf32>,
    %swap3A_288 = arith.constant 6 : i32
    %swap3A_289 = arith.index_cast %swap3A_288 : i32 to index
    %swap3A_290 = arith.constant 0 : index
    %swap3A_291 = tpu.vector_load %arg9[%swap3A_289, %swap3A_290] {strides = array<i32>} : memref<8x128xf32, #tpu.memory_space<vmem>>, vector<1x16xf32>,
    %swap3A_292 = vector.shape_cast %swap3A_291 : vector<1x16xf32> to vector<16xf32>
    %swap3A_293 = vector.shape_cast %broadcast_in_dim3A_0 : vector<16xf32> to vector<1x16xf32>
    tpu.vector_store %arg9[%swap3A_289, %swap3A_290], %swap3A_293 {strides = array<i32>} : memref<8x128xf32, #tpu.memory_space<vmem>>, vector<1x16xf32>,
    %swap3A_294 = arith.constant 6 : i32
    %swap3A_295 = arith.index_cast %swap3A_294 : i32 to index
    %swap3A_296 = arith.constant 16 : index
    %swap3A_297 = tpu.vector_load %arg9[%swap3A_295, %swap3A_296] {strides = array<i32>} : memref<8x128xf32, #tpu.memory_space<vmem>>, vector<1x16xf32>,
    %swap3A_298 = vector.shape_cast %swap3A_297 : vector<1x16xf32> to vector<16xf32>
    %swap3A_299 = vector.shape_cast %broadcast_in_dim3A_0 : vector<16xf32> to vector<1x16xf32>
    tpu.vector_store %arg9[%swap3A_295, %swap3A_296], %swap3A_299 {strides = array<i32>} : memref<8x128xf32, #tpu.memory_space<vmem>>, vector<1x16xf32>,
    %swap3A_300 = arith.constant 6 : i32
    %swap3A_301 = arith.index_cast %swap3A_300 : i32 to index
    %swap3A_302 = arith.constant 32 : index
    %swap3A_303 = tpu.vector_load %arg9[%swap3A_301, %swap3A_302] {strides = array<i32>} : memref<8x128xf32, #tpu.memory_space<vmem>>, vector<1x16xf32>,
    %swap3A_304 = vector.shape_cast %swap3A_303 : vector<1x16xf32> to vector<16xf32>
    %swap3A_305 = vector.shape_cast %broadcast_in_dim3A_0 : vector<16xf32> to vector<1x16xf32>
    tpu.vector_store %arg9[%swap3A_301, %swap3A_302], %swap3A_305 {strides = array<i32>} : memref<8x128xf32, #tpu.memory_space<vmem>>, vector<1x16xf32>,
    %swap3A_306 = arith.constant 6 : i32
    %swap3A_307 = arith.index_cast %swap3A_306 : i32 to index
    %swap3A_308 = arith.constant 48 : index
    %swap3A_309 = tpu.vector_load %arg9[%swap3A_307, %swap3A_308] {strides = array<i32>} : memref<8x128xf32, #tpu.memory_space<vmem>>, vector<1x16xf32>,
    %swap3A_310 = vector.shape_cast %swap3A_309 : vector<1x16xf32> to vector<16xf32>
    %swap3A_311 = vector.shape_cast %broadcast_in_dim3A_0 : vector<16xf32> to vector<1x16xf32>
    tpu.vector_store %arg9[%swap3A_307, %swap3A_308], %swap3A_311 {strides = array<i32>} : memref<8x128xf32, #tpu.memory_space<vmem>>, vector<1x16xf32>,
    %swap3A_312 = arith.constant 6 : i32
    %swap3A_313 = arith.index_cast %swap3A_312 : i32 to index
    %swap3A_314 = arith.constant 64 : index
    %swap3A_315 = tpu.vector_load %arg9[%swap3A_313, %swap3A_314] {strides = array<i32>} : memref<8x128xf32, #tpu.memory_space<vmem>>, vector<1x16xf32>,
    %swap3A_316 = vector.shape_cast %swap3A_315 : vector<1x16xf32> to vector<16xf32>
    %swap3A_317 = vector.shape_cast %broadcast_in_dim3A_0 : vector<16xf32> to vector<1x16xf32>
    tpu.vector_store %arg9[%swap3A_313, %swap3A_314], %swap3A_317 {strides = array<i32>} : memref<8x128xf32, #tpu.memory_space<vmem>>, vector<1x16xf32>,
    %swap3A_318 = arith.constant 6 : i32
    %swap3A_319 = arith.index_cast %swap3A_318 : i32 to index
    %swap3A_320 = arith.constant 80 : index
    %swap3A_321 = tpu.vector_load %arg9[%swap3A_319, %swap3A_320] {strides = array<i32>} : memref<8x128xf32, #tpu.memory_space<vmem>>, vector<1x16xf32>,
    %swap3A_322 = vector.shape_cast %swap3A_321 : vector<1x16xf32> to vector<16xf32>
    %swap3A_323 = vector.shape_cast %broadcast_in_dim3A_0 : vector<16xf32> to vector<1x16xf32>
    tpu.vector_store %arg9[%swap3A_319, %swap3A_320], %swap3A_323 {strides = array<i32>} : memref<8x128xf32, #tpu.memory_space<vmem>>, vector<1x16xf32>,
    %swap3A_324 = arith.constant 6 : i32
    %swap3A_325 = arith.index_cast %swap3A_324 : i32 to index
    %swap3A_326 = arith.constant 96 : index
    %swap3A_327 = tpu.vector_load %arg9[%swap3A_325, %swap3A_326] {strides = array<i32>} : memref<8x128xf32, #tpu.memory_space<vmem>>, vector<1x16xf32>,
    %swap3A_328 = vector.shape_cast %swap3A_327 : vector<1x16xf32> to vector<16xf32>
    %swap3A_329 = vector.shape_cast %broadcast_in_dim3A_0 : vector<16xf32> to vector<1x16xf32>
    tpu.vector_store %arg9[%swap3A_325, %swap3A_326], %swap3A_329 {strides = array<i32>} : memref<8x128xf32, #tpu.memory_space<vmem>>, vector<1x16xf32>,
    %swap3A_330 = arith.constant 6 : i32
    %swap3A_331 = arith.index_cast %swap3A_330 : i32 to index
    %swap3A_332 = arith.constant 112 : index
    %swap3A_333 = tpu.vector_load %arg9[%swap3A_331, %swap3A_332] {strides = array<i32>} : memref<8x128xf32, #tpu.memory_space<vmem>>, vector<1x16xf32>,
    %swap3A_334 = vector.shape_cast %swap3A_333 : vector<1x16xf32> to vector<16xf32>
    %swap3A_335 = vector.shape_cast %broadcast_in_dim3A_0 : vector<16xf32> to vector<1x16xf32>
    tpu.vector_store %arg9[%swap3A_331, %swap3A_332], %swap3A_335 {strides = array<i32>} : memref<8x128xf32, #tpu.memory_space<vmem>>, vector<1x16xf32>,
    %swap3A_336 = arith.constant 7 : i32
    %swap3A_337 = arith.index_cast %swap3A_336 : i32 to index
    %swap3A_338 = arith.constant 0 : index
    %swap3A_339 = tpu.vector_load %arg9[%swap3A_337, %swap3A_338] {strides = array<i32>} : memref<8x128xf32, #tpu.memory_space<vmem>>, vector<1x16xf32>,
    %swap3A_340 = vector.shape_cast %swap3A_339 : vector<1x16xf32> to vector<16xf32>
    %swap3A_341 = vector.shape_cast %broadcast_in_dim3A_0 : vector<16xf32> to vector<1x16xf32>
    tpu.vector_store %arg9[%swap3A_337, %swap3A_338], %swap3A_341 {strides = array<i32>} : memref<8x128xf32, #tpu.memory_space<vmem>>, vector<1x16xf32>,
    %swap3A_342 = arith.constant 7 : i32
    %swap3A_343 = arith.index_cast %swap3A_342 : i32 to index
    %swap3A_344 = arith.constant 16 : index
    %swap3A_345 = tpu.vector_load %arg9[%swap3A_343, %swap3A_344] {strides = array<i32>} : memref<8x128xf32, #tpu.memory_space<vmem>>, vector<1x16xf32>,
    %swap3A_346 = vector.shape_cast %swap3A_345 : vector<1x16xf32> to vector<16xf32>
    %swap3A_347 = vector.shape_cast %broadcast_in_dim3A_0 : vector<16xf32> to vector<1x16xf32>
    tpu.vector_store %arg9[%swap3A_343, %swap3A_344], %swap3A_347 {strides = array<i32>} : memref<8x128xf32, #tpu.memory_space<vmem>>, vector<1x16xf32>,
    %swap3A_348 = arith.constant 7 : i32
    %swap3A_349 = arith.index_cast %swap3A_348 : i32 to index
    %swap3A_350 = arith.constant 32 : index
    %swap3A_351 = tpu.vector_load %arg9[%swap3A_349, %swap3A_350] {strides = array<i32>} : memref<8x128xf32, #tpu.memory_space<vmem>>, vector<1x16xf32>,
    %swap3A_352 = vector.shape_cast %swap3A_351 : vector<1x16xf32> to vector<16xf32>
    %swap3A_353 = vector.shape_cast %broadcast_in_dim3A_0 : vector<16xf32> to vector<1x16xf32>
    tpu.vector_store %arg9[%swap3A_349, %swap3A_350], %swap3A_353 {strides = array<i32>} : memref<8x128xf32, #tpu.memory_space<vmem>>, vector<1x16xf32>,
    %swap3A_354 = arith.constant 7 : i32
    %swap3A_355 = arith.index_cast %swap3A_354 : i32 to index
    %swap3A_356 = arith.constant 48 : index
    %swap3A_357 = tpu.vector_load %arg9[%swap3A_355, %swap3A_356] {strides = array<i32>} : memref<8x128xf32, #tpu.memory_space<vmem>>, vector<1x16xf32>,
    %swap3A_358 = vector.shape_cast %swap3A_357 : vector<1x16xf32> to vector<16xf32>
    %swap3A_359 = vector.shape_cast %broadcast_in_dim3A_0 : vector<16xf32> to vector<1x16xf32>
    tpu.vector_store %arg9[%swap3A_355, %swap3A_356], %swap3A_359 {strides = array<i32>} : memref<8x128xf32, #tpu.memory_space<vmem>>, vector<1x16xf32>,
    %swap3A_360 = arith.constant 7 : i32
    %swap3A_361 = arith.index_cast %swap3A_360 : i32 to index
    %swap3A_362 = arith.constant 64 : index
    %swap3A_363 = tpu.vector_load %arg9[%swap3A_361, %swap3A_362] {strides = array<i32>} : memref<8x128xf32, #tpu.memory_space<vmem>>, vector<1x16xf32>,
    %swap3A_364 = vector.shape_cast %swap3A_363 : vector<1x16xf32> to vector<16xf32>
    %swap3A_365 = vector.shape_cast %broadcast_in_dim3A_0 : vector<16xf32> to vector<1x16xf32>
    tpu.vector_store %arg9[%swap3A_361, %swap3A_362], %swap3A_365 {strides = array<i32>} : memref<8x128xf32, #tpu.memory_space<vmem>>, vector<1x16xf32>,
    %swap3A_366 = arith.constant 7 : i32
    %swap3A_367 = arith.index_cast %swap3A_366 : i32 to index
    %swap3A_368 = arith.constant 80 : index
    %swap3A_369 = tpu.vector_load %arg9[%swap3A_367, %swap3A_368] {strides = array<i32>} : memref<8x128xf32, #tpu.memory_space<vmem>>, vector<1x16xf32>,
    %swap3A_370 = vector.shape_cast %swap3A_369 : vector<1x16xf32> to vector<16xf32>
    %swap3A_371 = vector.shape_cast %broadcast_in_dim3A_0 : vector<16xf32> to vector<1x16xf32>
    tpu.vector_store %arg9[%swap3A_367, %swap3A_368], %swap3A_371 {strides = array<i32>} : memref<8x128xf32, #tpu.memory_space<vmem>>, vector<1x16xf32>,
    %swap3A_372 = arith.constant 7 : i32
    %swap3A_373 = arith.index_cast %swap3A_372 : i32 to index
    %swap3A_374 = arith.constant 96 : index
    %swap3A_375 = tpu.vector_load %arg9[%swap3A_373, %swap3A_374] {strides = array<i32>} : memref<8x128xf32, #tpu.memory_space<vmem>>, vector<1x16xf32>,
    %swap3A_376 = vector.shape_cast %swap3A_375 : vector<1x16xf32> to vector<16xf32>
    %swap3A_377 = vector.shape_cast %broadcast_in_dim3A_0 : vector<16xf32> to vector<1x16xf32>
    tpu.vector_store %arg9[%swap3A_373, %swap3A_374], %swap3A_377 {strides = array<i32>} : memref<8x128xf32, #tpu.memory_space<vmem>>, vector<1x16xf32>,
    %swap3A_378 = arith.constant 7 : i32
    %swap3A_379 = arith.index_cast %swap3A_378 : i32 to index
    %swap3A_380 = arith.constant 112 : index
    %swap3A_381 = tpu.vector_load %arg9[%swap3A_379, %swap3A_380] {strides = array<i32>} : memref<8x128xf32, #tpu.memory_space<vmem>>, vector<1x16xf32>,
    %swap3A_382 = vector.shape_cast %swap3A_381 : vector<1x16xf32> to vector<16xf32>
    %swap3A_383 = vector.shape_cast %broadcast_in_dim3A_0 : vector<16xf32> to vector<1x16xf32>
    tpu.vector_store %arg9[%swap3A_379, %swap3A_380], %swap3A_383 {strides = array<i32>} : memref<8x128xf32, #tpu.memory_space<vmem>>, vector<1x16xf32>,
    %scan3A = arith.constant 0 : i32
    %scan3A_384 = arith.constant 79 : i32
    %scan3A_385 = arith.addi %scan3A, %scan3A_384 : i32
    %scan3A_386 = arith.constant 1 : i32
    scf.for %scan3A_418 = %scan3A to %scan3A_385 step %scan3A_386  : i32 {
      %mul3A_419 = arith.constant 8 : i32
      %mul3A_420 = arith.muli %scan3A_418, %mul3A_419 : i32
      %add3A_421 = arith.constant 0 : i32
      %add3A_422 = arith.addi %add3A_421, %mul3A_420 : i32
      %mul3A_423 = arith.constant 632 : i32
      %mul3A_424 = arith.muli %arg1, %mul3A_423 : i32
      %add3A_425 = arith.addi %mul3A_424, %add3A_422 : i32
      "tpu.region"() ({
        %run_scoped3A = tpu.sem_alloc : memref<!tpu.dma_semaphore, #tpu.memory_space<semaphore_mem>>
        %dma_start3A = arith.constant 0 : i32
        %dma_start3A_426 = tpu.memref_slice %arg10[%add3A_425, %dma_start3A] : memref<10112x128xf32, #tpu.memory_space<vmem_shared>> -> memref<8x128xf32, #tpu.memory_space<vmem_shared>>
        %dma_start3A_427 = arith.constant 0 : i32
        %dma_start3A_428 = tpu.memref_slice %arg10[%add3A_425, %dma_start3A_427] : memref<10112x128xf32, #tpu.memory_space<vmem_shared>> -> memref<8x128xf32, #tpu.memory_space<vmem_shared>>
        tpu.enqueue_dma source(%arg9 : memref<8x128xf32, #tpu.memory_space<vmem>>) target(%dma_start3A_428 : memref<8x128xf32, #tpu.memory_space<vmem_shared>>) target_semaphore(%run_scoped3A : memref<!tpu.dma_semaphore, #tpu.memory_space<semaphore_mem>>)
        %dma_wait3A = arith.constant 0 : i32
        %dma_wait3A_429 = tpu.memref_slice %arg10[%add3A_425, %dma_wait3A] : memref<10112x128xf32, #tpu.memory_space<vmem_shared>> -> memref<8x128xf32, #tpu.memory_space<vmem_shared>>
        %dma_wait3A_430 = arith.constant 0 : i32
        %dma_wait3A_431 = tpu.memref_slice %arg10[%add3A_425, %dma_wait3A_430] : memref<10112x128xf32, #tpu.memory_space<vmem_shared>> -> memref<8x128xf32, #tpu.memory_space<vmem_shared>>
        tpu.wait_dma2 semaphore(%run_scoped3A : memref<!tpu.dma_semaphore, #tpu.memory_space<semaphore_mem>>) src(%arg9 : memref<8x128xf32, #tpu.memory_space<vmem>>) dst(%dma_wait3A_431 : memref<8x128xf32, #tpu.memory_space<vmem_shared>>)
        tpu.yield
      }) : () -> ()
    }
    %scan3A_387 = arith.constant 79 : i32
    %barrier3A = arith.constant 0 : index
    tpu.barrier barrier_id(%barrier3A)
    %eq3A = arith.constant 0 : i32
    %eq3A_388 = arith.cmpi eq, %arg0, %eq3A : i32
    %jit3A = arith.constant 144 : i32
    %jit3A_389 = arith.constant 16 : i32
    %select_n3A = arith.select %eq3A_388, %jit3A, %jit3A_389 : i32
    %eq3A_390 = arith.constant 0 : i32
    %eq3A_391 = arith.cmpi eq, %arg0, %eq3A_390 : i32
    %mul3A = arith.constant 144 : i32
    %mul3A_392 = arith.muli %arg1, %mul3A : i32
    %mul3A_393 = arith.constant 16 : i32
    %mul3A_394 = arith.muli %arg1, %mul3A_393 : i32
    %add3A = arith.constant 2304 : i32
    %add3A_395 = arith.addi %add3A, %mul3A_394 : i32
    %select_n3A_396 = arith.select %eq3A_391, %mul3A_392, %add3A_395 : i32
    %sub3A = arith.constant 0 : i32
    %sub3A_397 = arith.subi %select_n3A, %sub3A : i32
    %sub3A_398 = arith.constant 8 : i32
    %sub3A_399 = arith.constant 1 : i32
    %sub3A_400 = arith.subi %sub3A_398, %sub3A_399 : i32
    %add3A_401 = arith.addi %sub3A_397, %sub3A_400 : i32
    %div3A = arith.constant 8 : i32
    %div3A_402 = arith.divsi %add3A_401, %div3A : i32
    %while3A = arith.constant 8 : i32
    %while3A_403 = arith.constant 0 : i32
    %while3A_404 = arith.constant 0 : i32
    %while3A_405 = arith.subi %div3A_402, %while3A_404 : i32
    %while3A_406 = arith.addi %while3A_404, %while3A_405 : i32
    %while3A_407 = arith.constant 1 : i32
    %while3A_408 = arith.divsi %while3A_405, %while3A_407 : i32
    %while3A_409 = arith.muli %while3A_408, %while3A_407 : i32
    %while3A_410 = arith.addi %while3A_404, %while3A_409 : i32
    %while3A_411 = arith.constant 1 : i32
    scf.for %while3A_418 = %while3A_404 to %while3A_410 step %while3A_411  : i32 {
      %mul3A_419 = arith.muli %while3A_418, %while3A : i32
      %add3A_420 = arith.addi %while3A_403, %mul3A_419 : i32
      %add3A_421 = arith.addi %select_n3A_396, %add3A_420 : i32
      "tpu.region"() ({
        %run_scoped3A_438 = tpu.sem_alloc : memref<!tpu.dma_semaphore, #tpu.memory_space<semaphore_mem>>
        %dma_start3A = arith.constant 0 : i32
        %dma_start3A_439 = tpu.memref_slice %arg2[%add3A_421, %dma_start3A] : memref<2560x128xi32, #tpu.memory_space<hbm>> -> memref<8x128xi32, #tpu.memory_space<hbm>>
        %dma_start3A_440 = arith.constant 0 : i32
        %dma_start3A_441 = tpu.memref_slice %arg2[%add3A_421, %dma_start3A_440] : memref<2560x128xi32, #tpu.memory_space<hbm>> -> memref<8x128xi32, #tpu.memory_space<hbm>>
        tpu.enqueue_dma source(%dma_start3A_441 : memref<8x128xi32, #tpu.memory_space<hbm>>) target(%arg6 : memref<8x128xi32, #tpu.memory_space<vmem>>) target_semaphore(%run_scoped3A_438 : memref<!tpu.dma_semaphore, #tpu.memory_space<semaphore_mem>>)
        %dma_wait3A = arith.constant 0 : i32
        %dma_wait3A_442 = tpu.memref_slice %arg2[%add3A_421, %dma_wait3A] : memref<2560x128xi32, #tpu.memory_space<hbm>> -> memref<8x128xi32, #tpu.memory_space<hbm>>
        %dma_wait3A_443 = arith.constant 0 : i32
        %dma_wait3A_444 = tpu.memref_slice %arg2[%add3A_421, %dma_wait3A_443] : memref<2560x128xi32, #tpu.memory_space<hbm>> -> memref<8x128xi32, #tpu.memory_space<hbm>>
        tpu.wait_dma2 semaphore(%run_scoped3A_438 : memref<!tpu.dma_semaphore, #tpu.memory_space<semaphore_mem>>) src(%dma_wait3A_444 : memref<8x128xi32, #tpu.memory_space<hbm>>) dst(%arg6 : memref<8x128xi32, #tpu.memory_space<vmem>>)
        tpu.yield
      }) : () -> ()
      %add3A_422 = arith.addi %select_n3A_396, %add3A_420 : i32
      "tpu.region"() ({
        %run_scoped3A_438 = tpu.sem_alloc : memref<!tpu.dma_semaphore, #tpu.memory_space<semaphore_mem>>
        %dma_start3A = arith.constant 0 : i32
        %dma_start3A_439 = tpu.memref_slice %arg3[%add3A_422, %dma_start3A] : memref<2560x128xi32, #tpu.memory_space<hbm>> -> memref<8x128xi32, #tpu.memory_space<hbm>>
        %dma_start3A_440 = arith.constant 0 : i32
        %dma_start3A_441 = tpu.memref_slice %arg3[%add3A_422, %dma_start3A_440] : memref<2560x128xi32, #tpu.memory_space<hbm>> -> memref<8x128xi32, #tpu.memory_space<hbm>>
        tpu.enqueue_dma source(%dma_start3A_441 : memref<8x128xi32, #tpu.memory_space<hbm>>) target(%arg7 : memref<8x128xi32, #tpu.memory_space<vmem>>) target_semaphore(%run_scoped3A_438 : memref<!tpu.dma_semaphore, #tpu.memory_space<semaphore_mem>>)
        %dma_wait3A = arith.constant 0 : i32
        %dma_wait3A_442 = tpu.memref_slice %arg3[%add3A_422, %dma_wait3A] : memref<2560x128xi32, #tpu.memory_space<hbm>> -> memref<8x128xi32, #tpu.memory_space<hbm>>
        %dma_wait3A_443 = arith.constant 0 : i32
        %dma_wait3A_444 = tpu.memref_slice %arg3[%add3A_422, %dma_wait3A_443] : memref<2560x128xi32, #tpu.memory_space<hbm>> -> memref<8x128xi32, #tpu.memory_space<hbm>>
        tpu.wait_dma2 semaphore(%run_scoped3A_438 : memref<!tpu.dma_semaphore, #tpu.memory_space<semaphore_mem>>) src(%dma_wait3A_444 : memref<8x128xi32, #tpu.memory_space<hbm>>) dst(%arg7 : memref<8x128xi32, #tpu.memory_space<vmem>>)
        tpu.yield
      }) : () -> ()
      %run_scoped3A = arith.constant 0 : i32
      "tpu.region"() ({
        %run_scoped3A_438 = tpu.sem_alloc : memref<!tpu.dma_semaphore, #tpu.memory_space<semaphore_mem>>
        %dma_start3A = arith.constant 0 : i32
        %dma_start3A_439 = tpu.memref_slice %arg6[%run_scoped3A, %dma_start3A] : memref<8x128xi32, #tpu.memory_space<vmem>> -> memref<1x128xi32, #tpu.memory_space<vmem>>
        %dma_start3A_440 = tpu.memref_squeeze %dma_start3A_439 : memref<1x128xi32, #tpu.memory_space<vmem>> -> memref<128xi32, #tpu.memory_space<vmem>>
        %dma_start3A_441 = arith.constant 0 : i32
        %dma_start3A_442 = arith.constant 0 : i32
        %dma_start3A_443 = tpu.memref_slice %arg4[%dma_start3A_441, %dma_start3A_442] : memref<10000x128xf32, #tpu.memory_space<hbm>> -> memref<10000x128xf32, #tpu.memory_space<hbm>>
        tpu.enqueue_indirect_dma source(%dma_start3A_443 : memref<10000x128xf32, #tpu.memory_space<hbm>>) target(%arg8 : memref<128x128xf32, #tpu.memory_space<vmem>>) offsets(%dma_start3A_440 : memref<128xi32, #tpu.memory_space<vmem>>) semaphore(%run_scoped3A_438 : memref<!tpu.dma_semaphore, #tpu.memory_space<semaphore_mem>>)
        %dma_wait3A = arith.constant 0 : i32
        %dma_wait3A_444 = tpu.memref_slice %arg6[%run_scoped3A, %dma_wait3A] : memref<8x128xi32, #tpu.memory_space<vmem>> -> memref<1x128xi32, #tpu.memory_space<vmem>>
        %dma_wait3A_445 = tpu.memref_squeeze %dma_wait3A_444 : memref<1x128xi32, #tpu.memory_space<vmem>> -> memref<128xi32, #tpu.memory_space<vmem>>
        %dma_wait3A_446 = arith.constant 0 : i32
        %dma_wait3A_447 = arith.constant 0 : i32
        %dma_wait3A_448 = tpu.memref_slice %arg4[%dma_wait3A_446, %dma_wait3A_447] : memref<10000x128xf32, #tpu.memory_space<hbm>> -> memref<10000x128xf32, #tpu.memory_space<hbm>>
        tpu.wait_indirect_dma semaphore(%run_scoped3A_438 : memref<!tpu.dma_semaphore, #tpu.memory_space<semaphore_mem>>) src(%dma_wait3A_448 : memref<10000x128xf32, #tpu.memory_space<hbm>>) dst(%arg8 : memref<128x128xf32, #tpu.memory_space<vmem>>)
        tpu.yield
      }) : () -> ()
      %run_scoped3A_423 = arith.constant 0 : i32
      "tpu.region"() ({
        %run_scoped3A_438 = tpu.sem_alloc : memref<!tpu.dma_semaphore, #tpu.memory_space<semaphore_mem>>
        %dma_start3A = arith.constant 0 : i32
        %dma_start3A_439 = tpu.memref_slice %arg7[%run_scoped3A_423, %dma_start3A] : memref<8x128xi32, #tpu.memory_space<vmem>> -> memref<1x128xi32, #tpu.memory_space<vmem>>
        %dma_start3A_440 = tpu.memref_squeeze %dma_start3A_439 : memref<1x128xi32, #tpu.memory_space<vmem>> -> memref<128xi32, #tpu.memory_space<vmem>>
        %dma_start3A_441 = arith.constant 0 : i32
        %dma_start3A_442 = arith.constant 0 : i32
        %dma_start3A_443 = tpu.memref_slice %arg10[%dma_start3A_441, %dma_start3A_442] : memref<10112x128xf32, #tpu.memory_space<vmem_shared>> -> memref<10112x128xf32, #tpu.memory_space<vmem_shared>>
        tpu.enqueue_indirect_dma source(%arg8 : memref<128x128xf32, #tpu.memory_space<vmem>>) target(%dma_start3A_443 : memref<10112x128xf32, #tpu.memory_space<vmem_shared>>) offsets(%dma_start3A_440 : memref<128xi32, #tpu.memory_space<vmem>>) semaphore(%run_scoped3A_438 : memref<!tpu.dma_semaphore, #tpu.memory_space<semaphore_mem>>) {add = true}
        %dma_wait3A = arith.constant 0 : i32
        %dma_wait3A_444 = tpu.memref_slice %arg7[%run_scoped3A_423, %dma_wait3A] : memref<8x128xi32, #tpu.memory_space<vmem>> -> memref<1x128xi32, #tpu.memory_space<vmem>>
        %dma_wait3A_445 = tpu.memref_squeeze %dma_wait3A_444 : memref<1x128xi32, #tpu.memory_space<vmem>> -> memref<128xi32, #tpu.memory_space<vmem>>
        %dma_wait3A_446 = arith.constant 0 : i32
        %dma_wait3A_447 = arith.constant 0 : i32
        %dma_wait3A_448 = tpu.memref_slice %arg10[%dma_wait3A_446, %dma_wait3A_447] : memref<10112x128xf32, #tpu.memory_space<vmem_shared>> -> memref<10112x128xf32, #tpu.memory_space<vmem_shared>>
        tpu.wait_indirect_dma semaphore(%run_scoped3A_438 : memref<!tpu.dma_semaphore, #tpu.memory_space<semaphore_mem>>) src(%arg8 : memref<128x128xf32, #tpu.memory_space<vmem>>) dst(%dma_wait3A_448 : memref<10112x128xf32, #tpu.memory_space<vmem_shared>>)
        tpu.yield
      }) : () -> ()
      %run_scoped3A_424 = arith.constant 1 : i32
      "tpu.region"() ({
        %run_scoped3A_438 = tpu.sem_alloc : memref<!tpu.dma_semaphore, #tpu.memory_space<semaphore_mem>>
        %dma_start3A = arith.constant 0 : i32
        %dma_start3A_439 = tpu.memref_slice %arg6[%run_scoped3A_424, %dma_start3A] : memref<8x128xi32, #tpu.memory_space<vmem>> -> memref<1x128xi32, #tpu.memory_space<vmem>>
        %dma_start3A_440 = tpu.memref_squeeze %dma_start3A_439 : memref<1x128xi32, #tpu.memory_space<vmem>> -> memref<128xi32, #tpu.memory_space<vmem>>
        %dma_start3A_441 = arith.constant 0 : i32
        %dma_start3A_442 = arith.constant 0 : i32
        %dma_start3A_443 = tpu.memref_slice %arg4[%dma_start3A_441, %dma_start3A_442] : memref<10000x128xf32, #tpu.memory_space<hbm>> -> memref<10000x128xf32, #tpu.memory_space<hbm>>
        tpu.enqueue_indirect_dma source(%dma_start3A_443 : memref<10000x128xf32, #tpu.memory_space<hbm>>) target(%arg8 : memref<128x128xf32, #tpu.memory_space<vmem>>) offsets(%dma_start3A_440 : memref<128xi32, #tpu.memory_space<vmem>>) semaphore(%run_scoped3A_438 : memref<!tpu.dma_semaphore, #tpu.memory_space<semaphore_mem>>)
        %dma_wait3A = arith.constant 0 : i32
        %dma_wait3A_444 = tpu.memref_slice %arg6[%run_scoped3A_424, %dma_wait3A] : memref<8x128xi32, #tpu.memory_space<vmem>> -> memref<1x128xi32, #tpu.memory_space<vmem>>
        %dma_wait3A_445 = tpu.memref_squeeze %dma_wait3A_444 : memref<1x128xi32, #tpu.memory_space<vmem>> -> memref<128xi32, #tpu.memory_space<vmem>>
        %dma_wait3A_446 = arith.constant 0 : i32
        %dma_wait3A_447 = arith.constant 0 : i32
        %dma_wait3A_448 = tpu.memref_slice %arg4[%dma_wait3A_446, %dma_wait3A_447] : memref<10000x128xf32, #tpu.memory_space<hbm>> -> memref<10000x128xf32, #tpu.memory_space<hbm>>
        tpu.wait_indirect_dma semaphore(%run_scoped3A_438 : memref<!tpu.dma_semaphore, #tpu.memory_space<semaphore_mem>>) src(%dma_wait3A_448 : memref<10000x128xf32, #tpu.memory_space<hbm>>) dst(%arg8 : memref<128x128xf32, #tpu.memory_space<vmem>>)
        tpu.yield
      }) : () -> ()
      %run_scoped3A_425 = arith.constant 1 : i32
      "tpu.region"() ({
        %run_scoped3A_438 = tpu.sem_alloc : memref<!tpu.dma_semaphore, #tpu.memory_space<semaphore_mem>>
        %dma_start3A = arith.constant 0 : i32
        %dma_start3A_439 = tpu.memref_slice %arg7[%run_scoped3A_425, %dma_start3A] : memref<8x128xi32, #tpu.memory_space<vmem>> -> memref<1x128xi32, #tpu.memory_space<vmem>>
        %dma_start3A_440 = tpu.memref_squeeze %dma_start3A_439 : memref<1x128xi32, #tpu.memory_space<vmem>> -> memref<128xi32, #tpu.memory_space<vmem>>
        %dma_start3A_441 = arith.constant 0 : i32
        %dma_start3A_442 = arith.constant 0 : i32
        %dma_start3A_443 = tpu.memref_slice %arg10[%dma_start3A_441, %dma_start3A_442] : memref<10112x128xf32, #tpu.memory_space<vmem_shared>> -> memref<10112x128xf32, #tpu.memory_space<vmem_shared>>
        tpu.enqueue_indirect_dma source(%arg8 : memref<128x128xf32, #tpu.memory_space<vmem>>) target(%dma_start3A_443 : memref<10112x128xf32, #tpu.memory_space<vmem_shared>>) offsets(%dma_start3A_440 : memref<128xi32, #tpu.memory_space<vmem>>) semaphore(%run_scoped3A_438 : memref<!tpu.dma_semaphore, #tpu.memory_space<semaphore_mem>>) {add = true}
        %dma_wait3A = arith.constant 0 : i32
        %dma_wait3A_444 = tpu.memref_slice %arg7[%run_scoped3A_425, %dma_wait3A] : memref<8x128xi32, #tpu.memory_space<vmem>> -> memref<1x128xi32, #tpu.memory_space<vmem>>
        %dma_wait3A_445 = tpu.memref_squeeze %dma_wait3A_444 : memref<1x128xi32, #tpu.memory_space<vmem>> -> memref<128xi32, #tpu.memory_space<vmem>>
        %dma_wait3A_446 = arith.constant 0 : i32
        %dma_wait3A_447 = arith.constant 0 : i32
        %dma_wait3A_448 = tpu.memref_slice %arg10[%dma_wait3A_446, %dma_wait3A_447] : memref<10112x128xf32, #tpu.memory_space<vmem_shared>> -> memref<10112x128xf32, #tpu.memory_space<vmem_shared>>
        tpu.wait_indirect_dma semaphore(%run_scoped3A_438 : memref<!tpu.dma_semaphore, #tpu.memory_space<semaphore_mem>>) src(%arg8 : memref<128x128xf32, #tpu.memory_space<vmem>>) dst(%dma_wait3A_448 : memref<10112x128xf32, #tpu.memory_space<vmem_shared>>)
        tpu.yield
      }) : () -> ()
      %run_scoped3A_426 = arith.constant 2 : i32
      "tpu.region"() ({
        %run_scoped3A_438 = tpu.sem_alloc : memref<!tpu.dma_semaphore, #tpu.memory_space<semaphore_mem>>
        %dma_start3A = arith.constant 0 : i32
        %dma_start3A_439 = tpu.memref_slice %arg6[%run_scoped3A_426, %dma_start3A] : memref<8x128xi32, #tpu.memory_space<vmem>> -> memref<1x128xi32, #tpu.memory_space<vmem>>
        %dma_start3A_440 = tpu.memref_squeeze %dma_start3A_439 : memref<1x128xi32, #tpu.memory_space<vmem>> -> memref<128xi32, #tpu.memory_space<vmem>>
        %dma_start3A_441 = arith.constant 0 : i32
        %dma_start3A_442 = arith.constant 0 : i32
        %dma_start3A_443 = tpu.memref_slice %arg4[%dma_start3A_441, %dma_start3A_442] : memref<10000x128xf32, #tpu.memory_space<hbm>> -> memref<10000x128xf32, #tpu.memory_space<hbm>>
        tpu.enqueue_indirect_dma source(%dma_start3A_443 : memref<10000x128xf32, #tpu.memory_space<hbm>>) target(%arg8 : memref<128x128xf32, #tpu.memory_space<vmem>>) offsets(%dma_start3A_440 : memref<128xi32, #tpu.memory_space<vmem>>) semaphore(%run_scoped3A_438 : memref<!tpu.dma_semaphore, #tpu.memory_space<semaphore_mem>>)
        %dma_wait3A = arith.constant 0 : i32
        %dma_wait3A_444 = tpu.memref_slice %arg6[%run_scoped3A_426, %dma_wait3A] : memref<8x128xi32, #tpu.memory_space<vmem>> -> memref<1x128xi32, #tpu.memory_space<vmem>>
        %dma_wait3A_445 = tpu.memref_squeeze %dma_wait3A_444 : memref<1x128xi32, #tpu.memory_space<vmem>> -> memref<128xi32, #tpu.memory_space<vmem>>
        %dma_wait3A_446 = arith.constant 0 : i32
        %dma_wait3A_447 = arith.constant 0 : i32
        %dma_wait3A_448 = tpu.memref_slice %arg4[%dma_wait3A_446, %dma_wait3A_447] : memref<10000x128xf32, #tpu.memory_space<hbm>> -> memref<10000x128xf32, #tpu.memory_space<hbm>>
        tpu.wait_indirect_dma semaphore(%run_scoped3A_438 : memref<!tpu.dma_semaphore, #tpu.memory_space<semaphore_mem>>) src(%dma_wait3A_448 : memref<10000x128xf32, #tpu.memory_space<hbm>>) dst(%arg8 : memref<128x128xf32, #tpu.memory_space<vmem>>)
        tpu.yield
      }) : () -> ()
      %run_scoped3A_427 = arith.constant 2 : i32
      "tpu.region"() ({
        %run_scoped3A_438 = tpu.sem_alloc : memref<!tpu.dma_semaphore, #tpu.memory_space<semaphore_mem>>
        %dma_start3A = arith.constant 0 : i32
        %dma_start3A_439 = tpu.memref_slice %arg7[%run_scoped3A_427, %dma_start3A] : memref<8x128xi32, #tpu.memory_space<vmem>> -> memref<1x128xi32, #tpu.memory_space<vmem>>
        %dma_start3A_440 = tpu.memref_squeeze %dma_start3A_439 : memref<1x128xi32, #tpu.memory_space<vmem>> -> memref<128xi32, #tpu.memory_space<vmem>>
        %dma_start3A_441 = arith.constant 0 : i32
        %dma_start3A_442 = arith.constant 0 : i32
        %dma_start3A_443 = tpu.memref_slice %arg10[%dma_start3A_441, %dma_start3A_442] : memref<10112x128xf32, #tpu.memory_space<vmem_shared>> -> memref<10112x128xf32, #tpu.memory_space<vmem_shared>>
        tpu.enqueue_indirect_dma source(%arg8 : memref<128x128xf32, #tpu.memory_space<vmem>>) target(%dma_start3A_443 : memref<10112x128xf32, #tpu.memory_space<vmem_shared>>) offsets(%dma_start3A_440 : memref<128xi32, #tpu.memory_space<vmem>>) semaphore(%run_scoped3A_438 : memref<!tpu.dma_semaphore, #tpu.memory_space<semaphore_mem>>) {add = true}
        %dma_wait3A = arith.constant 0 : i32
        %dma_wait3A_444 = tpu.memref_slice %arg7[%run_scoped3A_427, %dma_wait3A] : memref<8x128xi32, #tpu.memory_space<vmem>> -> memref<1x128xi32, #tpu.memory_space<vmem>>
        %dma_wait3A_445 = tpu.memref_squeeze %dma_wait3A_444 : memref<1x128xi32, #tpu.memory_space<vmem>> -> memref<128xi32, #tpu.memory_space<vmem>>
        %dma_wait3A_446 = arith.constant 0 : i32
        %dma_wait3A_447 = arith.constant 0 : i32
        %dma_wait3A_448 = tpu.memref_slice %arg10[%dma_wait3A_446, %dma_wait3A_447] : memref<10112x128xf32, #tpu.memory_space<vmem_shared>> -> memref<10112x128xf32, #tpu.memory_space<vmem_shared>>
        tpu.wait_indirect_dma semaphore(%run_scoped3A_438 : memref<!tpu.dma_semaphore, #tpu.memory_space<semaphore_mem>>) src(%arg8 : memref<128x128xf32, #tpu.memory_space<vmem>>) dst(%dma_wait3A_448 : memref<10112x128xf32, #tpu.memory_space<vmem_shared>>)
        tpu.yield
      }) : () -> ()
      %run_scoped3A_428 = arith.constant 3 : i32
      "tpu.region"() ({
        %run_scoped3A_438 = tpu.sem_alloc : memref<!tpu.dma_semaphore, #tpu.memory_space<semaphore_mem>>
        %dma_start3A = arith.constant 0 : i32
        %dma_start3A_439 = tpu.memref_slice %arg6[%run_scoped3A_428, %dma_start3A] : memref<8x128xi32, #tpu.memory_space<vmem>> -> memref<1x128xi32, #tpu.memory_space<vmem>>
        %dma_start3A_440 = tpu.memref_squeeze %dma_start3A_439 : memref<1x128xi32, #tpu.memory_space<vmem>> -> memref<128xi32, #tpu.memory_space<vmem>>
        %dma_start3A_441 = arith.constant 0 : i32
        %dma_start3A_442 = arith.constant 0 : i32
        %dma_start3A_443 = tpu.memref_slice %arg4[%dma_start3A_441, %dma_start3A_442] : memref<10000x128xf32, #tpu.memory_space<hbm>> -> memref<10000x128xf32, #tpu.memory_space<hbm>>
        tpu.enqueue_indirect_dma source(%dma_start3A_443 : memref<10000x128xf32, #tpu.memory_space<hbm>>) target(%arg8 : memref<128x128xf32, #tpu.memory_space<vmem>>) offsets(%dma_start3A_440 : memref<128xi32, #tpu.memory_space<vmem>>) semaphore(%run_scoped3A_438 : memref<!tpu.dma_semaphore, #tpu.memory_space<semaphore_mem>>)
        %dma_wait3A = arith.constant 0 : i32
        %dma_wait3A_444 = tpu.memref_slice %arg6[%run_scoped3A_428, %dma_wait3A] : memref<8x128xi32, #tpu.memory_space<vmem>> -> memref<1x128xi32, #tpu.memory_space<vmem>>
        %dma_wait3A_445 = tpu.memref_squeeze %dma_wait3A_444 : memref<1x128xi32, #tpu.memory_space<vmem>> -> memref<128xi32, #tpu.memory_space<vmem>>
        %dma_wait3A_446 = arith.constant 0 : i32
        %dma_wait3A_447 = arith.constant 0 : i32
        %dma_wait3A_448 = tpu.memref_slice %arg4[%dma_wait3A_446, %dma_wait3A_447] : memref<10000x128xf32, #tpu.memory_space<hbm>> -> memref<10000x128xf32, #tpu.memory_space<hbm>>
        tpu.wait_indirect_dma semaphore(%run_scoped3A_438 : memref<!tpu.dma_semaphore, #tpu.memory_space<semaphore_mem>>) src(%dma_wait3A_448 : memref<10000x128xf32, #tpu.memory_space<hbm>>) dst(%arg8 : memref<128x128xf32, #tpu.memory_space<vmem>>)
        tpu.yield
      }) : () -> ()
      %run_scoped3A_429 = arith.constant 3 : i32
      "tpu.region"() ({
        %run_scoped3A_438 = tpu.sem_alloc : memref<!tpu.dma_semaphore, #tpu.memory_space<semaphore_mem>>
        %dma_start3A = arith.constant 0 : i32
        %dma_start3A_439 = tpu.memref_slice %arg7[%run_scoped3A_429, %dma_start3A] : memref<8x128xi32, #tpu.memory_space<vmem>> -> memref<1x128xi32, #tpu.memory_space<vmem>>
        %dma_start3A_440 = tpu.memref_squeeze %dma_start3A_439 : memref<1x128xi32, #tpu.memory_space<vmem>> -> memref<128xi32, #tpu.memory_space<vmem>>
        %dma_start3A_441 = arith.constant 0 : i32
        %dma_start3A_442 = arith.constant 0 : i32
        %dma_start3A_443 = tpu.memref_slice %arg10[%dma_start3A_441, %dma_start3A_442] : memref<10112x128xf32, #tpu.memory_space<vmem_shared>> -> memref<10112x128xf32, #tpu.memory_space<vmem_shared>>
        tpu.enqueue_indirect_dma source(%arg8 : memref<128x128xf32, #tpu.memory_space<vmem>>) target(%dma_start3A_443 : memref<10112x128xf32, #tpu.memory_space<vmem_shared>>) offsets(%dma_start3A_440 : memref<128xi32, #tpu.memory_space<vmem>>) semaphore(%run_scoped3A_438 : memref<!tpu.dma_semaphore, #tpu.memory_space<semaphore_mem>>) {add = true}
        %dma_wait3A = arith.constant 0 : i32
        %dma_wait3A_444 = tpu.memref_slice %arg7[%run_scoped3A_429, %dma_wait3A] : memref<8x128xi32, #tpu.memory_space<vmem>> -> memref<1x128xi32, #tpu.memory_space<vmem>>
        %dma_wait3A_445 = tpu.memref_squeeze %dma_wait3A_444 : memref<1x128xi32, #tpu.memory_space<vmem>> -> memref<128xi32, #tpu.memory_space<vmem>>
        %dma_wait3A_446 = arith.constant 0 : i32
        %dma_wait3A_447 = arith.constant 0 : i32
        %dma_wait3A_448 = tpu.memref_slice %arg10[%dma_wait3A_446, %dma_wait3A_447] : memref<10112x128xf32, #tpu.memory_space<vmem_shared>> -> memref<10112x128xf32, #tpu.memory_space<vmem_shared>>
        tpu.wait_indirect_dma semaphore(%run_scoped3A_438 : memref<!tpu.dma_semaphore, #tpu.memory_space<semaphore_mem>>) src(%arg8 : memref<128x128xf32, #tpu.memory_space<vmem>>) dst(%dma_wait3A_448 : memref<10112x128xf32, #tpu.memory_space<vmem_shared>>)
        tpu.yield
      }) : () -> ()
      %run_scoped3A_430 = arith.constant 4 : i32
      "tpu.region"() ({
        %run_scoped3A_438 = tpu.sem_alloc : memref<!tpu.dma_semaphore, #tpu.memory_space<semaphore_mem>>
        %dma_start3A = arith.constant 0 : i32
        %dma_start3A_439 = tpu.memref_slice %arg6[%run_scoped3A_430, %dma_start3A] : memref<8x128xi32, #tpu.memory_space<vmem>> -> memref<1x128xi32, #tpu.memory_space<vmem>>
        %dma_start3A_440 = tpu.memref_squeeze %dma_start3A_439 : memref<1x128xi32, #tpu.memory_space<vmem>> -> memref<128xi32, #tpu.memory_space<vmem>>
        %dma_start3A_441 = arith.constant 0 : i32
        %dma_start3A_442 = arith.constant 0 : i32
        %dma_start3A_443 = tpu.memref_slice %arg4[%dma_start3A_441, %dma_start3A_442] : memref<10000x128xf32, #tpu.memory_space<hbm>> -> memref<10000x128xf32, #tpu.memory_space<hbm>>
        tpu.enqueue_indirect_dma source(%dma_start3A_443 : memref<10000x128xf32, #tpu.memory_space<hbm>>) target(%arg8 : memref<128x128xf32, #tpu.memory_space<vmem>>) offsets(%dma_start3A_440 : memref<128xi32, #tpu.memory_space<vmem>>) semaphore(%run_scoped3A_438 : memref<!tpu.dma_semaphore, #tpu.memory_space<semaphore_mem>>)
        %dma_wait3A = arith.constant 0 : i32
        %dma_wait3A_444 = tpu.memref_slice %arg6[%run_scoped3A_430, %dma_wait3A] : memref<8x128xi32, #tpu.memory_space<vmem>> -> memref<1x128xi32, #tpu.memory_space<vmem>>
        %dma_wait3A_445 = tpu.memref_squeeze %dma_wait3A_444 : memref<1x128xi32, #tpu.memory_space<vmem>> -> memref<128xi32, #tpu.memory_space<vmem>>
        %dma_wait3A_446 = arith.constant 0 : i32
        %dma_wait3A_447 = arith.constant 0 : i32
        %dma_wait3A_448 = tpu.memref_slice %arg4[%dma_wait3A_446, %dma_wait3A_447] : memref<10000x128xf32, #tpu.memory_space<hbm>> -> memref<10000x128xf32, #tpu.memory_space<hbm>>
        tpu.wait_indirect_dma semaphore(%run_scoped3A_438 : memref<!tpu.dma_semaphore, #tpu.memory_space<semaphore_mem>>) src(%dma_wait3A_448 : memref<10000x128xf32, #tpu.memory_space<hbm>>) dst(%arg8 : memref<128x128xf32, #tpu.memory_space<vmem>>)
        tpu.yield
      }) : () -> ()
      %run_scoped3A_431 = arith.constant 4 : i32
      "tpu.region"() ({
        %run_scoped3A_438 = tpu.sem_alloc : memref<!tpu.dma_semaphore, #tpu.memory_space<semaphore_mem>>
        %dma_start3A = arith.constant 0 : i32
        %dma_start3A_439 = tpu.memref_slice %arg7[%run_scoped3A_431, %dma_start3A] : memref<8x128xi32, #tpu.memory_space<vmem>> -> memref<1x128xi32, #tpu.memory_space<vmem>>
        %dma_start3A_440 = tpu.memref_squeeze %dma_start3A_439 : memref<1x128xi32, #tpu.memory_space<vmem>> -> memref<128xi32, #tpu.memory_space<vmem>>
        %dma_start3A_441 = arith.constant 0 : i32
        %dma_start3A_442 = arith.constant 0 : i32
        %dma_start3A_443 = tpu.memref_slice %arg10[%dma_start3A_441, %dma_start3A_442] : memref<10112x128xf32, #tpu.memory_space<vmem_shared>> -> memref<10112x128xf32, #tpu.memory_space<vmem_shared>>
        tpu.enqueue_indirect_dma source(%arg8 : memref<128x128xf32, #tpu.memory_space<vmem>>) target(%dma_start3A_443 : memref<10112x128xf32, #tpu.memory_space<vmem_shared>>) offsets(%dma_start3A_440 : memref<128xi32, #tpu.memory_space<vmem>>) semaphore(%run_scoped3A_438 : memref<!tpu.dma_semaphore, #tpu.memory_space<semaphore_mem>>) {add = true}
        %dma_wait3A = arith.constant 0 : i32
        %dma_wait3A_444 = tpu.memref_slice %arg7[%run_scoped3A_431, %dma_wait3A] : memref<8x128xi32, #tpu.memory_space<vmem>> -> memref<1x128xi32, #tpu.memory_space<vmem>>
        %dma_wait3A_445 = tpu.memref_squeeze %dma_wait3A_444 : memref<1x128xi32, #tpu.memory_space<vmem>> -> memref<128xi32, #tpu.memory_space<vmem>>
        %dma_wait3A_446 = arith.constant 0 : i32
        %dma_wait3A_447 = arith.constant 0 : i32
        %dma_wait3A_448 = tpu.memref_slice %arg10[%dma_wait3A_446, %dma_wait3A_447] : memref<10112x128xf32, #tpu.memory_space<vmem_shared>> -> memref<10112x128xf32, #tpu.memory_space<vmem_shared>>
        tpu.wait_indirect_dma semaphore(%run_scoped3A_438 : memref<!tpu.dma_semaphore, #tpu.memory_space<semaphore_mem>>) src(%arg8 : memref<128x128xf32, #tpu.memory_space<vmem>>) dst(%dma_wait3A_448 : memref<10112x128xf32, #tpu.memory_space<vmem_shared>>)
        tpu.yield
      }) : () -> ()
      %run_scoped3A_432 = arith.constant 5 : i32
      "tpu.region"() ({
        %run_scoped3A_438 = tpu.sem_alloc : memref<!tpu.dma_semaphore, #tpu.memory_space<semaphore_mem>>
        %dma_start3A = arith.constant 0 : i32
        %dma_start3A_439 = tpu.memref_slice %arg6[%run_scoped3A_432, %dma_start3A] : memref<8x128xi32, #tpu.memory_space<vmem>> -> memref<1x128xi32, #tpu.memory_space<vmem>>
        %dma_start3A_440 = tpu.memref_squeeze %dma_start3A_439 : memref<1x128xi32, #tpu.memory_space<vmem>> -> memref<128xi32, #tpu.memory_space<vmem>>
        %dma_start3A_441 = arith.constant 0 : i32
        %dma_start3A_442 = arith.constant 0 : i32
        %dma_start3A_443 = tpu.memref_slice %arg4[%dma_start3A_441, %dma_start3A_442] : memref<10000x128xf32, #tpu.memory_space<hbm>> -> memref<10000x128xf32, #tpu.memory_space<hbm>>
        tpu.enqueue_indirect_dma source(%dma_start3A_443 : memref<10000x128xf32, #tpu.memory_space<hbm>>) target(%arg8 : memref<128x128xf32, #tpu.memory_space<vmem>>) offsets(%dma_start3A_440 : memref<128xi32, #tpu.memory_space<vmem>>) semaphore(%run_scoped3A_438 : memref<!tpu.dma_semaphore, #tpu.memory_space<semaphore_mem>>)
        %dma_wait3A = arith.constant 0 : i32
        %dma_wait3A_444 = tpu.memref_slice %arg6[%run_scoped3A_432, %dma_wait3A] : memref<8x128xi32, #tpu.memory_space<vmem>> -> memref<1x128xi32, #tpu.memory_space<vmem>>
        %dma_wait3A_445 = tpu.memref_squeeze %dma_wait3A_444 : memref<1x128xi32, #tpu.memory_space<vmem>> -> memref<128xi32, #tpu.memory_space<vmem>>
        %dma_wait3A_446 = arith.constant 0 : i32
        %dma_wait3A_447 = arith.constant 0 : i32
        %dma_wait3A_448 = tpu.memref_slice %arg4[%dma_wait3A_446, %dma_wait3A_447] : memref<10000x128xf32, #tpu.memory_space<hbm>> -> memref<10000x128xf32, #tpu.memory_space<hbm>>
        tpu.wait_indirect_dma semaphore(%run_scoped3A_438 : memref<!tpu.dma_semaphore, #tpu.memory_space<semaphore_mem>>) src(%dma_wait3A_448 : memref<10000x128xf32, #tpu.memory_space<hbm>>) dst(%arg8 : memref<128x128xf32, #tpu.memory_space<vmem>>)
        tpu.yield
      }) : () -> ()
      %run_scoped3A_433 = arith.constant 5 : i32
      "tpu.region"() ({
        %run_scoped3A_438 = tpu.sem_alloc : memref<!tpu.dma_semaphore, #tpu.memory_space<semaphore_mem>>
        %dma_start3A = arith.constant 0 : i32
        %dma_start3A_439 = tpu.memref_slice %arg7[%run_scoped3A_433, %dma_start3A] : memref<8x128xi32, #tpu.memory_space<vmem>> -> memref<1x128xi32, #tpu.memory_space<vmem>>
        %dma_start3A_440 = tpu.memref_squeeze %dma_start3A_439 : memref<1x128xi32, #tpu.memory_space<vmem>> -> memref<128xi32, #tpu.memory_space<vmem>>
        %dma_start3A_441 = arith.constant 0 : i32
        %dma_start3A_442 = arith.constant 0 : i32
        %dma_start3A_443 = tpu.memref_slice %arg10[%dma_start3A_441, %dma_start3A_442] : memref<10112x128xf32, #tpu.memory_space<vmem_shared>> -> memref<10112x128xf32, #tpu.memory_space<vmem_shared>>
        tpu.enqueue_indirect_dma source(%arg8 : memref<128x128xf32, #tpu.memory_space<vmem>>) target(%dma_start3A_443 : memref<10112x128xf32, #tpu.memory_space<vmem_shared>>) offsets(%dma_start3A_440 : memref<128xi32, #tpu.memory_space<vmem>>) semaphore(%run_scoped3A_438 : memref<!tpu.dma_semaphore, #tpu.memory_space<semaphore_mem>>) {add = true}
        %dma_wait3A = arith.constant 0 : i32
        %dma_wait3A_444 = tpu.memref_slice %arg7[%run_scoped3A_433, %dma_wait3A] : memref<8x128xi32, #tpu.memory_space<vmem>> -> memref<1x128xi32, #tpu.memory_space<vmem>>
        %dma_wait3A_445 = tpu.memref_squeeze %dma_wait3A_444 : memref<1x128xi32, #tpu.memory_space<vmem>> -> memref<128xi32, #tpu.memory_space<vmem>>
        %dma_wait3A_446 = arith.constant 0 : i32
        %dma_wait3A_447 = arith.constant 0 : i32
        %dma_wait3A_448 = tpu.memref_slice %arg10[%dma_wait3A_446, %dma_wait3A_447] : memref<10112x128xf32, #tpu.memory_space<vmem_shared>> -> memref<10112x128xf32, #tpu.memory_space<vmem_shared>>
        tpu.wait_indirect_dma semaphore(%run_scoped3A_438 : memref<!tpu.dma_semaphore, #tpu.memory_space<semaphore_mem>>) src(%arg8 : memref<128x128xf32, #tpu.memory_space<vmem>>) dst(%dma_wait3A_448 : memref<10112x128xf32, #tpu.memory_space<vmem_shared>>)
        tpu.yield
      }) : () -> ()
      %run_scoped3A_434 = arith.constant 6 : i32
      "tpu.region"() ({
        %run_scoped3A_438 = tpu.sem_alloc : memref<!tpu.dma_semaphore, #tpu.memory_space<semaphore_mem>>
        %dma_start3A = arith.constant 0 : i32
        %dma_start3A_439 = tpu.memref_slice %arg6[%run_scoped3A_434, %dma_start3A] : memref<8x128xi32, #tpu.memory_space<vmem>> -> memref<1x128xi32, #tpu.memory_space<vmem>>
        %dma_start3A_440 = tpu.memref_squeeze %dma_start3A_439 : memref<1x128xi32, #tpu.memory_space<vmem>> -> memref<128xi32, #tpu.memory_space<vmem>>
        %dma_start3A_441 = arith.constant 0 : i32
        %dma_start3A_442 = arith.constant 0 : i32
        %dma_start3A_443 = tpu.memref_slice %arg4[%dma_start3A_441, %dma_start3A_442] : memref<10000x128xf32, #tpu.memory_space<hbm>> -> memref<10000x128xf32, #tpu.memory_space<hbm>>
        tpu.enqueue_indirect_dma source(%dma_start3A_443 : memref<10000x128xf32, #tpu.memory_space<hbm>>) target(%arg8 : memref<128x128xf32, #tpu.memory_space<vmem>>) offsets(%dma_start3A_440 : memref<128xi32, #tpu.memory_space<vmem>>) semaphore(%run_scoped3A_438 : memref<!tpu.dma_semaphore, #tpu.memory_space<semaphore_mem>>)
        %dma_wait3A = arith.constant 0 : i32
        %dma_wait3A_444 = tpu.memref_slice %arg6[%run_scoped3A_434, %dma_wait3A] : memref<8x128xi32, #tpu.memory_space<vmem>> -> memref<1x128xi32, #tpu.memory_space<vmem>>
        %dma_wait3A_445 = tpu.memref_squeeze %dma_wait3A_444 : memref<1x128xi32, #tpu.memory_space<vmem>> -> memref<128xi32, #tpu.memory_space<vmem>>
        %dma_wait3A_446 = arith.constant 0 : i32
        %dma_wait3A_447 = arith.constant 0 : i32
        %dma_wait3A_448 = tpu.memref_slice %arg4[%dma_wait3A_446, %dma_wait3A_447] : memref<10000x128xf32, #tpu.memory_space<hbm>> -> memref<10000x128xf32, #tpu.memory_space<hbm>>
        tpu.wait_indirect_dma semaphore(%run_scoped3A_438 : memref<!tpu.dma_semaphore, #tpu.memory_space<semaphore_mem>>) src(%dma_wait3A_448 : memref<10000x128xf32, #tpu.memory_space<hbm>>) dst(%arg8 : memref<128x128xf32, #tpu.memory_space<vmem>>)
        tpu.yield
      }) : () -> ()
      %run_scoped3A_435 = arith.constant 6 : i32
      "tpu.region"() ({
        %run_scoped3A_438 = tpu.sem_alloc : memref<!tpu.dma_semaphore, #tpu.memory_space<semaphore_mem>>
        %dma_start3A = arith.constant 0 : i32
        %dma_start3A_439 = tpu.memref_slice %arg7[%run_scoped3A_435, %dma_start3A] : memref<8x128xi32, #tpu.memory_space<vmem>> -> memref<1x128xi32, #tpu.memory_space<vmem>>
        %dma_start3A_440 = tpu.memref_squeeze %dma_start3A_439 : memref<1x128xi32, #tpu.memory_space<vmem>> -> memref<128xi32, #tpu.memory_space<vmem>>
        %dma_start3A_441 = arith.constant 0 : i32
        %dma_start3A_442 = arith.constant 0 : i32
        %dma_start3A_443 = tpu.memref_slice %arg10[%dma_start3A_441, %dma_start3A_442] : memref<10112x128xf32, #tpu.memory_space<vmem_shared>> -> memref<10112x128xf32, #tpu.memory_space<vmem_shared>>
        tpu.enqueue_indirect_dma source(%arg8 : memref<128x128xf32, #tpu.memory_space<vmem>>) target(%dma_start3A_443 : memref<10112x128xf32, #tpu.memory_space<vmem_shared>>) offsets(%dma_start3A_440 : memref<128xi32, #tpu.memory_space<vmem>>) semaphore(%run_scoped3A_438 : memref<!tpu.dma_semaphore, #tpu.memory_space<semaphore_mem>>) {add = true}
        %dma_wait3A = arith.constant 0 : i32
        %dma_wait3A_444 = tpu.memref_slice %arg7[%run_scoped3A_435, %dma_wait3A] : memref<8x128xi32, #tpu.memory_space<vmem>> -> memref<1x128xi32, #tpu.memory_space<vmem>>
        %dma_wait3A_445 = tpu.memref_squeeze %dma_wait3A_444 : memref<1x128xi32, #tpu.memory_space<vmem>> -> memref<128xi32, #tpu.memory_space<vmem>>
        %dma_wait3A_446 = arith.constant 0 : i32
        %dma_wait3A_447 = arith.constant 0 : i32
        %dma_wait3A_448 = tpu.memref_slice %arg10[%dma_wait3A_446, %dma_wait3A_447] : memref<10112x128xf32, #tpu.memory_space<vmem_shared>> -> memref<10112x128xf32, #tpu.memory_space<vmem_shared>>
        tpu.wait_indirect_dma semaphore(%run_scoped3A_438 : memref<!tpu.dma_semaphore, #tpu.memory_space<semaphore_mem>>) src(%arg8 : memref<128x128xf32, #tpu.memory_space<vmem>>) dst(%dma_wait3A_448 : memref<10112x128xf32, #tpu.memory_space<vmem_shared>>)
        tpu.yield
      }) : () -> ()
      %run_scoped3A_436 = arith.constant 7 : i32
      "tpu.region"() ({
        %run_scoped3A_438 = tpu.sem_alloc : memref<!tpu.dma_semaphore, #tpu.memory_space<semaphore_mem>>
        %dma_start3A = arith.constant 0 : i32
        %dma_start3A_439 = tpu.memref_slice %arg6[%run_scoped3A_436, %dma_start3A] : memref<8x128xi32, #tpu.memory_space<vmem>> -> memref<1x128xi32, #tpu.memory_space<vmem>>
        %dma_start3A_440 = tpu.memref_squeeze %dma_start3A_439 : memref<1x128xi32, #tpu.memory_space<vmem>> -> memref<128xi32, #tpu.memory_space<vmem>>
        %dma_start3A_441 = arith.constant 0 : i32
        %dma_start3A_442 = arith.constant 0 : i32
        %dma_start3A_443 = tpu.memref_slice %arg4[%dma_start3A_441, %dma_start3A_442] : memref<10000x128xf32, #tpu.memory_space<hbm>> -> memref<10000x128xf32, #tpu.memory_space<hbm>>
        tpu.enqueue_indirect_dma source(%dma_start3A_443 : memref<10000x128xf32, #tpu.memory_space<hbm>>) target(%arg8 : memref<128x128xf32, #tpu.memory_space<vmem>>) offsets(%dma_start3A_440 : memref<128xi32, #tpu.memory_space<vmem>>) semaphore(%run_scoped3A_438 : memref<!tpu.dma_semaphore, #tpu.memory_space<semaphore_mem>>)
        %dma_wait3A = arith.constant 0 : i32
        %dma_wait3A_444 = tpu.memref_slice %arg6[%run_scoped3A_436, %dma_wait3A] : memref<8x128xi32, #tpu.memory_space<vmem>> -> memref<1x128xi32, #tpu.memory_space<vmem>>
        %dma_wait3A_445 = tpu.memref_squeeze %dma_wait3A_444 : memref<1x128xi32, #tpu.memory_space<vmem>> -> memref<128xi32, #tpu.memory_space<vmem>>
        %dma_wait3A_446 = arith.constant 0 : i32
        %dma_wait3A_447 = arith.constant 0 : i32
        %dma_wait3A_448 = tpu.memref_slice %arg4[%dma_wait3A_446, %dma_wait3A_447] : memref<10000x128xf32, #tpu.memory_space<hbm>> -> memref<10000x128xf32, #tpu.memory_space<hbm>>
        tpu.wait_indirect_dma semaphore(%run_scoped3A_438 : memref<!tpu.dma_semaphore, #tpu.memory_space<semaphore_mem>>) src(%dma_wait3A_448 : memref<10000x128xf32, #tpu.memory_space<hbm>>) dst(%arg8 : memref<128x128xf32, #tpu.memory_space<vmem>>)
        tpu.yield
      }) : () -> ()
      %run_scoped3A_437 = arith.constant 7 : i32
      "tpu.region"() ({
        %run_scoped3A_438 = tpu.sem_alloc : memref<!tpu.dma_semaphore, #tpu.memory_space<semaphore_mem>>
        %dma_start3A = arith.constant 0 : i32
        %dma_start3A_439 = tpu.memref_slice %arg7[%run_scoped3A_437, %dma_start3A] : memref<8x128xi32, #tpu.memory_space<vmem>> -> memref<1x128xi32, #tpu.memory_space<vmem>>
        %dma_start3A_440 = tpu.memref_squeeze %dma_start3A_439 : memref<1x128xi32, #tpu.memory_space<vmem>> -> memref<128xi32, #tpu.memory_space<vmem>>
        %dma_start3A_441 = arith.constant 0 : i32
        %dma_start3A_442 = arith.constant 0 : i32
        %dma_start3A_443 = tpu.memref_slice %arg10[%dma_start3A_441, %dma_start3A_442] : memref<10112x128xf32, #tpu.memory_space<vmem_shared>> -> memref<10112x128xf32, #tpu.memory_space<vmem_shared>>
        tpu.enqueue_indirect_dma source(%arg8 : memref<128x128xf32, #tpu.memory_space<vmem>>) target(%dma_start3A_443 : memref<10112x128xf32, #tpu.memory_space<vmem_shared>>) offsets(%dma_start3A_440 : memref<128xi32, #tpu.memory_space<vmem>>) semaphore(%run_scoped3A_438 : memref<!tpu.dma_semaphore, #tpu.memory_space<semaphore_mem>>) {add = true}
        %dma_wait3A = arith.constant 0 : i32
        %dma_wait3A_444 = tpu.memref_slice %arg7[%run_scoped3A_437, %dma_wait3A] : memref<8x128xi32, #tpu.memory_space<vmem>> -> memref<1x128xi32, #tpu.memory_space<vmem>>
        %dma_wait3A_445 = tpu.memref_squeeze %dma_wait3A_444 : memref<1x128xi32, #tpu.memory_space<vmem>> -> memref<128xi32, #tpu.memory_space<vmem>>
        %dma_wait3A_446 = arith.constant 0 : i32
        %dma_wait3A_447 = arith.constant 0 : i32
        %dma_wait3A_448 = tpu.memref_slice %arg10[%dma_wait3A_446, %dma_wait3A_447] : memref<10112x128xf32, #tpu.memory_space<vmem_shared>> -> memref<10112x128xf32, #tpu.memory_space<vmem_shared>>
        tpu.wait_indirect_dma semaphore(%run_scoped3A_438 : memref<!tpu.dma_semaphore, #tpu.memory_space<semaphore_mem>>) src(%arg8 : memref<128x128xf32, #tpu.memory_space<vmem>>) dst(%dma_wait3A_448 : memref<10112x128xf32, #tpu.memory_space<vmem_shared>>)
        tpu.yield
      }) : () -> ()
    }
    %while3A_412 = arith.constant 1 : i32
    scf.for %while3A_418 = %while3A_410 to %while3A_406 step %while3A_412  : i32 {
      %mul3A_419 = arith.muli %while3A_418, %while3A : i32
      %add3A_420 = arith.addi %while3A_403, %mul3A_419 : i32
      %add3A_421 = arith.addi %select_n3A_396, %add3A_420 : i32
      "tpu.region"() ({
        %run_scoped3A_438 = tpu.sem_alloc : memref<!tpu.dma_semaphore, #tpu.memory_space<semaphore_mem>>
        %dma_start3A = arith.constant 0 : i32
        %dma_start3A_439 = tpu.memref_slice %arg2[%add3A_421, %dma_start3A] : memref<2560x128xi32, #tpu.memory_space<hbm>> -> memref<8x128xi32, #tpu.memory_space<hbm>>
        %dma_start3A_440 = arith.constant 0 : i32
        %dma_start3A_441 = tpu.memref_slice %arg2[%add3A_421, %dma_start3A_440] : memref<2560x128xi32, #tpu.memory_space<hbm>> -> memref<8x128xi32, #tpu.memory_space<hbm>>
        tpu.enqueue_dma source(%dma_start3A_441 : memref<8x128xi32, #tpu.memory_space<hbm>>) target(%arg6 : memref<8x128xi32, #tpu.memory_space<vmem>>) target_semaphore(%run_scoped3A_438 : memref<!tpu.dma_semaphore, #tpu.memory_space<semaphore_mem>>)
        %dma_wait3A = arith.constant 0 : i32
        %dma_wait3A_442 = tpu.memref_slice %arg2[%add3A_421, %dma_wait3A] : memref<2560x128xi32, #tpu.memory_space<hbm>> -> memref<8x128xi32, #tpu.memory_space<hbm>>
        %dma_wait3A_443 = arith.constant 0 : i32
        %dma_wait3A_444 = tpu.memref_slice %arg2[%add3A_421, %dma_wait3A_443] : memref<2560x128xi32, #tpu.memory_space<hbm>> -> memref<8x128xi32, #tpu.memory_space<hbm>>
        tpu.wait_dma2 semaphore(%run_scoped3A_438 : memref<!tpu.dma_semaphore, #tpu.memory_space<semaphore_mem>>) src(%dma_wait3A_444 : memref<8x128xi32, #tpu.memory_space<hbm>>) dst(%arg6 : memref<8x128xi32, #tpu.memory_space<vmem>>)
        tpu.yield
      }) : () -> ()
      %add3A_422 = arith.addi %select_n3A_396, %add3A_420 : i32
      "tpu.region"() ({
        %run_scoped3A_438 = tpu.sem_alloc : memref<!tpu.dma_semaphore, #tpu.memory_space<semaphore_mem>>
        %dma_start3A = arith.constant 0 : i32
        %dma_start3A_439 = tpu.memref_slice %arg3[%add3A_422, %dma_start3A] : memref<2560x128xi32, #tpu.memory_space<hbm>> -> memref<8x128xi32, #tpu.memory_space<hbm>>
        %dma_start3A_440 = arith.constant 0 : i32
        %dma_start3A_441 = tpu.memref_slice %arg3[%add3A_422, %dma_start3A_440] : memref<2560x128xi32, #tpu.memory_space<hbm>> -> memref<8x128xi32, #tpu.memory_space<hbm>>
        tpu.enqueue_dma source(%dma_start3A_441 : memref<8x128xi32, #tpu.memory_space<hbm>>) target(%arg7 : memref<8x128xi32, #tpu.memory_space<vmem>>) target_semaphore(%run_scoped3A_438 : memref<!tpu.dma_semaphore, #tpu.memory_space<semaphore_mem>>)
        %dma_wait3A = arith.constant 0 : i32
        %dma_wait3A_442 = tpu.memref_slice %arg3[%add3A_422, %dma_wait3A] : memref<2560x128xi32, #tpu.memory_space<hbm>> -> memref<8x128xi32, #tpu.memory_space<hbm>>
        %dma_wait3A_443 = arith.constant 0 : i32
        %dma_wait3A_444 = tpu.memref_slice %arg3[%add3A_422, %dma_wait3A_443] : memref<2560x128xi32, #tpu.memory_space<hbm>> -> memref<8x128xi32, #tpu.memory_space<hbm>>
        tpu.wait_dma2 semaphore(%run_scoped3A_438 : memref<!tpu.dma_semaphore, #tpu.memory_space<semaphore_mem>>) src(%dma_wait3A_444 : memref<8x128xi32, #tpu.memory_space<hbm>>) dst(%arg7 : memref<8x128xi32, #tpu.memory_space<vmem>>)
        tpu.yield
      }) : () -> ()
      %run_scoped3A = arith.constant 0 : i32
      "tpu.region"() ({
        %run_scoped3A_438 = tpu.sem_alloc : memref<!tpu.dma_semaphore, #tpu.memory_space<semaphore_mem>>
        %dma_start3A = arith.constant 0 : i32
        %dma_start3A_439 = tpu.memref_slice %arg6[%run_scoped3A, %dma_start3A] : memref<8x128xi32, #tpu.memory_space<vmem>> -> memref<1x128xi32, #tpu.memory_space<vmem>>
        %dma_start3A_440 = tpu.memref_squeeze %dma_start3A_439 : memref<1x128xi32, #tpu.memory_space<vmem>> -> memref<128xi32, #tpu.memory_space<vmem>>
        %dma_start3A_441 = arith.constant 0 : i32
        %dma_start3A_442 = arith.constant 0 : i32
        %dma_start3A_443 = tpu.memref_slice %arg4[%dma_start3A_441, %dma_start3A_442] : memref<10000x128xf32, #tpu.memory_space<hbm>> -> memref<10000x128xf32, #tpu.memory_space<hbm>>
        tpu.enqueue_indirect_dma source(%dma_start3A_443 : memref<10000x128xf32, #tpu.memory_space<hbm>>) target(%arg8 : memref<128x128xf32, #tpu.memory_space<vmem>>) offsets(%dma_start3A_440 : memref<128xi32, #tpu.memory_space<vmem>>) semaphore(%run_scoped3A_438 : memref<!tpu.dma_semaphore, #tpu.memory_space<semaphore_mem>>)
        %dma_wait3A = arith.constant 0 : i32
        %dma_wait3A_444 = tpu.memref_slice %arg6[%run_scoped3A, %dma_wait3A] : memref<8x128xi32, #tpu.memory_space<vmem>> -> memref<1x128xi32, #tpu.memory_space<vmem>>
        %dma_wait3A_445 = tpu.memref_squeeze %dma_wait3A_444 : memref<1x128xi32, #tpu.memory_space<vmem>> -> memref<128xi32, #tpu.memory_space<vmem>>
        %dma_wait3A_446 = arith.constant 0 : i32
        %dma_wait3A_447 = arith.constant 0 : i32
        %dma_wait3A_448 = tpu.memref_slice %arg4[%dma_wait3A_446, %dma_wait3A_447] : memref<10000x128xf32, #tpu.memory_space<hbm>> -> memref<10000x128xf32, #tpu.memory_space<hbm>>
        tpu.wait_indirect_dma semaphore(%run_scoped3A_438 : memref<!tpu.dma_semaphore, #tpu.memory_space<semaphore_mem>>) src(%dma_wait3A_448 : memref<10000x128xf32, #tpu.memory_space<hbm>>) dst(%arg8 : memref<128x128xf32, #tpu.memory_space<vmem>>)
        tpu.yield
      }) : () -> ()
      %run_scoped3A_423 = arith.constant 0 : i32
      "tpu.region"() ({
        %run_scoped3A_438 = tpu.sem_alloc : memref<!tpu.dma_semaphore, #tpu.memory_space<semaphore_mem>>
        %dma_start3A = arith.constant 0 : i32
        %dma_start3A_439 = tpu.memref_slice %arg7[%run_scoped3A_423, %dma_start3A] : memref<8x128xi32, #tpu.memory_space<vmem>> -> memref<1x128xi32, #tpu.memory_space<vmem>>
        %dma_start3A_440 = tpu.memref_squeeze %dma_start3A_439 : memref<1x128xi32, #tpu.memory_space<vmem>> -> memref<128xi32, #tpu.memory_space<vmem>>
        %dma_start3A_441 = arith.constant 0 : i32
        %dma_start3A_442 = arith.constant 0 : i32
        %dma_start3A_443 = tpu.memref_slice %arg10[%dma_start3A_441, %dma_start3A_442] : memref<10112x128xf32, #tpu.memory_space<vmem_shared>> -> memref<10112x128xf32, #tpu.memory_space<vmem_shared>>
        tpu.enqueue_indirect_dma source(%arg8 : memref<128x128xf32, #tpu.memory_space<vmem>>) target(%dma_start3A_443 : memref<10112x128xf32, #tpu.memory_space<vmem_shared>>) offsets(%dma_start3A_440 : memref<128xi32, #tpu.memory_space<vmem>>) semaphore(%run_scoped3A_438 : memref<!tpu.dma_semaphore, #tpu.memory_space<semaphore_mem>>) {add = true}
        %dma_wait3A = arith.constant 0 : i32
        %dma_wait3A_444 = tpu.memref_slice %arg7[%run_scoped3A_423, %dma_wait3A] : memref<8x128xi32, #tpu.memory_space<vmem>> -> memref<1x128xi32, #tpu.memory_space<vmem>>
        %dma_wait3A_445 = tpu.memref_squeeze %dma_wait3A_444 : memref<1x128xi32, #tpu.memory_space<vmem>> -> memref<128xi32, #tpu.memory_space<vmem>>
        %dma_wait3A_446 = arith.constant 0 : i32
        %dma_wait3A_447 = arith.constant 0 : i32
        %dma_wait3A_448 = tpu.memref_slice %arg10[%dma_wait3A_446, %dma_wait3A_447] : memref<10112x128xf32, #tpu.memory_space<vmem_shared>> -> memref<10112x128xf32, #tpu.memory_space<vmem_shared>>
        tpu.wait_indirect_dma semaphore(%run_scoped3A_438 : memref<!tpu.dma_semaphore, #tpu.memory_space<semaphore_mem>>) src(%arg8 : memref<128x128xf32, #tpu.memory_space<vmem>>) dst(%dma_wait3A_448 : memref<10112x128xf32, #tpu.memory_space<vmem_shared>>)
        tpu.yield
      }) : () -> ()
      %run_scoped3A_424 = arith.constant 1 : i32
      "tpu.region"() ({
        %run_scoped3A_438 = tpu.sem_alloc : memref<!tpu.dma_semaphore, #tpu.memory_space<semaphore_mem>>
        %dma_start3A = arith.constant 0 : i32
        %dma_start3A_439 = tpu.memref_slice %arg6[%run_scoped3A_424, %dma_start3A] : memref<8x128xi32, #tpu.memory_space<vmem>> -> memref<1x128xi32, #tpu.memory_space<vmem>>
        %dma_start3A_440 = tpu.memref_squeeze %dma_start3A_439 : memref<1x128xi32, #tpu.memory_space<vmem>> -> memref<128xi32, #tpu.memory_space<vmem>>
        %dma_start3A_441 = arith.constant 0 : i32
        %dma_start3A_442 = arith.constant 0 : i32
        %dma_start3A_443 = tpu.memref_slice %arg4[%dma_start3A_441, %dma_start3A_442] : memref<10000x128xf32, #tpu.memory_space<hbm>> -> memref<10000x128xf32, #tpu.memory_space<hbm>>
        tpu.enqueue_indirect_dma source(%dma_start3A_443 : memref<10000x128xf32, #tpu.memory_space<hbm>>) target(%arg8 : memref<128x128xf32, #tpu.memory_space<vmem>>) offsets(%dma_start3A_440 : memref<128xi32, #tpu.memory_space<vmem>>) semaphore(%run_scoped3A_438 : memref<!tpu.dma_semaphore, #tpu.memory_space<semaphore_mem>>)
        %dma_wait3A = arith.constant 0 : i32
        %dma_wait3A_444 = tpu.memref_slice %arg6[%run_scoped3A_424, %dma_wait3A] : memref<8x128xi32, #tpu.memory_space<vmem>> -> memref<1x128xi32, #tpu.memory_space<vmem>>
        %dma_wait3A_445 = tpu.memref_squeeze %dma_wait3A_444 : memref<1x128xi32, #tpu.memory_space<vmem>> -> memref<128xi32, #tpu.memory_space<vmem>>
        %dma_wait3A_446 = arith.constant 0 : i32
        %dma_wait3A_447 = arith.constant 0 : i32
        %dma_wait3A_448 = tpu.memref_slice %arg4[%dma_wait3A_446, %dma_wait3A_447] : memref<10000x128xf32, #tpu.memory_space<hbm>> -> memref<10000x128xf32, #tpu.memory_space<hbm>>
        tpu.wait_indirect_dma semaphore(%run_scoped3A_438 : memref<!tpu.dma_semaphore, #tpu.memory_space<semaphore_mem>>) src(%dma_wait3A_448 : memref<10000x128xf32, #tpu.memory_space<hbm>>) dst(%arg8 : memref<128x128xf32, #tpu.memory_space<vmem>>)
        tpu.yield
      }) : () -> ()
      %run_scoped3A_425 = arith.constant 1 : i32
      "tpu.region"() ({
        %run_scoped3A_438 = tpu.sem_alloc : memref<!tpu.dma_semaphore, #tpu.memory_space<semaphore_mem>>
        %dma_start3A = arith.constant 0 : i32
        %dma_start3A_439 = tpu.memref_slice %arg7[%run_scoped3A_425, %dma_start3A] : memref<8x128xi32, #tpu.memory_space<vmem>> -> memref<1x128xi32, #tpu.memory_space<vmem>>
        %dma_start3A_440 = tpu.memref_squeeze %dma_start3A_439 : memref<1x128xi32, #tpu.memory_space<vmem>> -> memref<128xi32, #tpu.memory_space<vmem>>
        %dma_start3A_441 = arith.constant 0 : i32
        %dma_start3A_442 = arith.constant 0 : i32
        %dma_start3A_443 = tpu.memref_slice %arg10[%dma_start3A_441, %dma_start3A_442] : memref<10112x128xf32, #tpu.memory_space<vmem_shared>> -> memref<10112x128xf32, #tpu.memory_space<vmem_shared>>
        tpu.enqueue_indirect_dma source(%arg8 : memref<128x128xf32, #tpu.memory_space<vmem>>) target(%dma_start3A_443 : memref<10112x128xf32, #tpu.memory_space<vmem_shared>>) offsets(%dma_start3A_440 : memref<128xi32, #tpu.memory_space<vmem>>) semaphore(%run_scoped3A_438 : memref<!tpu.dma_semaphore, #tpu.memory_space<semaphore_mem>>) {add = true}
        %dma_wait3A = arith.constant 0 : i32
        %dma_wait3A_444 = tpu.memref_slice %arg7[%run_scoped3A_425, %dma_wait3A] : memref<8x128xi32, #tpu.memory_space<vmem>> -> memref<1x128xi32, #tpu.memory_space<vmem>>
        %dma_wait3A_445 = tpu.memref_squeeze %dma_wait3A_444 : memref<1x128xi32, #tpu.memory_space<vmem>> -> memref<128xi32, #tpu.memory_space<vmem>>
        %dma_wait3A_446 = arith.constant 0 : i32
        %dma_wait3A_447 = arith.constant 0 : i32
        %dma_wait3A_448 = tpu.memref_slice %arg10[%dma_wait3A_446, %dma_wait3A_447] : memref<10112x128xf32, #tpu.memory_space<vmem_shared>> -> memref<10112x128xf32, #tpu.memory_space<vmem_shared>>
        tpu.wait_indirect_dma semaphore(%run_scoped3A_438 : memref<!tpu.dma_semaphore, #tpu.memory_space<semaphore_mem>>) src(%arg8 : memref<128x128xf32, #tpu.memory_space<vmem>>) dst(%dma_wait3A_448 : memref<10112x128xf32, #tpu.memory_space<vmem_shared>>)
        tpu.yield
      }) : () -> ()
      %run_scoped3A_426 = arith.constant 2 : i32
      "tpu.region"() ({
        %run_scoped3A_438 = tpu.sem_alloc : memref<!tpu.dma_semaphore, #tpu.memory_space<semaphore_mem>>
        %dma_start3A = arith.constant 0 : i32
        %dma_start3A_439 = tpu.memref_slice %arg6[%run_scoped3A_426, %dma_start3A] : memref<8x128xi32, #tpu.memory_space<vmem>> -> memref<1x128xi32, #tpu.memory_space<vmem>>
        %dma_start3A_440 = tpu.memref_squeeze %dma_start3A_439 : memref<1x128xi32, #tpu.memory_space<vmem>> -> memref<128xi32, #tpu.memory_space<vmem>>
        %dma_start3A_441 = arith.constant 0 : i32
        %dma_start3A_442 = arith.constant 0 : i32
        %dma_start3A_443 = tpu.memref_slice %arg4[%dma_start3A_441, %dma_start3A_442] : memref<10000x128xf32, #tpu.memory_space<hbm>> -> memref<10000x128xf32, #tpu.memory_space<hbm>>
        tpu.enqueue_indirect_dma source(%dma_start3A_443 : memref<10000x128xf32, #tpu.memory_space<hbm>>) target(%arg8 : memref<128x128xf32, #tpu.memory_space<vmem>>) offsets(%dma_start3A_440 : memref<128xi32, #tpu.memory_space<vmem>>) semaphore(%run_scoped3A_438 : memref<!tpu.dma_semaphore, #tpu.memory_space<semaphore_mem>>)
        %dma_wait3A = arith.constant 0 : i32
        %dma_wait3A_444 = tpu.memref_slice %arg6[%run_scoped3A_426, %dma_wait3A] : memref<8x128xi32, #tpu.memory_space<vmem>> -> memref<1x128xi32, #tpu.memory_space<vmem>>
        %dma_wait3A_445 = tpu.memref_squeeze %dma_wait3A_444 : memref<1x128xi32, #tpu.memory_space<vmem>> -> memref<128xi32, #tpu.memory_space<vmem>>
        %dma_wait3A_446 = arith.constant 0 : i32
        %dma_wait3A_447 = arith.constant 0 : i32
        %dma_wait3A_448 = tpu.memref_slice %arg4[%dma_wait3A_446, %dma_wait3A_447] : memref<10000x128xf32, #tpu.memory_space<hbm>> -> memref<10000x128xf32, #tpu.memory_space<hbm>>
        tpu.wait_indirect_dma semaphore(%run_scoped3A_438 : memref<!tpu.dma_semaphore, #tpu.memory_space<semaphore_mem>>) src(%dma_wait3A_448 : memref<10000x128xf32, #tpu.memory_space<hbm>>) dst(%arg8 : memref<128x128xf32, #tpu.memory_space<vmem>>)
        tpu.yield
      }) : () -> ()
      %run_scoped3A_427 = arith.constant 2 : i32
      "tpu.region"() ({
        %run_scoped3A_438 = tpu.sem_alloc : memref<!tpu.dma_semaphore, #tpu.memory_space<semaphore_mem>>
        %dma_start3A = arith.constant 0 : i32
        %dma_start3A_439 = tpu.memref_slice %arg7[%run_scoped3A_427, %dma_start3A] : memref<8x128xi32, #tpu.memory_space<vmem>> -> memref<1x128xi32, #tpu.memory_space<vmem>>
        %dma_start3A_440 = tpu.memref_squeeze %dma_start3A_439 : memref<1x128xi32, #tpu.memory_space<vmem>> -> memref<128xi32, #tpu.memory_space<vmem>>
        %dma_start3A_441 = arith.constant 0 : i32
        %dma_start3A_442 = arith.constant 0 : i32
        %dma_start3A_443 = tpu.memref_slice %arg10[%dma_start3A_441, %dma_start3A_442] : memref<10112x128xf32, #tpu.memory_space<vmem_shared>> -> memref<10112x128xf32, #tpu.memory_space<vmem_shared>>
        tpu.enqueue_indirect_dma source(%arg8 : memref<128x128xf32, #tpu.memory_space<vmem>>) target(%dma_start3A_443 : memref<10112x128xf32, #tpu.memory_space<vmem_shared>>) offsets(%dma_start3A_440 : memref<128xi32, #tpu.memory_space<vmem>>) semaphore(%run_scoped3A_438 : memref<!tpu.dma_semaphore, #tpu.memory_space<semaphore_mem>>) {add = true}
        %dma_wait3A = arith.constant 0 : i32
        %dma_wait3A_444 = tpu.memref_slice %arg7[%run_scoped3A_427, %dma_wait3A] : memref<8x128xi32, #tpu.memory_space<vmem>> -> memref<1x128xi32, #tpu.memory_space<vmem>>
        %dma_wait3A_445 = tpu.memref_squeeze %dma_wait3A_444 : memref<1x128xi32, #tpu.memory_space<vmem>> -> memref<128xi32, #tpu.memory_space<vmem>>
        %dma_wait3A_446 = arith.constant 0 : i32
        %dma_wait3A_447 = arith.constant 0 : i32
        %dma_wait3A_448 = tpu.memref_slice %arg10[%dma_wait3A_446, %dma_wait3A_447] : memref<10112x128xf32, #tpu.memory_space<vmem_shared>> -> memref<10112x128xf32, #tpu.memory_space<vmem_shared>>
        tpu.wait_indirect_dma semaphore(%run_scoped3A_438 : memref<!tpu.dma_semaphore, #tpu.memory_space<semaphore_mem>>) src(%arg8 : memref<128x128xf32, #tpu.memory_space<vmem>>) dst(%dma_wait3A_448 : memref<10112x128xf32, #tpu.memory_space<vmem_shared>>)
        tpu.yield
      }) : () -> ()
      %run_scoped3A_428 = arith.constant 3 : i32
      "tpu.region"() ({
        %run_scoped3A_438 = tpu.sem_alloc : memref<!tpu.dma_semaphore, #tpu.memory_space<semaphore_mem>>
        %dma_start3A = arith.constant 0 : i32
        %dma_start3A_439 = tpu.memref_slice %arg6[%run_scoped3A_428, %dma_start3A] : memref<8x128xi32, #tpu.memory_space<vmem>> -> memref<1x128xi32, #tpu.memory_space<vmem>>
        %dma_start3A_440 = tpu.memref_squeeze %dma_start3A_439 : memref<1x128xi32, #tpu.memory_space<vmem>> -> memref<128xi32, #tpu.memory_space<vmem>>
        %dma_start3A_441 = arith.constant 0 : i32
        %dma_start3A_442 = arith.constant 0 : i32
        %dma_start3A_443 = tpu.memref_slice %arg4[%dma_start3A_441, %dma_start3A_442] : memref<10000x128xf32, #tpu.memory_space<hbm>> -> memref<10000x128xf32, #tpu.memory_space<hbm>>
        tpu.enqueue_indirect_dma source(%dma_start3A_443 : memref<10000x128xf32, #tpu.memory_space<hbm>>) target(%arg8 : memref<128x128xf32, #tpu.memory_space<vmem>>) offsets(%dma_start3A_440 : memref<128xi32, #tpu.memory_space<vmem>>) semaphore(%run_scoped3A_438 : memref<!tpu.dma_semaphore, #tpu.memory_space<semaphore_mem>>)
        %dma_wait3A = arith.constant 0 : i32
        %dma_wait3A_444 = tpu.memref_slice %arg6[%run_scoped3A_428, %dma_wait3A] : memref<8x128xi32, #tpu.memory_space<vmem>> -> memref<1x128xi32, #tpu.memory_space<vmem>>
        %dma_wait3A_445 = tpu.memref_squeeze %dma_wait3A_444 : memref<1x128xi32, #tpu.memory_space<vmem>> -> memref<128xi32, #tpu.memory_space<vmem>>
        %dma_wait3A_446 = arith.constant 0 : i32
        %dma_wait3A_447 = arith.constant 0 : i32
        %dma_wait3A_448 = tpu.memref_slice %arg4[%dma_wait3A_446, %dma_wait3A_447] : memref<10000x128xf32, #tpu.memory_space<hbm>> -> memref<10000x128xf32, #tpu.memory_space<hbm>>
        tpu.wait_indirect_dma semaphore(%run_scoped3A_438 : memref<!tpu.dma_semaphore, #tpu.memory_space<semaphore_mem>>) src(%dma_wait3A_448 : memref<10000x128xf32, #tpu.memory_space<hbm>>) dst(%arg8 : memref<128x128xf32, #tpu.memory_space<vmem>>)
        tpu.yield
      }) : () -> ()
      %run_scoped3A_429 = arith.constant 3 : i32
      "tpu.region"() ({
        %run_scoped3A_438 = tpu.sem_alloc : memref<!tpu.dma_semaphore, #tpu.memory_space<semaphore_mem>>
        %dma_start3A = arith.constant 0 : i32
        %dma_start3A_439 = tpu.memref_slice %arg7[%run_scoped3A_429, %dma_start3A] : memref<8x128xi32, #tpu.memory_space<vmem>> -> memref<1x128xi32, #tpu.memory_space<vmem>>
        %dma_start3A_440 = tpu.memref_squeeze %dma_start3A_439 : memref<1x128xi32, #tpu.memory_space<vmem>> -> memref<128xi32, #tpu.memory_space<vmem>>
        %dma_start3A_441 = arith.constant 0 : i32
        %dma_start3A_442 = arith.constant 0 : i32
        %dma_start3A_443 = tpu.memref_slice %arg10[%dma_start3A_441, %dma_start3A_442] : memref<10112x128xf32, #tpu.memory_space<vmem_shared>> -> memref<10112x128xf32, #tpu.memory_space<vmem_shared>>
        tpu.enqueue_indirect_dma source(%arg8 : memref<128x128xf32, #tpu.memory_space<vmem>>) target(%dma_start3A_443 : memref<10112x128xf32, #tpu.memory_space<vmem_shared>>) offsets(%dma_start3A_440 : memref<128xi32, #tpu.memory_space<vmem>>) semaphore(%run_scoped3A_438 : memref<!tpu.dma_semaphore, #tpu.memory_space<semaphore_mem>>) {add = true}
        %dma_wait3A = arith.constant 0 : i32
        %dma_wait3A_444 = tpu.memref_slice %arg7[%run_scoped3A_429, %dma_wait3A] : memref<8x128xi32, #tpu.memory_space<vmem>> -> memref<1x128xi32, #tpu.memory_space<vmem>>
        %dma_wait3A_445 = tpu.memref_squeeze %dma_wait3A_444 : memref<1x128xi32, #tpu.memory_space<vmem>> -> memref<128xi32, #tpu.memory_space<vmem>>
        %dma_wait3A_446 = arith.constant 0 : i32
        %dma_wait3A_447 = arith.constant 0 : i32
        %dma_wait3A_448 = tpu.memref_slice %arg10[%dma_wait3A_446, %dma_wait3A_447] : memref<10112x128xf32, #tpu.memory_space<vmem_shared>> -> memref<10112x128xf32, #tpu.memory_space<vmem_shared>>
        tpu.wait_indirect_dma semaphore(%run_scoped3A_438 : memref<!tpu.dma_semaphore, #tpu.memory_space<semaphore_mem>>) src(%arg8 : memref<128x128xf32, #tpu.memory_space<vmem>>) dst(%dma_wait3A_448 : memref<10112x128xf32, #tpu.memory_space<vmem_shared>>)
        tpu.yield
      }) : () -> ()
      %run_scoped3A_430 = arith.constant 4 : i32
      "tpu.region"() ({
        %run_scoped3A_438 = tpu.sem_alloc : memref<!tpu.dma_semaphore, #tpu.memory_space<semaphore_mem>>
        %dma_start3A = arith.constant 0 : i32
        %dma_start3A_439 = tpu.memref_slice %arg6[%run_scoped3A_430, %dma_start3A] : memref<8x128xi32, #tpu.memory_space<vmem>> -> memref<1x128xi32, #tpu.memory_space<vmem>>
        %dma_start3A_440 = tpu.memref_squeeze %dma_start3A_439 : memref<1x128xi32, #tpu.memory_space<vmem>> -> memref<128xi32, #tpu.memory_space<vmem>>
        %dma_start3A_441 = arith.constant 0 : i32
        %dma_start3A_442 = arith.constant 0 : i32
        %dma_start3A_443 = tpu.memref_slice %arg4[%dma_start3A_441, %dma_start3A_442] : memref<10000x128xf32, #tpu.memory_space<hbm>> -> memref<10000x128xf32, #tpu.memory_space<hbm>>
        tpu.enqueue_indirect_dma source(%dma_start3A_443 : memref<10000x128xf32, #tpu.memory_space<hbm>>) target(%arg8 : memref<128x128xf32, #tpu.memory_space<vmem>>) offsets(%dma_start3A_440 : memref<128xi32, #tpu.memory_space<vmem>>) semaphore(%run_scoped3A_438 : memref<!tpu.dma_semaphore, #tpu.memory_space<semaphore_mem>>)
        %dma_wait3A = arith.constant 0 : i32
        %dma_wait3A_444 = tpu.memref_slice %arg6[%run_scoped3A_430, %dma_wait3A] : memref<8x128xi32, #tpu.memory_space<vmem>> -> memref<1x128xi32, #tpu.memory_space<vmem>>
        %dma_wait3A_445 = tpu.memref_squeeze %dma_wait3A_444 : memref<1x128xi32, #tpu.memory_space<vmem>> -> memref<128xi32, #tpu.memory_space<vmem>>
        %dma_wait3A_446 = arith.constant 0 : i32
        %dma_wait3A_447 = arith.constant 0 : i32
        %dma_wait3A_448 = tpu.memref_slice %arg4[%dma_wait3A_446, %dma_wait3A_447] : memref<10000x128xf32, #tpu.memory_space<hbm>> -> memref<10000x128xf32, #tpu.memory_space<hbm>>
        tpu.wait_indirect_dma semaphore(%run_scoped3A_438 : memref<!tpu.dma_semaphore, #tpu.memory_space<semaphore_mem>>) src(%dma_wait3A_448 : memref<10000x128xf32, #tpu.memory_space<hbm>>) dst(%arg8 : memref<128x128xf32, #tpu.memory_space<vmem>>)
        tpu.yield
      }) : () -> ()
      %run_scoped3A_431 = arith.constant 4 : i32
      "tpu.region"() ({
        %run_scoped3A_438 = tpu.sem_alloc : memref<!tpu.dma_semaphore, #tpu.memory_space<semaphore_mem>>
        %dma_start3A = arith.constant 0 : i32
        %dma_start3A_439 = tpu.memref_slice %arg7[%run_scoped3A_431, %dma_start3A] : memref<8x128xi32, #tpu.memory_space<vmem>> -> memref<1x128xi32, #tpu.memory_space<vmem>>
        %dma_start3A_440 = tpu.memref_squeeze %dma_start3A_439 : memref<1x128xi32, #tpu.memory_space<vmem>> -> memref<128xi32, #tpu.memory_space<vmem>>
        %dma_start3A_441 = arith.constant 0 : i32
        %dma_start3A_442 = arith.constant 0 : i32
        %dma_start3A_443 = tpu.memref_slice %arg10[%dma_start3A_441, %dma_start3A_442] : memref<10112x128xf32, #tpu.memory_space<vmem_shared>> -> memref<10112x128xf32, #tpu.memory_space<vmem_shared>>
        tpu.enqueue_indirect_dma source(%arg8 : memref<128x128xf32, #tpu.memory_space<vmem>>) target(%dma_start3A_443 : memref<10112x128xf32, #tpu.memory_space<vmem_shared>>) offsets(%dma_start3A_440 : memref<128xi32, #tpu.memory_space<vmem>>) semaphore(%run_scoped3A_438 : memref<!tpu.dma_semaphore, #tpu.memory_space<semaphore_mem>>) {add = true}
        %dma_wait3A = arith.constant 0 : i32
        %dma_wait3A_444 = tpu.memref_slice %arg7[%run_scoped3A_431, %dma_wait3A] : memref<8x128xi32, #tpu.memory_space<vmem>> -> memref<1x128xi32, #tpu.memory_space<vmem>>
        %dma_wait3A_445 = tpu.memref_squeeze %dma_wait3A_444 : memref<1x128xi32, #tpu.memory_space<vmem>> -> memref<128xi32, #tpu.memory_space<vmem>>
        %dma_wait3A_446 = arith.constant 0 : i32
        %dma_wait3A_447 = arith.constant 0 : i32
        %dma_wait3A_448 = tpu.memref_slice %arg10[%dma_wait3A_446, %dma_wait3A_447] : memref<10112x128xf32, #tpu.memory_space<vmem_shared>> -> memref<10112x128xf32, #tpu.memory_space<vmem_shared>>
        tpu.wait_indirect_dma semaphore(%run_scoped3A_438 : memref<!tpu.dma_semaphore, #tpu.memory_space<semaphore_mem>>) src(%arg8 : memref<128x128xf32, #tpu.memory_space<vmem>>) dst(%dma_wait3A_448 : memref<10112x128xf32, #tpu.memory_space<vmem_shared>>)
        tpu.yield
      }) : () -> ()
      %run_scoped3A_432 = arith.constant 5 : i32
      "tpu.region"() ({
        %run_scoped3A_438 = tpu.sem_alloc : memref<!tpu.dma_semaphore, #tpu.memory_space<semaphore_mem>>
        %dma_start3A = arith.constant 0 : i32
        %dma_start3A_439 = tpu.memref_slice %arg6[%run_scoped3A_432, %dma_start3A] : memref<8x128xi32, #tpu.memory_space<vmem>> -> memref<1x128xi32, #tpu.memory_space<vmem>>
        %dma_start3A_440 = tpu.memref_squeeze %dma_start3A_439 : memref<1x128xi32, #tpu.memory_space<vmem>> -> memref<128xi32, #tpu.memory_space<vmem>>
        %dma_start3A_441 = arith.constant 0 : i32
        %dma_start3A_442 = arith.constant 0 : i32
        %dma_start3A_443 = tpu.memref_slice %arg4[%dma_start3A_441, %dma_start3A_442] : memref<10000x128xf32, #tpu.memory_space<hbm>> -> memref<10000x128xf32, #tpu.memory_space<hbm>>
        tpu.enqueue_indirect_dma source(%dma_start3A_443 : memref<10000x128xf32, #tpu.memory_space<hbm>>) target(%arg8 : memref<128x128xf32, #tpu.memory_space<vmem>>) offsets(%dma_start3A_440 : memref<128xi32, #tpu.memory_space<vmem>>) semaphore(%run_scoped3A_438 : memref<!tpu.dma_semaphore, #tpu.memory_space<semaphore_mem>>)
        %dma_wait3A = arith.constant 0 : i32
        %dma_wait3A_444 = tpu.memref_slice %arg6[%run_scoped3A_432, %dma_wait3A] : memref<8x128xi32, #tpu.memory_space<vmem>> -> memref<1x128xi32, #tpu.memory_space<vmem>>
        %dma_wait3A_445 = tpu.memref_squeeze %dma_wait3A_444 : memref<1x128xi32, #tpu.memory_space<vmem>> -> memref<128xi32, #tpu.memory_space<vmem>>
        %dma_wait3A_446 = arith.constant 0 : i32
        %dma_wait3A_447 = arith.constant 0 : i32
        %dma_wait3A_448 = tpu.memref_slice %arg4[%dma_wait3A_446, %dma_wait3A_447] : memref<10000x128xf32, #tpu.memory_space<hbm>> -> memref<10000x128xf32, #tpu.memory_space<hbm>>
        tpu.wait_indirect_dma semaphore(%run_scoped3A_438 : memref<!tpu.dma_semaphore, #tpu.memory_space<semaphore_mem>>) src(%dma_wait3A_448 : memref<10000x128xf32, #tpu.memory_space<hbm>>) dst(%arg8 : memref<128x128xf32, #tpu.memory_space<vmem>>)
        tpu.yield
      }) : () -> ()
      %run_scoped3A_433 = arith.constant 5 : i32
      "tpu.region"() ({
        %run_scoped3A_438 = tpu.sem_alloc : memref<!tpu.dma_semaphore, #tpu.memory_space<semaphore_mem>>
        %dma_start3A = arith.constant 0 : i32
        %dma_start3A_439 = tpu.memref_slice %arg7[%run_scoped3A_433, %dma_start3A] : memref<8x128xi32, #tpu.memory_space<vmem>> -> memref<1x128xi32, #tpu.memory_space<vmem>>
        %dma_start3A_440 = tpu.memref_squeeze %dma_start3A_439 : memref<1x128xi32, #tpu.memory_space<vmem>> -> memref<128xi32, #tpu.memory_space<vmem>>
        %dma_start3A_441 = arith.constant 0 : i32
        %dma_start3A_442 = arith.constant 0 : i32
        %dma_start3A_443 = tpu.memref_slice %arg10[%dma_start3A_441, %dma_start3A_442] : memref<10112x128xf32, #tpu.memory_space<vmem_shared>> -> memref<10112x128xf32, #tpu.memory_space<vmem_shared>>
        tpu.enqueue_indirect_dma source(%arg8 : memref<128x128xf32, #tpu.memory_space<vmem>>) target(%dma_start3A_443 : memref<10112x128xf32, #tpu.memory_space<vmem_shared>>) offsets(%dma_start3A_440 : memref<128xi32, #tpu.memory_space<vmem>>) semaphore(%run_scoped3A_438 : memref<!tpu.dma_semaphore, #tpu.memory_space<semaphore_mem>>) {add = true}
        %dma_wait3A = arith.constant 0 : i32
        %dma_wait3A_444 = tpu.memref_slice %arg7[%run_scoped3A_433, %dma_wait3A] : memref<8x128xi32, #tpu.memory_space<vmem>> -> memref<1x128xi32, #tpu.memory_space<vmem>>
        %dma_wait3A_445 = tpu.memref_squeeze %dma_wait3A_444 : memref<1x128xi32, #tpu.memory_space<vmem>> -> memref<128xi32, #tpu.memory_space<vmem>>
        %dma_wait3A_446 = arith.constant 0 : i32
        %dma_wait3A_447 = arith.constant 0 : i32
        %dma_wait3A_448 = tpu.memref_slice %arg10[%dma_wait3A_446, %dma_wait3A_447] : memref<10112x128xf32, #tpu.memory_space<vmem_shared>> -> memref<10112x128xf32, #tpu.memory_space<vmem_shared>>
        tpu.wait_indirect_dma semaphore(%run_scoped3A_438 : memref<!tpu.dma_semaphore, #tpu.memory_space<semaphore_mem>>) src(%arg8 : memref<128x128xf32, #tpu.memory_space<vmem>>) dst(%dma_wait3A_448 : memref<10112x128xf32, #tpu.memory_space<vmem_shared>>)
        tpu.yield
      }) : () -> ()
      %run_scoped3A_434 = arith.constant 6 : i32
      "tpu.region"() ({
        %run_scoped3A_438 = tpu.sem_alloc : memref<!tpu.dma_semaphore, #tpu.memory_space<semaphore_mem>>
        %dma_start3A = arith.constant 0 : i32
        %dma_start3A_439 = tpu.memref_slice %arg6[%run_scoped3A_434, %dma_start3A] : memref<8x128xi32, #tpu.memory_space<vmem>> -> memref<1x128xi32, #tpu.memory_space<vmem>>
        %dma_start3A_440 = tpu.memref_squeeze %dma_start3A_439 : memref<1x128xi32, #tpu.memory_space<vmem>> -> memref<128xi32, #tpu.memory_space<vmem>>
        %dma_start3A_441 = arith.constant 0 : i32
        %dma_start3A_442 = arith.constant 0 : i32
        %dma_start3A_443 = tpu.memref_slice %arg4[%dma_start3A_441, %dma_start3A_442] : memref<10000x128xf32, #tpu.memory_space<hbm>> -> memref<10000x128xf32, #tpu.memory_space<hbm>>
        tpu.enqueue_indirect_dma source(%dma_start3A_443 : memref<10000x128xf32, #tpu.memory_space<hbm>>) target(%arg8 : memref<128x128xf32, #tpu.memory_space<vmem>>) offsets(%dma_start3A_440 : memref<128xi32, #tpu.memory_space<vmem>>) semaphore(%run_scoped3A_438 : memref<!tpu.dma_semaphore, #tpu.memory_space<semaphore_mem>>)
        %dma_wait3A = arith.constant 0 : i32
        %dma_wait3A_444 = tpu.memref_slice %arg6[%run_scoped3A_434, %dma_wait3A] : memref<8x128xi32, #tpu.memory_space<vmem>> -> memref<1x128xi32, #tpu.memory_space<vmem>>
        %dma_wait3A_445 = tpu.memref_squeeze %dma_wait3A_444 : memref<1x128xi32, #tpu.memory_space<vmem>> -> memref<128xi32, #tpu.memory_space<vmem>>
        %dma_wait3A_446 = arith.constant 0 : i32
        %dma_wait3A_447 = arith.constant 0 : i32
        %dma_wait3A_448 = tpu.memref_slice %arg4[%dma_wait3A_446, %dma_wait3A_447] : memref<10000x128xf32, #tpu.memory_space<hbm>> -> memref<10000x128xf32, #tpu.memory_space<hbm>>
        tpu.wait_indirect_dma semaphore(%run_scoped3A_438 : memref<!tpu.dma_semaphore, #tpu.memory_space<semaphore_mem>>) src(%dma_wait3A_448 : memref<10000x128xf32, #tpu.memory_space<hbm>>) dst(%arg8 : memref<128x128xf32, #tpu.memory_space<vmem>>)
        tpu.yield
      }) : () -> ()
      %run_scoped3A_435 = arith.constant 6 : i32
      "tpu.region"() ({
        %run_scoped3A_438 = tpu.sem_alloc : memref<!tpu.dma_semaphore, #tpu.memory_space<semaphore_mem>>
        %dma_start3A = arith.constant 0 : i32
        %dma_start3A_439 = tpu.memref_slice %arg7[%run_scoped3A_435, %dma_start3A] : memref<8x128xi32, #tpu.memory_space<vmem>> -> memref<1x128xi32, #tpu.memory_space<vmem>>
        %dma_start3A_440 = tpu.memref_squeeze %dma_start3A_439 : memref<1x128xi32, #tpu.memory_space<vmem>> -> memref<128xi32, #tpu.memory_space<vmem>>
        %dma_start3A_441 = arith.constant 0 : i32
        %dma_start3A_442 = arith.constant 0 : i32
        %dma_start3A_443 = tpu.memref_slice %arg10[%dma_start3A_441, %dma_start3A_442] : memref<10112x128xf32, #tpu.memory_space<vmem_shared>> -> memref<10112x128xf32, #tpu.memory_space<vmem_shared>>
        tpu.enqueue_indirect_dma source(%arg8 : memref<128x128xf32, #tpu.memory_space<vmem>>) target(%dma_start3A_443 : memref<10112x128xf32, #tpu.memory_space<vmem_shared>>) offsets(%dma_start3A_440 : memref<128xi32, #tpu.memory_space<vmem>>) semaphore(%run_scoped3A_438 : memref<!tpu.dma_semaphore, #tpu.memory_space<semaphore_mem>>) {add = true}
        %dma_wait3A = arith.constant 0 : i32
        %dma_wait3A_444 = tpu.memref_slice %arg7[%run_scoped3A_435, %dma_wait3A] : memref<8x128xi32, #tpu.memory_space<vmem>> -> memref<1x128xi32, #tpu.memory_space<vmem>>
        %dma_wait3A_445 = tpu.memref_squeeze %dma_wait3A_444 : memref<1x128xi32, #tpu.memory_space<vmem>> -> memref<128xi32, #tpu.memory_space<vmem>>
        %dma_wait3A_446 = arith.constant 0 : i32
        %dma_wait3A_447 = arith.constant 0 : i32
        %dma_wait3A_448 = tpu.memref_slice %arg10[%dma_wait3A_446, %dma_wait3A_447] : memref<10112x128xf32, #tpu.memory_space<vmem_shared>> -> memref<10112x128xf32, #tpu.memory_space<vmem_shared>>
        tpu.wait_indirect_dma semaphore(%run_scoped3A_438 : memref<!tpu.dma_semaphore, #tpu.memory_space<semaphore_mem>>) src(%arg8 : memref<128x128xf32, #tpu.memory_space<vmem>>) dst(%dma_wait3A_448 : memref<10112x128xf32, #tpu.memory_space<vmem_shared>>)
        tpu.yield
      }) : () -> ()
      %run_scoped3A_436 = arith.constant 7 : i32
      "tpu.region"() ({
        %run_scoped3A_438 = tpu.sem_alloc : memref<!tpu.dma_semaphore, #tpu.memory_space<semaphore_mem>>
        %dma_start3A = arith.constant 0 : i32
        %dma_start3A_439 = tpu.memref_slice %arg6[%run_scoped3A_436, %dma_start3A] : memref<8x128xi32, #tpu.memory_space<vmem>> -> memref<1x128xi32, #tpu.memory_space<vmem>>
        %dma_start3A_440 = tpu.memref_squeeze %dma_start3A_439 : memref<1x128xi32, #tpu.memory_space<vmem>> -> memref<128xi32, #tpu.memory_space<vmem>>
        %dma_start3A_441 = arith.constant 0 : i32
        %dma_start3A_442 = arith.constant 0 : i32
        %dma_start3A_443 = tpu.memref_slice %arg4[%dma_start3A_441, %dma_start3A_442] : memref<10000x128xf32, #tpu.memory_space<hbm>> -> memref<10000x128xf32, #tpu.memory_space<hbm>>
        tpu.enqueue_indirect_dma source(%dma_start3A_443 : memref<10000x128xf32, #tpu.memory_space<hbm>>) target(%arg8 : memref<128x128xf32, #tpu.memory_space<vmem>>) offsets(%dma_start3A_440 : memref<128xi32, #tpu.memory_space<vmem>>) semaphore(%run_scoped3A_438 : memref<!tpu.dma_semaphore, #tpu.memory_space<semaphore_mem>>)
        %dma_wait3A = arith.constant 0 : i32
        %dma_wait3A_444 = tpu.memref_slice %arg6[%run_scoped3A_436, %dma_wait3A] : memref<8x128xi32, #tpu.memory_space<vmem>> -> memref<1x128xi32, #tpu.memory_space<vmem>>
        %dma_wait3A_445 = tpu.memref_squeeze %dma_wait3A_444 : memref<1x128xi32, #tpu.memory_space<vmem>> -> memref<128xi32, #tpu.memory_space<vmem>>
        %dma_wait3A_446 = arith.constant 0 : i32
        %dma_wait3A_447 = arith.constant 0 : i32
        %dma_wait3A_448 = tpu.memref_slice %arg4[%dma_wait3A_446, %dma_wait3A_447] : memref<10000x128xf32, #tpu.memory_space<hbm>> -> memref<10000x128xf32, #tpu.memory_space<hbm>>
        tpu.wait_indirect_dma semaphore(%run_scoped3A_438 : memref<!tpu.dma_semaphore, #tpu.memory_space<semaphore_mem>>) src(%dma_wait3A_448 : memref<10000x128xf32, #tpu.memory_space<hbm>>) dst(%arg8 : memref<128x128xf32, #tpu.memory_space<vmem>>)
        tpu.yield
      }) : () -> ()
      %run_scoped3A_437 = arith.constant 7 : i32
      "tpu.region"() ({
        %run_scoped3A_438 = tpu.sem_alloc : memref<!tpu.dma_semaphore, #tpu.memory_space<semaphore_mem>>
        %dma_start3A = arith.constant 0 : i32
        %dma_start3A_439 = tpu.memref_slice %arg7[%run_scoped3A_437, %dma_start3A] : memref<8x128xi32, #tpu.memory_space<vmem>> -> memref<1x128xi32, #tpu.memory_space<vmem>>
        %dma_start3A_440 = tpu.memref_squeeze %dma_start3A_439 : memref<1x128xi32, #tpu.memory_space<vmem>> -> memref<128xi32, #tpu.memory_space<vmem>>
        %dma_start3A_441 = arith.constant 0 : i32
        %dma_start3A_442 = arith.constant 0 : i32
        %dma_start3A_443 = tpu.memref_slice %arg10[%dma_start3A_441, %dma_start3A_442] : memref<10112x128xf32, #tpu.memory_space<vmem_shared>> -> memref<10112x128xf32, #tpu.memory_space<vmem_shared>>
        tpu.enqueue_indirect_dma source(%arg8 : memref<128x128xf32, #tpu.memory_space<vmem>>) target(%dma_start3A_443 : memref<10112x128xf32, #tpu.memory_space<vmem_shared>>) offsets(%dma_start3A_440 : memref<128xi32, #tpu.memory_space<vmem>>) semaphore(%run_scoped3A_438 : memref<!tpu.dma_semaphore, #tpu.memory_space<semaphore_mem>>) {add = true}
        %dma_wait3A = arith.constant 0 : i32
        %dma_wait3A_444 = tpu.memref_slice %arg7[%run_scoped3A_437, %dma_wait3A] : memref<8x128xi32, #tpu.memory_space<vmem>> -> memref<1x128xi32, #tpu.memory_space<vmem>>
        %dma_wait3A_445 = tpu.memref_squeeze %dma_wait3A_444 : memref<1x128xi32, #tpu.memory_space<vmem>> -> memref<128xi32, #tpu.memory_space<vmem>>
        %dma_wait3A_446 = arith.constant 0 : i32
        %dma_wait3A_447 = arith.constant 0 : i32
        %dma_wait3A_448 = tpu.memref_slice %arg10[%dma_wait3A_446, %dma_wait3A_447] : memref<10112x128xf32, #tpu.memory_space<vmem_shared>> -> memref<10112x128xf32, #tpu.memory_space<vmem_shared>>
        tpu.wait_indirect_dma semaphore(%run_scoped3A_438 : memref<!tpu.dma_semaphore, #tpu.memory_space<semaphore_mem>>) src(%arg8 : memref<128x128xf32, #tpu.memory_space<vmem>>) dst(%dma_wait3A_448 : memref<10112x128xf32, #tpu.memory_space<vmem_shared>>)
        tpu.yield
      }) : () -> ()
    }
    %barrier3A_413 = arith.constant 0 : index
    tpu.barrier barrier_id(%barrier3A_413)
    %mul3A_414 = arith.constant 632 : i32
    %mul3A_415 = arith.muli %arg1, %mul3A_414 : i32
    %mul3A_416 = arith.constant 632 : i32
    %mul3A_417 = arith.muli %arg1, %mul3A_416 : i32
    "tpu.region"() ({
      %run_scoped3A = tpu.sem_alloc : memref<!tpu.dma_semaphore, #tpu.memory_space<semaphore_mem>>
      %dma_start3A = arith.constant 0 : i32
      %dma_start3A_418 = tpu.memref_slice %arg5[%arg0, %mul3A_417, %dma_start3A] : memref<2x10112x128xf32, #tpu.memory_space<hbm>> -> memref<1x632x128xf32, #tpu.memory_space<hbm>>
      %dma_start3A_419 = tpu.memref_squeeze %dma_start3A_418 : memref<1x632x128xf32, #tpu.memory_space<hbm>> -> memref<632x128xf32, #tpu.memory_space<hbm>>
      %dma_start3A_420 = arith.constant 0 : i32
      %dma_start3A_421 = tpu.memref_slice %arg10[%mul3A_415, %dma_start3A_420] : memref<10112x128xf32, #tpu.memory_space<vmem_shared>> -> memref<632x128xf32, #tpu.memory_space<vmem_shared>>
      tpu.enqueue_dma source(%dma_start3A_421 : memref<632x128xf32, #tpu.memory_space<vmem_shared>>) target(%dma_start3A_419 : memref<632x128xf32, #tpu.memory_space<hbm>>) target_semaphore(%run_scoped3A : memref<!tpu.dma_semaphore, #tpu.memory_space<semaphore_mem>>)
      %dma_wait3A = arith.constant 0 : i32
      %dma_wait3A_422 = tpu.memref_slice %arg5[%arg0, %mul3A_417, %dma_wait3A] : memref<2x10112x128xf32, #tpu.memory_space<hbm>> -> memref<1x632x128xf32, #tpu.memory_space<hbm>>
      %dma_wait3A_423 = tpu.memref_squeeze %dma_wait3A_422 : memref<1x632x128xf32, #tpu.memory_space<hbm>> -> memref<632x128xf32, #tpu.memory_space<hbm>>
      %dma_wait3A_424 = arith.constant 0 : i32
      %dma_wait3A_425 = tpu.memref_slice %arg10[%mul3A_415, %dma_wait3A_424] : memref<10112x128xf32, #tpu.memory_space<vmem_shared>> -> memref<632x128xf32, #tpu.memory_space<vmem_shared>>
      tpu.wait_dma2 semaphore(%run_scoped3A : memref<!tpu.dma_semaphore, #tpu.memory_space<semaphore_mem>>) src(%dma_wait3A_425 : memref<632x128xf32, #tpu.memory_space<vmem_shared>>) dst(%dma_wait3A_423 : memref<632x128xf32, #tpu.memory_space<hbm>>)
      tpu.yield
    }) : () -> ()
    return
  }
}

module attributes {stable_mosaic.version = 14 : i64} {
  func.func @body(%arg0: i32, %arg1: memref<1000x128xf32, #tpu.memory_space<vmem>>, %arg2: memref<128x128xf32, #tpu.memory_space<vmem>>, %arg3: memref<1000x128xf32, #tpu.memory_space<vmem>>) attributes {dimension_semantics = [#tpu.dimension_semantics<arbitrary>], iteration_bounds = array<i64: 10>, scalar_prefetch = 0 : i64, scratch_operands = 0 : i64, tpu.core_type = #tpu.core_type<tc>, window_params = [{transform_indices = @transform_0, window_bounds = array<i64: 1000, 128>}, {pipeline_mode = #tpu.pipeline_mode<synchronous>, transform_indices = @transform_1, window_bounds = array<i64: 128, 128>}, {transform_indices = @transform_2, window_bounds = array<i64: 1000, 128>}]} {
    %get3A = arith.constant 0 : index
    %get3A_0 = arith.constant 0 : index
    %get3A_1 = vector.load %arg1[%get3A, %get3A_0] : memref<1000x128xf32, #tpu.memory_space<vmem>>, vector<1000x128xf32>
    %get3A_2 = arith.constant 0 : index
    %get3A_3 = arith.constant 0 : index
    %get3A_4 = vector.load %arg2[%get3A_2, %get3A_3] : memref<128x128xf32, #tpu.memory_space<vmem>>, vector<128x128xf32>
    %dot_general3A = arith.constant dense<0.000000e+00> : vector<1000x128xf32>
    %dot_general3A_5 = tpu.matmul %get3A_1, %get3A_4, %dot_general3A {dimension_numbers = #tpu.dot_dimension_numbers<[1], [0], [0], [1], [0, 0, 1, 1], [], []>, precision = #tpu.contract_precision<fp32>, transpose_lhs_hint = false} : vector<1000x128xf32>, vector<128x128xf32>, vector<1000x128xf32> -> vector<1000x128xf32>
    %swap3A = arith.constant 0 : index
    %swap3A_6 = arith.constant 0 : index
    %swap3A_7 = vector.load %arg3[%swap3A, %swap3A_6] : memref<1000x128xf32, #tpu.memory_space<vmem>>, vector<1000x128xf32>
    tpu.vector_store %arg3[%swap3A, %swap3A_6], %dot_general3A_5 {strides = array<i32>} : memref<1000x128xf32, #tpu.memory_space<vmem>>, vector<1000x128xf32>,
    return
  }
  func.func @transform_0(%arg0: i32) -> (i32, i32) {
    %c0_i32 = arith.constant 0 : i32
    %c0_i32_0 = arith.constant 0 : i32
    return %arg0, %c0_i32 : i32, i32
  }
  func.func @transform_1(%arg0: i32) -> (i32, i32) {
    %c0_i32 = arith.constant 0 : i32
    %c0_i32_0 = arith.constant 0 : i32
    %c0_i32_1 = arith.constant 0 : i32
    return %c0_i32, %c0_i32_0 : i32, i32
  }
  func.func @transform_2(%arg0: i32) -> (i32, i32) {
    %c0_i32 = arith.constant 0 : i32
    %c0_i32_0 = arith.constant 0 : i32
    return %arg0, %c0_i32 : i32, i32
  }
}

module attributes {stable_mosaic.version = 14 : i64} {
  func.func @body(%arg0: i32, %arg1: memref<2x1000x128xf32, #tpu.memory_space<vmem>>, %arg2: memref<1000x128xf32, #tpu.memory_space<vmem>>, %arg3: memref<1000x128xf32, #tpu.memory_space<vmem>>, %arg4: memref<1000x1xf32, #tpu.memory_space<vmem>>) attributes {dimension_semantics = [#tpu.dimension_semantics<arbitrary>], iteration_bounds = array<i64: 10>, scalar_prefetch = 0 : i64, scratch_operands = 0 : i64, tpu.core_type = #tpu.core_type<tc>, window_params = [{transform_indices = @transform_0, window_bounds = array<i64: 2, 1000, 128>}, {transform_indices = @transform_1, window_bounds = array<i64: 1000, 128>}, {transform_indices = @transform_2, window_bounds = array<i64: 1000, 128>}, {transform_indices = @transform_3, window_bounds = array<i64: 1000, 1>}]} {
    %get3A = arith.constant 0 : index
    %get3A_0 = arith.constant 0 : index
    %get3A_1 = arith.constant 0 : index
    %get3A_2 = vector.load %arg1[%get3A, %get3A_0, %get3A_1] : memref<2x1000x128xf32, #tpu.memory_space<vmem>>, vector<1x1000x1xf32>
    %get3A_3 = vector.shape_cast %get3A_2 : vector<1x1000x1xf32> to vector<1000x1xf32>
    %get3A_4 = arith.constant 1 : index
    %get3A_5 = arith.constant 0 : index
    %get3A_6 = arith.constant 0 : index
    %get3A_7 = vector.load %arg1[%get3A_4, %get3A_5, %get3A_6] : memref<2x1000x128xf32, #tpu.memory_space<vmem>>, vector<1x1000x1xf32>
    %get3A_8 = vector.shape_cast %get3A_7 : vector<1x1000x1xf32> to vector<1000x1xf32>
    %add3A = arith.addf %get3A_3, %get3A_8 : vector<1000x1xf32>
    %add3A_9 = arith.constant 1.000000e+00 : f32
    %add3A_10 = vector.broadcast %add3A_9 : f32 to vector<1000x1xf32>
    %add3A_11 = arith.addf %add3A, %add3A_10 : vector<1000x1xf32>
    %rsqrt3A = math.rsqrt %add3A_11 : vector<1000x1xf32>
    %swap3A = arith.constant 0 : index
    %swap3A_12 = arith.constant 0 : index
    %swap3A_13 = vector.load %arg4[%swap3A, %swap3A_12] : memref<1000x1xf32, #tpu.memory_space<vmem>>, vector<1000x1xf32>
    tpu.vector_store %arg4[%swap3A, %swap3A_12], %rsqrt3A {strides = array<i32>} : memref<1000x1xf32, #tpu.memory_space<vmem>>, vector<1000x1xf32>,
    %get3A_14 = arith.constant 0 : index
    %get3A_15 = arith.constant 0 : index
    %get3A_16 = vector.load %arg2[%get3A_14, %get3A_15] : memref<1000x128xf32, #tpu.memory_space<vmem>>, vector<1000x128xf32>
    %mul3A = vector.broadcast %rsqrt3A : vector<1000x1xf32> to vector<1000x128xf32>
    %mul3A_17 = arith.mulf %get3A_16, %mul3A : vector<1000x128xf32>
    %swap3A_18 = arith.constant 0 : index
    %swap3A_19 = arith.constant 0 : index
    %swap3A_20 = vector.load %arg3[%swap3A_18, %swap3A_19] : memref<1000x128xf32, #tpu.memory_space<vmem>>, vector<1000x128xf32>
    tpu.vector_store %arg3[%swap3A_18, %swap3A_19], %mul3A_17 {strides = array<i32>} : memref<1000x128xf32, #tpu.memory_space<vmem>>, vector<1000x128xf32>,
    return
  }
  func.func @transform_0(%arg0: i32) -> (i32, i32, i32) {
    %c0_i32 = arith.constant 0 : i32
    %c0_i32_0 = arith.constant 0 : i32
    %c0_i32_1 = arith.constant 0 : i32
    return %c0_i32, %arg0, %c0_i32_0 : i32, i32, i32
  }
  func.func @transform_1(%arg0: i32) -> (i32, i32) {
    %c0_i32 = arith.constant 0 : i32
    %c0_i32_0 = arith.constant 0 : i32
    return %arg0, %c0_i32 : i32, i32
  }
  func.func @transform_2(%arg0: i32) -> (i32, i32) {
    %c0_i32 = arith.constant 0 : i32
    %c0_i32_0 = arith.constant 0 : i32
    return %arg0, %c0_i32 : i32, i32
  }
  func.func @transform_3(%arg0: i32) -> (i32, i32) {
    %c0_i32 = arith.constant 0 : i32
    %c0_i32_0 = arith.constant 0 : i32
    return %arg0, %c0_i32 : i32, i32
  }
}

module attributes {stable_mosaic.version = 14 : i64} {
  func.func @body(%arg0: i32, %arg1: memref<2x1000x128xf32, #tpu.memory_space<vmem>>, %arg2: memref<1000x128xf32, #tpu.memory_space<vmem>>, %arg3: memref<1000x1xf32, #tpu.memory_space<vmem>>, %arg4: memref<1x128xf32, #tpu.memory_space<vmem>>, %arg5: memref<128x128xf32, #tpu.memory_space<vmem>>, %arg6: memref<1000x128xf32, #tpu.memory_space<vmem>>) attributes {dimension_semantics = [#tpu.dimension_semantics<arbitrary>], iteration_bounds = array<i64: 10>, scalar_prefetch = 0 : i64, scratch_operands = 0 : i64, tpu.core_type = #tpu.core_type<tc>, window_params = [{transform_indices = @transform_0, window_bounds = array<i64: 2, 1000, 128>}, {transform_indices = @transform_1, window_bounds = array<i64: 1000, 128>}, {transform_indices = @transform_2, window_bounds = array<i64: 1000, 1>}, {pipeline_mode = #tpu.pipeline_mode<synchronous>, transform_indices = @transform_3, window_bounds = array<i64: 1, 128>}, {pipeline_mode = #tpu.pipeline_mode<synchronous>, transform_indices = @transform_4, window_bounds = array<i64: 128, 128>}, {transform_indices = @transform_5, window_bounds = array<i64: 1000, 128>}]} {
    %get3A = arith.constant 0 : index
    %get3A_0 = arith.constant 0 : index
    %get3A_1 = arith.constant 0 : index
    %get3A_2 = vector.load %arg1[%get3A, %get3A_0, %get3A_1] : memref<2x1000x128xf32, #tpu.memory_space<vmem>>, vector<1x1000x128xf32>
    %get3A_3 = vector.shape_cast %get3A_2 : vector<1x1000x128xf32> to vector<1000x128xf32>
    %get3A_4 = arith.constant 1 : index
    %get3A_5 = arith.constant 0 : index
    %get3A_6 = arith.constant 0 : index
    %get3A_7 = vector.load %arg1[%get3A_4, %get3A_5, %get3A_6] : memref<2x1000x128xf32, #tpu.memory_space<vmem>>, vector<1x1000x128xf32>
    %get3A_8 = vector.shape_cast %get3A_7 : vector<1x1000x128xf32> to vector<1000x128xf32>
    %add3A = arith.addf %get3A_3, %get3A_8 : vector<1000x128xf32>
    %get3A_9 = arith.constant 0 : index
    %get3A_10 = arith.constant 0 : index
    %get3A_11 = vector.load %arg2[%get3A_9, %get3A_10] : memref<1000x128xf32, #tpu.memory_space<vmem>>, vector<1000x128xf32>
    %add3A_12 = arith.addf %add3A, %get3A_11 : vector<1000x128xf32>
    %get3A_13 = arith.constant 0 : index
    %get3A_14 = arith.constant 0 : index
    %get3A_15 = vector.load %arg3[%get3A_13, %get3A_14] : memref<1000x1xf32, #tpu.memory_space<vmem>>, vector<1000x1xf32>
    %mul3A = vector.broadcast %get3A_15 : vector<1000x1xf32> to vector<1000x128xf32>
    %mul3A_16 = arith.mulf %mul3A, %add3A_12 : vector<1000x128xf32>
    %get3A_17 = arith.constant 0 : index
    %get3A_18 = arith.constant 0 : index
    %get3A_19 = vector.load %arg4[%get3A_17, %get3A_18] : memref<1x128xf32, #tpu.memory_space<vmem>>, vector<1x128xf32>
    %add3A_20 = vector.broadcast %get3A_19 : vector<1x128xf32> to vector<1000x128xf32>
    %add3A_21 = arith.addf %mul3A_16, %add3A_20 : vector<1000x128xf32>
    %max3A = arith.constant 0.000000e+00 : f32
    %max3A_22 = vector.broadcast %max3A : f32 to vector<1000x128xf32>
    %max3A_23 = arith.maximumf %add3A_21, %max3A_22 : vector<1000x128xf32>
    %get3A_24 = arith.constant 0 : index
    %get3A_25 = arith.constant 0 : index
    %get3A_26 = vector.load %arg5[%get3A_24, %get3A_25] : memref<128x128xf32, #tpu.memory_space<vmem>>, vector<128x128xf32>
    %dot_general3A = arith.constant dense<0.000000e+00> : vector<1000x128xf32>
    %dot_general3A_27 = tpu.matmul %max3A_23, %get3A_26, %dot_general3A {dimension_numbers = #tpu.dot_dimension_numbers<[1], [0], [0], [1], [0, 0, 1, 1], [], []>, precision = #tpu.contract_precision<fp32>, transpose_lhs_hint = false} : vector<1000x128xf32>, vector<128x128xf32>, vector<1000x128xf32> -> vector<1000x128xf32>
    %mul3A_28 = vector.broadcast %get3A_15 : vector<1000x1xf32> to vector<1000x128xf32>
    %mul3A_29 = arith.mulf %mul3A_28, %dot_general3A_27 : vector<1000x128xf32>
    %swap3A = arith.constant 0 : index
    %swap3A_30 = arith.constant 0 : index
    %swap3A_31 = vector.load %arg6[%swap3A, %swap3A_30] : memref<1000x128xf32, #tpu.memory_space<vmem>>, vector<1000x128xf32>
    tpu.vector_store %arg6[%swap3A, %swap3A_30], %mul3A_29 {strides = array<i32>} : memref<1000x128xf32, #tpu.memory_space<vmem>>, vector<1000x128xf32>,
    return
  }
  func.func @transform_0(%arg0: i32) -> (i32, i32, i32) {
    %c0_i32 = arith.constant 0 : i32
    %c0_i32_0 = arith.constant 0 : i32
    %c0_i32_1 = arith.constant 0 : i32
    return %c0_i32, %arg0, %c0_i32_0 : i32, i32, i32
  }
  func.func @transform_1(%arg0: i32) -> (i32, i32) {
    %c0_i32 = arith.constant 0 : i32
    %c0_i32_0 = arith.constant 0 : i32
    return %arg0, %c0_i32 : i32, i32
  }
  func.func @transform_2(%arg0: i32) -> (i32, i32) {
    %c0_i32 = arith.constant 0 : i32
    %c0_i32_0 = arith.constant 0 : i32
    return %arg0, %c0_i32 : i32, i32
  }
  func.func @transform_3(%arg0: i32) -> (i32, i32) {
    %c0_i32 = arith.constant 0 : i32
    %c0_i32_0 = arith.constant 0 : i32
    %c0_i32_1 = arith.constant 0 : i32
    return %c0_i32, %c0_i32_0 : i32, i32
  }
  func.func @transform_4(%arg0: i32) -> (i32, i32) {
    %c0_i32 = arith.constant 0 : i32
    %c0_i32_0 = arith.constant 0 : i32
    %c0_i32_1 = arith.constant 0 : i32
    return %c0_i32, %c0_i32_0 : i32, i32
  }
  func.func @transform_5(%arg0: i32) -> (i32, i32) {
    %c0_i32 = arith.constant 0 : i32
    %c0_i32_0 = arith.constant 0 : i32
    return %arg0, %c0_i32 : i32, i32
  }
}

module attributes {stable_mosaic.version = 14 : i64} {
  func.func @body(%arg0: i32, %arg1: memref<2x1000x128xf32, #tpu.memory_space<vmem>>, %arg2: memref<1000x128xf32, #tpu.memory_space<vmem>>, %arg3: memref<1000x1xf32, #tpu.memory_space<vmem>>, %arg4: memref<1x128xf32, #tpu.memory_space<vmem>>, %arg5: memref<1x1x1000xi32, #tpu.memory_space<vmem>>, %arg6: memref<128x128xf32, #tpu.memory_space<vmem>>, %arg7: memref<1x128xf32, #tpu.memory_space<vmem>>, %arg8: memref<128x10xf32, #tpu.memory_space<vmem>>, %arg9: memref<1x10xf32, #tpu.memory_space<vmem>>, %arg10: memref<16x10xf32, #tpu.memory_space<vmem>>, %arg11: memref<16x128xf32, #tpu.memory_space<vmem>>, %arg12: memref<16x128xf32, #tpu.memory_space<vmem>>) attributes {dimension_semantics = [#tpu.dimension_semantics<arbitrary>], iteration_bounds = array<i64: 10>, scalar_prefetch = 0 : i64, scratch_operands = 2 : i64, tpu.core_type = #tpu.core_type<tc>, window_params = [{transform_indices = @transform_0, window_bounds = array<i64: 2, 1000, 128>}, {transform_indices = @transform_1, window_bounds = array<i64: 1000, 128>}, {transform_indices = @transform_2, window_bounds = array<i64: 1000, 1>}, {pipeline_mode = #tpu.pipeline_mode<synchronous>, transform_indices = @transform_3, window_bounds = array<i64: 1, 128>}, {transform_indices = @transform_4, window_bounds = array<i64: 1, 1, 1000>}, {pipeline_mode = #tpu.pipeline_mode<synchronous>, transform_indices = @transform_5, window_bounds = array<i64: 128, 128>}, {pipeline_mode = #tpu.pipeline_mode<synchronous>, transform_indices = @transform_6, window_bounds = array<i64: 1, 128>}, {pipeline_mode = #tpu.pipeline_mode<synchronous>, transform_indices = @transform_7, window_bounds = array<i64: 128, 10>}, {pipeline_mode = #tpu.pipeline_mode<synchronous>, transform_indices = @transform_8, window_bounds = array<i64: 1, 10>}, {pipeline_mode = #tpu.pipeline_mode<synchronous>, transform_indices = @transform_9, window_bounds = array<i64: 16, 10>}]} {
    %eq3A = arith.constant 0 : i32
    %eq3A_0 = arith.cmpi eq, %arg0, %eq3A : i32
    %convert_element_type3A = arith.extui %eq3A_0 : i1 to i32
    %cond3A = arith.constant 0 : i32
    %cond3A_1 = arith.cmpi ne, %convert_element_type3A, %cond3A : i32
    scf.if %cond3A_1 {
      %broadcast_in_dim3A_56 = arith.constant 0.000000e+00 : f32
      %broadcast_in_dim3A_57 = vector.broadcast %broadcast_in_dim3A_56 : f32 to vector<16x128xf32>
      %swap3A_58 = arith.constant 0 : index
      %swap3A_59 = arith.constant 0 : index
      %swap3A_60 = vector.load %arg11[%swap3A_58, %swap3A_59] : memref<16x128xf32, #tpu.memory_space<vmem>>, vector<16x128xf32>
      tpu.vector_store %arg11[%swap3A_58, %swap3A_59], %broadcast_in_dim3A_57 {strides = array<i32>} : memref<16x128xf32, #tpu.memory_space<vmem>>, vector<16x128xf32>,
      %broadcast_in_dim3A_61 = arith.constant 0.000000e+00 : f32
      %broadcast_in_dim3A_62 = vector.broadcast %broadcast_in_dim3A_61 : f32 to vector<16x128xf32>
      %swap3A_63 = arith.constant 0 : index
      %swap3A_64 = arith.constant 0 : index
      %swap3A_65 = vector.load %arg12[%swap3A_63, %swap3A_64] : memref<16x128xf32, #tpu.memory_space<vmem>>, vector<16x128xf32>
      tpu.vector_store %arg12[%swap3A_63, %swap3A_64], %broadcast_in_dim3A_62 {strides = array<i32>} : memref<16x128xf32, #tpu.memory_space<vmem>>, vector<16x128xf32>,
    } else {
    }
    %get3A = arith.constant 0 : index
    %get3A_2 = arith.constant 0 : index
    %get3A_3 = arith.constant 0 : index
    %get3A_4 = vector.load %arg1[%get3A, %get3A_2, %get3A_3] : memref<2x1000x128xf32, #tpu.memory_space<vmem>>, vector<1x1000x128xf32>
    %get3A_5 = vector.shape_cast %get3A_4 : vector<1x1000x128xf32> to vector<1000x128xf32>
    %get3A_6 = arith.constant 1 : index
    %get3A_7 = arith.constant 0 : index
    %get3A_8 = arith.constant 0 : index
    %get3A_9 = vector.load %arg1[%get3A_6, %get3A_7, %get3A_8] : memref<2x1000x128xf32, #tpu.memory_space<vmem>>, vector<1x1000x128xf32>
    %get3A_10 = vector.shape_cast %get3A_9 : vector<1x1000x128xf32> to vector<1000x128xf32>
    %add3A = arith.addf %get3A_5, %get3A_10 : vector<1000x128xf32>
    %get3A_11 = arith.constant 0 : index
    %get3A_12 = arith.constant 0 : index
    %get3A_13 = vector.load %arg2[%get3A_11, %get3A_12] : memref<1000x128xf32, #tpu.memory_space<vmem>>, vector<1000x128xf32>
    %add3A_14 = arith.addf %add3A, %get3A_13 : vector<1000x128xf32>
    %get3A_15 = arith.constant 0 : index
    %get3A_16 = arith.constant 0 : index
    %get3A_17 = vector.load %arg3[%get3A_15, %get3A_16] : memref<1000x1xf32, #tpu.memory_space<vmem>>, vector<1000x1xf32>
    %mul3A = vector.broadcast %get3A_17 : vector<1000x1xf32> to vector<1000x128xf32>
    %mul3A_18 = arith.mulf %mul3A, %add3A_14 : vector<1000x128xf32>
    %get3A_19 = arith.constant 0 : index
    %get3A_20 = arith.constant 0 : index
    %get3A_21 = vector.load %arg4[%get3A_19, %get3A_20] : memref<1x128xf32, #tpu.memory_space<vmem>>, vector<1x128xf32>
    %add3A_22 = vector.broadcast %get3A_21 : vector<1x128xf32> to vector<1000x128xf32>
    %add3A_23 = arith.addf %mul3A_18, %add3A_22 : vector<1000x128xf32>
    %max3A = arith.constant 0.000000e+00 : f32
    %max3A_24 = vector.broadcast %max3A : f32 to vector<1000x128xf32>
    %max3A_25 = arith.maximumf %add3A_23, %max3A_24 : vector<1000x128xf32>
    %iota3A = tpu.iota {dimensions = array<i32: 0>} : vector<16x1000xi32>
    %get3A_26 = arith.constant 0 : index
    %get3A_27 = arith.constant 0 : index
    %get3A_28 = arith.constant 0 : index
    %get3A_29 = vector.load %arg5[%get3A_26, %get3A_27, %get3A_28] : memref<1x1x1000xi32, #tpu.memory_space<vmem>>, vector<1x1x1000xi32>
    %get3A_30 = vector.shape_cast %get3A_29 : vector<1x1x1000xi32> to vector<1x1000xi32>
    %eq3A_31 = vector.broadcast %get3A_30 : vector<1x1000xi32> to vector<16x1000xi32>
    %eq3A_32 = arith.cmpi eq, %iota3A, %eq3A_31 : vector<16x1000xi32>
    %convert_element_type3A_33 = arith.extui %eq3A_32 : vector<16x1000xi1> to vector<16x1000xi32>
    %convert_element_type3A_34 = arith.sitofp %convert_element_type3A_33 : vector<16x1000xi32> to vector<16x1000xf32>
    %get3A_35 = arith.constant 0 : index
    %get3A_36 = arith.constant 0 : index
    %get3A_37 = vector.load %arg11[%get3A_35, %get3A_36] : memref<16x128xf32, #tpu.memory_space<vmem>>, vector<16x128xf32>
    %dot_general3A = arith.constant dense<0.000000e+00> : vector<16x128xf32>
    %dot_general3A_38 = tpu.matmul %convert_element_type3A_34, %max3A_25, %dot_general3A {dimension_numbers = #tpu.dot_dimension_numbers<[1], [0], [0], [1], [0, 0, 1, 1], [], []>, precision = #tpu.contract_precision<fp32>, transpose_lhs_hint = false} : vector<16x1000xf32>, vector<1000x128xf32>, vector<16x128xf32> -> vector<16x128xf32>
    %add3A_39 = arith.addf %get3A_37, %dot_general3A_38 : vector<16x128xf32>
    %swap3A = arith.constant 0 : index
    %swap3A_40 = arith.constant 0 : index
    %swap3A_41 = vector.load %arg11[%swap3A, %swap3A_40] : memref<16x128xf32, #tpu.memory_space<vmem>>, vector<16x128xf32>
    tpu.vector_store %arg11[%swap3A, %swap3A_40], %add3A_39 {strides = array<i32>} : memref<16x128xf32, #tpu.memory_space<vmem>>, vector<16x128xf32>,
    %get3A_42 = arith.constant 0 : index
    %get3A_43 = arith.constant 0 : index
    %get3A_44 = vector.load %arg12[%get3A_42, %get3A_43] : memref<16x128xf32, #tpu.memory_space<vmem>>, vector<16x128xf32>
    %reduce_sum3A = arith.constant dense<0.000000e+00> : vector<16xf32>
    %reduce_sum3A_45 = vector.multi_reduction <add>, %convert_element_type3A_34, %reduce_sum3A [1] : vector<16x1000xf32> to vector<16xf32>
    %broadcast_in_dim3A = vector.shape_cast %reduce_sum3A_45 : vector<16xf32> to vector<16x1xf32>
    %add3A_46 = vector.broadcast %broadcast_in_dim3A : vector<16x1xf32> to vector<16x128xf32>
    %add3A_47 = arith.addf %get3A_44, %add3A_46 : vector<16x128xf32>
    %swap3A_48 = arith.constant 0 : index
    %swap3A_49 = arith.constant 0 : index
    %swap3A_50 = vector.load %arg12[%swap3A_48, %swap3A_49] : memref<16x128xf32, #tpu.memory_space<vmem>>, vector<16x128xf32>
    tpu.vector_store %arg12[%swap3A_48, %swap3A_49], %add3A_47 {strides = array<i32>} : memref<16x128xf32, #tpu.memory_space<vmem>>, vector<16x128xf32>,
    %eq3A_51 = arith.constant 9 : i32
    %eq3A_52 = arith.cmpi eq, %arg0, %eq3A_51 : i32
    %convert_element_type3A_53 = arith.extui %eq3A_52 : i1 to i32
    %cond3A_54 = arith.constant 0 : i32
    %cond3A_55 = arith.cmpi ne, %convert_element_type3A_53, %cond3A_54 : i32
    scf.if %cond3A_55 {
      %get3A_56 = arith.constant 0 : index
      %get3A_57 = arith.constant 0 : index
      %get3A_58 = vector.load %arg11[%get3A_56, %get3A_57] : memref<16x128xf32, #tpu.memory_space<vmem>>, vector<16x128xf32>
      %get3A_59 = arith.constant 0 : index
      %get3A_60 = arith.constant 0 : index
      %get3A_61 = vector.load %arg12[%get3A_59, %get3A_60] : memref<16x128xf32, #tpu.memory_space<vmem>>, vector<16x128xf32>
      %max3A_62 = arith.constant 1.000000e+00 : f32
      %max3A_63 = vector.broadcast %max3A_62 : f32 to vector<16x128xf32>
      %max3A_64 = arith.maximumf %get3A_61, %max3A_63 : vector<16x128xf32>
      %div3A = arith.divf %get3A_58, %max3A_64 : vector<16x128xf32>
      %get3A_65 = arith.constant 0 : index
      %get3A_66 = arith.constant 0 : index
      %get3A_67 = vector.load %arg6[%get3A_65, %get3A_66] : memref<128x128xf32, #tpu.memory_space<vmem>>, vector<128x128xf32>
      %dot_general3A_68 = arith.constant dense<0.000000e+00> : vector<16x128xf32>
      %dot_general3A_69 = tpu.matmul %div3A, %get3A_67, %dot_general3A_68 {dimension_numbers = #tpu.dot_dimension_numbers<[1], [0], [0], [1], [0, 0, 1, 1], [], []>, precision = #tpu.contract_precision<fp32>, transpose_lhs_hint = false} : vector<16x128xf32>, vector<128x128xf32>, vector<16x128xf32> -> vector<16x128xf32>
      %get3A_70 = arith.constant 0 : index
      %get3A_71 = arith.constant 0 : index
      %get3A_72 = vector.load %arg7[%get3A_70, %get3A_71] : memref<1x128xf32, #tpu.memory_space<vmem>>, vector<1x128xf32>
      %add3A_73 = vector.broadcast %get3A_72 : vector<1x128xf32> to vector<16x128xf32>
      %add3A_74 = arith.addf %dot_general3A_69, %add3A_73 : vector<16x128xf32>
      %max3A_75 = arith.constant 0.000000e+00 : f32
      %max3A_76 = vector.broadcast %max3A_75 : f32 to vector<16x128xf32>
      %max3A_77 = arith.maximumf %add3A_74, %max3A_76 : vector<16x128xf32>
      %get3A_78 = arith.constant 0 : index
      %get3A_79 = arith.constant 0 : index
      %get3A_80 = vector.load %arg8[%get3A_78, %get3A_79] : memref<128x10xf32, #tpu.memory_space<vmem>>, vector<128x10xf32>
      %dot_general3A_81 = arith.constant dense<0.000000e+00> : vector<16x10xf32>
      %dot_general3A_82 = tpu.matmul %max3A_77, %get3A_80, %dot_general3A_81 {dimension_numbers = #tpu.dot_dimension_numbers<[1], [0], [0], [1], [0, 0, 1, 1], [], []>, precision = #tpu.contract_precision<fp32>, transpose_lhs_hint = false} : vector<16x128xf32>, vector<128x10xf32>, vector<16x10xf32> -> vector<16x10xf32>
      %get3A_83 = arith.constant 0 : index
      %get3A_84 = arith.constant 0 : index
      %get3A_85 = vector.load %arg9[%get3A_83, %get3A_84] : memref<1x10xf32, #tpu.memory_space<vmem>>, vector<1x10xf32>
      %add3A_86 = vector.broadcast %get3A_85 : vector<1x10xf32> to vector<16x10xf32>
      %add3A_87 = arith.addf %dot_general3A_82, %add3A_86 : vector<16x10xf32>
      %swap3A_88 = arith.constant 0 : index
      %swap3A_89 = arith.constant 0 : index
      %swap3A_90 = vector.load %arg10[%swap3A_88, %swap3A_89] : memref<16x10xf32, #tpu.memory_space<vmem>>, vector<16x10xf32>
      tpu.vector_store %arg10[%swap3A_88, %swap3A_89], %add3A_87 {strides = array<i32>} : memref<16x10xf32, #tpu.memory_space<vmem>>, vector<16x10xf32>,
    } else {
    }
    return
  }
  func.func @transform_0(%arg0: i32) -> (i32, i32, i32) {
    %c0_i32 = arith.constant 0 : i32
    %c0_i32_0 = arith.constant 0 : i32
    %c0_i32_1 = arith.constant 0 : i32
    return %c0_i32, %arg0, %c0_i32_0 : i32, i32, i32
  }
  func.func @transform_1(%arg0: i32) -> (i32, i32) {
    %c0_i32 = arith.constant 0 : i32
    %c0_i32_0 = arith.constant 0 : i32
    return %arg0, %c0_i32 : i32, i32
  }
  func.func @transform_2(%arg0: i32) -> (i32, i32) {
    %c0_i32 = arith.constant 0 : i32
    %c0_i32_0 = arith.constant 0 : i32
    return %arg0, %c0_i32 : i32, i32
  }
  func.func @transform_3(%arg0: i32) -> (i32, i32) {
    %c0_i32 = arith.constant 0 : i32
    %c0_i32_0 = arith.constant 0 : i32
    %c0_i32_1 = arith.constant 0 : i32
    return %c0_i32, %c0_i32_0 : i32, i32
  }
  func.func @transform_4(%arg0: i32) -> (i32, i32, i32) {
    %c0_i32 = arith.constant 0 : i32
    %c0_i32_0 = arith.constant 0 : i32
    %c0_i32_1 = arith.constant 0 : i32
    return %arg0, %c0_i32, %c0_i32_0 : i32, i32, i32
  }
  func.func @transform_5(%arg0: i32) -> (i32, i32) {
    %c0_i32 = arith.constant 0 : i32
    %c0_i32_0 = arith.constant 0 : i32
    %c0_i32_1 = arith.constant 0 : i32
    return %c0_i32, %c0_i32_0 : i32, i32
  }
  func.func @transform_6(%arg0: i32) -> (i32, i32) {
    %c0_i32 = arith.constant 0 : i32
    %c0_i32_0 = arith.constant 0 : i32
    %c0_i32_1 = arith.constant 0 : i32
    return %c0_i32, %c0_i32_0 : i32, i32
  }
  func.func @transform_7(%arg0: i32) -> (i32, i32) {
    %c0_i32 = arith.constant 0 : i32
    %c0_i32_0 = arith.constant 0 : i32
    %c0_i32_1 = arith.constant 0 : i32
    return %c0_i32, %c0_i32_0 : i32, i32
  }
  func.func @transform_8(%arg0: i32) -> (i32, i32) {
    %c0_i32 = arith.constant 0 : i32
    %c0_i32_0 = arith.constant 0 : i32
    %c0_i32_1 = arith.constant 0 : i32
    return %c0_i32, %c0_i32_0 : i32, i32
  }
  func.func @transform_9(%arg0: i32) -> (i32, i32) {
    %c0_i32 = arith.constant 0 : i32
    %c0_i32_0 = arith.constant 0 : i32
    %c0_i32_1 = arith.constant 0 : i32
    return %c0_i32, %c0_i32_0 : i32, i32
  }
}

</mosaic_0001>

<sc_bundles>
// kernel: kernel.12.cloned.1.call-start
scs
__scs_entry_jumppad:
0x0: {  	(pc) =	sbr.rel $0x88, $3  }
0x1: {  	(tag) =	ssettag $0x0;
	lr =	simm.s32 $0x1  }
0x2: {  	[smem:$0x3F96] =	sst lr;
	_ =	strace $0xD0000000  }
0x3: {  	_ = 	snop  }
0x4: {  	_ = 	snop  }
0x5: {  	_ = 	snop  }
0x6: {  	_ = 	snop  }
0x7: {  	_ = 	snop  }
__scs_overlays_trampoline_lowered:
0x8: {  	[smem:$0x3FA5] =	sst s0  }
0x9: {  	[smem:$0x3FA6] =	sst s1  }
0xa: {  	[smem:$0x3FA7] =	sst s2  }
0xb: {  	[smem:$0x3FA8] =	sst s3  }
0xc: {  	[smem:$0x3FA9] =	sst s4  }
0xd: {  	[smem:$0x3FAA] =	sst s5  }
0xe: {  	[smem:$0x3FAB] =	sst s6  }
0xf: {  	[smem:$0x3FAC] =	sst s7  }
0x10: {  	[smem:$0x3FAD] =	sst s8  }
0x11: {  	[smem:$0x3FAE] =	sst s9;
	s0 =	simm.s32 @!p0 $0x0  }
0x12: {  	s1 =	sld [smem:$0x3F94];
	s0 =	simm.s32 @p0 $0x1  }
0x13: {  	[smem:$0x3FAF] =	sst s0;
	s0 =	simm.s32 @!p1 $0x0  }
0x14: {  	s2 =	sld [smem:$0x3F93];
	s0 =	simm.s32 @p1 $0x1  }
0x15: {  	[smem:$0x3FB0] =	sst s0;
	s0 =	simm.s32 @!p2 $0x0  }
0x16: {  	s3 =	sld [smem:$0x3FDB];
	s0 =	simm.s32 @p2 $0x1  }
0x17: {  	s4 =	simm.s32 $0x1BF5;
	[smem:$0x3FB2] =	sst s0  }
0x18: {  	s0 =	sld [smem:$0x3F95];
	_ =	swait.ge [sflag:s4], $0x0  }
0x19: {  	s7 =	sld [smem:$0x3F96]  }
0x1a: {  	s8 =	sadd.s32 $0xFFFFE003, lr  }
0x1b: {  	s9 =	sadd.s32 $0xFFFFFEF7, lr;
	s5 =	simm.s32 $0xFFFFFFFF;
	p2 =	slt.u32 s8, $0xFFFFF086  }
0x1c: {  	p1 =	slt.u32 s9, $0xF7A;
	s5 =	simm.s32 @!p2 $0x0  }
0x1d: {  	s5 =	simm.s32 @p1 $0x1;
	p0 =	seq.s32 s7, s2  }
0x1e: {  	s7 =	smul.u32 @!p0 $0xF7A, s2;
	p2 =	seq.s32 @!p0 s5, $0x0  }
0x1f: {  	s9 =	smul.u32 $0xF7A, s1;
	s8 =	simm.s32 @!p0 $0x1BF5;
	p2 =	por !p2, p0  }
0x20: {  	[sflag:s8] =	ssyncset.s32 @!p0 $0xFFFFF086;
	s6 =	sadd.s32 @!p0 s3, s7;
	s7 =	simm.s32 @!p0 $0x108  }
0x21: {  	s3 =	sadd.s32 s3, s9;
	s6 =	sadd.s32 @!p0 $0x88, s6;
	s7 =	simm.s32 @p2 $0x1082  }
0x22: {  	[simem:s7], [sflag:s8] =	dma.local @!p0 [hbm:s6], $0xF7A  }
0x23: {  	s9 =	sor.u32 $0xD0000000, s2;
	s6 =	simm.s32 $0x108;
	_ =	swait.ge @!p0 [sflag:s8], $0x0  }
0x24: {  	s3 =	sadd.s32 $0x88, s3;
	s6 =	simm.s32 @!p1 $0x1082;
	[sflag:s4] =	ssyncset.s32 $0xFFFFF086  }
0x25: {  	[simem:s6], [sflag:s4] =	dma.local [hbm:s3], $0xF7A  }
0x26: {  	[smem:$0x3F96] =	sst s1;
	(tag) =	ssettag s2;
	_ =	strace s9  }
0x27: {  	s1 =	sld [smem:$0x3FA6]  }
0x28: {  	s2 =	sld [smem:$0x3FA7]  }
0x29: {  	s4 =	sld [smem:$0x3FA9]  }
0x2a: {  	p0 =	seq.s32 s5, $0x0;
	s5 =	sld [smem:$0x3FAA]  }
0x2b: {  	s6 =	sld [smem:$0x3FAB]  }
0x2c: {  	s7 =	sld [smem:$0x3FAC]  }
0x2d: {  	s3 =	simm.s32 $0x108;
	s8 =	sld [smem:$0x3FAD]  }
0x2e: {  	s3 =	simm.s32 @!p0 $0x1082;
	s9 =	sld [smem:$0x3FAE]  }
0x2f: {  	lr =	sadd.s32 s0, s3;
	s0 =	sld [smem:$0x3FA5]  }
0x30: {  	s3 =	sld [smem:$0x3FA8]  }
0x31: {  	[smem:$0x3FB1] =	sst s10  }
0x32: {  	s10 =	sld [smem:$0x3FAF];
	_ =	sdelay $0x3  }
0x33: {  	p0 =	seq.s32 s10, $0x1;
	s10 =	sld [smem:$0x3FB1];
	_ =	sdelay $0x3  }
0x34: {  	[smem:$0x3FB1] =	sst s10  }
0x35: {  	s10 =	sld [smem:$0x3FB0];
	_ =	sdelay $0x3  }
0x36: {  	p1 =	seq.s32 s10, $0x1;
	s10 =	sld [smem:$0x3FB1];
	_ =	sdelay $0x3  }
0x37: {  	[smem:$0x3FB1] =	sst s10  }
0x38: {  	s10 =	sld [smem:$0x3FB2]  }
0x39: {  	_ = 	snop;
	(pc) =	sbr.ind lr, $3  }
0x3a: {  	_ = 	snop  }
0x3b: {  	_ = 	snop  }
0x3c: {  	p2 =	seq.s32 s10, $0x1;
	s10 =	sld [smem:$0x3FB1]  }
0x3d: {  	_ =	shalt  }
0x3e: {  	_ =	shalt  }
0x3f: {  	_ =	shalt  }
0x40: {  	_ =	shalt  }
0x41: {  	_ =	shalt  }
0x42: {  	_ =	shalt  }
0x43: {  	_ =	shalt  }
0x44: {  	_ =	shalt  }
0x45: {  	_ =	shalt  }
0x46: {  	_ =	shalt  }
0x47: {  	_ =	shalt  }
0x48: {  	_ =	shalt  }
0x49: {  	_ =	shalt  }
0x4a: {  	_ =	shalt  }
0x4b: {  	_ =	shalt  }
0x4c: {  	_ =	shalt  }
0x4d: {  	_ =	shalt  }
0x4e: {  	_ =	shalt  }
0x4f: {  	_ =	shalt  }
0x50: {  	_ =	shalt  }
0x51: {  	_ =	shalt  }
0x52: {  	_ =	shalt  }
0x53: {  	_ =	shalt  }
0x54: {  	_ =	shalt  }
0x55: {  	_ =	shalt  }
0x56: {  	_ =	shalt  }
0x57: {  	_ =	shalt  }
0x58: {  	_ =	shalt  }
0x59: {  	_ =	shalt  }
0x5a: {  	_ =	shalt  }
0x5b: {  	_ =	shalt  }
0x5c: {  	_ =	shalt  }
0x5d: {  	_ =	shalt  }
0x5e: {  	_ =	shalt  }
0x5f: {  	_ =	shalt  }
0x60: {  	_ =	shalt  }
0x61: {  	_ =	shalt  }
0x62: {  	_ =	shalt  }
0x63: {  	_ =	shalt  }
0x64: {  	_ =	shalt  }
0x65: {  	_ =	shalt  }
0x66: {  	_ =	shalt  }
0x67: {  	_ =	shalt  }
0x68: {  	_ =	shalt  }
0x69: {  	_ =	shalt  }
0x6a: {  	_ =	shalt  }
0x6b: {  	_ =	shalt  }
0x6c: {  	_ =	shalt  }
0x6d: {  	_ =	shalt  }
0x6e: {  	_ =	shalt  }
0x6f: {  	_ =	shalt  }
0x70: {  	_ =	shalt  }
0x71: {  	_ =	shalt  }
0x72: {  	_ =	shalt  }
0x73: {  	_ =	shalt  }
0x74: {  	_ =	shalt  }
0x75: {  	_ =	shalt  }
0x76: {  	_ =	shalt  }
0x77: {  	_ =	shalt  }
0x78: {  	_ =	shalt  }
0x79: {  	_ =	shalt  }
0x7a: {  	_ =	shalt  }
0x7b: {  	_ =	shalt  }
0x7c: {  	_ =	shalt  }
0x7d: {  	_ =	shalt  }
0x7e: {  	_ =	shalt  }
0x7f: {  	_ =	shalt  }
0x80: {  	_ =	shalt  }
0x81: {  	_ =	shalt  }
0x82: {  	_ =	shalt  }
0x83: {  	_ =	shalt  }
0x84: {  	_ =	shalt  }
0x85: {  	_ =	shalt  }
0x86: {  	_ =	shalt  }
0x87: {  	_ =	shalt  }
.Lfunc_end0:
.L_simem_size_0:
called_computation.1_lowered:
.L_overlay_start_0:
0x88: {  	s2 =	sld [smem:$0x3FD9]  }
0x89: {  	s3 =	sld [smem:$0x3FFE];
	_ =	sdelay $0x1  }
0x8a: {  	s1 =	srdreg.scid  }
0x8b: {  	s0 =	sand.u32 $0x1, s1  }
0x8c: {  	s16 =	sshll.u32 s0, $0xA;
	s2 =	sadd.s32 s3, s2  }
0x8d: {  	s2 =	sadd.s32 s2, s16  }
0x8e: {  	[smem:$0x3FBD] =	sst s2  }
0x8f: {  	_ = 	snop  }
0x90: {  	(tm) =	ssettm $0x1  }
0x91: {  	s17 =	sld [smem:$0x3FFB];
	_ =	sdelay $0x3  }
0x92: {  	_ =	strace s17  }
0x93: {  	s2 =	sld [smem:$0x3FFC];
	_ =	sdelay $0x3  }
0x94: {  	_ =	strace s2  }
0x95: {  	s2 =	sld [smem:$0x3FFD];
	_ =	sdelay $0x3  }
0x96: {  	_ =	strace s2  }
0x97: {  	_ =	strace $0x8FFFFFFF  }
0x98: {  	s18 =	sld [smem:$0x3FDB];
	_ =	sdelay $0x1  }
0x99: {  	s19 =	simm.s32 $_scs_section_size  }
0x9a: {  	s4 =	simm.s32 $_size__tile_overlayer_lowered;
	s5 =	simm.s32 $_tile_overlayer_lowered  }
0x9b: {  	s22 =	simm.s32 $0x1BFF;
	s21 =	sshll.u32 s5, $0x1;
	s2 =	sadd.s32 s19, s18  }
0x9c: {  	s6 =	simm.s32 $0x0;
	s20 =	sshll.u32 s4, $0x1;
	s4 =	sadd.s32 s21, s2  }
0x9d: {  	[timem:s6], [sflag:s22] =	dma.local [hbm:s4], s20  }
0x9e: {  	_ =	swait.ge [sflag:s22], s20  }
0x9f: {  	s3 =	ssub.s32 $0x0, s20;
	[sflag:s22] =	ssyncset.done $0x0  }
0xa0: {  	[sflag:s22] =	ssyncadd.s32 s3;
	_ =	sdelay $0x1  }
0xa1: {  	s23 =	simm.s32 $0x1B8B  }
0xa2: {  	_ =	swait.ge [sflag:s23], $0x1  }
0xa3: {  	[sflag:s23] =	ssyncset.done $0x0  }
0xa4: {  	s25 =	simm.s32 $0x1B8E;
	s24 =	sld [smem:$0x3FFE];
	[sflag:s23] =	ssyncadd.s32 $0xFFFFFFFF  }
0xa5: {  	s26 =	simm.s32 $execute0_lowered;
	[smem:$0x3FD2] =	sst s25  }
0xa6: {  	s4 =	sshll.u32 s26, $0x1;
	_ =	strace $0x80000049;
	[dreg:$0x1] =	wrdreg $0xFFFFFFFF  }
0xa7: {  	s28 =	simm.s32 $_size_execute0_lowered;
	s2 =	sadd.s32 s2, s4;
	[dreg:$0x0] =	wrdreg $0x0  }
0xa8: {  	s4 =	sshll.u32 s28, $0x1;
	[dreg:$0x2] =	wrdreg s2  }
0xa9: {  	[dreg:$0x3] =	wrdreg s4  }
0xaa: {  	[dreg:$0x4] =	wrdreg $0xC0  }
0xab: {  	_ =	task [dreg:s6], $0x5FFFF  }
0xac: {  	[dreg:$0x1] =	wrdreg $0xFFFFFFFF  }
0xad: {  	[dreg:$0x0] =	wrdreg $0x60  }
0xae: {  	[dreg:$0x2] =	wrdreg s24  }
0xaf: {  	[dreg:$0x3] =	wrdreg $0x4C000  }
0xb0: {  	[dreg:$0x4] =	wrdreg $0x9  }
0xb1: {  	_ =	task.clear_ibuf [dreg:s6], $0x5FFFF;
	_ =	strace $0x90000049  }
0xb2: {  	s29 =	simm.s32 $0x9;
	_ =	strace $0x8000004B  }
0xb3: {  	_ =	swait.ge [sflag:s29], $0x1  }
0xb4: {  	[sflag:s29] =	ssyncadd.s32 $0xFFFFFFFF  }
0xb5: {  	_ =	strace $0x9000004B  }
0xb6: {  	_ =	sfence  }
0xb7: {  	s30 =	sld [smem:$0x0];
	_ =	sdelay $0x2  }
0xb8: {  	s31 =	sshll.u32 s1, $0xD;
	s1 =	sshrl.u32 s1, $0x2  }
0xb9: {  	s3 =	sand.u32 $0x4000, s31;
	s1 =	sadd.s32 s1, s30  }
0xba: {  	s0 =	sor.u32 s3, s0;
	s1 =	sshll.u32 s1, $0x11  }
0xbb: {  	s0 =	sor.u32 s1, s0  }
0xbc: {  	s0 =	sadd.s32 $0x8F2B, s0  }
0xbd: {  	[sflag:s0] =	ssyncadd.remote.s32 $0x1  }
0xbe: {  	_ =	sfence.sel $0xFFFF  }
0xbf: {  	[dreg:$0x0] =	wrdreg $0xFFFFFFFF;
	(pc) =	sbr.abs _section_cstart, $3  }
0xc0: {  	[dreg:$0x1] =	wrdreg $0xFFFFFFFF  }
0xc1: {  	_ =	task.clear_ibuf [dreg:s6], $0x2FFFF;
	_ =	strace $0x9FFFFFFF  }
0xc2: {  	(tm) =	ssettm $0x7FFFFFFF  }
0xc3: {  	_ =	shalt  }
tec
execute0_lowered:
.L_overlay_start_1:
0x0: {  	(tag) =	ssettag $0x1  }
0x1: {  	s0 =	rddreg [dreg:$0x0]  }
0x2: {  	s1 =	rddreg [dreg:$0x1];
	s3 =	simm.s32 $0x0;
	s2 =	srdreg.scid  }
0x3: {  	s7 =	stileid.u32;
	s11 =	simm.s32 $0x4800;
	s12 =	simm.s32 $0x1  }
0x4: {  	s13 =	simm.s32 $0x400;
	s14 =	simm.s32 $0x80;
	s15 =	simm.s32 $0x800  }
0x5: {  	s16 =	simm.s32 $0x480;
	s17 =	simm.s32 $0x100;
	s18 =	simm.s32 $0x500  }
0x6: {  	s19 =	simm.s32 $0x180;
	s20 =	simm.s32 $0x580;
	s21 =	simm.s32 $0x200  }
0x7: {  	s22 =	simm.s32 $0x600;
	s23 =	simm.s32 $0x280;
	s28 =	simm.s32 $0x380  }
0x8: {  	s29 =	simm.s32 $0x780;
	s30 =	simm.s32 $0x0;
	s4 =	smul.u32 $0x90, s7  }
0x9: {  	[smem:$0x7FF] =	sst s3;
	s2 =	sand.u32 $0x1, s2;
	s24 =	smul.u32 $0x13C00, s7  }
0xa: {  	s5 =	sshll.u32 s7, $0x4;
	s26 =	smul.u32 $0x4F000, s7;
	p0 =	seq.s32 s2, $0x0  }
0xb: {  	s5 =	sor.u32 $0x900, s5;
	s6 =	smul.u32 $0x13C000, s2;
	_ =	strace $0x8000004A  }
0xc: {  	s2 =	ssub.s32 $0x2, s2;
	s5 =	smov.u32 @p0 s4;
	s4 =	sadd.s32 $0x17200, s0  }
0xd: {  	s31 =	sshrl.u32 s2, $0x1;
	s5 =	sshll.u32 s5, $0x4;
	s25 =	sadd.s32 s24, s6  }
0xe: {  	s6 =	sshrl.u32 s26, $0x2;
	s2 =	ssub.s32 s2, s31;
	s24 =	simm.s32 $0x680  }
0xf: {  	s26 =	simm.s32 $0x700;
	s9 =	sadd.s32 s5, s0;
	s5 =	sshrl.u32 s25, $0x3  }
0x10: {  	s8 =	smax.u32 s2, $0x1;
	s25 =	simm.s32 $0x300;
	s0 =	sadd.s32 s5, s0  }
0x11: {  	s5 =	sadd.s32 s6, s1;
	s6 =	simm.s32 $0x12;
	s2 =	sadd.s32 $0xD200, s9  }
0x12: {  	v0 =	vimm.f32 $0.0e+00;
	s6 =	simm.s32 @!p0 $0x2;
	s7 =	sadd.s32 $0x3E400, s0;
	s0 =	sadd.s32 $0x3200, s9  }
.LBB2_1:
0x13: {  	[tilespmem:$0x4800] =	vst v0  }
0x14: {  	[tilespmem:$0x4810] =	vst v0  }
0x15: {  	[tilespmem:$0x4820] =	vst v0  }
0x16: {  	[tilespmem:$0x4830] =	vst v0  }
0x17: {  	[tilespmem:$0x4840] =	vst v0  }
0x18: {  	[tilespmem:$0x4850] =	vst v0  }
0x19: {  	[tilespmem:$0x4860] =	vst v0  }
0x1a: {  	[tilespmem:$0x4870] =	vst v0  }
0x1b: {  	[tilespmem:$0x4880] =	vst v0  }
0x1c: {  	[tilespmem:$0x4890] =	vst v0  }
0x1d: {  	[tilespmem:$0x48A0] =	vst v0  }
0x1e: {  	[tilespmem:$0x48B0] =	vst v0  }
0x1f: {  	[tilespmem:$0x48C0] =	vst v0  }
0x20: {  	[tilespmem:$0x48D0] =	vst v0  }
0x21: {  	[tilespmem:$0x48E0] =	vst v0  }
0x22: {  	[tilespmem:$0x48F0] =	vst v0  }
0x23: {  	[tilespmem:$0x4900] =	vst v0  }
0x24: {  	[tilespmem:$0x4910] =	vst v0  }
0x25: {  	[tilespmem:$0x4920] =	vst v0  }
0x26: {  	[tilespmem:$0x4930] =	vst v0  }
0x27: {  	[tilespmem:$0x4940] =	vst v0  }
0x28: {  	[tilespmem:$0x4950] =	vst v0  }
0x29: {  	[tilespmem:$0x4960] =	vst v0  }
0x2a: {  	[tilespmem:$0x4970] =	vst v0  }
0x2b: {  	[tilespmem:$0x4980] =	vst v0  }
0x2c: {  	[tilespmem:$0x4990] =	vst v0  }
0x2d: {  	[tilespmem:$0x49A0] =	vst v0  }
0x2e: {  	[tilespmem:$0x49B0] =	vst v0  }
0x2f: {  	[tilespmem:$0x49C0] =	vst v0  }
0x30: {  	[tilespmem:$0x49D0] =	vst v0  }
0x31: {  	[tilespmem:$0x49E0] =	vst v0  }
0x32: {  	[tilespmem:$0x49F0] =	vst v0  }
0x33: {  	[tilespmem:$0x4A00] =	vst v0  }
0x34: {  	[tilespmem:$0x4A10] =	vst v0  }
0x35: {  	[tilespmem:$0x4A20] =	vst v0  }
0x36: {  	[tilespmem:$0x4A30] =	vst v0  }
0x37: {  	[tilespmem:$0x4A40] =	vst v0  }
0x38: {  	[tilespmem:$0x4A50] =	vst v0  }
0x39: {  	[tilespmem:$0x4A60] =	vst v0  }
0x3a: {  	[tilespmem:$0x4A70] =	vst v0  }
0x3b: {  	[tilespmem:$0x4A80] =	vst v0  }
0x3c: {  	[tilespmem:$0x4A90] =	vst v0  }
0x3d: {  	[tilespmem:$0x4AA0] =	vst v0  }
0x3e: {  	[tilespmem:$0x4AB0] =	vst v0  }
0x3f: {  	[tilespmem:$0x4AC0] =	vst v0  }
0x40: {  	[tilespmem:$0x4AD0] =	vst v0  }
0x41: {  	[tilespmem:$0x4AE0] =	vst v0  }
0x42: {  	[tilespmem:$0x4AF0] =	vst v0  }
0x43: {  	[tilespmem:$0x4B00] =	vst v0  }
0x44: {  	[tilespmem:$0x4B10] =	vst v0  }
0x45: {  	[tilespmem:$0x4B20] =	vst v0  }
0x46: {  	[tilespmem:$0x4B30] =	vst v0  }
0x47: {  	[tilespmem:$0x4B40] =	vst v0  }
0x48: {  	[tilespmem:$0x4B50] =	vst v0  }
0x49: {  	[tilespmem:$0x4B60] =	vst v0  }
0x4a: {  	[tilespmem:$0x4B70] =	vst v0  }
0x4b: {  	[tilespmem:$0x4B80] =	vst v0  }
0x4c: {  	[tilespmem:$0x4B90] =	vst v0  }
0x4d: {  	[tilespmem:$0x4BA0] =	vst v0  }
0x4e: {  	[tilespmem:$0x4BB0] =	vst v0  }
0x4f: {  	[tilespmem:$0x4BC0] =	vst v0  }
0x50: {  	[tilespmem:$0x4BD0] =	vst v0  }
0x51: {  	[tilespmem:$0x4BE0] =	vst v0  }
0x52: {  	[tilespmem:$0x4BF0] =	vst v0;
	s9 =	sadd.s32 $0x0, s5  }
0x53: {  	[spmem:s9] =	stream.linear.scatter [tilespmem:s11], [sflag:$0x1], $0x400, $0x38;
	[tilespmem:$0x18800] =	vst v63  }
0x54: {  	s9 =	simm.s32 $0x1000;
	_ =	swait.ge [sflag:s12], $0x400  }
.LBB2_2:
0x55: {  	s10 =	sshra.s32 s9, $0x2;
	[sflag:s12] =	ssyncset.done $0x0;
	p0 =	sne.s32 s9, $0x4E000  }
.Ltmp0:
0x56: {  	s10 =	sadd.s32 s10, s5;
	[sflag:s12] =	ssyncadd.s32 $0xFFFFFC00;
	(pc) =	sbr.rel @p0 .LBB2_2-.Ltmp0, $3  }
0x57: {  	[spmem:s10] =	stream.linear.scatter [tilespmem:s11], [sflag:$0x1], $0x400, $0x38;
	[tilespmem:$0x18800] =	vst v63  }
0x58: {  	s9 =	sadd.s32 $0x1000, s9;
	_ =	sdelay $0x1  }
0x59: {  	_ =	swait.ge [sflag:s12], $0x400  }
0x5a: {  	[sflag:s12] =	ssyncset.done $0x0  }
0x5b: {  	[sflag:s12] =	ssyncadd.s32 $0xFFFFFC00  }
0x5c: {  	[bflag:$0x0] =	sbarrier.arrive $0xFFFF  }
0x5d: {  	[tilespmem:s3], [sflag:$0x1] =	stream.linear.gather [hbm4b:s2+s3], $0x400, $0x38;
	[tilespmem:$0x18800] =	vst v63  }
0x5e: {  	_ =	swait.ge [sflag:s12], $0x400  }
0x5f: {  	[sflag:s12] =	ssyncset.done $0x0  }
0x60: {  	[sflag:s12] =	ssyncadd.s32 $0xFFFFFC00  }
0x61: {  	[tilespmem:s13], [sflag:$0x1] =	stream.linear.gather [hbm4b:s0+s3], $0x400, $0x38;
	[tilespmem:$0x18800] =	vst v63  }
0x62: {  	_ =	swait.ge [sflag:s12], $0x400  }
0x63: {  	[sflag:s12] =	ssyncset.done $0x0  }
0x64: {  	[sflag:s12] =	ssyncadd.s32 $0xFFFFFC00  }
0x65: {  	[tilespmem:s15], [sflag:$0x1] =	stream.indirect.gather [hbm4b:s4+s14], $0x80, s3, s14, $0xb8;
	[tilespmem:$0x18800] =	vst v63  }
0x66: {  	_ =	swait.ge [sflag:s12], $0x4000  }
0x67: {  	[sflag:s12] =	ssyncset.done $0x0  }
0x68: {  	[sflag:s12] =	ssyncadd.s32 $0xFFFFC000  }
0x69: {  	[spmem:s1] =	stream.indirect.scatter.add.f32 [tilespmem:s15], [sflag:$0x1], $0x80, s13, s14, $0xb8;
	[tilespmem:$0x18800] =	vst v63  }
0x6a: {  	_ =	swait.ge [sflag:s12], $0x4000  }
0x6b: {  	[sflag:s12] =	ssyncset.done $0x0  }
0x6c: {  	[sflag:s12] =	ssyncadd.s32 $0xFFFFC000  }
0x6d: {  	[tilespmem:s15], [sflag:$0x1] =	stream.indirect.gather [hbm4b:s4+s14], $0x80, s14, s14, $0xb8;
	[tilespmem:$0x18800] =	vst v63  }
0x6e: {  	_ =	swait.ge [sflag:s12], $0x4000  }
0x6f: {  	[sflag:s12] =	ssyncset.done $0x0  }
0x70: {  	[sflag:s12] =	ssyncadd.s32 $0xFFFFC000  }
0x71: {  	[spmem:s1] =	stream.indirect.scatter.add.f32 [tilespmem:s15], [sflag:$0x1], $0x80, s16, s14, $0xb8;
	[tilespmem:$0x18800] =	vst v63  }
0x72: {  	_ =	swait.ge [sflag:s12], $0x4000  }
0x73: {  	[sflag:s12] =	ssyncset.done $0x0  }
0x74: {  	[sflag:s12] =	ssyncadd.s32 $0xFFFFC000  }
0x75: {  	[tilespmem:s15], [sflag:$0x1] =	stream.indirect.gather [hbm4b:s4+s14], $0x80, s17, s14, $0xb8;
	[tilespmem:$0x18800] =	vst v63  }
0x76: {  	_ =	swait.ge [sflag:s12], $0x4000  }
0x77: {  	[sflag:s12] =	ssyncset.done $0x0  }
0x78: {  	[sflag:s12] =	ssyncadd.s32 $0xFFFFC000  }
0x79: {  	[spmem:s1] =	stream.indirect.scatter.add.f32 [tilespmem:s15], [sflag:$0x1], $0x80, s18, s14, $0xb8;
	[tilespmem:$0x18800] =	vst v63  }
0x7a: {  	_ =	swait.ge [sflag:s12], $0x4000  }
0x7b: {  	[sflag:s12] =	ssyncset.done $0x0  }
0x7c: {  	[sflag:s12] =	ssyncadd.s32 $0xFFFFC000  }
0x7d: {  	[tilespmem:s15], [sflag:$0x1] =	stream.indirect.gather [hbm4b:s4+s14], $0x80, s19, s14, $0xb8;
	[tilespmem:$0x18800] =	vst v63  }
0x7e: {  	_ =	swait.ge [sflag:s12], $0x4000  }
0x7f: {  	[sflag:s12] =	ssyncset.done $0x0  }
0x80: {  	[sflag:s12] =	ssyncadd.s32 $0xFFFFC000  }
0x81: {  	[spmem:s1] =	stream.indirect.scatter.add.f32 [tilespmem:s15], [sflag:$0x1], $0x80, s20, s14, $0xb8;
	[tilespmem:$0x18800] =	vst v63  }
0x82: {  	_ =	swait.ge [sflag:s12], $0x4000  }
0x83: {  	[sflag:s12] =	ssyncset.done $0x0  }
0x84: {  	[sflag:s12] =	ssyncadd.s32 $0xFFFFC000  }
0x85: {  	[tilespmem:s15], [sflag:$0x1] =	stream.indirect.gather [hbm4b:s4+s14], $0x80, s21, s14, $0xb8;
	[tilespmem:$0x18800] =	vst v63  }
0x86: {  	_ =	swait.ge [sflag:s12], $0x4000  }
0x87: {  	[sflag:s12] =	ssyncset.done $0x0  }
0x88: {  	[sflag:s12] =	ssyncadd.s32 $0xFFFFC000  }
0x89: {  	[spmem:s1] =	stream.indirect.scatter.add.f32 [tilespmem:s15], [sflag:$0x1], $0x80, s22, s14, $0xb8;
	[tilespmem:$0x18800] =	vst v63  }
0x8a: {  	_ =	swait.ge [sflag:s12], $0x4000  }
0x8b: {  	[sflag:s12] =	ssyncset.done $0x0  }
0x8c: {  	[sflag:s12] =	ssyncadd.s32 $0xFFFFC000  }
0x8d: {  	[tilespmem:s15], [sflag:$0x1] =	stream.indirect.gather [hbm4b:s4+s14], $0x80, s23, s14, $0xb8;
	[tilespmem:$0x18800] =	vst v63  }
0x8e: {  	_ =	swait.ge [sflag:s12], $0x4000  }
0x8f: {  	[sflag:s12] =	ssyncset.done $0x0  }
0x90: {  	[sflag:s12] =	ssyncadd.s32 $0xFFFFC000  }
0x91: {  	[spmem:s1] =	stream.indirect.scatter.add.f32 [tilespmem:s15], [sflag:$0x1], $0x80, s24, s14, $0xb8;
	[tilespmem:$0x18800] =	vst v63  }
0x92: {  	_ =	swait.ge [sflag:s12], $0x4000  }
0x93: {  	[sflag:s12] =	ssyncset.done $0x0  }
0x94: {  	[sflag:s12] =	ssyncadd.s32 $0xFFFFC000  }
0x95: {  	[tilespmem:s15], [sflag:$0x1] =	stream.indirect.gather [hbm4b:s4+s14], $0x80, s25, s14, $0xb8;
	[tilespmem:$0x18800] =	vst v63  }
0x96: {  	_ =	swait.ge [sflag:s12], $0x4000  }
0x97: {  	[sflag:s12] =	ssyncset.done $0x0  }
0x98: {  	[sflag:s12] =	ssyncadd.s32 $0xFFFFC000  }
0x99: {  	[spmem:s1] =	stream.indirect.scatter.add.f32 [tilespmem:s15], [sflag:$0x1], $0x80, s26, s14, $0xb8;
	[tilespmem:$0x18800] =	vst v63  }
0x9a: {  	_ =	swait.ge [sflag:s12], $0x4000  }
0x9b: {  	[sflag:s12] =	ssyncset.done $0x0  }
0x9c: {  	[sflag:s12] =	ssyncadd.s32 $0xFFFFC000  }
0x9d: {  	[tilespmem:s15], [sflag:$0x1] =	stream.indirect.gather [hbm4b:s4+s14], $0x80, s28, s14, $0xb8;
	[tilespmem:$0x18800] =	vst v63  }
0x9e: {  	p0 =	sne.s32 s6, $0x1;
	_ =	swait.ge [sflag:s12], $0x4000  }
.Ltmp1:
0x9f: {  	[sflag:s12] =	ssyncset.done $0x0;
	(pc) =	sbr.rel @!p0 .LBB2_5-.Ltmp1, $4  }
0xa0: {  	[sflag:s12] =	ssyncadd.s32 $0xFFFFC000  }
0xa1: {  	[spmem:s1] =	stream.indirect.scatter.add.f32 [tilespmem:s15], [sflag:$0x1], $0x80, s29, s14, $0xb8;
	[tilespmem:$0x18800] =	vst v63  }
0xa2: {  	s31 =	sadd.s32 $0xFFFFFFFF, s6;
	_ =	swait.ge [sflag:s12], $0x4000  }
0xa3: {  	s9 =	smov.u32 s0;
	s10 =	smov.u32 s2;
	[sflag:s12] =	ssyncset.done $0x0  }
.LBB2_4:
0xa4: {  	[sflag:s12] =	ssyncadd.s32 $0xFFFFC000;
	s9 =	sadd.s32 $0x80, s9;
	s10 =	sadd.s32 $0x80, s10  }
0xa5: {  	[tilespmem:s3], [sflag:$0x1] =	stream.linear.gather [hbm4b:s10+s3], $0x400, $0x38;
	[tilespmem:$0x18800] =	vst v63  }
0xa6: {  	p0 =	sne.s32 s31, $0x1;
	s31 =	sadd.s32 $0xFFFFFFFF, s31;
	_ =	swait.ge [sflag:s12], $0x400  }
0xa7: {  	[sflag:s12] =	ssyncset.done $0x0  }
0xa8: {  	[sflag:s12] =	ssyncadd.s32 $0xFFFFFC00  }
0xa9: {  	[tilespmem:s13], [sflag:$0x1] =	stream.linear.gather [hbm4b:s9+s3], $0x400, $0x38;
	[tilespmem:$0x18800] =	vst v63  }
0xaa: {  	_ =	swait.ge [sflag:s12], $0x400  }
0xab: {  	[sflag:s12] =	ssyncset.done $0x0  }
0xac: {  	[sflag:s12] =	ssyncadd.s32 $0xFFFFFC00  }
0xad: {  	[tilespmem:s15], [sflag:$0x1] =	stream.indirect.gather [hbm4b:s4+s14], $0x80, s3, s14, $0xb8;
	[tilespmem:$0x18800] =	vst v63  }
0xae: {  	_ =	swait.ge [sflag:s12], $0x4000  }
0xaf: {  	[sflag:s12] =	ssyncset.done $0x0  }
0xb0: {  	[sflag:s12] =	ssyncadd.s32 $0xFFFFC000  }
0xb1: {  	[spmem:s1] =	stream.indirect.scatter.add.f32 [tilespmem:s15], [sflag:$0x1], $0x80, s13, s14, $0xb8;
	[tilespmem:$0x18800] =	vst v63  }
0xb2: {  	_ =	swait.ge [sflag:s12], $0x4000  }
0xb3: {  	[sflag:s12] =	ssyncset.done $0x0  }
0xb4: {  	[sflag:s12] =	ssyncadd.s32 $0xFFFFC000  }
0xb5: {  	[tilespmem:s15], [sflag:$0x1] =	stream.indirect.gather [hbm4b:s4+s14], $0x80, s14, s14, $0xb8;
	[tilespmem:$0x18800] =	vst v63  }
0xb6: {  	_ =	swait.ge [sflag:s12], $0x4000  }
0xb7: {  	[sflag:s12] =	ssyncset.done $0x0  }
0xb8: {  	[sflag:s12] =	ssyncadd.s32 $0xFFFFC000  }
0xb9: {  	[spmem:s1] =	stream.indirect.scatter.add.f32 [tilespmem:s15], [sflag:$0x1], $0x80, s16, s14, $0xb8;
	[tilespmem:$0x18800] =	vst v63  }
0xba: {  	_ =	swait.ge [sflag:s12], $0x4000  }
0xbb: {  	[sflag:s12] =	ssyncset.done $0x0  }
0xbc: {  	[sflag:s12] =	ssyncadd.s32 $0xFFFFC000  }
0xbd: {  	[tilespmem:s15], [sflag:$0x1] =	stream.indirect.gather [hbm4b:s4+s14], $0x80, s17, s14, $0xb8;
	[tilespmem:$0x18800] =	vst v63  }
0xbe: {  	_ =	swait.ge [sflag:s12], $0x4000  }
0xbf: {  	[sflag:s12] =	ssyncset.done $0x0  }
0xc0: {  	[sflag:s12] =	ssyncadd.s32 $0xFFFFC000  }
0xc1: {  	[spmem:s1] =	stream.indirect.scatter.add.f32 [tilespmem:s15], [sflag:$0x1], $0x80, s18, s14, $0xb8;
	[tilespmem:$0x18800] =	vst v63  }
0xc2: {  	_ =	swait.ge [sflag:s12], $0x4000  }
0xc3: {  	[sflag:s12] =	ssyncset.done $0x0  }
0xc4: {  	[sflag:s12] =	ssyncadd.s32 $0xFFFFC000  }
0xc5: {  	[tilespmem:s15], [sflag:$0x1] =	stream.indirect.gather [hbm4b:s4+s14], $0x80, s19, s14, $0xb8;
	[tilespmem:$0x18800] =	vst v63  }
0xc6: {  	_ =	swait.ge [sflag:s12], $0x4000  }
0xc7: {  	[sflag:s12] =	ssyncset.done $0x0  }
0xc8: {  	[sflag:s12] =	ssyncadd.s32 $0xFFFFC000  }
0xc9: {  	[spmem:s1] =	stream.indirect.scatter.add.f32 [tilespmem:s15], [sflag:$0x1], $0x80, s20, s14, $0xb8;
	[tilespmem:$0x18800] =	vst v63  }
0xca: {  	_ =	swait.ge [sflag:s12], $0x4000  }
0xcb: {  	[sflag:s12] =	ssyncset.done $0x0  }
0xcc: {  	[sflag:s12] =	ssyncadd.s32 $0xFFFFC000  }
0xcd: {  	[tilespmem:s15], [sflag:$0x1] =	stream.indirect.gather [hbm4b:s4+s14], $0x80, s21, s14, $0xb8;
	[tilespmem:$0x18800] =	vst v63  }
0xce: {  	_ =	swait.ge [sflag:s12], $0x4000  }
0xcf: {  	[sflag:s12] =	ssyncset.done $0x0  }
0xd0: {  	[sflag:s12] =	ssyncadd.s32 $0xFFFFC000  }
0xd1: {  	[spmem:s1] =	stream.indirect.scatter.add.f32 [tilespmem:s15], [sflag:$0x1], $0x80, s22, s14, $0xb8;
	[tilespmem:$0x18800] =	vst v63  }
0xd2: {  	_ =	swait.ge [sflag:s12], $0x4000  }
0xd3: {  	[sflag:s12] =	ssyncset.done $0x0  }
0xd4: {  	[sflag:s12] =	ssyncadd.s32 $0xFFFFC000  }
0xd5: {  	[tilespmem:s15], [sflag:$0x1] =	stream.indirect.gather [hbm4b:s4+s14], $0x80, s23, s14, $0xb8;
	[tilespmem:$0x18800] =	vst v63  }
0xd6: {  	_ =	swait.ge [sflag:s12], $0x4000  }
0xd7: {  	[sflag:s12] =	ssyncset.done $0x0  }
0xd8: {  	[sflag:s12] =	ssyncadd.s32 $0xFFFFC000  }
0xd9: {  	[spmem:s1] =	stream.indirect.scatter.add.f32 [tilespmem:s15], [sflag:$0x1], $0x80, s24, s14, $0xb8;
	[tilespmem:$0x18800] =	vst v63  }
0xda: {  	_ =	swait.ge [sflag:s12], $0x4000  }
0xdb: {  	[sflag:s12] =	ssyncset.done $0x0  }
0xdc: {  	[sflag:s12] =	ssyncadd.s32 $0xFFFFC000  }
0xdd: {  	[tilespmem:s15], [sflag:$0x1] =	stream.indirect.gather [hbm4b:s4+s14], $0x80, s25, s14, $0xb8;
	[tilespmem:$0x18800] =	vst v63  }
0xde: {  	_ =	swait.ge [sflag:s12], $0x4000  }
0xdf: {  	[sflag:s12] =	ssyncset.done $0x0  }
0xe0: {  	[sflag:s12] =	ssyncadd.s32 $0xFFFFC000  }
0xe1: {  	[spmem:s1] =	stream.indirect.scatter.add.f32 [tilespmem:s15], [sflag:$0x1], $0x80, s26, s14, $0xb8;
	[tilespmem:$0x18800] =	vst v63  }
0xe2: {  	_ =	swait.ge [sflag:s12], $0x4000  }
0xe3: {  	[sflag:s12] =	ssyncset.done $0x0  }
0xe4: {  	[sflag:s12] =	ssyncadd.s32 $0xFFFFC000  }
0xe5: {  	[tilespmem:s15], [sflag:$0x1] =	stream.indirect.gather [hbm4b:s4+s14], $0x80, s28, s14, $0xb8;
	[tilespmem:$0x18800] =	vst v63  }
0xe6: {  	_ =	swait.ge [sflag:s12], $0x4000  }
.Ltmp2:
0xe7: {  	[sflag:s12] =	ssyncset.done $0x0;
	(pc) =	sbr.rel @p0 .LBB2_4-.Ltmp2, $4  }
0xe8: {  	[sflag:s12] =	ssyncadd.s32 $0xFFFFC000  }
0xe9: {  	[spmem:s1] =	stream.indirect.scatter.add.f32 [tilespmem:s15], [sflag:$0x1], $0x80, s29, s14, $0xb8;
	[tilespmem:$0x18800] =	vst v63  }
0xea: {  	_ =	swait.ge [sflag:s12], $0x4000  }
0xeb: {  	[sflag:s12] =	ssyncset.done $0x0  }
.LBB2_5:
0xec: {  	[sflag:s12] =	ssyncadd.s32 $0xFFFFC000;
	s9 =	stileid.u32;
	s30 =	sadd.s32 $0x1, s30  }
0xed: {  	s10 =	sshrl.u32 s5, $0x3;
	s9 =	sshll.u32 s9, $0x6;
	p0 =	sne.s32 s30, s8  }
.Ltmp3:
0xee: {  	[bflag:$0x0] =	sbarrier.arrive $0xFFFF;
	s9 =	sor.u32 $0x1C01, s9;
	(pc) =	sbr.rel @p0 .LBB2_1-.Ltmp3, $4  }
0xef: {  	[hbm:s7], [sflag:s9] =	dma.local [spmem:s10], $0x2780  }
0xf0: {  	_ =	swait.ge [sflag:s12], $0x2780  }
0xf1: {  	[sflag:s12] =	ssyncset.done $0x0  }
0xf2: {  	[sflag:s12] =	ssyncadd.s32 $0xFFFFD880  }
0xf3: {  	_ =	sfence.sel $0x180000  }
0xf4: {  	[bflag:$0x0] =	sbarrier.arrive $0xFFFF  }
0xf5: {  	_ =	strace $0x9000004A  }
0xf6: {  	s0 =	stileid.u32;
	[bflag:$0x2] =	sbarrier.arrive $0xFFFF  }
0xf7: {  	p0 =	sne.s32 s0, $0x0;
	s0 =	rddreg [dreg:$0x2]  }
0xf8: {  	s0 =	sadd.s32 @!p0 $0x100000, s0  }
0xf9: {  	[sflag:s0] =	ssyncadd.tile.s32 @!p0 $0x1;
	_ =	shalt  }
.Lfunc_end2:
_tile_overlayer_lowered:
.L_overlay_start_2:
0xfa: {  	(tag) =	ssettag $0x2  }
0xfb: {  	s0 =	rddreg [dreg:$0x0];
	s2 =	stileid.u32  }
0xfc: {  	s1 =	rddreg [dreg:$0x1];
	p0 =	sne.s32 s2, $0x0  }
0xfd: {  	s3 =	rddreg [dreg:$0x2];
	[bflag:$0x3] =	sbarrier.arrive $0xFFFF;
	s2 =	simm.s32 @!p0 $0x1C01  }
0xfe: {  	[timem:s3], [sflag:s2] =	dma.local @!p0 [hbm:s0], s1  }
0xff: {  	s0 =	simm.s32 @!p0 $0x1  }
0x100: {  	_ =	swait.ge @!p0 [sflag:s0], s1  }
0x101: {  	s1 =	ssub.s32 @!p0 $0x0, s1;
	[sflag:s0] =	ssyncset.done @!p0 $0x0  }
0x102: {  	[sflag:s0] =	ssyncadd.s32 @!p0 s1  }
0x103: {  	[bflag:$0x3] =	sbarrier.arrive $0xFFFF  }
0x104: {  	_ =	shalt  }

// kernel: kernel.15.cloned.1.call-start
scs
__scs_entry_jumppad:
0x0: {  	(pc) =	sbr.rel $0x88, $3  }
0x1: {  	(tag) =	ssettag $0x0;
	lr =	simm.s32 $0x1  }
0x2: {  	[smem:$0x3F96] =	sst lr;
	_ =	strace $0xD0000000  }
0x3: {  	_ = 	snop  }
0x4: {  	_ = 	snop  }
0x5: {  	_ = 	snop  }
0x6: {  	_ = 	snop  }
0x7: {  	_ = 	snop  }
__scs_overlays_trampoline_lowered:
0x8: {  	[smem:$0x3FA5] =	sst s0  }
0x9: {  	[smem:$0x3FA6] =	sst s1  }
0xa: {  	[smem:$0x3FA7] =	sst s2  }
0xb: {  	[smem:$0x3FA8] =	sst s3  }
0xc: {  	[smem:$0x3FA9] =	sst s4  }
0xd: {  	[smem:$0x3FAA] =	sst s5  }
0xe: {  	[smem:$0x3FAB] =	sst s6  }
0xf: {  	[smem:$0x3FAC] =	sst s7  }
0x10: {  	[smem:$0x3FAD] =	sst s8  }
0x11: {  	[smem:$0x3FAE] =	sst s9;
	s0 =	simm.s32 @!p0 $0x0  }
0x12: {  	s1 =	sld [smem:$0x3F94];
	s0 =	simm.s32 @p0 $0x1  }
0x13: {  	[smem:$0x3FAF] =	sst s0;
	s0 =	simm.s32 @!p1 $0x0  }
0x14: {  	s2 =	sld [smem:$0x3F93];
	s0 =	simm.s32 @p1 $0x1  }
0x15: {  	[smem:$0x3FB0] =	sst s0;
	s0 =	simm.s32 @!p2 $0x0  }
0x16: {  	s3 =	sld [smem:$0x3FDB];
	s0 =	simm.s32 @p2 $0x1  }
0x17: {  	s4 =	simm.s32 $0x1BF5;
	[smem:$0x3FB2] =	sst s0  }
0x18: {  	s0 =	sld [smem:$0x3F95];
	_ =	swait.ge [sflag:s4], $0x0  }
0x19: {  	s7 =	sld [smem:$0x3F96]  }
0x1a: {  	s8 =	sadd.s32 $0xFFFFE003, lr  }
0x1b: {  	s9 =	sadd.s32 $0xFFFFFEF7, lr;
	s5 =	simm.s32 $0xFFFFFFFF;
	p2 =	slt.u32 s8, $0xFFFFF086  }
0x1c: {  	p1 =	slt.u32 s9, $0xF7A;
	s5 =	simm.s32 @!p2 $0x0  }
0x1d: {  	s5 =	simm.s32 @p1 $0x1;
	p0 =	seq.s32 s7, s2  }
0x1e: {  	s7 =	smul.u32 @!p0 $0xF7A, s2;
	p2 =	seq.s32 @!p0 s5, $0x0  }
0x1f: {  	s9 =	smul.u32 $0xF7A, s1;
	s8 =	simm.s32 @!p0 $0x1BF5;
	p2 =	por !p2, p0  }
0x20: {  	[sflag:s8] =	ssyncset.s32 @!p0 $0xFFFFF086;
	s6 =	sadd.s32 @!p0 s3, s7;
	s7 =	simm.s32 @!p0 $0x108  }
0x21: {  	s3 =	sadd.s32 s3, s9;
	s6 =	sadd.s32 @!p0 $0x88, s6;
	s7 =	simm.s32 @p2 $0x1082  }
0x22: {  	[simem:s7], [sflag:s8] =	dma.local @!p0 [hbm:s6], $0xF7A  }
0x23: {  	s9 =	sor.u32 $0xD0000000, s2;
	s6 =	simm.s32 $0x108;
	_ =	swait.ge @!p0 [sflag:s8], $0x0  }
0x24: {  	s3 =	sadd.s32 $0x88, s3;
	s6 =	simm.s32 @!p1 $0x1082;
	[sflag:s4] =	ssyncset.s32 $0xFFFFF086  }
0x25: {  	[simem:s6], [sflag:s4] =	dma.local [hbm:s3], $0xF7A  }
0x26: {  	[smem:$0x3F96] =	sst s1;
	(tag) =	ssettag s2;
	_ =	strace s9  }
0x27: {  	s1 =	sld [smem:$0x3FA6]  }
0x28: {  	s2 =	sld [smem:$0x3FA7]  }
0x29: {  	s4 =	sld [smem:$0x3FA9]  }
0x2a: {  	p0 =	seq.s32 s5, $0x0;
	s5 =	sld [smem:$0x3FAA]  }
0x2b: {  	s6 =	sld [smem:$0x3FAB]  }
0x2c: {  	s7 =	sld [smem:$0x3FAC]  }
0x2d: {  	s3 =	simm.s32 $0x108;
	s8 =	sld [smem:$0x3FAD]  }
0x2e: {  	s3 =	simm.s32 @!p0 $0x1082;
	s9 =	sld [smem:$0x3FAE]  }
0x2f: {  	lr =	sadd.s32 s0, s3;
	s0 =	sld [smem:$0x3FA5]  }
0x30: {  	s3 =	sld [smem:$0x3FA8]  }
0x31: {  	[smem:$0x3FB1] =	sst s10  }
0x32: {  	s10 =	sld [smem:$0x3FAF];
	_ =	sdelay $0x3  }
0x33: {  	p0 =	seq.s32 s10, $0x1;
	s10 =	sld [smem:$0x3FB1];
	_ =	sdelay $0x3  }
0x34: {  	[smem:$0x3FB1] =	sst s10  }
0x35: {  	s10 =	sld [smem:$0x3FB0];
	_ =	sdelay $0x3  }
0x36: {  	p1 =	seq.s32 s10, $0x1;
	s10 =	sld [smem:$0x3FB1];
	_ =	sdelay $0x3  }
0x37: {  	[smem:$0x3FB1] =	sst s10  }
0x38: {  	s10 =	sld [smem:$0x3FB2]  }
0x39: {  	_ = 	snop;
	(pc) =	sbr.ind lr, $3  }
0x3a: {  	_ = 	snop  }
0x3b: {  	_ = 	snop  }
0x3c: {  	p2 =	seq.s32 s10, $0x1;
	s10 =	sld [smem:$0x3FB1]  }
0x3d: {  	_ =	shalt  }
0x3e: {  	_ =	shalt  }
0x3f: {  	_ =	shalt  }
0x40: {  	_ =	shalt  }
0x41: {  	_ =	shalt  }
0x42: {  	_ =	shalt  }
0x43: {  	_ =	shalt  }
0x44: {  	_ =	shalt  }
0x45: {  	_ =	shalt  }
0x46: {  	_ =	shalt  }
0x47: {  	_ =	shalt  }
0x48: {  	_ =	shalt  }
0x49: {  	_ =	shalt  }
0x4a: {  	_ =	shalt  }
0x4b: {  	_ =	shalt  }
0x4c: {  	_ =	shalt  }
0x4d: {  	_ =	shalt  }
0x4e: {  	_ =	shalt  }
0x4f: {  	_ =	shalt  }
0x50: {  	_ =	shalt  }
0x51: {  	_ =	shalt  }
0x52: {  	_ =	shalt  }
0x53: {  	_ =	shalt  }
0x54: {  	_ =	shalt  }
0x55: {  	_ =	shalt  }
0x56: {  	_ =	shalt  }
0x57: {  	_ =	shalt  }
0x58: {  	_ =	shalt  }
0x59: {  	_ =	shalt  }
0x5a: {  	_ =	shalt  }
0x5b: {  	_ =	shalt  }
0x5c: {  	_ =	shalt  }
0x5d: {  	_ =	shalt  }
0x5e: {  	_ =	shalt  }
0x5f: {  	_ =	shalt  }
0x60: {  	_ =	shalt  }
0x61: {  	_ =	shalt  }
0x62: {  	_ =	shalt  }
0x63: {  	_ =	shalt  }
0x64: {  	_ =	shalt  }
0x65: {  	_ =	shalt  }
0x66: {  	_ =	shalt  }
0x67: {  	_ =	shalt  }
0x68: {  	_ =	shalt  }
0x69: {  	_ =	shalt  }
0x6a: {  	_ =	shalt  }
0x6b: {  	_ =	shalt  }
0x6c: {  	_ =	shalt  }
0x6d: {  	_ =	shalt  }
0x6e: {  	_ =	shalt  }
0x6f: {  	_ =	shalt  }
0x70: {  	_ =	shalt  }
0x71: {  	_ =	shalt  }
0x72: {  	_ =	shalt  }
0x73: {  	_ =	shalt  }
0x74: {  	_ =	shalt  }
0x75: {  	_ =	shalt  }
0x76: {  	_ =	shalt  }
0x77: {  	_ =	shalt  }
0x78: {  	_ =	shalt  }
0x79: {  	_ =	shalt  }
0x7a: {  	_ =	shalt  }
0x7b: {  	_ =	shalt  }
0x7c: {  	_ =	shalt  }
0x7d: {  	_ =	shalt  }
0x7e: {  	_ =	shalt  }
0x7f: {  	_ =	shalt  }
0x80: {  	_ =	shalt  }
0x81: {  	_ =	shalt  }
0x82: {  	_ =	shalt  }
0x83: {  	_ =	shalt  }
0x84: {  	_ =	shalt  }
0x85: {  	_ =	shalt  }
0x86: {  	_ =	shalt  }
0x87: {  	_ =	shalt  }
.Lfunc_end0:
.L_simem_size_0:
called_computation.2_lowered:
.L_overlay_start_0:
0x88: {  	s2 =	sld [smem:$0x3FD9]  }
0x89: {  	s3 =	sld [smem:$0x3FFE];
	_ =	sdelay $0x1  }
0x8a: {  	s1 =	srdreg.scid  }
0x8b: {  	s0 =	sand.u32 $0x1, s1  }
0x8c: {  	s16 =	sshll.u32 s0, $0xA;
	s2 =	sadd.s32 s3, s2  }
0x8d: {  	s2 =	sadd.s32 s2, s16  }
0x8e: {  	[smem:$0x3FBD] =	sst s2  }
0x8f: {  	_ = 	snop  }
0x90: {  	(tm) =	ssettm $0x1  }
0x91: {  	s17 =	sld [smem:$0x3FFB];
	_ =	sdelay $0x3  }
0x92: {  	_ =	strace s17  }
0x93: {  	s2 =	sld [smem:$0x3FFC];
	_ =	sdelay $0x3  }
0x94: {  	_ =	strace s2  }
0x95: {  	s2 =	sld [smem:$0x3FFD];
	_ =	sdelay $0x3  }
0x96: {  	_ =	strace s2  }
0x97: {  	_ =	strace $0x8FFFFFFF  }
0x98: {  	s18 =	sld [smem:$0x3FDB];
	_ =	sdelay $0x1  }
0x99: {  	s19 =	simm.s32 $_scs_section_size  }
0x9a: {  	s4 =	simm.s32 $_size__tile_overlayer_lowered;
	s5 =	simm.s32 $_tile_overlayer_lowered  }
0x9b: {  	s22 =	simm.s32 $0x1BFF;
	s21 =	sshll.u32 s5, $0x1;
	s2 =	sadd.s32 s19, s18  }
0x9c: {  	s6 =	simm.s32 $0x0;
	s20 =	sshll.u32 s4, $0x1;
	s4 =	sadd.s32 s21, s2  }
0x9d: {  	[timem:s6], [sflag:s22] =	dma.local [hbm:s4], s20  }
0x9e: {  	_ =	swait.ge [sflag:s22], s20  }
0x9f: {  	s3 =	ssub.s32 $0x0, s20;
	[sflag:s22] =	ssyncset.done $0x0  }
0xa0: {  	[sflag:s22] =	ssyncadd.s32 s3;
	_ =	sdelay $0x1  }
0xa1: {  	s23 =	simm.s32 $0x1B8B  }
0xa2: {  	_ =	swait.ge [sflag:s23], $0x1  }
0xa3: {  	[sflag:s23] =	ssyncset.done $0x0  }
0xa4: {  	s25 =	simm.s32 $0x1B8E;
	s24 =	sld [smem:$0x3FFE];
	[sflag:s23] =	ssyncadd.s32 $0xFFFFFFFF  }
0xa5: {  	s26 =	simm.s32 $execute0_lowered;
	[smem:$0x3FD2] =	sst s25  }
0xa6: {  	s4 =	sshll.u32 s26, $0x1;
	_ =	strace $0x8000004C;
	[dreg:$0x1] =	wrdreg $0xFFFFFFFF  }
0xa7: {  	s28 =	simm.s32 $_size_execute0_lowered;
	s2 =	sadd.s32 s2, s4;
	[dreg:$0x0] =	wrdreg $0x0  }
0xa8: {  	s4 =	sshll.u32 s28, $0x1;
	[dreg:$0x2] =	wrdreg s2  }
0xa9: {  	[dreg:$0x3] =	wrdreg s4  }
0xaa: {  	[dreg:$0x4] =	wrdreg $0xC0  }
0xab: {  	_ =	task [dreg:s6], $0x5FFFF  }
0xac: {  	[dreg:$0x1] =	wrdreg $0xFFFFFFFF  }
0xad: {  	[dreg:$0x0] =	wrdreg $0x60  }
0xae: {  	[dreg:$0x2] =	wrdreg s24  }
0xaf: {  	[dreg:$0x3] =	wrdreg $0x4C000  }
0xb0: {  	[dreg:$0x4] =	wrdreg $0x9  }
0xb1: {  	_ =	task.clear_ibuf [dreg:s6], $0x5FFFF;
	_ =	strace $0x9000004C  }
0xb2: {  	s29 =	simm.s32 $0x9;
	_ =	strace $0x8000004E  }
0xb3: {  	_ =	swait.ge [sflag:s29], $0x1  }
0xb4: {  	[sflag:s29] =	ssyncadd.s32 $0xFFFFFFFF  }
0xb5: {  	_ =	strace $0x9000004E  }
0xb6: {  	_ =	sfence  }
0xb7: {  	s30 =	sld [smem:$0x0];
	_ =	sdelay $0x2  }
0xb8: {  	s31 =	sshll.u32 s1, $0xD;
	s1 =	sshrl.u32 s1, $0x2  }
0xb9: {  	s3 =	sand.u32 $0x4000, s31;
	s1 =	sadd.s32 s1, s30  }
0xba: {  	s0 =	sor.u32 s3, s0;
	s1 =	sshll.u32 s1, $0x11  }
0xbb: {  	s0 =	sor.u32 s1, s0  }
0xbc: {  	s0 =	sadd.s32 $0x8F2B, s0  }
0xbd: {  	[sflag:s0] =	ssyncadd.remote.s32 $0x1  }
0xbe: {  	_ =	sfence.sel $0xFFFF  }
0xbf: {  	[dreg:$0x0] =	wrdreg $0xFFFFFFFF;
	(pc) =	sbr.abs _section_cstart, $3  }
0xc0: {  	[dreg:$0x1] =	wrdreg $0xFFFFFFFF  }
0xc1: {  	_ =	task.clear_ibuf [dreg:s6], $0x2FFFF;
	_ =	strace $0x9FFFFFFF  }
0xc2: {  	(tm) =	ssettm $0x7FFFFFFF  }
0xc3: {  	_ =	shalt  }
tec
execute0_lowered:
.L_overlay_start_1:
0x0: {  	(tag) =	ssettag $0x1  }
0x1: {  	s0 =	rddreg [dreg:$0x0]  }
0x2: {  	s1 =	rddreg [dreg:$0x1];
	s3 =	simm.s32 $0x0;
	s2 =	srdreg.scid  }
0x3: {  	s7 =	stileid.u32;
	s11 =	simm.s32 $0x4800;
	s12 =	simm.s32 $0x1  }
0x4: {  	s13 =	simm.s32 $0x400;
	s14 =	simm.s32 $0x80;
	s15 =	simm.s32 $0x800  }
0x5: {  	s16 =	simm.s32 $0x480;
	s17 =	simm.s32 $0x100;
	s18 =	simm.s32 $0x500  }
0x6: {  	s19 =	simm.s32 $0x180;
	s20 =	simm.s32 $0x580;
	s21 =	simm.s32 $0x200  }
0x7: {  	s22 =	simm.s32 $0x600;
	s23 =	simm.s32 $0x280;
	s28 =	simm.s32 $0x380  }
0x8: {  	s29 =	simm.s32 $0x780;
	s30 =	simm.s32 $0x0;
	s4 =	smul.u32 $0x90, s7  }
0x9: {  	[smem:$0x7FF] =	sst s3;
	s2 =	sand.u32 $0x1, s2;
	s24 =	smul.u32 $0x13C00, s7  }
0xa: {  	s5 =	sshll.u32 s7, $0x4;
	s26 =	smul.u32 $0x4F000, s7;
	p0 =	seq.s32 s2, $0x0  }
0xb: {  	s5 =	sor.u32 $0x900, s5;
	s6 =	smul.u32 $0x13C000, s2;
	_ =	strace $0x8000004D  }
0xc: {  	s2 =	ssub.s32 $0x2, s2;
	s5 =	smov.u32 @p0 s4;
	s4 =	sadd.s32 $0x17200, s0  }
0xd: {  	s31 =	sshrl.u32 s2, $0x1;
	s5 =	sshll.u32 s5, $0x4;
	s25 =	sadd.s32 s24, s6  }
0xe: {  	s6 =	sshrl.u32 s26, $0x2;
	s2 =	ssub.s32 s2, s31;
	s24 =	simm.s32 $0x680  }
0xf: {  	s26 =	simm.s32 $0x700;
	s9 =	sadd.s32 s5, s0;
	s5 =	sshrl.u32 s25, $0x3  }
0x10: {  	s8 =	smax.u32 s2, $0x1;
	s25 =	simm.s32 $0x300;
	s0 =	sadd.s32 s5, s0  }
0x11: {  	s5 =	sadd.s32 s6, s1;
	s6 =	simm.s32 $0x12;
	s2 =	sadd.s32 $0xD200, s9  }
0x12: {  	v0 =	vimm.f32 $0.0e+00;
	s6 =	simm.s32 @!p0 $0x2;
	s7 =	sadd.s32 $0x3E400, s0;
	s0 =	sadd.s32 $0x3200, s9  }
.LBB2_1:
0x13: {  	[tilespmem:$0x4800] =	vst v0  }
0x14: {  	[tilespmem:$0x4810] =	vst v0  }
0x15: {  	[tilespmem:$0x4820] =	vst v0  }
0x16: {  	[tilespmem:$0x4830] =	vst v0  }
0x17: {  	[tilespmem:$0x4840] =	vst v0  }
0x18: {  	[tilespmem:$0x4850] =	vst v0  }
0x19: {  	[tilespmem:$0x4860] =	vst v0  }
0x1a: {  	[tilespmem:$0x4870] =	vst v0  }
0x1b: {  	[tilespmem:$0x4880] =	vst v0  }
0x1c: {  	[tilespmem:$0x4890] =	vst v0  }
0x1d: {  	[tilespmem:$0x48A0] =	vst v0  }
0x1e: {  	[tilespmem:$0x48B0] =	vst v0  }
0x1f: {  	[tilespmem:$0x48C0] =	vst v0  }
0x20: {  	[tilespmem:$0x48D0] =	vst v0  }
0x21: {  	[tilespmem:$0x48E0] =	vst v0  }
0x22: {  	[tilespmem:$0x48F0] =	vst v0  }
0x23: {  	[tilespmem:$0x4900] =	vst v0  }
0x24: {  	[tilespmem:$0x4910] =	vst v0  }
0x25: {  	[tilespmem:$0x4920] =	vst v0  }
0x26: {  	[tilespmem:$0x4930] =	vst v0  }
0x27: {  	[tilespmem:$0x4940] =	vst v0  }
0x28: {  	[tilespmem:$0x4950] =	vst v0  }
0x29: {  	[tilespmem:$0x4960] =	vst v0  }
0x2a: {  	[tilespmem:$0x4970] =	vst v0  }
0x2b: {  	[tilespmem:$0x4980] =	vst v0  }
0x2c: {  	[tilespmem:$0x4990] =	vst v0  }
0x2d: {  	[tilespmem:$0x49A0] =	vst v0  }
0x2e: {  	[tilespmem:$0x49B0] =	vst v0  }
0x2f: {  	[tilespmem:$0x49C0] =	vst v0  }
0x30: {  	[tilespmem:$0x49D0] =	vst v0  }
0x31: {  	[tilespmem:$0x49E0] =	vst v0  }
0x32: {  	[tilespmem:$0x49F0] =	vst v0  }
0x33: {  	[tilespmem:$0x4A00] =	vst v0  }
0x34: {  	[tilespmem:$0x4A10] =	vst v0  }
0x35: {  	[tilespmem:$0x4A20] =	vst v0  }
0x36: {  	[tilespmem:$0x4A30] =	vst v0  }
0x37: {  	[tilespmem:$0x4A40] =	vst v0  }
0x38: {  	[tilespmem:$0x4A50] =	vst v0  }
0x39: {  	[tilespmem:$0x4A60] =	vst v0  }
0x3a: {  	[tilespmem:$0x4A70] =	vst v0  }
0x3b: {  	[tilespmem:$0x4A80] =	vst v0  }
0x3c: {  	[tilespmem:$0x4A90] =	vst v0  }
0x3d: {  	[tilespmem:$0x4AA0] =	vst v0  }
0x3e: {  	[tilespmem:$0x4AB0] =	vst v0  }
0x3f: {  	[tilespmem:$0x4AC0] =	vst v0  }
0x40: {  	[tilespmem:$0x4AD0] =	vst v0  }
0x41: {  	[tilespmem:$0x4AE0] =	vst v0  }
0x42: {  	[tilespmem:$0x4AF0] =	vst v0  }
0x43: {  	[tilespmem:$0x4B00] =	vst v0  }
0x44: {  	[tilespmem:$0x4B10] =	vst v0  }
0x45: {  	[tilespmem:$0x4B20] =	vst v0  }
0x46: {  	[tilespmem:$0x4B30] =	vst v0  }
0x47: {  	[tilespmem:$0x4B40] =	vst v0  }
0x48: {  	[tilespmem:$0x4B50] =	vst v0  }
0x49: {  	[tilespmem:$0x4B60] =	vst v0  }
0x4a: {  	[tilespmem:$0x4B70] =	vst v0  }
0x4b: {  	[tilespmem:$0x4B80] =	vst v0  }
0x4c: {  	[tilespmem:$0x4B90] =	vst v0  }
0x4d: {  	[tilespmem:$0x4BA0] =	vst v0  }
0x4e: {  	[tilespmem:$0x4BB0] =	vst v0  }
0x4f: {  	[tilespmem:$0x4BC0] =	vst v0  }
0x50: {  	[tilespmem:$0x4BD0] =	vst v0  }
0x51: {  	[tilespmem:$0x4BE0] =	vst v0  }
0x52: {  	[tilespmem:$0x4BF0] =	vst v0;
	s9 =	sadd.s32 $0x0, s5  }
0x53: {  	[spmem:s9] =	stream.linear.scatter [tilespmem:s11], [sflag:$0x1], $0x400, $0x38;
	[tilespmem:$0x18800] =	vst v63  }
0x54: {  	s9 =	simm.s32 $0x1000;
	_ =	swait.ge [sflag:s12], $0x400  }
.LBB2_2:
0x55: {  	s10 =	sshra.s32 s9, $0x2;
	[sflag:s12] =	ssyncset.done $0x0;
	p0 =	sne.s32 s9, $0x4E000  }
.Ltmp0:
0x56: {  	s10 =	sadd.s32 s10, s5;
	[sflag:s12] =	ssyncadd.s32 $0xFFFFFC00;
	(pc) =	sbr.rel @p0 .LBB2_2-.Ltmp0, $3  }
0x57: {  	[spmem:s10] =	stream.linear.scatter [tilespmem:s11], [sflag:$0x1], $0x400, $0x38;
	[tilespmem:$0x18800] =	vst v63  }
0x58: {  	s9 =	sadd.s32 $0x1000, s9;
	_ =	sdelay $0x1  }
0x59: {  	_ =	swait.ge [sflag:s12], $0x400  }
0x5a: {  	[sflag:s12] =	ssyncset.done $0x0  }
0x5b: {  	[sflag:s12] =	ssyncadd.s32 $0xFFFFFC00  }
0x5c: {  	[bflag:$0x0] =	sbarrier.arrive $0xFFFF  }
0x5d: {  	[tilespmem:s3], [sflag:$0x1] =	stream.linear.gather [hbm4b:s2+s3], $0x400, $0x38;
	[tilespmem:$0x18800] =	vst v63  }
0x5e: {  	_ =	swait.ge [sflag:s12], $0x400  }
0x5f: {  	[sflag:s12] =	ssyncset.done $0x0  }
0x60: {  	[sflag:s12] =	ssyncadd.s32 $0xFFFFFC00  }
0x61: {  	[tilespmem:s13], [sflag:$0x1] =	stream.linear.gather [hbm4b:s0+s3], $0x400, $0x38;
	[tilespmem:$0x18800] =	vst v63  }
0x62: {  	_ =	swait.ge [sflag:s12], $0x400  }
0x63: {  	[sflag:s12] =	ssyncset.done $0x0  }
0x64: {  	[sflag:s12] =	ssyncadd.s32 $0xFFFFFC00  }
0x65: {  	[tilespmem:s15], [sflag:$0x1] =	stream.indirect.gather [hbm4b:s4+s14], $0x80, s3, s14, $0xb8;
	[tilespmem:$0x18800] =	vst v63  }
0x66: {  	_ =	swait.ge [sflag:s12], $0x4000  }
0x67: {  	[sflag:s12] =	ssyncset.done $0x0  }
0x68: {  	[sflag:s12] =	ssyncadd.s32 $0xFFFFC000  }
0x69: {  	[spmem:s1] =	stream.indirect.scatter.add.f32 [tilespmem:s15], [sflag:$0x1], $0x80, s13, s14, $0xb8;
	[tilespmem:$0x18800] =	vst v63  }
0x6a: {  	_ =	swait.ge [sflag:s12], $0x4000  }
0x6b: {  	[sflag:s12] =	ssyncset.done $0x0  }
0x6c: {  	[sflag:s12] =	ssyncadd.s32 $0xFFFFC000  }
0x6d: {  	[tilespmem:s15], [sflag:$0x1] =	stream.indirect.gather [hbm4b:s4+s14], $0x80, s14, s14, $0xb8;
	[tilespmem:$0x18800] =	vst v63  }
0x6e: {  	_ =	swait.ge [sflag:s12], $0x4000  }
0x6f: {  	[sflag:s12] =	ssyncset.done $0x0  }
0x70: {  	[sflag:s12] =	ssyncadd.s32 $0xFFFFC000  }
0x71: {  	[spmem:s1] =	stream.indirect.scatter.add.f32 [tilespmem:s15], [sflag:$0x1], $0x80, s16, s14, $0xb8;
	[tilespmem:$0x18800] =	vst v63  }
0x72: {  	_ =	swait.ge [sflag:s12], $0x4000  }
0x73: {  	[sflag:s12] =	ssyncset.done $0x0  }
0x74: {  	[sflag:s12] =	ssyncadd.s32 $0xFFFFC000  }
0x75: {  	[tilespmem:s15], [sflag:$0x1] =	stream.indirect.gather [hbm4b:s4+s14], $0x80, s17, s14, $0xb8;
	[tilespmem:$0x18800] =	vst v63  }
0x76: {  	_ =	swait.ge [sflag:s12], $0x4000  }
0x77: {  	[sflag:s12] =	ssyncset.done $0x0  }
0x78: {  	[sflag:s12] =	ssyncadd.s32 $0xFFFFC000  }
0x79: {  	[spmem:s1] =	stream.indirect.scatter.add.f32 [tilespmem:s15], [sflag:$0x1], $0x80, s18, s14, $0xb8;
	[tilespmem:$0x18800] =	vst v63  }
0x7a: {  	_ =	swait.ge [sflag:s12], $0x4000  }
0x7b: {  	[sflag:s12] =	ssyncset.done $0x0  }
0x7c: {  	[sflag:s12] =	ssyncadd.s32 $0xFFFFC000  }
0x7d: {  	[tilespmem:s15], [sflag:$0x1] =	stream.indirect.gather [hbm4b:s4+s14], $0x80, s19, s14, $0xb8;
	[tilespmem:$0x18800] =	vst v63  }
0x7e: {  	_ =	swait.ge [sflag:s12], $0x4000  }
0x7f: {  	[sflag:s12] =	ssyncset.done $0x0  }
0x80: {  	[sflag:s12] =	ssyncadd.s32 $0xFFFFC000  }
0x81: {  	[spmem:s1] =	stream.indirect.scatter.add.f32 [tilespmem:s15], [sflag:$0x1], $0x80, s20, s14, $0xb8;
	[tilespmem:$0x18800] =	vst v63  }
0x82: {  	_ =	swait.ge [sflag:s12], $0x4000  }
0x83: {  	[sflag:s12] =	ssyncset.done $0x0  }
0x84: {  	[sflag:s12] =	ssyncadd.s32 $0xFFFFC000  }
0x85: {  	[tilespmem:s15], [sflag:$0x1] =	stream.indirect.gather [hbm4b:s4+s14], $0x80, s21, s14, $0xb8;
	[tilespmem:$0x18800] =	vst v63  }
0x86: {  	_ =	swait.ge [sflag:s12], $0x4000  }
0x87: {  	[sflag:s12] =	ssyncset.done $0x0  }
0x88: {  	[sflag:s12] =	ssyncadd.s32 $0xFFFFC000  }
0x89: {  	[spmem:s1] =	stream.indirect.scatter.add.f32 [tilespmem:s15], [sflag:$0x1], $0x80, s22, s14, $0xb8;
	[tilespmem:$0x18800] =	vst v63  }
0x8a: {  	_ =	swait.ge [sflag:s12], $0x4000  }
0x8b: {  	[sflag:s12] =	ssyncset.done $0x0  }
0x8c: {  	[sflag:s12] =	ssyncadd.s32 $0xFFFFC000  }
0x8d: {  	[tilespmem:s15], [sflag:$0x1] =	stream.indirect.gather [hbm4b:s4+s14], $0x80, s23, s14, $0xb8;
	[tilespmem:$0x18800] =	vst v63  }
0x8e: {  	_ =	swait.ge [sflag:s12], $0x4000  }
0x8f: {  	[sflag:s12] =	ssyncset.done $0x0  }
0x90: {  	[sflag:s12] =	ssyncadd.s32 $0xFFFFC000  }
0x91: {  	[spmem:s1] =	stream.indirect.scatter.add.f32 [tilespmem:s15], [sflag:$0x1], $0x80, s24, s14, $0xb8;
	[tilespmem:$0x18800] =	vst v63  }
0x92: {  	_ =	swait.ge [sflag:s12], $0x4000  }
0x93: {  	[sflag:s12] =	ssyncset.done $0x0  }
0x94: {  	[sflag:s12] =	ssyncadd.s32 $0xFFFFC000  }
0x95: {  	[tilespmem:s15], [sflag:$0x1] =	stream.indirect.gather [hbm4b:s4+s14], $0x80, s25, s14, $0xb8;
	[tilespmem:$0x18800] =	vst v63  }
0x96: {  	_ =	swait.ge [sflag:s12], $0x4000  }
0x97: {  	[sflag:s12] =	ssyncset.done $0x0  }
0x98: {  	[sflag:s12] =	ssyncadd.s32 $0xFFFFC000  }
0x99: {  	[spmem:s1] =	stream.indirect.scatter.add.f32 [tilespmem:s15], [sflag:$0x1], $0x80, s26, s14, $0xb8;
	[tilespmem:$0x18800] =	vst v63  }
0x9a: {  	_ =	swait.ge [sflag:s12], $0x4000  }
0x9b: {  	[sflag:s12] =	ssyncset.done $0x0  }
0x9c: {  	[sflag:s12] =	ssyncadd.s32 $0xFFFFC000  }
0x9d: {  	[tilespmem:s15], [sflag:$0x1] =	stream.indirect.gather [hbm4b:s4+s14], $0x80, s28, s14, $0xb8;
	[tilespmem:$0x18800] =	vst v63  }
0x9e: {  	p0 =	sne.s32 s6, $0x1;
	_ =	swait.ge [sflag:s12], $0x4000  }
.Ltmp1:
0x9f: {  	[sflag:s12] =	ssyncset.done $0x0;
	(pc) =	sbr.rel @!p0 .LBB2_5-.Ltmp1, $4  }
0xa0: {  	[sflag:s12] =	ssyncadd.s32 $0xFFFFC000  }
0xa1: {  	[spmem:s1] =	stream.indirect.scatter.add.f32 [tilespmem:s15], [sflag:$0x1], $0x80, s29, s14, $0xb8;
	[tilespmem:$0x18800] =	vst v63  }
0xa2: {  	s31 =	sadd.s32 $0xFFFFFFFF, s6;
	_ =	swait.ge [sflag:s12], $0x4000  }
0xa3: {  	s9 =	smov.u32 s0;
	s10 =	smov.u32 s2;
	[sflag:s12] =	ssyncset.done $0x0  }
.LBB2_4:
0xa4: {  	[sflag:s12] =	ssyncadd.s32 $0xFFFFC000;
	s9 =	sadd.s32 $0x80, s9;
	s10 =	sadd.s32 $0x80, s10  }
0xa5: {  	[tilespmem:s3], [sflag:$0x1] =	stream.linear.gather [hbm4b:s10+s3], $0x400, $0x38;
	[tilespmem:$0x18800] =	vst v63  }
0xa6: {  	p0 =	sne.s32 s31, $0x1;
	s31 =	sadd.s32 $0xFFFFFFFF, s31;
	_ =	swait.ge [sflag:s12], $0x400  }
0xa7: {  	[sflag:s12] =	ssyncset.done $0x0  }
0xa8: {  	[sflag:s12] =	ssyncadd.s32 $0xFFFFFC00  }
0xa9: {  	[tilespmem:s13], [sflag:$0x1] =	stream.linear.gather [hbm4b:s9+s3], $0x400, $0x38;
	[tilespmem:$0x18800] =	vst v63  }
0xaa: {  	_ =	swait.ge [sflag:s12], $0x400  }
0xab: {  	[sflag:s12] =	ssyncset.done $0x0  }
0xac: {  	[sflag:s12] =	ssyncadd.s32 $0xFFFFFC00  }
0xad: {  	[tilespmem:s15], [sflag:$0x1] =	stream.indirect.gather [hbm4b:s4+s14], $0x80, s3, s14, $0xb8;
	[tilespmem:$0x18800] =	vst v63  }
0xae: {  	_ =	swait.ge [sflag:s12], $0x4000  }
0xaf: {  	[sflag:s12] =	ssyncset.done $0x0  }
0xb0: {  	[sflag:s12] =	ssyncadd.s32 $0xFFFFC000  }
0xb1: {  	[spmem:s1] =	stream.indirect.scatter.add.f32 [tilespmem:s15], [sflag:$0x1], $0x80, s13, s14, $0xb8;
	[tilespmem:$0x18800] =	vst v63  }
0xb2: {  	_ =	swait.ge [sflag:s12], $0x4000  }
0xb3: {  	[sflag:s12] =	ssyncset.done $0x0  }
0xb4: {  	[sflag:s12] =	ssyncadd.s32 $0xFFFFC000  }
0xb5: {  	[tilespmem:s15], [sflag:$0x1] =	stream.indirect.gather [hbm4b:s4+s14], $0x80, s14, s14, $0xb8;
	[tilespmem:$0x18800] =	vst v63  }
0xb6: {  	_ =	swait.ge [sflag:s12], $0x4000  }
0xb7: {  	[sflag:s12] =	ssyncset.done $0x0  }
0xb8: {  	[sflag:s12] =	ssyncadd.s32 $0xFFFFC000  }
0xb9: {  	[spmem:s1] =	stream.indirect.scatter.add.f32 [tilespmem:s15], [sflag:$0x1], $0x80, s16, s14, $0xb8;
	[tilespmem:$0x18800] =	vst v63  }
0xba: {  	_ =	swait.ge [sflag:s12], $0x4000  }
0xbb: {  	[sflag:s12] =	ssyncset.done $0x0  }
0xbc: {  	[sflag:s12] =	ssyncadd.s32 $0xFFFFC000  }
0xbd: {  	[tilespmem:s15], [sflag:$0x1] =	stream.indirect.gather [hbm4b:s4+s14], $0x80, s17, s14, $0xb8;
	[tilespmem:$0x18800] =	vst v63  }
0xbe: {  	_ =	swait.ge [sflag:s12], $0x4000  }
0xbf: {  	[sflag:s12] =	ssyncset.done $0x0  }
0xc0: {  	[sflag:s12] =	ssyncadd.s32 $0xFFFFC000  }
0xc1: {  	[spmem:s1] =	stream.indirect.scatter.add.f32 [tilespmem:s15], [sflag:$0x1], $0x80, s18, s14, $0xb8;
	[tilespmem:$0x18800] =	vst v63  }
0xc2: {  	_ =	swait.ge [sflag:s12], $0x4000  }
0xc3: {  	[sflag:s12] =	ssyncset.done $0x0  }
0xc4: {  	[sflag:s12] =	ssyncadd.s32 $0xFFFFC000  }
0xc5: {  	[tilespmem:s15], [sflag:$0x1] =	stream.indirect.gather [hbm4b:s4+s14], $0x80, s19, s14, $0xb8;
	[tilespmem:$0x18800] =	vst v63  }
0xc6: {  	_ =	swait.ge [sflag:s12], $0x4000  }
0xc7: {  	[sflag:s12] =	ssyncset.done $0x0  }
0xc8: {  	[sflag:s12] =	ssyncadd.s32 $0xFFFFC000  }
0xc9: {  	[spmem:s1] =	stream.indirect.scatter.add.f32 [tilespmem:s15], [sflag:$0x1], $0x80, s20, s14, $0xb8;
	[tilespmem:$0x18800] =	vst v63  }
0xca: {  	_ =	swait.ge [sflag:s12], $0x4000  }
0xcb: {  	[sflag:s12] =	ssyncset.done $0x0  }
0xcc: {  	[sflag:s12] =	ssyncadd.s32 $0xFFFFC000  }
0xcd: {  	[tilespmem:s15], [sflag:$0x1] =	stream.indirect.gather [hbm4b:s4+s14], $0x80, s21, s14, $0xb8;
	[tilespmem:$0x18800] =	vst v63  }
0xce: {  	_ =	swait.ge [sflag:s12], $0x4000  }
0xcf: {  	[sflag:s12] =	ssyncset.done $0x0  }
0xd0: {  	[sflag:s12] =	ssyncadd.s32 $0xFFFFC000  }
0xd1: {  	[spmem:s1] =	stream.indirect.scatter.add.f32 [tilespmem:s15], [sflag:$0x1], $0x80, s22, s14, $0xb8;
	[tilespmem:$0x18800] =	vst v63  }
0xd2: {  	_ =	swait.ge [sflag:s12], $0x4000  }
0xd3: {  	[sflag:s12] =	ssyncset.done $0x0  }
0xd4: {  	[sflag:s12] =	ssyncadd.s32 $0xFFFFC000  }
0xd5: {  	[tilespmem:s15], [sflag:$0x1] =	stream.indirect.gather [hbm4b:s4+s14], $0x80, s23, s14, $0xb8;
	[tilespmem:$0x18800] =	vst v63  }
0xd6: {  	_ =	swait.ge [sflag:s12], $0x4000  }
0xd7: {  	[sflag:s12] =	ssyncset.done $0x0  }
0xd8: {  	[sflag:s12] =	ssyncadd.s32 $0xFFFFC000  }
0xd9: {  	[spmem:s1] =	stream.indirect.scatter.add.f32 [tilespmem:s15], [sflag:$0x1], $0x80, s24, s14, $0xb8;
	[tilespmem:$0x18800] =	vst v63  }
0xda: {  	_ =	swait.ge [sflag:s12], $0x4000  }
0xdb: {  	[sflag:s12] =	ssyncset.done $0x0  }
0xdc: {  	[sflag:s12] =	ssyncadd.s32 $0xFFFFC000  }
0xdd: {  	[tilespmem:s15], [sflag:$0x1] =	stream.indirect.gather [hbm4b:s4+s14], $0x80, s25, s14, $0xb8;
	[tilespmem:$0x18800] =	vst v63  }
0xde: {  	_ =	swait.ge [sflag:s12], $0x4000  }
0xdf: {  	[sflag:s12] =	ssyncset.done $0x0  }
0xe0: {  	[sflag:s12] =	ssyncadd.s32 $0xFFFFC000  }
0xe1: {  	[spmem:s1] =	stream.indirect.scatter.add.f32 [tilespmem:s15], [sflag:$0x1], $0x80, s26, s14, $0xb8;
	[tilespmem:$0x18800] =	vst v63  }
0xe2: {  	_ =	swait.ge [sflag:s12], $0x4000  }
0xe3: {  	[sflag:s12] =	ssyncset.done $0x0  }
0xe4: {  	[sflag:s12] =	ssyncadd.s32 $0xFFFFC000  }
0xe5: {  	[tilespmem:s15], [sflag:$0x1] =	stream.indirect.gather [hbm4b:s4+s14], $0x80, s28, s14, $0xb8;
	[tilespmem:$0x18800] =	vst v63  }
0xe6: {  	_ =	swait.ge [sflag:s12], $0x4000  }
.Ltmp2:
0xe7: {  	[sflag:s12] =	ssyncset.done $0x0;
	(pc) =	sbr.rel @p0 .LBB2_4-.Ltmp2, $4  }
0xe8: {  	[sflag:s12] =	ssyncadd.s32 $0xFFFFC000  }
0xe9: {  	[spmem:s1] =	stream.indirect.scatter.add.f32 [tilespmem:s15], [sflag:$0x1], $0x80, s29, s14, $0xb8;
	[tilespmem:$0x18800] =	vst v63  }
0xea: {  	_ =	swait.ge [sflag:s12], $0x4000  }
0xeb: {  	[sflag:s12] =	ssyncset.done $0x0  }
.LBB2_5:
0xec: {  	[sflag:s12] =	ssyncadd.s32 $0xFFFFC000;
	s9 =	stileid.u32;
	s30 =	sadd.s32 $0x1, s30  }
0xed: {  	s10 =	sshrl.u32 s5, $0x3;
	s9 =	sshll.u32 s9, $0x6;
	p0 =	sne.s32 s30, s8  }
.Ltmp3:
0xee: {  	[bflag:$0x0] =	sbarrier.arrive $0xFFFF;
	s9 =	sor.u32 $0x1C01, s9;
	(pc) =	sbr.rel @p0 .LBB2_1-.Ltmp3, $4  }
0xef: {  	[hbm:s7], [sflag:s9] =	dma.local [spmem:s10], $0x2780  }
0xf0: {  	_ =	swait.ge [sflag:s12], $0x2780  }
0xf1: {  	[sflag:s12] =	ssyncset.done $0x0  }
0xf2: {  	[sflag:s12] =	ssyncadd.s32 $0xFFFFD880  }
0xf3: {  	_ =	sfence.sel $0x180000  }
0xf4: {  	[bflag:$0x0] =	sbarrier.arrive $0xFFFF  }
0xf5: {  	_ =	strace $0x9000004D  }
0xf6: {  	s0 =	stileid.u32;
	[bflag:$0x2] =	sbarrier.arrive $0xFFFF  }
0xf7: {  	p0 =	sne.s32 s0, $0x0;
	s0 =	rddreg [dreg:$0x2]  }
0xf8: {  	s0 =	sadd.s32 @!p0 $0x100000, s0  }
0xf9: {  	[sflag:s0] =	ssyncadd.tile.s32 @!p0 $0x1;
	_ =	shalt  }
.Lfunc_end2:
_tile_overlayer_lowered:
.L_overlay_start_2:
0xfa: {  	(tag) =	ssettag $0x2  }
0xfb: {  	s0 =	rddreg [dreg:$0x0];
	s2 =	stileid.u32  }
0xfc: {  	s1 =	rddreg [dreg:$0x1];
	p0 =	sne.s32 s2, $0x0  }
0xfd: {  	s3 =	rddreg [dreg:$0x2];
	[bflag:$0x3] =	sbarrier.arrive $0xFFFF;
	s2 =	simm.s32 @!p0 $0x1C01  }
0xfe: {  	[timem:s3], [sflag:s2] =	dma.local @!p0 [hbm:s0], s1  }
0xff: {  	s0 =	simm.s32 @!p0 $0x1  }
0x100: {  	_ =	swait.ge @!p0 [sflag:s0], s1  }
0x101: {  	s1 =	ssub.s32 @!p0 $0x0, s1;
	[sflag:s0] =	ssyncset.done @!p0 $0x0  }
0x102: {  	[sflag:s0] =	ssyncadd.s32 @!p0 s1  }
0x103: {  	[bflag:$0x3] =	sbarrier.arrive $0xFFFF  }
0x104: {  	_ =	shalt  }

// kernel: kernel.9.cloned.1.call-start
scs
__scs_entry_jumppad:
0x0: {  	(pc) =	sbr.rel $0x88, $3  }
0x1: {  	(tag) =	ssettag $0x0;
	lr =	simm.s32 $0x1  }
0x2: {  	[smem:$0x3F96] =	sst lr;
	_ =	strace $0xD0000000  }
0x3: {  	_ = 	snop  }
0x4: {  	_ = 	snop  }
0x5: {  	_ = 	snop  }
0x6: {  	_ = 	snop  }
0x7: {  	_ = 	snop  }
__scs_overlays_trampoline_lowered:
0x8: {  	[smem:$0x3FA5] =	sst s0  }
0x9: {  	[smem:$0x3FA6] =	sst s1  }
0xa: {  	[smem:$0x3FA7] =	sst s2  }
0xb: {  	[smem:$0x3FA8] =	sst s3  }
0xc: {  	[smem:$0x3FA9] =	sst s4  }
0xd: {  	[smem:$0x3FAA] =	sst s5  }
0xe: {  	[smem:$0x3FAB] =	sst s6  }
0xf: {  	[smem:$0x3FAC] =	sst s7  }
0x10: {  	[smem:$0x3FAD] =	sst s8  }
0x11: {  	[smem:$0x3FAE] =	sst s9;
	s0 =	simm.s32 @!p0 $0x0  }
0x12: {  	s1 =	sld [smem:$0x3F94];
	s0 =	simm.s32 @p0 $0x1  }
0x13: {  	[smem:$0x3FAF] =	sst s0;
	s0 =	simm.s32 @!p1 $0x0  }
0x14: {  	s2 =	sld [smem:$0x3F93];
	s0 =	simm.s32 @p1 $0x1  }
0x15: {  	[smem:$0x3FB0] =	sst s0;
	s0 =	simm.s32 @!p2 $0x0  }
0x16: {  	s3 =	sld [smem:$0x3FDB];
	s0 =	simm.s32 @p2 $0x1  }
0x17: {  	s4 =	simm.s32 $0x1BF5;
	[smem:$0x3FB2] =	sst s0  }
0x18: {  	s0 =	sld [smem:$0x3F95];
	_ =	swait.ge [sflag:s4], $0x0  }
0x19: {  	s7 =	sld [smem:$0x3F96]  }
0x1a: {  	s8 =	sadd.s32 $0xFFFFE003, lr  }
0x1b: {  	s9 =	sadd.s32 $0xFFFFFEF7, lr;
	s5 =	simm.s32 $0xFFFFFFFF;
	p2 =	slt.u32 s8, $0xFFFFF086  }
0x1c: {  	p1 =	slt.u32 s9, $0xF7A;
	s5 =	simm.s32 @!p2 $0x0  }
0x1d: {  	s5 =	simm.s32 @p1 $0x1;
	p0 =	seq.s32 s7, s2  }
0x1e: {  	s7 =	smul.u32 @!p0 $0xF7A, s2;
	p2 =	seq.s32 @!p0 s5, $0x0  }
0x1f: {  	s9 =	smul.u32 $0xF7A, s1;
	s8 =	simm.s32 @!p0 $0x1BF5;
	p2 =	por !p2, p0  }
0x20: {  	[sflag:s8] =	ssyncset.s32 @!p0 $0xFFFFF086;
	s6 =	sadd.s32 @!p0 s3, s7;
	s7 =	simm.s32 @!p0 $0x108  }
0x21: {  	s3 =	sadd.s32 s3, s9;
	s6 =	sadd.s32 @!p0 $0x88, s6;
	s7 =	simm.s32 @p2 $0x1082  }
0x22: {  	[simem:s7], [sflag:s8] =	dma.local @!p0 [hbm:s6], $0xF7A  }
0x23: {  	s9 =	sor.u32 $0xD0000000, s2;
	s6 =	simm.s32 $0x108;
	_ =	swait.ge @!p0 [sflag:s8], $0x0  }
0x24: {  	s3 =	sadd.s32 $0x88, s3;
	s6 =	simm.s32 @!p1 $0x1082;
	[sflag:s4] =	ssyncset.s32 $0xFFFFF086  }
0x25: {  	[simem:s6], [sflag:s4] =	dma.local [hbm:s3], $0xF7A  }
0x26: {  	[smem:$0x3F96] =	sst s1;
	(tag) =	ssettag s2;
	_ =	strace s9  }
0x27: {  	s1 =	sld [smem:$0x3FA6]  }
0x28: {  	s2 =	sld [smem:$0x3FA7]  }
0x29: {  	s4 =	sld [smem:$0x3FA9]  }
0x2a: {  	p0 =	seq.s32 s5, $0x0;
	s5 =	sld [smem:$0x3FAA]  }
0x2b: {  	s6 =	sld [smem:$0x3FAB]  }
0x2c: {  	s7 =	sld [smem:$0x3FAC]  }
0x2d: {  	s3 =	simm.s32 $0x108;
	s8 =	sld [smem:$0x3FAD]  }
0x2e: {  	s3 =	simm.s32 @!p0 $0x1082;
	s9 =	sld [smem:$0x3FAE]  }
0x2f: {  	lr =	sadd.s32 s0, s3;
	s0 =	sld [smem:$0x3FA5]  }
0x30: {  	s3 =	sld [smem:$0x3FA8]  }
0x31: {  	[smem:$0x3FB1] =	sst s10  }
0x32: {  	s10 =	sld [smem:$0x3FAF];
	_ =	sdelay $0x3  }
0x33: {  	p0 =	seq.s32 s10, $0x1;
	s10 =	sld [smem:$0x3FB1];
	_ =	sdelay $0x3  }
0x34: {  	[smem:$0x3FB1] =	sst s10  }
0x35: {  	s10 =	sld [smem:$0x3FB0];
	_ =	sdelay $0x3  }
0x36: {  	p1 =	seq.s32 s10, $0x1;
	s10 =	sld [smem:$0x3FB1];
	_ =	sdelay $0x3  }
0x37: {  	[smem:$0x3FB1] =	sst s10  }
0x38: {  	s10 =	sld [smem:$0x3FB2]  }
0x39: {  	_ = 	snop;
	(pc) =	sbr.ind lr, $3  }
0x3a: {  	_ = 	snop  }
0x3b: {  	_ = 	snop  }
0x3c: {  	p2 =	seq.s32 s10, $0x1;
	s10 =	sld [smem:$0x3FB1]  }
0x3d: {  	_ =	shalt  }
0x3e: {  	_ =	shalt  }
0x3f: {  	_ =	shalt  }
0x40: {  	_ =	shalt  }
0x41: {  	_ =	shalt  }
0x42: {  	_ =	shalt  }
0x43: {  	_ =	shalt  }
0x44: {  	_ =	shalt  }
0x45: {  	_ =	shalt  }
0x46: {  	_ =	shalt  }
0x47: {  	_ =	shalt  }
0x48: {  	_ =	shalt  }
0x49: {  	_ =	shalt  }
0x4a: {  	_ =	shalt  }
0x4b: {  	_ =	shalt  }
0x4c: {  	_ =	shalt  }
0x4d: {  	_ =	shalt  }
0x4e: {  	_ =	shalt  }
0x4f: {  	_ =	shalt  }
0x50: {  	_ =	shalt  }
0x51: {  	_ =	shalt  }
0x52: {  	_ =	shalt  }
0x53: {  	_ =	shalt  }
0x54: {  	_ =	shalt  }
0x55: {  	_ =	shalt  }
0x56: {  	_ =	shalt  }
0x57: {  	_ =	shalt  }
0x58: {  	_ =	shalt  }
0x59: {  	_ =	shalt  }
0x5a: {  	_ =	shalt  }
0x5b: {  	_ =	shalt  }
0x5c: {  	_ =	shalt  }
0x5d: {  	_ =	shalt  }
0x5e: {  	_ =	shalt  }
0x5f: {  	_ =	shalt  }
0x60: {  	_ =	shalt  }
0x61: {  	_ =	shalt  }
0x62: {  	_ =	shalt  }
0x63: {  	_ =	shalt  }
0x64: {  	_ =	shalt  }
0x65: {  	_ =	shalt  }
0x66: {  	_ =	shalt  }
0x67: {  	_ =	shalt  }
0x68: {  	_ =	shalt  }
0x69: {  	_ =	shalt  }
0x6a: {  	_ =	shalt  }
0x6b: {  	_ =	shalt  }
0x6c: {  	_ =	shalt  }
0x6d: {  	_ =	shalt  }
0x6e: {  	_ =	shalt  }
0x6f: {  	_ =	shalt  }
0x70: {  	_ =	shalt  }
0x71: {  	_ =	shalt  }
0x72: {  	_ =	shalt  }
0x73: {  	_ =	shalt  }
0x74: {  	_ =	shalt  }
0x75: {  	_ =	shalt  }
0x76: {  	_ =	shalt  }
0x77: {  	_ =	shalt  }
0x78: {  	_ =	shalt  }
0x79: {  	_ =	shalt  }
0x7a: {  	_ =	shalt  }
0x7b: {  	_ =	shalt  }
0x7c: {  	_ =	shalt  }
0x7d: {  	_ =	shalt  }
0x7e: {  	_ =	shalt  }
0x7f: {  	_ =	shalt  }
0x80: {  	_ =	shalt  }
0x81: {  	_ =	shalt  }
0x82: {  	_ =	shalt  }
0x83: {  	_ =	shalt  }
0x84: {  	_ =	shalt  }
0x85: {  	_ =	shalt  }
0x86: {  	_ =	shalt  }
0x87: {  	_ =	shalt  }
.Lfunc_end0:
.L_simem_size_0:
called_computation_lowered:
.L_overlay_start_0:
0x88: {  	s2 =	sld [smem:$0x3FD9]  }
0x89: {  	s3 =	sld [smem:$0x3FFE];
	_ =	sdelay $0x1  }
0x8a: {  	s1 =	srdreg.scid  }
0x8b: {  	s0 =	sand.u32 $0x1, s1  }
0x8c: {  	s16 =	sshll.u32 s0, $0xA;
	s2 =	sadd.s32 s3, s2  }
0x8d: {  	s2 =	sadd.s32 s2, s16  }
0x8e: {  	[smem:$0x3FBD] =	sst s2  }
0x8f: {  	_ = 	snop  }
0x90: {  	(tm) =	ssettm $0x1  }
0x91: {  	s17 =	sld [smem:$0x3FFB];
	_ =	sdelay $0x3  }
0x92: {  	_ =	strace s17  }
0x93: {  	s2 =	sld [smem:$0x3FFC];
	_ =	sdelay $0x3  }
0x94: {  	_ =	strace s2  }
0x95: {  	s2 =	sld [smem:$0x3FFD];
	_ =	sdelay $0x3  }
0x96: {  	_ =	strace s2  }
0x97: {  	_ =	strace $0x8FFFFFFF  }
0x98: {  	s18 =	sld [smem:$0x3FDB];
	_ =	sdelay $0x1  }
0x99: {  	s19 =	simm.s32 $_scs_section_size  }
0x9a: {  	s4 =	simm.s32 $_size__tile_overlayer_lowered;
	s5 =	simm.s32 $_tile_overlayer_lowered  }
0x9b: {  	s22 =	simm.s32 $0x1BFF;
	s21 =	sshll.u32 s5, $0x1;
	s2 =	sadd.s32 s19, s18  }
0x9c: {  	s6 =	simm.s32 $0x0;
	s20 =	sshll.u32 s4, $0x1;
	s4 =	sadd.s32 s21, s2  }
0x9d: {  	[timem:s6], [sflag:s22] =	dma.local [hbm:s4], s20  }
0x9e: {  	_ =	swait.ge [sflag:s22], s20  }
0x9f: {  	s3 =	ssub.s32 $0x0, s20;
	[sflag:s22] =	ssyncset.done $0x0  }
0xa0: {  	[sflag:s22] =	ssyncadd.s32 s3;
	_ =	sdelay $0x1  }
0xa1: {  	s23 =	simm.s32 $0x1B8B  }
0xa2: {  	_ =	swait.ge [sflag:s23], $0x1  }
0xa3: {  	[sflag:s23] =	ssyncset.done $0x0  }
0xa4: {  	s25 =	simm.s32 $0x1B8E;
	s24 =	sld [smem:$0x3FFE];
	[sflag:s23] =	ssyncadd.s32 $0xFFFFFFFF  }
0xa5: {  	s26 =	simm.s32 $execute0_lowered;
	[smem:$0x3FD2] =	sst s25  }
0xa6: {  	s4 =	sshll.u32 s26, $0x1;
	_ =	strace $0x80000046;
	[dreg:$0x1] =	wrdreg $0xFFFFFFFF  }
0xa7: {  	s28 =	simm.s32 $_size_execute0_lowered;
	s2 =	sadd.s32 s2, s4;
	[dreg:$0x0] =	wrdreg $0x0  }
0xa8: {  	s4 =	sshll.u32 s28, $0x1;
	[dreg:$0x2] =	wrdreg s2  }
0xa9: {  	[dreg:$0x3] =	wrdreg s4  }
0xaa: {  	[dreg:$0x4] =	wrdreg $0xC0  }
0xab: {  	_ =	task [dreg:s6], $0x5FFFF  }
0xac: {  	[dreg:$0x1] =	wrdreg $0xFFFFFFFF  }
0xad: {  	[dreg:$0x0] =	wrdreg $0x60  }
0xae: {  	[dreg:$0x2] =	wrdreg s24  }
0xaf: {  	[dreg:$0x3] =	wrdreg $0x6C000  }
0xb0: {  	[dreg:$0x4] =	wrdreg $0x9  }
0xb1: {  	_ =	task.clear_ibuf [dreg:s6], $0x5FFFF;
	_ =	strace $0x90000046  }
0xb2: {  	s29 =	simm.s32 $0x9;
	_ =	strace $0x80000048  }
0xb3: {  	_ =	swait.ge [sflag:s29], $0x1  }
0xb4: {  	[sflag:s29] =	ssyncadd.s32 $0xFFFFFFFF  }
0xb5: {  	_ =	strace $0x90000048  }
0xb6: {  	_ =	sfence  }
0xb7: {  	s30 =	sld [smem:$0x0];
	_ =	sdelay $0x2  }
0xb8: {  	s31 =	sshll.u32 s1, $0xD;
	s1 =	sshrl.u32 s1, $0x2  }
0xb9: {  	s3 =	sand.u32 $0x4000, s31;
	s1 =	sadd.s32 s1, s30  }
0xba: {  	s0 =	sor.u32 s3, s0;
	s1 =	sshll.u32 s1, $0x11  }
0xbb: {  	s0 =	sor.u32 s1, s0  }
0xbc: {  	s0 =	sadd.s32 $0x8F2B, s0  }
0xbd: {  	[sflag:s0] =	ssyncadd.remote.s32 $0x1  }
0xbe: {  	_ =	sfence.sel $0xFFFF  }
0xbf: {  	[dreg:$0x0] =	wrdreg $0xFFFFFFFF;
	(pc) =	sbr.abs _section_cstart, $3  }
0xc0: {  	[dreg:$0x1] =	wrdreg $0xFFFFFFFF  }
0xc1: {  	_ =	task.clear_ibuf [dreg:s6], $0x2FFFF;
	_ =	strace $0x9FFFFFFF  }
0xc2: {  	(tm) =	ssettm $0x7FFFFFFF  }
0xc3: {  	_ =	shalt  }
tec
execute0_lowered:
.L_overlay_start_1:
0x0: {  	(tag) =	ssettag $0x1  }
0x1: {  	s4 =	rddreg [dreg:$0x0]  }
0x2: {  	s2 =	rddreg [dreg:$0x1]  }
0x3: {  	s1 =	srdreg.scid;
	s0 =	rddreg [dreg:$0x2]  }
0x4: {  	s3 =	simm.s32 $0x0;
	s10 =	simm.s32 $0x80;
	s5 =	sand.u32 $0x1, s1  }
0x5: {  	s11 =	simm.s32 $0x2800;
	s1 =	stileid.u32;
	s7 =	smul.u32 $0x13C000, s5  }
0x6: {  	[smem:$0x7FF] =	sst s3;
	s6 =	sshll.u32 s5, $0x4;
	s8 =	smul.u32 $0x13C00, s1  }
0x7: {  	_ =	strace $0x80000047;
	s30 =	smul.u32 $0x4F000, s1;
	s5 =	ssub.s32 $0x2, s5  }
0x8: {  	s12 =	sshll.u32 s1, $0x6;
	s6 =	sor.u32 s1, s6;
	s31 =	sshrl.u32 s5, $0x1  }
0x9: {  	s12 =	sor.u32 $0x1C01, s12;
	s6 =	smul.u32 $0x500, s6;
	s7 =	sadd.s32 s8, s7  }
0xa: {  	s8 =	sshrl.u32 s30, $0x2;
	s9 =	ssub.s32 s5, s31;
	s7 =	sshrl.u32 s7, $0x3  }
0xb: {  	s6 =	sadd.s32 s6, s4;
	s7 =	sadd.s32 s7, s4;
	s4 =	sadd.s32 s8, s2  }
0xc: {  	s8 =	simm.s32 $0x6800;
	s5 =	sadd.s32 $0x3200, s6;
	s6 =	sadd.s32 $0x17200, s7  }
0xd: {  	v0 =	vimm.f32 $0.0e+00;
	v1 =	vimm.f32 $1.000000000e+00;
	s7 =	smax.u32 s9, $0x1;
	s9 =	simm.s32 $0x1;
	s13 =	sshrl.u32 s4, $0x3  }
.LBB2_1:
0xe: {  	[tilespmem:$0x6800] =	vst v0  }
0xf: {  	[tilespmem:$0x6810] =	vst v0  }
0x10: {  	[tilespmem:$0x6820] =	vst v0  }
0x11: {  	[tilespmem:$0x6830] =	vst v0  }
0x12: {  	[tilespmem:$0x6840] =	vst v0  }
0x13: {  	[tilespmem:$0x6850] =	vst v0  }
0x14: {  	[tilespmem:$0x6860] =	vst v0  }
0x15: {  	[tilespmem:$0x6870] =	vst v0  }
0x16: {  	[tilespmem:$0x6880] =	vst v0  }
0x17: {  	[tilespmem:$0x6890] =	vst v0  }
0x18: {  	[tilespmem:$0x68A0] =	vst v0  }
0x19: {  	[tilespmem:$0x68B0] =	vst v0  }
0x1a: {  	[tilespmem:$0x68C0] =	vst v0  }
0x1b: {  	[tilespmem:$0x68D0] =	vst v0  }
0x1c: {  	[tilespmem:$0x68E0] =	vst v0  }
0x1d: {  	[tilespmem:$0x68F0] =	vst v0  }
0x1e: {  	[tilespmem:$0x6900] =	vst v0  }
0x1f: {  	[tilespmem:$0x6910] =	vst v0  }
0x20: {  	[tilespmem:$0x6920] =	vst v0  }
0x21: {  	[tilespmem:$0x6930] =	vst v0  }
0x22: {  	[tilespmem:$0x6940] =	vst v0  }
0x23: {  	[tilespmem:$0x6950] =	vst v0  }
0x24: {  	[tilespmem:$0x6960] =	vst v0  }
0x25: {  	[tilespmem:$0x6970] =	vst v0  }
0x26: {  	[tilespmem:$0x6980] =	vst v0  }
0x27: {  	[tilespmem:$0x6990] =	vst v0  }
0x28: {  	[tilespmem:$0x69A0] =	vst v0  }
0x29: {  	[tilespmem:$0x69B0] =	vst v0  }
0x2a: {  	[tilespmem:$0x69C0] =	vst v0  }
0x2b: {  	[tilespmem:$0x69D0] =	vst v0  }
0x2c: {  	[tilespmem:$0x69E0] =	vst v0  }
0x2d: {  	[tilespmem:$0x69F0] =	vst v0  }
0x2e: {  	[tilespmem:$0x6A00] =	vst v0  }
0x2f: {  	[tilespmem:$0x6A10] =	vst v0  }
0x30: {  	[tilespmem:$0x6A20] =	vst v0  }
0x31: {  	[tilespmem:$0x6A30] =	vst v0  }
0x32: {  	[tilespmem:$0x6A40] =	vst v0  }
0x33: {  	[tilespmem:$0x6A50] =	vst v0  }
0x34: {  	[tilespmem:$0x6A60] =	vst v0  }
0x35: {  	[tilespmem:$0x6A70] =	vst v0  }
0x36: {  	[tilespmem:$0x6A80] =	vst v0  }
0x37: {  	[tilespmem:$0x6A90] =	vst v0  }
0x38: {  	[tilespmem:$0x6AA0] =	vst v0  }
0x39: {  	[tilespmem:$0x6AB0] =	vst v0  }
0x3a: {  	[tilespmem:$0x6AC0] =	vst v0  }
0x3b: {  	[tilespmem:$0x6AD0] =	vst v0  }
0x3c: {  	[tilespmem:$0x6AE0] =	vst v0  }
0x3d: {  	[tilespmem:$0x6AF0] =	vst v0  }
0x3e: {  	[tilespmem:$0x6B00] =	vst v0  }
0x3f: {  	[tilespmem:$0x6B10] =	vst v0  }
0x40: {  	[tilespmem:$0x6B20] =	vst v0  }
0x41: {  	[tilespmem:$0x6B30] =	vst v0  }
0x42: {  	[tilespmem:$0x6B40] =	vst v0  }
0x43: {  	[tilespmem:$0x6B50] =	vst v0  }
0x44: {  	[tilespmem:$0x6B60] =	vst v0  }
0x45: {  	[tilespmem:$0x6B70] =	vst v0  }
0x46: {  	[tilespmem:$0x6B80] =	vst v0  }
0x47: {  	[tilespmem:$0x6B90] =	vst v0  }
0x48: {  	[tilespmem:$0x6BA0] =	vst v0  }
0x49: {  	[tilespmem:$0x6BB0] =	vst v0  }
0x4a: {  	[tilespmem:$0x6BC0] =	vst v0  }
0x4b: {  	[tilespmem:$0x6BD0] =	vst v0  }
0x4c: {  	[tilespmem:$0x6BE0] =	vst v0  }
0x4d: {  	[tilespmem:$0x6BF0] =	vst v0;
	s14 =	simm.s32 $0x0;
	s15 =	simm.s32 $0x200  }
.LBB2_2:
0x4e: {  	p0 =	sne.s32 s15, $0xFE00;
	[tilespmem:s14+$0x2870] =	vst v1  }
0x4f: {  	[tilespmem:s14+$0x2800] =	vst v1  }
0x50: {  	[tilespmem:s14+$0x2810] =	vst v1  }
.Ltmp0:
0x51: {  	[tilespmem:s14+$0x2820] =	vst v1;
	(pc) =	sbr.rel @p0 .LBB2_2-.Ltmp0, $4  }
0x52: {  	[tilespmem:s14+$0x2830] =	vst v1  }
0x53: {  	[tilespmem:s14+$0x2840] =	vst v1  }
0x54: {  	[tilespmem:s14+$0x2850] =	vst v1  }
0x55: {  	[tilespmem:s14+$0x2860] =	vst v1;
	s14 =	sshra.s32 s15, $0x2;
	s15 =	sadd.s32 $0x200, s15  }
0x56: {  	[tilespmem:s14+$0x2870] =	vst v1  }
0x57: {  	[tilespmem:s14+$0x2800] =	vst v1  }
0x58: {  	[tilespmem:s14+$0x2810] =	vst v1  }
0x59: {  	[tilespmem:s14+$0x2820] =	vst v1  }
0x5a: {  	[tilespmem:s14+$0x2830] =	vst v1  }
0x5b: {  	[tilespmem:s14+$0x2840] =	vst v1  }
0x5c: {  	[tilespmem:s14+$0x2850] =	vst v1  }
0x5d: {  	[tilespmem:s14+$0x2860] =	vst v1;
	s31 =	sadd.s32 $0x0, s4  }
0x5e: {  	[spmem:s31] =	stream.linear.scatter [tilespmem:s8], [sflag:$0x1], $0x400, $0x38;
	[tilespmem:$0x1A800] =	vst v63  }
0x5f: {  	s14 =	simm.s32 $0x1000;
	_ =	swait.ge [sflag:s9], $0x400  }
.LBB2_4:
0x60: {  	s15 =	sshra.s32 s14, $0x2;
	[sflag:s9] =	ssyncset.done $0x0;
	p0 =	sne.s32 s14, $0x4E000  }
.Ltmp1:
0x61: {  	s15 =	sadd.s32 s15, s4;
	[sflag:s9] =	ssyncadd.s32 $0xFFFFFC00;
	(pc) =	sbr.rel @p0 .LBB2_4-.Ltmp1, $3  }
0x62: {  	[spmem:s15] =	stream.linear.scatter [tilespmem:s8], [sflag:$0x1], $0x400, $0x38;
	[tilespmem:$0x1A800] =	vst v63  }
0x63: {  	s14 =	sadd.s32 $0x1000, s14;
	_ =	sdelay $0x1  }
0x64: {  	_ =	swait.ge [sflag:s9], $0x400  }
0x65: {  	[sflag:s9] =	ssyncset.done $0x0  }
0x66: {  	[sflag:s9] =	ssyncadd.s32 $0xFFFFFC00  }
0x67: {  	s14 =	simm.s32 $0x0;
	[bflag:$0x0] =	sbarrier.arrive $0xFFFF  }
0x68: {  	[tilespmem:s14], [sflag:$0x1] =	stream.linear.gather [hbm4b:s5+s14], $0x2800, $0x38;
	[tilespmem:$0x1A800] =	vst v63  }
0x69: {  	_ =	swait.ge [sflag:s9], $0x2800  }
0x6a: {  	[sflag:s9] =	ssyncset.done $0x0  }
0x6b: {  	s31 =	simm.s32 $0x0;
	[sflag:s9] =	ssyncadd.s32 $0xFFFFD800  }
0x6c: {  	[spmem:s2] =	stream.indirect.scatter.add.f32 [tilespmem:s11], [sflag:$0x1], $0x80, s31, s10, $0xb8;
	[tilespmem:$0x1A800] =	vst v63  }
0x6d: {  	_ =	swait.ge [sflag:s9], $0x4000  }
0x6e: {  	s14 =	simm.s32 $0x200;
	[sflag:s9] =	ssyncset.done $0x0  }
.LBB2_6:
0x6f: {  	s15 =	sshra.s32 s14, $0x2;
	[sflag:s9] =	ssyncadd.s32 $0xFFFFC000;
	p0 =	sne.s32 s14, $0x9E00  }
0x70: {  	[spmem:s2] =	stream.indirect.scatter.add.f32 [tilespmem:s11], [sflag:$0x1], $0x80, s15, s10, $0xb8;
	[tilespmem:$0x1A800] =	vst v63  }
.Ltmp2:
0x71: {  	_ = 	snop;
	(pc) =	sbr.rel @p0 .LBB2_6-.Ltmp2, $4  }
0x72: {  	_ = 	snop  }
0x73: {  	s14 =	sadd.s32 $0x200, s14  }
0x74: {  	_ =	swait.ge [sflag:s9], $0x4000  }
0x75: {  	[sflag:s9] =	ssyncset.done $0x0  }
0x76: {  	s3 =	sadd.s32 $0x1, s3  }
0x77: {  	[sflag:s9] =	ssyncadd.s32 $0xFFFFC000;
	p0 =	sne.s32 s3, s7  }
.Ltmp3:
0x78: {  	[bflag:$0x0] =	sbarrier.arrive $0xFFFF;
	(pc) =	sbr.rel @p0 .LBB2_1-.Ltmp3, $4  }
0x79: {  	[hbm:s6], [sflag:s12] =	dma.local [spmem:s13], $0x2780  }
0x7a: {  	_ =	swait.ge [sflag:s9], $0x2780  }
0x7b: {  	[sflag:s9] =	ssyncset.done $0x0  }
0x7c: {  	[sflag:s9] =	ssyncadd.s32 $0xFFFFD880  }
0x7d: {  	_ =	sfence.sel $0x180000  }
0x7e: {  	[bflag:$0x0] =	sbarrier.arrive $0xFFFF  }
0x7f: {  	p0 =	sne.s32 s1, $0x0;
	_ =	strace $0x90000047  }
0x80: {  	s0 =	sadd.s32 @!p0 $0x100000, s0;
	[bflag:$0x2] =	sbarrier.arrive $0xFFFF  }
0x81: {  	[sflag:s0] =	ssyncadd.tile.s32 @!p0 $0x1;
	_ =	shalt  }
.Lfunc_end2:
_tile_overlayer_lowered:
.L_overlay_start_2:
0x82: {  	(tag) =	ssettag $0x2  }
0x83: {  	s0 =	rddreg [dreg:$0x0];
	s2 =	stileid.u32  }
0x84: {  	s1 =	rddreg [dreg:$0x1];
	p0 =	sne.s32 s2, $0x0  }
0x85: {  	s3 =	rddreg [dreg:$0x2];
	[bflag:$0x3] =	sbarrier.arrive $0xFFFF;
	s2 =	simm.s32 @!p0 $0x1C01  }
0x86: {  	[timem:s3], [sflag:s2] =	dma.local @!p0 [hbm:s0], s1  }
0x87: {  	s0 =	simm.s32 @!p0 $0x1  }
0x88: {  	_ =	swait.ge @!p0 [sflag:s0], s1  }
0x89: {  	s1 =	ssub.s32 @!p0 $0x0, s1;
	[sflag:s0] =	ssyncset.done @!p0 $0x0  }
0x8a: {  	[sflag:s0] =	ssyncadd.s32 @!p0 s1  }
0x8b: {  	[bflag:$0x3] =	sbarrier.arrive $0xFFFF  }
0x8c: {  	_ =	shalt  }

</sc_bundles>
